<compile_context>
chip_gen: v7x
topology: tpu7x:2x2x1
jax: 0.10.2.dev20260603
libtpu: 0.0.44.dev20260713+nightly
codegen_flags: <defaults>
</compile_context>

<pallas_src>
import functools

import jax
import jax.numpy as jnp
from jax import lax
from jax.experimental import pallas as pl
from jax.experimental.pallas import tpu as pltpu
from jax.experimental.pallas import tpu_sc as plsc

N = 10000
E = 320000
IN_CH = 128
HID = 256
OUT_CH = 128

NC = 2
NS = 16
L = 16
CH = HID // NC
K = 80
NCHUNK = E // K
SLAB = 624
NF = NCHUNK // NS
NFD = NCHUNK // (NC * NS)
NBUF = 4
NDI = 8
RBLK = 400

_mesh = functools.partial(
    plsc.VectorSubcoreMesh, core_axis_name="c", subcore_axis_name="s",
    num_cores=NC, num_subcores=NS)


def _deg_body(dstp_hbm, z16_hbm, oh_hbm, deg_hbm, dstage, ones_v, dacc):
    c = lax.axis_index("c")
    s = lax.axis_index("s")

    pltpu.sync_copy(oh_hbm, ones_v)

    base = s * SLAB
    pltpu.sync_copy(z16_hbm.at[pl.ds(0, SLAB)], dacc.at[pl.ds(base, SLAB)])

    @pl.when(s == NS - 1)
    def _():
        pltpu.sync_copy(z16_hbm.at[pl.ds(0, L)],
                        dacc.at[pl.ds(NS * SLAB, L)])

    r0 = (c * NS + s) * NFD
    pltpu.sync_copy(dstp_hbm.at[pl.ds(r0, NFD)], dstage)

    plsc.subcore_barrier()

    def body(j):
        pltpu.sync_copy(ones_v, dacc.at[dstage.at[j, 0]], add=True)

    pl.loop(0, NFD)(body)

    plsc.subcore_barrier()
    pltpu.sync_copy(dacc.at[pl.ds(base, SLAB)],
                    deg_hbm.at[c, pl.ds(base, SLAB)])

    @pl.when(s == NS - 1)
    def _():
        pltpu.sync_copy(dacc.at[pl.ds(NS * SLAB, L)],
                        deg_hbm.at[c, pl.ds(NS * SLAB, L)])


def _deg(dstp, z16, oh):
    return pl.kernel(
        _deg_body,
        out_type=jax.ShapeDtypeStruct((NC, N, L), jnp.float32),
        mesh=_mesh(),
        scratch_types=[
            pltpu.VMEM((NFD, 1, K), jnp.int32),
            pltpu.VMEM((K, L), jnp.float32),
            pltpu.VMEM_SHARED((N, L), jnp.float32),
        ],
        name="gcn_deg_sc",
    )(dstp, z16, oh)


def _msg_body(g_hbm, srcp_hbm, dstp_hbm, z2d_hbm, out_hbm,
              isr, idr, gbuf, sem_is, sem_id, sem_g, macc):
    c = lax.axis_index("c")
    s = lax.axis_index("s")
    sbase = c * NCHUNK + s * NF
    dbase = s * NF
    base = s * SLAB

    pltpu.sync_copy(z2d_hbm.at[pl.ds(0, SLAB)], macc.at[pl.ds(base, SLAB)])

    @pl.when(s == NS - 1)
    def _():
        pltpu.sync_copy(z2d_hbm.at[pl.ds(0, L)],
                        macc.at[pl.ds(NS * SLAB, L)])

    for i in range(NDI - 2):
        pltpu.async_copy(srcp_hbm.at[pl.ds(sbase + i, 1)],
                         isr.at[pl.ds(i, 1)], sem_is.at[i])
        pltpu.async_copy(dstp_hbm.at[pl.ds(dbase + i, 1)],
                         idr.at[pl.ds(i, 1)], sem_id.at[i])

    plsc.subcore_barrier()

    def step(j, b8, in_loop):
        b4 = b8 % NBUF
        pltpu.make_async_copy(srcp_hbm.at[pl.ds(0, 1)],
                              isr.at[pl.ds(b8, 1)], sem_is.at[b8]).wait()
        pltpu.make_async_copy(dstp_hbm.at[pl.ds(0, 1)],
                              idr.at[pl.ds(b8, 1)], sem_id.at[b8]).wait()
        pltpu.sync_copy(g_hbm.at[isr.at[b8, 0]], gbuf.at[b4])
        pltpu.sync_copy(gbuf.at[b4], macc.at[idr.at[b8, 0]], add=True)

        def issue_i():
            pltpu.async_copy(srcp_hbm.at[pl.ds(sbase + j + 6, 1)],
                             isr.at[pl.ds((b8 + 6) % NDI, 1)],
                             sem_is.at[(b8 + 6) % NDI])
            pltpu.async_copy(dstp_hbm.at[pl.ds(dbase + j + 6, 1)],
                             idr.at[pl.ds((b8 + 6) % NDI, 1)],
                             sem_id.at[(b8 + 6) % NDI])

        if in_loop:
            pl.when(j + 6 < NF)(issue_i)
        elif isinstance(j, int) and j + 6 < NF:
            issue_i()

    def outer(qq):
        for b8 in range(NDI):
            step(qq * NDI + b8, b8, True)

    nloop = (NF // NDI) * NDI
    pl.loop(0, nloop // NDI)(outer)
    for j in range(nloop, NF):
        step(j, j % NDI, False)

    plsc.subcore_barrier()
    pltpu.sync_copy(macc.at[pl.ds(base, SLAB)],
                    out_hbm.at[c, pl.ds(base, SLAB)])

    @pl.when(s == NS - 1)
    def _():
        pltpu.sync_copy(macc.at[pl.ds(NS * SLAB, L)],
                        out_hbm.at[c, pl.ds(NS * SLAB, L)])


def _msg(g2, srcp, dstp, z2d):
    return pl.kernel(
        _msg_body,
        out_type=jax.ShapeDtypeStruct((NC, N, CH), jnp.float32),
        mesh=_mesh(),
        scratch_types=[
            pltpu.VMEM((NDI, 1, K), jnp.int32),
            pltpu.VMEM((NDI, 1, K), jnp.int32),
            pltpu.VMEM((NBUF, K, CH), jnp.float32),
            pltpu.SemaphoreType.DMA((NDI,)),
            pltpu.SemaphoreType.DMA((NDI,)),
            pltpu.SemaphoreType.DMA((NBUF,)),
            pltpu.VMEM_SHARED((N, CH), jnp.float32),
        ],
        name="gcn_msg_sc",
    )(g2, srcp, dstp, z2d)


def _elu(v):
    return jnp.where(v > 0, v, jnp.exp(v) - 1.0)


def _dinv_of(deg_blk):
    return lax.rsqrt(deg_blk[0, :, 0:1] + deg_blk[1, :, 0:1] + 1.0)


def _split_g(gfull):
    return jnp.stack([gfull[:, :CH], gfull[:, CH:]], axis=0)


def _join_msg(msg_blk):
    return jnp.concatenate([msg_blk[0], msg_blk[1]], axis=-1)


def _tc1_body(x_ref, deg_ref, win_ref, bin_ref, w1_ref, g_ref):
    h = jnp.dot(x_ref[...], win_ref[...], preferred_element_type=jnp.float32)
    h = _elu(h + bin_ref[...])
    hp = jnp.dot(h, w1_ref[...], preferred_element_type=jnp.float32)
    g_ref[...] = _split_g(_dinv_of(deg_ref[...]) * hp)


def _tc_mid_body(msg_ref, g_ref, deg_ref, b_ref, w_ref, out_ref):
    dinv = _dinv_of(deg_ref[...])
    pre = dinv * (_join_msg(msg_ref[...]) + _join_msg(g_ref[...])) + b_ref[...]
    h = _elu(pre)
    hp = jnp.dot(h, w_ref[...], preferred_element_type=jnp.float32)
    out_ref[...] = _split_g(dinv * hp)


def _tc_out_body(msg_ref, g_ref, deg_ref, b_ref, wout_ref, bout_ref, out_ref):
    dinv = _dinv_of(deg_ref[...])
    pre = dinv * (_join_msg(msg_ref[...]) + _join_msg(g_ref[...])) + b_ref[...]
    h = _elu(pre)
    out_ref[...] = jnp.dot(h, wout_ref[...],
                           preferred_element_type=jnp.float32) + bout_ref[...]


_NBLK = N // RBLK


def _deg_spec():
    return pl.BlockSpec((NC, RBLK, L), lambda i: (0, i, 0))


def _half_spec():
    return pl.BlockSpec((NC, RBLK, CH), lambda i: (0, i, 0))


def _row_spec(ch):
    return pl.BlockSpec((RBLK, ch), lambda i: (i, 0))


def _full_spec(r, c_):
    return pl.BlockSpec((r, c_), lambda i: (0, 0))


def _tc1(x, deg, W_in, b_in, W1):
    return pl.pallas_call(
        _tc1_body,
        grid=(_NBLK,),
        in_specs=[_row_spec(IN_CH), _deg_spec(), _full_spec(IN_CH, HID),
                  _full_spec(1, HID), _full_spec(HID, HID)],
        out_specs=_half_spec(),
        out_shape=jax.ShapeDtypeStruct((NC, N, CH), jnp.float32),
    )(x, deg, W_in, b_in, W1)


def _tc_mid(msg, g, deg, b, W):
    return pl.pallas_call(
        _tc_mid_body,
        grid=(_NBLK,),
        in_specs=[_half_spec(), _half_spec(), _deg_spec(),
                  _full_spec(1, HID), _full_spec(HID, HID)],
        out_specs=_half_spec(),
        out_shape=jax.ShapeDtypeStruct((NC, N, CH), jnp.float32),
    )(msg, g, deg, b, W)


def _tc_out(msg, g, deg, b, W_out, b_out):
    return pl.pallas_call(
        _tc_out_body,
        grid=(_NBLK,),
        in_specs=[_half_spec(), _half_spec(), _deg_spec(),
                  _full_spec(1, HID), _full_spec(HID, OUT_CH),
                  _full_spec(1, OUT_CH)],
        out_specs=_row_spec(OUT_CH),
        out_shape=jax.ShapeDtypeStruct((N, OUT_CH), jnp.float32),
    )(msg, g, deg, b, W_out, b_out)


def kernel(x, adj, W_in, b_in, W1, b1, W2, b2, W_out, b_out):
    src = adj[0].astype(jnp.int32)
    dst = adj[1].astype(jnp.int32)
    src2d = src.reshape(NCHUNK, K)
    offs = (jnp.arange(NC, dtype=jnp.int32) * N)[:, None, None]
    srcp = (src2d[None] + offs).reshape(NC * NCHUNK, 1, K)
    dstp = dst.reshape(NCHUNK, 1, K)

    z2d = jnp.zeros((SLAB, CH), jnp.float32)
    z16 = jnp.zeros((SLAB, L), jnp.float32)
    oh = jnp.zeros((K, L), jnp.float32).at[:, 0].set(1.0)

    deg = _deg(dstp, z16, oh)
    g1 = _tc1(x, deg, W_in, b_in.reshape(1, HID), W1)
    m1 = _msg(g1.reshape(NC * N, CH), srcp, dstp, z2d)
    g2 = _tc_mid(m1, g1, deg, b1.reshape(1, HID), W2)
    m2 = _msg(g2.reshape(NC * N, CH), srcp, dstp, z2d)
    out = _tc_out(m2, g2, deg, b2.reshape(1, HID), W_out,
                  b_out.reshape(1, OUT_CH))
    return out

# --- scband reference (transcript-rebuilt; emitter-appended) ---
"""Pipeline reference for scband-gnn-1941325217911 (READ-ONLY COPY).

The authoritative reference and input builder live on the scoring server;
editing this copy changes nothing except your own understanding.
"""

import jax, jax.numpy as jnp
import numpy as np

N_NODES = 10000
N_EDGES = 320000
IN_CH = 128
HID = 256
OUT_CH = 128


def _glorot(key, shape):
    fan_in, fan_out = shape[0], shape[1]
    lim = jnp.sqrt(6.0 / (fan_in + fan_out))
    return jax.random.uniform(key, shape, jnp.float32, -lim, lim)


def setup_inputs(seed: int = 0) -> dict:
    key = jax.random.key(seed)
    ks = jax.random.split(key, 8)
    x = jax.random.normal(ks[0], (N_NODES, IN_CH), jnp.float32)
    adj = jax.random.randint(ks[1], (2, N_EDGES), 0, N_NODES, jnp.int64)
    return {
        "x": x,
        "adj": adj,
        "W_in": _glorot(ks[2], (IN_CH, HID)),
        "b_in": jnp.zeros((HID,), jnp.float32),
        "W1": _glorot(ks[3], (HID, HID)),
        "b1": jnp.zeros((HID,), jnp.float32),
        "W2": _glorot(ks[4], (HID, HID)),
        "b2": jnp.zeros((HID,), jnp.float32),
        "W_out": _glorot(ks[5], (HID, OUT_CH)),
        "b_out": jnp.zeros((OUT_CH,), jnp.float32),
    }


def _gcn_conv(x, edge_index, W, b):
    # Faithful GCNConv: add self-loops, symmetric normalization, linear, scatter-add aggregate, bias.
    N = x.shape[0]
    src = edge_index[0]
    dst = edge_index[1]
    loop = jnp.arange(N, dtype=src.dtype)
    src = jnp.concatenate([src, loop])
    dst = jnp.concatenate([dst, loop])
    deg = jnp.zeros((N,), jnp.float32).at[dst].add(1.0)
    dinv = jnp.where(deg > 0, jax.lax.rsqrt(deg), 0.0)
    norm = dinv[src] * dinv[dst]
    h = x @ W
    msg = h[src] * norm[:, None]
    out = jnp.zeros((N, h.shape[1]), jnp.float32).at[dst].add(msg)
    return out + b


def reference(x, adj, W_in, b_in, W1, b1, W2, b2, W_out, b_out):
    # input_lin + ELU (dropout p=0 is identity)
    h = jax.nn.elu(x @ W_in + b_in)
    # gnn1 (GCNConv) + ELU
    h = jax.nn.elu(_gcn_conv(h, adj, W1, b1))
    # gnn2 (GCNConv) + ELU
    h = jax.nn.elu(_gcn_conv(h, adj, W2, b2))
    # output_lin
    out = h @ W_out + b_out
    return out

if __name__ == "__main__":
    import jax
    _d = setup_inputs()
    print(jax.jit(kernel)(*tuple(_d.values())))

</pallas_src>

<mosaic_0001>
#map = affine_map<(d0, d1) -> (0, 0)>
#map1 = affine_map<(d0, d1) -> (0, 0, 0)>
module attributes {stable_mosaic.version = 14 : i64} {
  func.func @gcn_msg_sc(%arg0: i32, %arg1: i32, %arg2: memref<20000x128xf32, #tpu.memory_space<hbm>>, %arg3: memref<8000x1x80xi32, #tpu.memory_space<hbm>>, %arg4: memref<4000x1x80xi32, #tpu.memory_space<hbm>>, %arg5: memref<624x128xf32, #tpu.memory_space<hbm>>, %arg6: memref<2x10000x128xf32, #tpu.memory_space<hbm>>, %arg7: memref<8x1x80xi32, #tpu.memory_space<vmem>>, %arg8: memref<8x1x80xi32, #tpu.memory_space<vmem>>, %arg9: memref<4x80x128xf32, #tpu.memory_space<vmem>>, %arg10: memref<8x!tpu.dma_semaphore, #tpu.memory_space<semaphore_mem>>, %arg11: memref<8x!tpu.dma_semaphore, #tpu.memory_space<semaphore_mem>>, %arg12: memref<4x!tpu.dma_semaphore, #tpu.memory_space<semaphore_mem>>, %arg13: memref<10000x128xf32, #tpu.memory_space<vmem_shared>>) attributes {dimension_semantics = [#tpu.dimension_semantics<core_parallel>, #tpu.dimension_semantics<subcore_parallel>], iteration_bounds = array<i64: 2, 16>, scalar_prefetch = 0 : i64, scratch_operands = 7 : i64, tpu.core_type = #tpu.core_type<sc_vector_subcore>, window_params = [{transform_indices = #map}, {transform_indices = #map1}, {transform_indices = #map1}, {transform_indices = #map}, {transform_indices = #map1}]} {
    %mul3A = arith.constant 4000 : i32
    %mul3A_0 = arith.muli %arg0, %mul3A : i32
    %mul3A_1 = arith.constant 250 : i32
    %mul3A_2 = arith.muli %arg1, %mul3A_1 : i32
    %add3A = arith.addi %mul3A_0, %mul3A_2 : i32
    %mul3A_3 = arith.constant 250 : i32
    %mul3A_4 = arith.muli %arg1, %mul3A_3 : i32
    %mul3A_5 = arith.constant 624 : i32
    %mul3A_6 = arith.muli %arg1, %mul3A_5 : i32
    "tpu.region"() ({
      %run_scoped3A_332 = tpu.sem_alloc : memref<!tpu.dma_semaphore, #tpu.memory_space<semaphore_mem>>
      %dma_start3A_333 = arith.constant 0 : i32
      %dma_start3A_334 = tpu.memref_slice %arg13[%mul3A_6, %dma_start3A_333] : memref<10000x128xf32, #tpu.memory_space<vmem_shared>> -> memref<624x128xf32, #tpu.memory_space<vmem_shared>>
      %dma_start3A_335 = arith.constant 0 : i32
      %dma_start3A_336 = arith.constant 0 : i32
      %dma_start3A_337 = tpu.memref_slice %arg5[%dma_start3A_335, %dma_start3A_336] : memref<624x128xf32, #tpu.memory_space<hbm>> -> memref<624x128xf32, #tpu.memory_space<hbm>>
      tpu.enqueue_dma source(%dma_start3A_337 : memref<624x128xf32, #tpu.memory_space<hbm>>) target(%dma_start3A_334 : memref<624x128xf32, #tpu.memory_space<vmem_shared>>) target_semaphore(%run_scoped3A_332 : memref<!tpu.dma_semaphore, #tpu.memory_space<semaphore_mem>>)
      %dma_wait3A_338 = arith.constant 0 : i32
      %dma_wait3A_339 = tpu.memref_slice %arg13[%mul3A_6, %dma_wait3A_338] : memref<10000x128xf32, #tpu.memory_space<vmem_shared>> -> memref<624x128xf32, #tpu.memory_space<vmem_shared>>
      %dma_wait3A_340 = arith.constant 0 : i32
      %dma_wait3A_341 = arith.constant 0 : i32
      %dma_wait3A_342 = tpu.memref_slice %arg5[%dma_wait3A_340, %dma_wait3A_341] : memref<624x128xf32, #tpu.memory_space<hbm>> -> memref<624x128xf32, #tpu.memory_space<hbm>>
      tpu.wait_dma2 semaphore(%run_scoped3A_332 : memref<!tpu.dma_semaphore, #tpu.memory_space<semaphore_mem>>) src(%dma_wait3A_342 : memref<624x128xf32, #tpu.memory_space<hbm>>) dst(%dma_wait3A_339 : memref<624x128xf32, #tpu.memory_space<vmem_shared>>)
      tpu.yield
    }) : () -> ()
    %eq3A = arith.constant 15 : i32
    %eq3A_7 = arith.cmpi eq, %arg1, %eq3A : i32
    %convert_element_type3A = arith.extui %eq3A_7 : i1 to i32
    %cond3A = arith.constant 0 : i32
    %cond3A_8 = arith.cmpi ne, %convert_element_type3A, %cond3A : i32
    scf.if %cond3A_8 {
      "tpu.region"() ({
        %run_scoped3A_332 = tpu.sem_alloc : memref<!tpu.dma_semaphore, #tpu.memory_space<semaphore_mem>>
        %dma_start3A_333 = arith.constant 9984 : i32
        %dma_start3A_334 = arith.constant 0 : i32
        %dma_start3A_335 = tpu.memref_slice %arg13[%dma_start3A_333, %dma_start3A_334] : memref<10000x128xf32, #tpu.memory_space<vmem_shared>> -> memref<16x128xf32, #tpu.memory_space<vmem_shared>>
        %dma_start3A_336 = arith.constant 0 : i32
        %dma_start3A_337 = arith.constant 0 : i32
        %dma_start3A_338 = tpu.memref_slice %arg5[%dma_start3A_336, %dma_start3A_337] : memref<624x128xf32, #tpu.memory_space<hbm>> -> memref<16x128xf32, #tpu.memory_space<hbm>>
        tpu.enqueue_dma source(%dma_start3A_338 : memref<16x128xf32, #tpu.memory_space<hbm>>) target(%dma_start3A_335 : memref<16x128xf32, #tpu.memory_space<vmem_shared>>) target_semaphore(%run_scoped3A_332 : memref<!tpu.dma_semaphore, #tpu.memory_space<semaphore_mem>>)
        %dma_wait3A_339 = arith.constant 9984 : i32
        %dma_wait3A_340 = arith.constant 0 : i32
        %dma_wait3A_341 = tpu.memref_slice %arg13[%dma_wait3A_339, %dma_wait3A_340] : memref<10000x128xf32, #tpu.memory_space<vmem_shared>> -> memref<16x128xf32, #tpu.memory_space<vmem_shared>>
        %dma_wait3A_342 = arith.constant 0 : i32
        %dma_wait3A_343 = arith.constant 0 : i32
        %dma_wait3A_344 = tpu.memref_slice %arg5[%dma_wait3A_342, %dma_wait3A_343] : memref<624x128xf32, #tpu.memory_space<hbm>> -> memref<16x128xf32, #tpu.memory_space<hbm>>
        tpu.wait_dma2 semaphore(%run_scoped3A_332 : memref<!tpu.dma_semaphore, #tpu.memory_space<semaphore_mem>>) src(%dma_wait3A_344 : memref<16x128xf32, #tpu.memory_space<hbm>>) dst(%dma_wait3A_341 : memref<16x128xf32, #tpu.memory_space<vmem_shared>>)
        tpu.yield
      }) : () -> ()
    } else {
    }
    %add3A_9 = arith.constant 0 : i32
    %add3A_10 = arith.addi %add3A, %add3A_9 : i32
    %dma_start3A = arith.constant 0 : i32
    %dma_start3A_11 = arith.constant 0 : i32
    %dma_start3A_12 = arith.constant 0 : i32
    %dma_start3A_13 = arith.constant 0 : i32
    %dma_start3A_14 = tpu.memref_slice %arg7[%dma_start3A_11, %dma_start3A_12, %dma_start3A_13] : memref<8x1x80xi32, #tpu.memory_space<vmem>> -> memref<1x1x80xi32, #tpu.memory_space<vmem>>
    %dma_start3A_15 = arith.constant 0 : i32
    %dma_start3A_16 = arith.constant 0 : i32
    %dma_start3A_17 = tpu.memref_slice %arg3[%add3A_10, %dma_start3A_15, %dma_start3A_16] : memref<8000x1x80xi32, #tpu.memory_space<hbm>> -> memref<1x1x80xi32, #tpu.memory_space<hbm>>
    %dma_start3A_18 = tpu.memref_slice %arg10[%dma_start3A] : memref<8x!tpu.dma_semaphore, #tpu.memory_space<semaphore_mem>> -> memref<1x!tpu.dma_semaphore, #tpu.memory_space<semaphore_mem>>
    %dma_start3A_19 = tpu.memref_squeeze %dma_start3A_18 : memref<1x!tpu.dma_semaphore, #tpu.memory_space<semaphore_mem>> -> memref<!tpu.dma_semaphore, #tpu.memory_space<semaphore_mem>>
    %dma_start3A_20 = arith.constant 0 : i32
    %dma_start3A_21 = arith.constant 0 : i32
    %dma_start3A_22 = arith.constant 0 : i32
    %dma_start3A_23 = tpu.memref_slice %arg7[%dma_start3A_20, %dma_start3A_21, %dma_start3A_22] : memref<8x1x80xi32, #tpu.memory_space<vmem>> -> memref<1x1x80xi32, #tpu.memory_space<vmem>>
    %dma_start3A_24 = arith.constant 0 : i32
    %dma_start3A_25 = arith.constant 0 : i32
    %dma_start3A_26 = tpu.memref_slice %arg3[%add3A_10, %dma_start3A_24, %dma_start3A_25] : memref<8000x1x80xi32, #tpu.memory_space<hbm>> -> memref<1x1x80xi32, #tpu.memory_space<hbm>>
    tpu.enqueue_dma source(%dma_start3A_26 : memref<1x1x80xi32, #tpu.memory_space<hbm>>) target(%dma_start3A_23 : memref<1x1x80xi32, #tpu.memory_space<vmem>>) target_semaphore(%dma_start3A_19 : memref<!tpu.dma_semaphore, #tpu.memory_space<semaphore_mem>>)
    %add3A_27 = arith.constant 0 : i32
    %add3A_28 = arith.addi %mul3A_4, %add3A_27 : i32
    %dma_start3A_29 = arith.constant 0 : i32
    %dma_start3A_30 = arith.constant 0 : i32
    %dma_start3A_31 = arith.constant 0 : i32
    %dma_start3A_32 = arith.constant 0 : i32
    %dma_start3A_33 = tpu.memref_slice %arg8[%dma_start3A_30, %dma_start3A_31, %dma_start3A_32] : memref<8x1x80xi32, #tpu.memory_space<vmem>> -> memref<1x1x80xi32, #tpu.memory_space<vmem>>
    %dma_start3A_34 = arith.constant 0 : i32
    %dma_start3A_35 = arith.constant 0 : i32
    %dma_start3A_36 = tpu.memref_slice %arg4[%add3A_28, %dma_start3A_34, %dma_start3A_35] : memref<4000x1x80xi32, #tpu.memory_space<hbm>> -> memref<1x1x80xi32, #tpu.memory_space<hbm>>
    %dma_start3A_37 = tpu.memref_slice %arg11[%dma_start3A_29] : memref<8x!tpu.dma_semaphore, #tpu.memory_space<semaphore_mem>> -> memref<1x!tpu.dma_semaphore, #tpu.memory_space<semaphore_mem>>
    %dma_start3A_38 = tpu.memref_squeeze %dma_start3A_37 : memref<1x!tpu.dma_semaphore, #tpu.memory_space<semaphore_mem>> -> memref<!tpu.dma_semaphore, #tpu.memory_space<semaphore_mem>>
    %dma_start3A_39 = arith.constant 0 : i32
    %dma_start3A_40 = arith.constant 0 : i32
    %dma_start3A_41 = arith.constant 0 : i32
    %dma_start3A_42 = tpu.memref_slice %arg8[%dma_start3A_39, %dma_start3A_40, %dma_start3A_41] : memref<8x1x80xi32, #tpu.memory_space<vmem>> -> memref<1x1x80xi32, #tpu.memory_space<vmem>>
    %dma_start3A_43 = arith.constant 0 : i32
    %dma_start3A_44 = arith.constant 0 : i32
    %dma_start3A_45 = tpu.memref_slice %arg4[%add3A_28, %dma_start3A_43, %dma_start3A_44] : memref<4000x1x80xi32, #tpu.memory_space<hbm>> -> memref<1x1x80xi32, #tpu.memory_space<hbm>>
    tpu.enqueue_dma source(%dma_start3A_45 : memref<1x1x80xi32, #tpu.memory_space<hbm>>) target(%dma_start3A_42 : memref<1x1x80xi32, #tpu.memory_space<vmem>>) target_semaphore(%dma_start3A_38 : memref<!tpu.dma_semaphore, #tpu.memory_space<semaphore_mem>>)
    %add3A_46 = arith.constant 1 : i32
    %add3A_47 = arith.addi %add3A, %add3A_46 : i32
    %dma_start3A_48 = arith.constant 1 : i32
    %dma_start3A_49 = arith.constant 1 : i32
    %dma_start3A_50 = arith.constant 0 : i32
    %dma_start3A_51 = arith.constant 0 : i32
    %dma_start3A_52 = tpu.memref_slice %arg7[%dma_start3A_49, %dma_start3A_50, %dma_start3A_51] : memref<8x1x80xi32, #tpu.memory_space<vmem>> -> memref<1x1x80xi32, #tpu.memory_space<vmem>>
    %dma_start3A_53 = arith.constant 0 : i32
    %dma_start3A_54 = arith.constant 0 : i32
    %dma_start3A_55 = tpu.memref_slice %arg3[%add3A_47, %dma_start3A_53, %dma_start3A_54] : memref<8000x1x80xi32, #tpu.memory_space<hbm>> -> memref<1x1x80xi32, #tpu.memory_space<hbm>>
    %dma_start3A_56 = tpu.memref_slice %arg10[%dma_start3A_48] : memref<8x!tpu.dma_semaphore, #tpu.memory_space<semaphore_mem>> -> memref<1x!tpu.dma_semaphore, #tpu.memory_space<semaphore_mem>>
    %dma_start3A_57 = tpu.memref_squeeze %dma_start3A_56 : memref<1x!tpu.dma_semaphore, #tpu.memory_space<semaphore_mem>> -> memref<!tpu.dma_semaphore, #tpu.memory_space<semaphore_mem>>
    %dma_start3A_58 = arith.constant 1 : i32
    %dma_start3A_59 = arith.constant 0 : i32
    %dma_start3A_60 = arith.constant 0 : i32
    %dma_start3A_61 = tpu.memref_slice %arg7[%dma_start3A_58, %dma_start3A_59, %dma_start3A_60] : memref<8x1x80xi32, #tpu.memory_space<vmem>> -> memref<1x1x80xi32, #tpu.memory_space<vmem>>
    %dma_start3A_62 = arith.constant 0 : i32
    %dma_start3A_63 = arith.constant 0 : i32
    %dma_start3A_64 = tpu.memref_slice %arg3[%add3A_47, %dma_start3A_62, %dma_start3A_63] : memref<8000x1x80xi32, #tpu.memory_space<hbm>> -> memref<1x1x80xi32, #tpu.memory_space<hbm>>
    tpu.enqueue_dma source(%dma_start3A_64 : memref<1x1x80xi32, #tpu.memory_space<hbm>>) target(%dma_start3A_61 : memref<1x1x80xi32, #tpu.memory_space<vmem>>) target_semaphore(%dma_start3A_57 : memref<!tpu.dma_semaphore, #tpu.memory_space<semaphore_mem>>)
    %add3A_65 = arith.constant 1 : i32
    %add3A_66 = arith.addi %mul3A_4, %add3A_65 : i32
    %dma_start3A_67 = arith.constant 1 : i32
    %dma_start3A_68 = arith.constant 1 : i32
    %dma_start3A_69 = arith.constant 0 : i32
    %dma_start3A_70 = arith.constant 0 : i32
    %dma_start3A_71 = tpu.memref_slice %arg8[%dma_start3A_68, %dma_start3A_69, %dma_start3A_70] : memref<8x1x80xi32, #tpu.memory_space<vmem>> -> memref<1x1x80xi32, #tpu.memory_space<vmem>>
    %dma_start3A_72 = arith.constant 0 : i32
    %dma_start3A_73 = arith.constant 0 : i32
    %dma_start3A_74 = tpu.memref_slice %arg4[%add3A_66, %dma_start3A_72, %dma_start3A_73] : memref<4000x1x80xi32, #tpu.memory_space<hbm>> -> memref<1x1x80xi32, #tpu.memory_space<hbm>>
    %dma_start3A_75 = tpu.memref_slice %arg11[%dma_start3A_67] : memref<8x!tpu.dma_semaphore, #tpu.memory_space<semaphore_mem>> -> memref<1x!tpu.dma_semaphore, #tpu.memory_space<semaphore_mem>>
    %dma_start3A_76 = tpu.memref_squeeze %dma_start3A_75 : memref<1x!tpu.dma_semaphore, #tpu.memory_space<semaphore_mem>> -> memref<!tpu.dma_semaphore, #tpu.memory_space<semaphore_mem>>
    %dma_start3A_77 = arith.constant 1 : i32
    %dma_start3A_78 = arith.constant 0 : i32
    %dma_start3A_79 = arith.constant 0 : i32
    %dma_start3A_80 = tpu.memref_slice %arg8[%dma_start3A_77, %dma_start3A_78, %dma_start3A_79] : memref<8x1x80xi32, #tpu.memory_space<vmem>> -> memref<1x1x80xi32, #tpu.memory_space<vmem>>
    %dma_start3A_81 = arith.constant 0 : i32
    %dma_start3A_82 = arith.constant 0 : i32
    %dma_start3A_83 = tpu.memref_slice %arg4[%add3A_66, %dma_start3A_81, %dma_start3A_82] : memref<4000x1x80xi32, #tpu.memory_space<hbm>> -> memref<1x1x80xi32, #tpu.memory_space<hbm>>
    tpu.enqueue_dma source(%dma_start3A_83 : memref<1x1x80xi32, #tpu.memory_space<hbm>>) target(%dma_start3A_80 : memref<1x1x80xi32, #tpu.memory_space<vmem>>) target_semaphore(%dma_start3A_76 : memref<!tpu.dma_semaphore, #tpu.memory_space<semaphore_mem>>)
    %add3A_84 = arith.constant 2 : i32
    %add3A_85 = arith.addi %add3A, %add3A_84 : i32
    %dma_start3A_86 = arith.constant 2 : i32
    %dma_start3A_87 = arith.constant 2 : i32
    %dma_start3A_88 = arith.constant 0 : i32
    %dma_start3A_89 = arith.constant 0 : i32
    %dma_start3A_90 = tpu.memref_slice %arg7[%dma_start3A_87, %dma_start3A_88, %dma_start3A_89] : memref<8x1x80xi32, #tpu.memory_space<vmem>> -> memref<1x1x80xi32, #tpu.memory_space<vmem>>
    %dma_start3A_91 = arith.constant 0 : i32
    %dma_start3A_92 = arith.constant 0 : i32
    %dma_start3A_93 = tpu.memref_slice %arg3[%add3A_85, %dma_start3A_91, %dma_start3A_92] : memref<8000x1x80xi32, #tpu.memory_space<hbm>> -> memref<1x1x80xi32, #tpu.memory_space<hbm>>
    %dma_start3A_94 = tpu.memref_slice %arg10[%dma_start3A_86] : memref<8x!tpu.dma_semaphore, #tpu.memory_space<semaphore_mem>> -> memref<1x!tpu.dma_semaphore, #tpu.memory_space<semaphore_mem>>
    %dma_start3A_95 = tpu.memref_squeeze %dma_start3A_94 : memref<1x!tpu.dma_semaphore, #tpu.memory_space<semaphore_mem>> -> memref<!tpu.dma_semaphore, #tpu.memory_space<semaphore_mem>>
    %dma_start3A_96 = arith.constant 2 : i32
    %dma_start3A_97 = arith.constant 0 : i32
    %dma_start3A_98 = arith.constant 0 : i32
    %dma_start3A_99 = tpu.memref_slice %arg7[%dma_start3A_96, %dma_start3A_97, %dma_start3A_98] : memref<8x1x80xi32, #tpu.memory_space<vmem>> -> memref<1x1x80xi32, #tpu.memory_space<vmem>>
    %dma_start3A_100 = arith.constant 0 : i32
    %dma_start3A_101 = arith.constant 0 : i32
    %dma_start3A_102 = tpu.memref_slice %arg3[%add3A_85, %dma_start3A_100, %dma_start3A_101] : memref<8000x1x80xi32, #tpu.memory_space<hbm>> -> memref<1x1x80xi32, #tpu.memory_space<hbm>>
    tpu.enqueue_dma source(%dma_start3A_102 : memref<1x1x80xi32, #tpu.memory_space<hbm>>) target(%dma_start3A_99 : memref<1x1x80xi32, #tpu.memory_space<vmem>>) target_semaphore(%dma_start3A_95 : memref<!tpu.dma_semaphore, #tpu.memory_space<semaphore_mem>>)
    %add3A_103 = arith.constant 2 : i32
    %add3A_104 = arith.addi %mul3A_4, %add3A_103 : i32
    %dma_start3A_105 = arith.constant 2 : i32
    %dma_start3A_106 = arith.constant 2 : i32
    %dma_start3A_107 = arith.constant 0 : i32
    %dma_start3A_108 = arith.constant 0 : i32
    %dma_start3A_109 = tpu.memref_slice %arg8[%dma_start3A_106, %dma_start3A_107, %dma_start3A_108] : memref<8x1x80xi32, #tpu.memory_space<vmem>> -> memref<1x1x80xi32, #tpu.memory_space<vmem>>
    %dma_start3A_110 = arith.constant 0 : i32
    %dma_start3A_111 = arith.constant 0 : i32
    %dma_start3A_112 = tpu.memref_slice %arg4[%add3A_104, %dma_start3A_110, %dma_start3A_111] : memref<4000x1x80xi32, #tpu.memory_space<hbm>> -> memref<1x1x80xi32, #tpu.memory_space<hbm>>
    %dma_start3A_113 = tpu.memref_slice %arg11[%dma_start3A_105] : memref<8x!tpu.dma_semaphore, #tpu.memory_space<semaphore_mem>> -> memref<1x!tpu.dma_semaphore, #tpu.memory_space<semaphore_mem>>
    %dma_start3A_114 = tpu.memref_squeeze %dma_start3A_113 : memref<1x!tpu.dma_semaphore, #tpu.memory_space<semaphore_mem>> -> memref<!tpu.dma_semaphore, #tpu.memory_space<semaphore_mem>>
    %dma_start3A_115 = arith.constant 2 : i32
    %dma_start3A_116 = arith.constant 0 : i32
    %dma_start3A_117 = arith.constant 0 : i32
    %dma_start3A_118 = tpu.memref_slice %arg8[%dma_start3A_115, %dma_start3A_116, %dma_start3A_117] : memref<8x1x80xi32, #tpu.memory_space<vmem>> -> memref<1x1x80xi32, #tpu.memory_space<vmem>>
    %dma_start3A_119 = arith.constant 0 : i32
    %dma_start3A_120 = arith.constant 0 : i32
    %dma_start3A_121 = tpu.memref_slice %arg4[%add3A_104, %dma_start3A_119, %dma_start3A_120] : memref<4000x1x80xi32, #tpu.memory_space<hbm>> -> memref<1x1x80xi32, #tpu.memory_space<hbm>>
    tpu.enqueue_dma source(%dma_start3A_121 : memref<1x1x80xi32, #tpu.memory_space<hbm>>) target(%dma_start3A_118 : memref<1x1x80xi32, #tpu.memory_space<vmem>>) target_semaphore(%dma_start3A_114 : memref<!tpu.dma_semaphore, #tpu.memory_space<semaphore_mem>>)
    %add3A_122 = arith.constant 3 : i32
    %add3A_123 = arith.addi %add3A, %add3A_122 : i32
    %dma_start3A_124 = arith.constant 3 : i32
    %dma_start3A_125 = arith.constant 3 : i32
    %dma_start3A_126 = arith.constant 0 : i32
    %dma_start3A_127 = arith.constant 0 : i32
    %dma_start3A_128 = tpu.memref_slice %arg7[%dma_start3A_125, %dma_start3A_126, %dma_start3A_127] : memref<8x1x80xi32, #tpu.memory_space<vmem>> -> memref<1x1x80xi32, #tpu.memory_space<vmem>>
    %dma_start3A_129 = arith.constant 0 : i32
    %dma_start3A_130 = arith.constant 0 : i32
    %dma_start3A_131 = tpu.memref_slice %arg3[%add3A_123, %dma_start3A_129, %dma_start3A_130] : memref<8000x1x80xi32, #tpu.memory_space<hbm>> -> memref<1x1x80xi32, #tpu.memory_space<hbm>>
    %dma_start3A_132 = tpu.memref_slice %arg10[%dma_start3A_124] : memref<8x!tpu.dma_semaphore, #tpu.memory_space<semaphore_mem>> -> memref<1x!tpu.dma_semaphore, #tpu.memory_space<semaphore_mem>>
    %dma_start3A_133 = tpu.memref_squeeze %dma_start3A_132 : memref<1x!tpu.dma_semaphore, #tpu.memory_space<semaphore_mem>> -> memref<!tpu.dma_semaphore, #tpu.memory_space<semaphore_mem>>
    %dma_start3A_134 = arith.constant 3 : i32
    %dma_start3A_135 = arith.constant 0 : i32
    %dma_start3A_136 = arith.constant 0 : i32
    %dma_start3A_137 = tpu.memref_slice %arg7[%dma_start3A_134, %dma_start3A_135, %dma_start3A_136] : memref<8x1x80xi32, #tpu.memory_space<vmem>> -> memref<1x1x80xi32, #tpu.memory_space<vmem>>
    %dma_start3A_138 = arith.constant 0 : i32
    %dma_start3A_139 = arith.constant 0 : i32
    %dma_start3A_140 = tpu.memref_slice %arg3[%add3A_123, %dma_start3A_138, %dma_start3A_139] : memref<8000x1x80xi32, #tpu.memory_space<hbm>> -> memref<1x1x80xi32, #tpu.memory_space<hbm>>
    tpu.enqueue_dma source(%dma_start3A_140 : memref<1x1x80xi32, #tpu.memory_space<hbm>>) target(%dma_start3A_137 : memref<1x1x80xi32, #tpu.memory_space<vmem>>) target_semaphore(%dma_start3A_133 : memref<!tpu.dma_semaphore, #tpu.memory_space<semaphore_mem>>)
    %add3A_141 = arith.constant 3 : i32
    %add3A_142 = arith.addi %mul3A_4, %add3A_141 : i32
    %dma_start3A_143 = arith.constant 3 : i32
    %dma_start3A_144 = arith.constant 3 : i32
    %dma_start3A_145 = arith.constant 0 : i32
    %dma_start3A_146 = arith.constant 0 : i32
    %dma_start3A_147 = tpu.memref_slice %arg8[%dma_start3A_144, %dma_start3A_145, %dma_start3A_146] : memref<8x1x80xi32, #tpu.memory_space<vmem>> -> memref<1x1x80xi32, #tpu.memory_space<vmem>>
    %dma_start3A_148 = arith.constant 0 : i32
    %dma_start3A_149 = arith.constant 0 : i32
    %dma_start3A_150 = tpu.memref_slice %arg4[%add3A_142, %dma_start3A_148, %dma_start3A_149] : memref<4000x1x80xi32, #tpu.memory_space<hbm>> -> memref<1x1x80xi32, #tpu.memory_space<hbm>>
    %dma_start3A_151 = tpu.memref_slice %arg11[%dma_start3A_143] : memref<8x!tpu.dma_semaphore, #tpu.memory_space<semaphore_mem>> -> memref<1x!tpu.dma_semaphore, #tpu.memory_space<semaphore_mem>>
    %dma_start3A_152 = tpu.memref_squeeze %dma_start3A_151 : memref<1x!tpu.dma_semaphore, #tpu.memory_space<semaphore_mem>> -> memref<!tpu.dma_semaphore, #tpu.memory_space<semaphore_mem>>
    %dma_start3A_153 = arith.constant 3 : i32
    %dma_start3A_154 = arith.constant 0 : i32
    %dma_start3A_155 = arith.constant 0 : i32
    %dma_start3A_156 = tpu.memref_slice %arg8[%dma_start3A_153, %dma_start3A_154, %dma_start3A_155] : memref<8x1x80xi32, #tpu.memory_space<vmem>> -> memref<1x1x80xi32, #tpu.memory_space<vmem>>
    %dma_start3A_157 = arith.constant 0 : i32
    %dma_start3A_158 = arith.constant 0 : i32
    %dma_start3A_159 = tpu.memref_slice %arg4[%add3A_142, %dma_start3A_157, %dma_start3A_158] : memref<4000x1x80xi32, #tpu.memory_space<hbm>> -> memref<1x1x80xi32, #tpu.memory_space<hbm>>
    tpu.enqueue_dma source(%dma_start3A_159 : memref<1x1x80xi32, #tpu.memory_space<hbm>>) target(%dma_start3A_156 : memref<1x1x80xi32, #tpu.memory_space<vmem>>) target_semaphore(%dma_start3A_152 : memref<!tpu.dma_semaphore, #tpu.memory_space<semaphore_mem>>)
    %add3A_160 = arith.constant 4 : i32
    %add3A_161 = arith.addi %add3A, %add3A_160 : i32
    %dma_start3A_162 = arith.constant 4 : i32
    %dma_start3A_163 = arith.constant 4 : i32
    %dma_start3A_164 = arith.constant 0 : i32
    %dma_start3A_165 = arith.constant 0 : i32
    %dma_start3A_166 = tpu.memref_slice %arg7[%dma_start3A_163, %dma_start3A_164, %dma_start3A_165] : memref<8x1x80xi32, #tpu.memory_space<vmem>> -> memref<1x1x80xi32, #tpu.memory_space<vmem>>
    %dma_start3A_167 = arith.constant 0 : i32
    %dma_start3A_168 = arith.constant 0 : i32
    %dma_start3A_169 = tpu.memref_slice %arg3[%add3A_161, %dma_start3A_167, %dma_start3A_168] : memref<8000x1x80xi32, #tpu.memory_space<hbm>> -> memref<1x1x80xi32, #tpu.memory_space<hbm>>
    %dma_start3A_170 = tpu.memref_slice %arg10[%dma_start3A_162] : memref<8x!tpu.dma_semaphore, #tpu.memory_space<semaphore_mem>> -> memref<1x!tpu.dma_semaphore, #tpu.memory_space<semaphore_mem>>
    %dma_start3A_171 = tpu.memref_squeeze %dma_start3A_170 : memref<1x!tpu.dma_semaphore, #tpu.memory_space<semaphore_mem>> -> memref<!tpu.dma_semaphore, #tpu.memory_space<semaphore_mem>>
    %dma_start3A_172 = arith.constant 4 : i32
    %dma_start3A_173 = arith.constant 0 : i32
    %dma_start3A_174 = arith.constant 0 : i32
    %dma_start3A_175 = tpu.memref_slice %arg7[%dma_start3A_172, %dma_start3A_173, %dma_start3A_174] : memref<8x1x80xi32, #tpu.memory_space<vmem>> -> memref<1x1x80xi32, #tpu.memory_space<vmem>>
    %dma_start3A_176 = arith.constant 0 : i32
    %dma_start3A_177 = arith.constant 0 : i32
    %dma_start3A_178 = tpu.memref_slice %arg3[%add3A_161, %dma_start3A_176, %dma_start3A_177] : memref<8000x1x80xi32, #tpu.memory_space<hbm>> -> memref<1x1x80xi32, #tpu.memory_space<hbm>>
    tpu.enqueue_dma source(%dma_start3A_178 : memref<1x1x80xi32, #tpu.memory_space<hbm>>) target(%dma_start3A_175 : memref<1x1x80xi32, #tpu.memory_space<vmem>>) target_semaphore(%dma_start3A_171 : memref<!tpu.dma_semaphore, #tpu.memory_space<semaphore_mem>>)
    %add3A_179 = arith.constant 4 : i32
    %add3A_180 = arith.addi %mul3A_4, %add3A_179 : i32
    %dma_start3A_181 = arith.constant 4 : i32
    %dma_start3A_182 = arith.constant 4 : i32
    %dma_start3A_183 = arith.constant 0 : i32
    %dma_start3A_184 = arith.constant 0 : i32
    %dma_start3A_185 = tpu.memref_slice %arg8[%dma_start3A_182, %dma_start3A_183, %dma_start3A_184] : memref<8x1x80xi32, #tpu.memory_space<vmem>> -> memref<1x1x80xi32, #tpu.memory_space<vmem>>
    %dma_start3A_186 = arith.constant 0 : i32
    %dma_start3A_187 = arith.constant 0 : i32
    %dma_start3A_188 = tpu.memref_slice %arg4[%add3A_180, %dma_start3A_186, %dma_start3A_187] : memref<4000x1x80xi32, #tpu.memory_space<hbm>> -> memref<1x1x80xi32, #tpu.memory_space<hbm>>
    %dma_start3A_189 = tpu.memref_slice %arg11[%dma_start3A_181] : memref<8x!tpu.dma_semaphore, #tpu.memory_space<semaphore_mem>> -> memref<1x!tpu.dma_semaphore, #tpu.memory_space<semaphore_mem>>
    %dma_start3A_190 = tpu.memref_squeeze %dma_start3A_189 : memref<1x!tpu.dma_semaphore, #tpu.memory_space<semaphore_mem>> -> memref<!tpu.dma_semaphore, #tpu.memory_space<semaphore_mem>>
    %dma_start3A_191 = arith.constant 4 : i32
    %dma_start3A_192 = arith.constant 0 : i32
    %dma_start3A_193 = arith.constant 0 : i32
    %dma_start3A_194 = tpu.memref_slice %arg8[%dma_start3A_191, %dma_start3A_192, %dma_start3A_193] : memref<8x1x80xi32, #tpu.memory_space<vmem>> -> memref<1x1x80xi32, #tpu.memory_space<vmem>>
    %dma_start3A_195 = arith.constant 0 : i32
    %dma_start3A_196 = arith.constant 0 : i32
    %dma_start3A_197 = tpu.memref_slice %arg4[%add3A_180, %dma_start3A_195, %dma_start3A_196] : memref<4000x1x80xi32, #tpu.memory_space<hbm>> -> memref<1x1x80xi32, #tpu.memory_space<hbm>>
    tpu.enqueue_dma source(%dma_start3A_197 : memref<1x1x80xi32, #tpu.memory_space<hbm>>) target(%dma_start3A_194 : memref<1x1x80xi32, #tpu.memory_space<vmem>>) target_semaphore(%dma_start3A_190 : memref<!tpu.dma_semaphore, #tpu.memory_space<semaphore_mem>>)
    %add3A_198 = arith.constant 5 : i32
    %add3A_199 = arith.addi %add3A, %add3A_198 : i32
    %dma_start3A_200 = arith.constant 5 : i32
    %dma_start3A_201 = arith.constant 5 : i32
    %dma_start3A_202 = arith.constant 0 : i32
    %dma_start3A_203 = arith.constant 0 : i32
    %dma_start3A_204 = tpu.memref_slice %arg7[%dma_start3A_201, %dma_start3A_202, %dma_start3A_203] : memref<8x1x80xi32, #tpu.memory_space<vmem>> -> memref<1x1x80xi32, #tpu.memory_space<vmem>>
    %dma_start3A_205 = arith.constant 0 : i32
    %dma_start3A_206 = arith.constant 0 : i32
    %dma_start3A_207 = tpu.memref_slice %arg3[%add3A_199, %dma_start3A_205, %dma_start3A_206] : memref<8000x1x80xi32, #tpu.memory_space<hbm>> -> memref<1x1x80xi32, #tpu.memory_space<hbm>>
    %dma_start3A_208 = tpu.memref_slice %arg10[%dma_start3A_200] : memref<8x!tpu.dma_semaphore, #tpu.memory_space<semaphore_mem>> -> memref<1x!tpu.dma_semaphore, #tpu.memory_space<semaphore_mem>>
    %dma_start3A_209 = tpu.memref_squeeze %dma_start3A_208 : memref<1x!tpu.dma_semaphore, #tpu.memory_space<semaphore_mem>> -> memref<!tpu.dma_semaphore, #tpu.memory_space<semaphore_mem>>
    %dma_start3A_210 = arith.constant 5 : i32
    %dma_start3A_211 = arith.constant 0 : i32
    %dma_start3A_212 = arith.constant 0 : i32
    %dma_start3A_213 = tpu.memref_slice %arg7[%dma_start3A_210, %dma_start3A_211, %dma_start3A_212] : memref<8x1x80xi32, #tpu.memory_space<vmem>> -> memref<1x1x80xi32, #tpu.memory_space<vmem>>
    %dma_start3A_214 = arith.constant 0 : i32
    %dma_start3A_215 = arith.constant 0 : i32
    %dma_start3A_216 = tpu.memref_slice %arg3[%add3A_199, %dma_start3A_214, %dma_start3A_215] : memref<8000x1x80xi32, #tpu.memory_space<hbm>> -> memref<1x1x80xi32, #tpu.memory_space<hbm>>
    tpu.enqueue_dma source(%dma_start3A_216 : memref<1x1x80xi32, #tpu.memory_space<hbm>>) target(%dma_start3A_213 : memref<1x1x80xi32, #tpu.memory_space<vmem>>) target_semaphore(%dma_start3A_209 : memref<!tpu.dma_semaphore, #tpu.memory_space<semaphore_mem>>)
    %add3A_217 = arith.constant 5 : i32
    %add3A_218 = arith.addi %mul3A_4, %add3A_217 : i32
    %dma_start3A_219 = arith.constant 5 : i32
    %dma_start3A_220 = arith.constant 5 : i32
    %dma_start3A_221 = arith.constant 0 : i32
    %dma_start3A_222 = arith.constant 0 : i32
    %dma_start3A_223 = tpu.memref_slice %arg8[%dma_start3A_220, %dma_start3A_221, %dma_start3A_222] : memref<8x1x80xi32, #tpu.memory_space<vmem>> -> memref<1x1x80xi32, #tpu.memory_space<vmem>>
    %dma_start3A_224 = arith.constant 0 : i32
    %dma_start3A_225 = arith.constant 0 : i32
    %dma_start3A_226 = tpu.memref_slice %arg4[%add3A_218, %dma_start3A_224, %dma_start3A_225] : memref<4000x1x80xi32, #tpu.memory_space<hbm>> -> memref<1x1x80xi32, #tpu.memory_space<hbm>>
    %dma_start3A_227 = tpu.memref_slice %arg11[%dma_start3A_219] : memref<8x!tpu.dma_semaphore, #tpu.memory_space<semaphore_mem>> -> memref<1x!tpu.dma_semaphore, #tpu.memory_space<semaphore_mem>>
    %dma_start3A_228 = tpu.memref_squeeze %dma_start3A_227 : memref<1x!tpu.dma_semaphore, #tpu.memory_space<semaphore_mem>> -> memref<!tpu.dma_semaphore, #tpu.memory_space<semaphore_mem>>
    %dma_start3A_229 = arith.constant 5 : i32
    %dma_start3A_230 = arith.constant 0 : i32
    %dma_start3A_231 = arith.constant 0 : i32
    %dma_start3A_232 = tpu.memref_slice %arg8[%dma_start3A_229, %dma_start3A_230, %dma_start3A_231] : memref<8x1x80xi32, #tpu.memory_space<vmem>> -> memref<1x1x80xi32, #tpu.memory_space<vmem>>
    %dma_start3A_233 = arith.constant 0 : i32
    %dma_start3A_234 = arith.constant 0 : i32
    %dma_start3A_235 = tpu.memref_slice %arg4[%add3A_218, %dma_start3A_233, %dma_start3A_234] : memref<4000x1x80xi32, #tpu.memory_space<hbm>> -> memref<1x1x80xi32, #tpu.memory_space<hbm>>
    tpu.enqueue_dma source(%dma_start3A_235 : memref<1x1x80xi32, #tpu.memory_space<hbm>>) target(%dma_start3A_232 : memref<1x1x80xi32, #tpu.memory_space<vmem>>) target_semaphore(%dma_start3A_228 : memref<!tpu.dma_semaphore, #tpu.memory_space<semaphore_mem>>)
    %barrier3A = arith.constant 0 : index
    tpu.barrier barrier_id(%barrier3A)
    %scan3A = arith.constant 0 : i32
    %scan3A_236 = arith.constant 31 : i32
    %scan3A_237 = arith.addi %scan3A, %scan3A_236 : i32
    %scan3A_238 = arith.constant 1 : i32
    scf.for %scan3A_332 = %scan3A to %scan3A_237 step %scan3A_238  : i32 {
      %mul3A_333 = arith.constant 1 : i32
      %mul3A_334 = arith.muli %scan3A_332, %mul3A_333 : i32
      %add3A_335 = arith.constant 0 : i32
      %add3A_336 = arith.addi %add3A_335, %mul3A_334 : i32
      %mul3A_337 = arith.constant 8 : i32
      %mul3A_338 = arith.muli %add3A_336, %mul3A_337 : i32
      %add3A_339 = arith.constant 0 : i32
      %add3A_340 = arith.addi %mul3A_338, %add3A_339 : i32
      %dma_wait3A_341 = arith.constant 0 : i32
      %dma_wait3A_342 = arith.constant 0 : i32
      %dma_wait3A_343 = arith.constant 0 : i32
      %dma_wait3A_344 = arith.constant 0 : i32
      %dma_wait3A_345 = tpu.memref_slice %arg7[%dma_wait3A_342, %dma_wait3A_343, %dma_wait3A_344] : memref<8x1x80xi32, #tpu.memory_space<vmem>> -> memref<1x1x80xi32, #tpu.memory_space<vmem>>
      %dma_wait3A_346 = arith.constant 0 : i32
      %dma_wait3A_347 = arith.constant 0 : i32
      %dma_wait3A_348 = arith.constant 0 : i32
      %dma_wait3A_349 = tpu.memref_slice %arg3[%dma_wait3A_346, %dma_wait3A_347, %dma_wait3A_348] : memref<8000x1x80xi32, #tpu.memory_space<hbm>> -> memref<1x1x80xi32, #tpu.memory_space<hbm>>
      %dma_wait3A_350 = tpu.memref_slice %arg10[%dma_wait3A_341] : memref<8x!tpu.dma_semaphore, #tpu.memory_space<semaphore_mem>> -> memref<1x!tpu.dma_semaphore, #tpu.memory_space<semaphore_mem>>
      %dma_wait3A_351 = tpu.memref_squeeze %dma_wait3A_350 : memref<1x!tpu.dma_semaphore, #tpu.memory_space<semaphore_mem>> -> memref<!tpu.dma_semaphore, #tpu.memory_space<semaphore_mem>>
      %dma_wait3A_352 = arith.constant 0 : i32
      %dma_wait3A_353 = arith.constant 0 : i32
      %dma_wait3A_354 = arith.constant 0 : i32
      %dma_wait3A_355 = tpu.memref_slice %arg7[%dma_wait3A_352, %dma_wait3A_353, %dma_wait3A_354] : memref<8x1x80xi32, #tpu.memory_space<vmem>> -> memref<1x1x80xi32, #tpu.memory_space<vmem>>
      %dma_wait3A_356 = arith.constant 0 : i32
      %dma_wait3A_357 = arith.constant 0 : i32
      %dma_wait3A_358 = arith.constant 0 : i32
      %dma_wait3A_359 = tpu.memref_slice %arg3[%dma_wait3A_356, %dma_wait3A_357, %dma_wait3A_358] : memref<8000x1x80xi32, #tpu.memory_space<hbm>> -> memref<1x1x80xi32, #tpu.memory_space<hbm>>
      tpu.wait_dma2 semaphore(%dma_wait3A_351 : memref<!tpu.dma_semaphore, #tpu.memory_space<semaphore_mem>>) src(%dma_wait3A_359 : memref<1x1x80xi32, #tpu.memory_space<hbm>>) dst(%dma_wait3A_355 : memref<1x1x80xi32, #tpu.memory_space<vmem>>)
      %dma_wait3A_360 = arith.constant 0 : i32
      %dma_wait3A_361 = arith.constant 0 : i32
      %dma_wait3A_362 = arith.constant 0 : i32
      %dma_wait3A_363 = arith.constant 0 : i32
      %dma_wait3A_364 = tpu.memref_slice %arg8[%dma_wait3A_361, %dma_wait3A_362, %dma_wait3A_363] : memref<8x1x80xi32, #tpu.memory_space<vmem>> -> memref<1x1x80xi32, #tpu.memory_space<vmem>>
      %dma_wait3A_365 = arith.constant 0 : i32
      %dma_wait3A_366 = arith.constant 0 : i32
      %dma_wait3A_367 = arith.constant 0 : i32
      %dma_wait3A_368 = tpu.memref_slice %arg4[%dma_wait3A_365, %dma_wait3A_366, %dma_wait3A_367] : memref<4000x1x80xi32, #tpu.memory_space<hbm>> -> memref<1x1x80xi32, #tpu.memory_space<hbm>>
      %dma_wait3A_369 = tpu.memref_slice %arg11[%dma_wait3A_360] : memref<8x!tpu.dma_semaphore, #tpu.memory_space<semaphore_mem>> -> memref<1x!tpu.dma_semaphore, #tpu.memory_space<semaphore_mem>>
      %dma_wait3A_370 = tpu.memref_squeeze %dma_wait3A_369 : memref<1x!tpu.dma_semaphore, #tpu.memory_space<semaphore_mem>> -> memref<!tpu.dma_semaphore, #tpu.memory_space<semaphore_mem>>
      %dma_wait3A_371 = arith.constant 0 : i32
      %dma_wait3A_372 = arith.constant 0 : i32
      %dma_wait3A_373 = arith.constant 0 : i32
      %dma_wait3A_374 = tpu.memref_slice %arg8[%dma_wait3A_371, %dma_wait3A_372, %dma_wait3A_373] : memref<8x1x80xi32, #tpu.memory_space<vmem>> -> memref<1x1x80xi32, #tpu.memory_space<vmem>>
      %dma_wait3A_375 = arith.constant 0 : i32
      %dma_wait3A_376 = arith.constant 0 : i32
      %dma_wait3A_377 = arith.constant 0 : i32
      %dma_wait3A_378 = tpu.memref_slice %arg4[%dma_wait3A_375, %dma_wait3A_376, %dma_wait3A_377] : memref<4000x1x80xi32, #tpu.memory_space<hbm>> -> memref<1x1x80xi32, #tpu.memory_space<hbm>>
      tpu.wait_dma2 semaphore(%dma_wait3A_370 : memref<!tpu.dma_semaphore, #tpu.memory_space<semaphore_mem>>) src(%dma_wait3A_378 : memref<1x1x80xi32, #tpu.memory_space<hbm>>) dst(%dma_wait3A_374 : memref<1x1x80xi32, #tpu.memory_space<vmem>>)
      %run_scoped3A_379 = arith.constant 0 : i32
      %run_scoped3A_380 = arith.constant 0 : i32
      %run_scoped3A_381 = arith.constant 0 : i32
      "tpu.region"() ({
        %run_scoped3A_776 = tpu.sem_alloc : memref<!tpu.dma_semaphore, #tpu.memory_space<semaphore_mem>>
        %dma_start3A_777 = arith.constant 0 : i32
        %dma_start3A_778 = arith.constant 0 : i32
        %dma_start3A_779 = tpu.memref_slice %arg9[%run_scoped3A_381, %dma_start3A_777, %dma_start3A_778] : memref<4x80x128xf32, #tpu.memory_space<vmem>> -> memref<1x80x128xf32, #tpu.memory_space<vmem>>
        %dma_start3A_780 = tpu.memref_squeeze %dma_start3A_779 : memref<1x80x128xf32, #tpu.memory_space<vmem>> -> memref<80x128xf32, #tpu.memory_space<vmem>>
        %dma_start3A_781 = arith.constant 0 : i32
        %dma_start3A_782 = tpu.memref_slice %arg7[%run_scoped3A_379, %run_scoped3A_380, %dma_start3A_781] : memref<8x1x80xi32, #tpu.memory_space<vmem>> -> memref<1x1x80xi32, #tpu.memory_space<vmem>>
        %dma_start3A_783 = tpu.memref_squeeze %dma_start3A_782 : memref<1x1x80xi32, #tpu.memory_space<vmem>> -> memref<80xi32, #tpu.memory_space<vmem>>
        %dma_start3A_784 = arith.constant 0 : i32
        %dma_start3A_785 = arith.constant 0 : i32
        %dma_start3A_786 = tpu.memref_slice %arg2[%dma_start3A_784, %dma_start3A_785] : memref<20000x128xf32, #tpu.memory_space<hbm>> -> memref<20000x128xf32, #tpu.memory_space<hbm>>
        tpu.enqueue_indirect_dma source(%dma_start3A_786 : memref<20000x128xf32, #tpu.memory_space<hbm>>) target(%dma_start3A_780 : memref<80x128xf32, #tpu.memory_space<vmem>>) offsets(%dma_start3A_783 : memref<80xi32, #tpu.memory_space<vmem>>) semaphore(%run_scoped3A_776 : memref<!tpu.dma_semaphore, #tpu.memory_space<semaphore_mem>>)
        %dma_wait3A_787 = arith.constant 0 : i32
        %dma_wait3A_788 = arith.constant 0 : i32
        %dma_wait3A_789 = tpu.memref_slice %arg9[%run_scoped3A_381, %dma_wait3A_787, %dma_wait3A_788] : memref<4x80x128xf32, #tpu.memory_space<vmem>> -> memref<1x80x128xf32, #tpu.memory_space<vmem>>
        %dma_wait3A_790 = tpu.memref_squeeze %dma_wait3A_789 : memref<1x80x128xf32, #tpu.memory_space<vmem>> -> memref<80x128xf32, #tpu.memory_space<vmem>>
        %dma_wait3A_791 = arith.constant 0 : i32
        %dma_wait3A_792 = tpu.memref_slice %arg7[%run_scoped3A_379, %run_scoped3A_380, %dma_wait3A_791] : memref<8x1x80xi32, #tpu.memory_space<vmem>> -> memref<1x1x80xi32, #tpu.memory_space<vmem>>
        %dma_wait3A_793 = tpu.memref_squeeze %dma_wait3A_792 : memref<1x1x80xi32, #tpu.memory_space<vmem>> -> memref<80xi32, #tpu.memory_space<vmem>>
        %dma_wait3A_794 = arith.constant 0 : i32
        %dma_wait3A_795 = arith.constant 0 : i32
        %dma_wait3A_796 = tpu.memref_slice %arg2[%dma_wait3A_794, %dma_wait3A_795] : memref<20000x128xf32, #tpu.memory_space<hbm>> -> memref<20000x128xf32, #tpu.memory_space<hbm>>
        tpu.wait_indirect_dma semaphore(%run_scoped3A_776 : memref<!tpu.dma_semaphore, #tpu.memory_space<semaphore_mem>>) src(%dma_wait3A_796 : memref<20000x128xf32, #tpu.memory_space<hbm>>) dst(%dma_wait3A_790 : memref<80x128xf32, #tpu.memory_space<vmem>>)
        tpu.yield
      }) : () -> ()
      %run_scoped3A_382 = arith.constant 0 : i32
      %run_scoped3A_383 = arith.constant 0 : i32
      %run_scoped3A_384 = arith.constant 0 : i32
      "tpu.region"() ({
        %run_scoped3A_776 = tpu.sem_alloc : memref<!tpu.dma_semaphore, #tpu.memory_space<semaphore_mem>>
        %dma_start3A_777 = arith.constant 0 : i32
        %dma_start3A_778 = arith.constant 0 : i32
        %dma_start3A_779 = tpu.memref_slice %arg9[%run_scoped3A_382, %dma_start3A_777, %dma_start3A_778] : memref<4x80x128xf32, #tpu.memory_space<vmem>> -> memref<1x80x128xf32, #tpu.memory_space<vmem>>
        %dma_start3A_780 = tpu.memref_squeeze %dma_start3A_779 : memref<1x80x128xf32, #tpu.memory_space<vmem>> -> memref<80x128xf32, #tpu.memory_space<vmem>>
        %dma_start3A_781 = arith.constant 0 : i32
        %dma_start3A_782 = tpu.memref_slice %arg8[%run_scoped3A_383, %run_scoped3A_384, %dma_start3A_781] : memref<8x1x80xi32, #tpu.memory_space<vmem>> -> memref<1x1x80xi32, #tpu.memory_space<vmem>>
        %dma_start3A_783 = tpu.memref_squeeze %dma_start3A_782 : memref<1x1x80xi32, #tpu.memory_space<vmem>> -> memref<80xi32, #tpu.memory_space<vmem>>
        %dma_start3A_784 = arith.constant 0 : i32
        %dma_start3A_785 = arith.constant 0 : i32
        %dma_start3A_786 = tpu.memref_slice %arg13[%dma_start3A_784, %dma_start3A_785] : memref<10000x128xf32, #tpu.memory_space<vmem_shared>> -> memref<10000x128xf32, #tpu.memory_space<vmem_shared>>
        tpu.enqueue_indirect_dma source(%dma_start3A_780 : memref<80x128xf32, #tpu.memory_space<vmem>>) target(%dma_start3A_786 : memref<10000x128xf32, #tpu.memory_space<vmem_shared>>) offsets(%dma_start3A_783 : memref<80xi32, #tpu.memory_space<vmem>>) semaphore(%run_scoped3A_776 : memref<!tpu.dma_semaphore, #tpu.memory_space<semaphore_mem>>) {add = true}
        %dma_wait3A_787 = arith.constant 0 : i32
        %dma_wait3A_788 = arith.constant 0 : i32
        %dma_wait3A_789 = tpu.memref_slice %arg9[%run_scoped3A_382, %dma_wait3A_787, %dma_wait3A_788] : memref<4x80x128xf32, #tpu.memory_space<vmem>> -> memref<1x80x128xf32, #tpu.memory_space<vmem>>
        %dma_wait3A_790 = tpu.memref_squeeze %dma_wait3A_789 : memref<1x80x128xf32, #tpu.memory_space<vmem>> -> memref<80x128xf32, #tpu.memory_space<vmem>>
        %dma_wait3A_791 = arith.constant 0 : i32
        %dma_wait3A_792 = tpu.memref_slice %arg8[%run_scoped3A_383, %run_scoped3A_384, %dma_wait3A_791] : memref<8x1x80xi32, #tpu.memory_space<vmem>> -> memref<1x1x80xi32, #tpu.memory_space<vmem>>
        %dma_wait3A_793 = tpu.memref_squeeze %dma_wait3A_792 : memref<1x1x80xi32, #tpu.memory_space<vmem>> -> memref<80xi32, #tpu.memory_space<vmem>>
        %dma_wait3A_794 = arith.constant 0 : i32
        %dma_wait3A_795 = arith.constant 0 : i32
        %dma_wait3A_796 = tpu.memref_slice %arg13[%dma_wait3A_794, %dma_wait3A_795] : memref<10000x128xf32, #tpu.memory_space<vmem_shared>> -> memref<10000x128xf32, #tpu.memory_space<vmem_shared>>
        tpu.wait_indirect_dma semaphore(%run_scoped3A_776 : memref<!tpu.dma_semaphore, #tpu.memory_space<semaphore_mem>>) src(%dma_wait3A_790 : memref<80x128xf32, #tpu.memory_space<vmem>>) dst(%dma_wait3A_796 : memref<10000x128xf32, #tpu.memory_space<vmem_shared>>)
        tpu.yield
      }) : () -> ()
      %add3A_385 = arith.constant 6 : i32
      %add3A_386 = arith.addi %add3A_340, %add3A_385 : i32
      %lt3A = arith.constant 250 : i32
      %lt3A_387 = arith.cmpi slt, %add3A_386, %lt3A : i32
      %convert_element_type3A_388 = arith.extui %lt3A_387 : i1 to i32
      %cond3A_389 = arith.constant 0 : i32
      %cond3A_390 = arith.cmpi ne, %convert_element_type3A_388, %cond3A_389 : i32
      scf.if %cond3A_390 {
        %add3A_776 = arith.addi %add3A, %add3A_340 : i32
        %add3A_777 = arith.constant 6 : i32
        %add3A_778 = arith.addi %add3A_776, %add3A_777 : i32
        %dma_start3A_779 = arith.constant 6 : i32
        %dma_start3A_780 = arith.constant 6 : i32
        %dma_start3A_781 = arith.constant 0 : i32
        %dma_start3A_782 = arith.constant 0 : i32
        %dma_start3A_783 = tpu.memref_slice %arg7[%dma_start3A_780, %dma_start3A_781, %dma_start3A_782] : memref<8x1x80xi32, #tpu.memory_space<vmem>> -> memref<1x1x80xi32, #tpu.memory_space<vmem>>
        %dma_start3A_784 = arith.constant 0 : i32
        %dma_start3A_785 = arith.constant 0 : i32
        %dma_start3A_786 = tpu.memref_slice %arg3[%add3A_778, %dma_start3A_784, %dma_start3A_785] : memref<8000x1x80xi32, #tpu.memory_space<hbm>> -> memref<1x1x80xi32, #tpu.memory_space<hbm>>
        %dma_start3A_787 = tpu.memref_slice %arg10[%dma_start3A_779] : memref<8x!tpu.dma_semaphore, #tpu.memory_space<semaphore_mem>> -> memref<1x!tpu.dma_semaphore, #tpu.memory_space<semaphore_mem>>
        %dma_start3A_788 = tpu.memref_squeeze %dma_start3A_787 : memref<1x!tpu.dma_semaphore, #tpu.memory_space<semaphore_mem>> -> memref<!tpu.dma_semaphore, #tpu.memory_space<semaphore_mem>>
        %dma_start3A_789 = arith.constant 6 : i32
        %dma_start3A_790 = arith.constant 0 : i32
        %dma_start3A_791 = arith.constant 0 : i32
        %dma_start3A_792 = tpu.memref_slice %arg7[%dma_start3A_789, %dma_start3A_790, %dma_start3A_791] : memref<8x1x80xi32, #tpu.memory_space<vmem>> -> memref<1x1x80xi32, #tpu.memory_space<vmem>>
        %dma_start3A_793 = arith.constant 0 : i32
        %dma_start3A_794 = arith.constant 0 : i32
        %dma_start3A_795 = tpu.memref_slice %arg3[%add3A_778, %dma_start3A_793, %dma_start3A_794] : memref<8000x1x80xi32, #tpu.memory_space<hbm>> -> memref<1x1x80xi32, #tpu.memory_space<hbm>>
        tpu.enqueue_dma source(%dma_start3A_795 : memref<1x1x80xi32, #tpu.memory_space<hbm>>) target(%dma_start3A_792 : memref<1x1x80xi32, #tpu.memory_space<vmem>>) target_semaphore(%dma_start3A_788 : memref<!tpu.dma_semaphore, #tpu.memory_space<semaphore_mem>>)
        %add3A_796 = arith.addi %mul3A_4, %add3A_340 : i32
        %add3A_797 = arith.constant 6 : i32
        %add3A_798 = arith.addi %add3A_796, %add3A_797 : i32
        %dma_start3A_799 = arith.constant 6 : i32
        %dma_start3A_800 = arith.constant 6 : i32
        %dma_start3A_801 = arith.constant 0 : i32
        %dma_start3A_802 = arith.constant 0 : i32
        %dma_start3A_803 = tpu.memref_slice %arg8[%dma_start3A_800, %dma_start3A_801, %dma_start3A_802] : memref<8x1x80xi32, #tpu.memory_space<vmem>> -> memref<1x1x80xi32, #tpu.memory_space<vmem>>
        %dma_start3A_804 = arith.constant 0 : i32
        %dma_start3A_805 = arith.constant 0 : i32
        %dma_start3A_806 = tpu.memref_slice %arg4[%add3A_798, %dma_start3A_804, %dma_start3A_805] : memref<4000x1x80xi32, #tpu.memory_space<hbm>> -> memref<1x1x80xi32, #tpu.memory_space<hbm>>
        %dma_start3A_807 = tpu.memref_slice %arg11[%dma_start3A_799] : memref<8x!tpu.dma_semaphore, #tpu.memory_space<semaphore_mem>> -> memref<1x!tpu.dma_semaphore, #tpu.memory_space<semaphore_mem>>
        %dma_start3A_808 = tpu.memref_squeeze %dma_start3A_807 : memref<1x!tpu.dma_semaphore, #tpu.memory_space<semaphore_mem>> -> memref<!tpu.dma_semaphore, #tpu.memory_space<semaphore_mem>>
        %dma_start3A_809 = arith.constant 6 : i32
        %dma_start3A_810 = arith.constant 0 : i32
        %dma_start3A_811 = arith.constant 0 : i32
        %dma_start3A_812 = tpu.memref_slice %arg8[%dma_start3A_809, %dma_start3A_810, %dma_start3A_811] : memref<8x1x80xi32, #tpu.memory_space<vmem>> -> memref<1x1x80xi32, #tpu.memory_space<vmem>>
        %dma_start3A_813 = arith.constant 0 : i32
        %dma_start3A_814 = arith.constant 0 : i32
        %dma_start3A_815 = tpu.memref_slice %arg4[%add3A_798, %dma_start3A_813, %dma_start3A_814] : memref<4000x1x80xi32, #tpu.memory_space<hbm>> -> memref<1x1x80xi32, #tpu.memory_space<hbm>>
        tpu.enqueue_dma source(%dma_start3A_815 : memref<1x1x80xi32, #tpu.memory_space<hbm>>) target(%dma_start3A_812 : memref<1x1x80xi32, #tpu.memory_space<vmem>>) target_semaphore(%dma_start3A_808 : memref<!tpu.dma_semaphore, #tpu.memory_space<semaphore_mem>>)
      } else {
      }
      %mul3A_391 = arith.constant 8 : i32
      %mul3A_392 = arith.muli %add3A_336, %mul3A_391 : i32
      %add3A_393 = arith.constant 1 : i32
      %add3A_394 = arith.addi %mul3A_392, %add3A_393 : i32
      %dma_wait3A_395 = arith.constant 1 : i32
      %dma_wait3A_396 = arith.constant 1 : i32
      %dma_wait3A_397 = arith.constant 0 : i32
      %dma_wait3A_398 = arith.constant 0 : i32
      %dma_wait3A_399 = tpu.memref_slice %arg7[%dma_wait3A_396, %dma_wait3A_397, %dma_wait3A_398] : memref<8x1x80xi32, #tpu.memory_space<vmem>> -> memref<1x1x80xi32, #tpu.memory_space<vmem>>
      %dma_wait3A_400 = arith.constant 0 : i32
      %dma_wait3A_401 = arith.constant 0 : i32
      %dma_wait3A_402 = arith.constant 0 : i32
      %dma_wait3A_403 = tpu.memref_slice %arg3[%dma_wait3A_400, %dma_wait3A_401, %dma_wait3A_402] : memref<8000x1x80xi32, #tpu.memory_space<hbm>> -> memref<1x1x80xi32, #tpu.memory_space<hbm>>
      %dma_wait3A_404 = tpu.memref_slice %arg10[%dma_wait3A_395] : memref<8x!tpu.dma_semaphore, #tpu.memory_space<semaphore_mem>> -> memref<1x!tpu.dma_semaphore, #tpu.memory_space<semaphore_mem>>
      %dma_wait3A_405 = tpu.memref_squeeze %dma_wait3A_404 : memref<1x!tpu.dma_semaphore, #tpu.memory_space<semaphore_mem>> -> memref<!tpu.dma_semaphore, #tpu.memory_space<semaphore_mem>>
      %dma_wait3A_406 = arith.constant 1 : i32
      %dma_wait3A_407 = arith.constant 0 : i32
      %dma_wait3A_408 = arith.constant 0 : i32
      %dma_wait3A_409 = tpu.memref_slice %arg7[%dma_wait3A_406, %dma_wait3A_407, %dma_wait3A_408] : memref<8x1x80xi32, #tpu.memory_space<vmem>> -> memref<1x1x80xi32, #tpu.memory_space<vmem>>
      %dma_wait3A_410 = arith.constant 0 : i32
      %dma_wait3A_411 = arith.constant 0 : i32
      %dma_wait3A_412 = arith.constant 0 : i32
      %dma_wait3A_413 = tpu.memref_slice %arg3[%dma_wait3A_410, %dma_wait3A_411, %dma_wait3A_412] : memref<8000x1x80xi32, #tpu.memory_space<hbm>> -> memref<1x1x80xi32, #tpu.memory_space<hbm>>
      tpu.wait_dma2 semaphore(%dma_wait3A_405 : memref<!tpu.dma_semaphore, #tpu.memory_space<semaphore_mem>>) src(%dma_wait3A_413 : memref<1x1x80xi32, #tpu.memory_space<hbm>>) dst(%dma_wait3A_409 : memref<1x1x80xi32, #tpu.memory_space<vmem>>)
      %dma_wait3A_414 = arith.constant 1 : i32
      %dma_wait3A_415 = arith.constant 1 : i32
      %dma_wait3A_416 = arith.constant 0 : i32
      %dma_wait3A_417 = arith.constant 0 : i32
      %dma_wait3A_418 = tpu.memref_slice %arg8[%dma_wait3A_415, %dma_wait3A_416, %dma_wait3A_417] : memref<8x1x80xi32, #tpu.memory_space<vmem>> -> memref<1x1x80xi32, #tpu.memory_space<vmem>>
      %dma_wait3A_419 = arith.constant 0 : i32
      %dma_wait3A_420 = arith.constant 0 : i32
      %dma_wait3A_421 = arith.constant 0 : i32
      %dma_wait3A_422 = tpu.memref_slice %arg4[%dma_wait3A_419, %dma_wait3A_420, %dma_wait3A_421] : memref<4000x1x80xi32, #tpu.memory_space<hbm>> -> memref<1x1x80xi32, #tpu.memory_space<hbm>>
      %dma_wait3A_423 = tpu.memref_slice %arg11[%dma_wait3A_414] : memref<8x!tpu.dma_semaphore, #tpu.memory_space<semaphore_mem>> -> memref<1x!tpu.dma_semaphore, #tpu.memory_space<semaphore_mem>>
      %dma_wait3A_424 = tpu.memref_squeeze %dma_wait3A_423 : memref<1x!tpu.dma_semaphore, #tpu.memory_space<semaphore_mem>> -> memref<!tpu.dma_semaphore, #tpu.memory_space<semaphore_mem>>
      %dma_wait3A_425 = arith.constant 1 : i32
      %dma_wait3A_426 = arith.constant 0 : i32
      %dma_wait3A_427 = arith.constant 0 : i32
      %dma_wait3A_428 = tpu.memref_slice %arg8[%dma_wait3A_425, %dma_wait3A_426, %dma_wait3A_427] : memref<8x1x80xi32, #tpu.memory_space<vmem>> -> memref<1x1x80xi32, #tpu.memory_space<vmem>>
      %dma_wait3A_429 = arith.constant 0 : i32
      %dma_wait3A_430 = arith.constant 0 : i32
      %dma_wait3A_431 = arith.constant 0 : i32
      %dma_wait3A_432 = tpu.memref_slice %arg4[%dma_wait3A_429, %dma_wait3A_430, %dma_wait3A_431] : memref<4000x1x80xi32, #tpu.memory_space<hbm>> -> memref<1x1x80xi32, #tpu.memory_space<hbm>>
      tpu.wait_dma2 semaphore(%dma_wait3A_424 : memref<!tpu.dma_semaphore, #tpu.memory_space<semaphore_mem>>) src(%dma_wait3A_432 : memref<1x1x80xi32, #tpu.memory_space<hbm>>) dst(%dma_wait3A_428 : memref<1x1x80xi32, #tpu.memory_space<vmem>>)
      %run_scoped3A_433 = arith.constant 1 : i32
      %run_scoped3A_434 = arith.constant 0 : i32
      %run_scoped3A_435 = arith.constant 1 : i32
      "tpu.region"() ({
        %run_scoped3A_776 = tpu.sem_alloc : memref<!tpu.dma_semaphore, #tpu.memory_space<semaphore_mem>>
        %dma_start3A_777 = arith.constant 0 : i32
        %dma_start3A_778 = arith.constant 0 : i32
        %dma_start3A_779 = tpu.memref_slice %arg9[%run_scoped3A_435, %dma_start3A_777, %dma_start3A_778] : memref<4x80x128xf32, #tpu.memory_space<vmem>> -> memref<1x80x128xf32, #tpu.memory_space<vmem>>
        %dma_start3A_780 = tpu.memref_squeeze %dma_start3A_779 : memref<1x80x128xf32, #tpu.memory_space<vmem>> -> memref<80x128xf32, #tpu.memory_space<vmem>>
        %dma_start3A_781 = arith.constant 0 : i32
        %dma_start3A_782 = tpu.memref_slice %arg7[%run_scoped3A_433, %run_scoped3A_434, %dma_start3A_781] : memref<8x1x80xi32, #tpu.memory_space<vmem>> -> memref<1x1x80xi32, #tpu.memory_space<vmem>>
        %dma_start3A_783 = tpu.memref_squeeze %dma_start3A_782 : memref<1x1x80xi32, #tpu.memory_space<vmem>> -> memref<80xi32, #tpu.memory_space<vmem>>
        %dma_start3A_784 = arith.constant 0 : i32
        %dma_start3A_785 = arith.constant 0 : i32
        %dma_start3A_786 = tpu.memref_slice %arg2[%dma_start3A_784, %dma_start3A_785] : memref<20000x128xf32, #tpu.memory_space<hbm>> -> memref<20000x128xf32, #tpu.memory_space<hbm>>
        tpu.enqueue_indirect_dma source(%dma_start3A_786 : memref<20000x128xf32, #tpu.memory_space<hbm>>) target(%dma_start3A_780 : memref<80x128xf32, #tpu.memory_space<vmem>>) offsets(%dma_start3A_783 : memref<80xi32, #tpu.memory_space<vmem>>) semaphore(%run_scoped3A_776 : memref<!tpu.dma_semaphore, #tpu.memory_space<semaphore_mem>>)
        %dma_wait3A_787 = arith.constant 0 : i32
        %dma_wait3A_788 = arith.constant 0 : i32
        %dma_wait3A_789 = tpu.memref_slice %arg9[%run_scoped3A_435, %dma_wait3A_787, %dma_wait3A_788] : memref<4x80x128xf32, #tpu.memory_space<vmem>> -> memref<1x80x128xf32, #tpu.memory_space<vmem>>
        %dma_wait3A_790 = tpu.memref_squeeze %dma_wait3A_789 : memref<1x80x128xf32, #tpu.memory_space<vmem>> -> memref<80x128xf32, #tpu.memory_space<vmem>>
        %dma_wait3A_791 = arith.constant 0 : i32
        %dma_wait3A_792 = tpu.memref_slice %arg7[%run_scoped3A_433, %run_scoped3A_434, %dma_wait3A_791] : memref<8x1x80xi32, #tpu.memory_space<vmem>> -> memref<1x1x80xi32, #tpu.memory_space<vmem>>
        %dma_wait3A_793 = tpu.memref_squeeze %dma_wait3A_792 : memref<1x1x80xi32, #tpu.memory_space<vmem>> -> memref<80xi32, #tpu.memory_space<vmem>>
        %dma_wait3A_794 = arith.constant 0 : i32
        %dma_wait3A_795 = arith.constant 0 : i32
        %dma_wait3A_796 = tpu.memref_slice %arg2[%dma_wait3A_794, %dma_wait3A_795] : memref<20000x128xf32, #tpu.memory_space<hbm>> -> memref<20000x128xf32, #tpu.memory_space<hbm>>
        tpu.wait_indirect_dma semaphore(%run_scoped3A_776 : memref<!tpu.dma_semaphore, #tpu.memory_space<semaphore_mem>>) src(%dma_wait3A_796 : memref<20000x128xf32, #tpu.memory_space<hbm>>) dst(%dma_wait3A_790 : memref<80x128xf32, #tpu.memory_space<vmem>>)
        tpu.yield
      }) : () -> ()
      %run_scoped3A_436 = arith.constant 1 : i32
      %run_scoped3A_437 = arith.constant 1 : i32
      %run_scoped3A_438 = arith.constant 0 : i32
      "tpu.region"() ({
        %run_scoped3A_776 = tpu.sem_alloc : memref<!tpu.dma_semaphore, #tpu.memory_space<semaphore_mem>>
        %dma_start3A_777 = arith.constant 0 : i32
        %dma_start3A_778 = arith.constant 0 : i32
        %dma_start3A_779 = tpu.memref_slice %arg9[%run_scoped3A_436, %dma_start3A_777, %dma_start3A_778] : memref<4x80x128xf32, #tpu.memory_space<vmem>> -> memref<1x80x128xf32, #tpu.memory_space<vmem>>
        %dma_start3A_780 = tpu.memref_squeeze %dma_start3A_779 : memref<1x80x128xf32, #tpu.memory_space<vmem>> -> memref<80x128xf32, #tpu.memory_space<vmem>>
        %dma_start3A_781 = arith.constant 0 : i32
        %dma_start3A_782 = tpu.memref_slice %arg8[%run_scoped3A_437, %run_scoped3A_438, %dma_start3A_781] : memref<8x1x80xi32, #tpu.memory_space<vmem>> -> memref<1x1x80xi32, #tpu.memory_space<vmem>>
        %dma_start3A_783 = tpu.memref_squeeze %dma_start3A_782 : memref<1x1x80xi32, #tpu.memory_space<vmem>> -> memref<80xi32, #tpu.memory_space<vmem>>
        %dma_start3A_784 = arith.constant 0 : i32
        %dma_start3A_785 = arith.constant 0 : i32
        %dma_start3A_786 = tpu.memref_slice %arg13[%dma_start3A_784, %dma_start3A_785] : memref<10000x128xf32, #tpu.memory_space<vmem_shared>> -> memref<10000x128xf32, #tpu.memory_space<vmem_shared>>
        tpu.enqueue_indirect_dma source(%dma_start3A_780 : memref<80x128xf32, #tpu.memory_space<vmem>>) target(%dma_start3A_786 : memref<10000x128xf32, #tpu.memory_space<vmem_shared>>) offsets(%dma_start3A_783 : memref<80xi32, #tpu.memory_space<vmem>>) semaphore(%run_scoped3A_776 : memref<!tpu.dma_semaphore, #tpu.memory_space<semaphore_mem>>) {add = true}
        %dma_wait3A_787 = arith.constant 0 : i32
        %dma_wait3A_788 = arith.constant 0 : i32
        %dma_wait3A_789 = tpu.memref_slice %arg9[%run_scoped3A_436, %dma_wait3A_787, %dma_wait3A_788] : memref<4x80x128xf32, #tpu.memory_space<vmem>> -> memref<1x80x128xf32, #tpu.memory_space<vmem>>
        %dma_wait3A_790 = tpu.memref_squeeze %dma_wait3A_789 : memref<1x80x128xf32, #tpu.memory_space<vmem>> -> memref<80x128xf32, #tpu.memory_space<vmem>>
        %dma_wait3A_791 = arith.constant 0 : i32
        %dma_wait3A_792 = tpu.memref_slice %arg8[%run_scoped3A_437, %run_scoped3A_438, %dma_wait3A_791] : memref<8x1x80xi32, #tpu.memory_space<vmem>> -> memref<1x1x80xi32, #tpu.memory_space<vmem>>
        %dma_wait3A_793 = tpu.memref_squeeze %dma_wait3A_792 : memref<1x1x80xi32, #tpu.memory_space<vmem>> -> memref<80xi32, #tpu.memory_space<vmem>>
        %dma_wait3A_794 = arith.constant 0 : i32
        %dma_wait3A_795 = arith.constant 0 : i32
        %dma_wait3A_796 = tpu.memref_slice %arg13[%dma_wait3A_794, %dma_wait3A_795] : memref<10000x128xf32, #tpu.memory_space<vmem_shared>> -> memref<10000x128xf32, #tpu.memory_space<vmem_shared>>
        tpu.wait_indirect_dma semaphore(%run_scoped3A_776 : memref<!tpu.dma_semaphore, #tpu.memory_space<semaphore_mem>>) src(%dma_wait3A_790 : memref<80x128xf32, #tpu.memory_space<vmem>>) dst(%dma_wait3A_796 : memref<10000x128xf32, #tpu.memory_space<vmem_shared>>)
        tpu.yield
      }) : () -> ()
      %add3A_439 = arith.constant 6 : i32
      %add3A_440 = arith.addi %add3A_394, %add3A_439 : i32
      %lt3A_441 = arith.constant 250 : i32
      %lt3A_442 = arith.cmpi slt, %add3A_440, %lt3A_441 : i32
      %convert_element_type3A_443 = arith.extui %lt3A_442 : i1 to i32
      %cond3A_444 = arith.constant 0 : i32
      %cond3A_445 = arith.cmpi ne, %convert_element_type3A_443, %cond3A_444 : i32
      scf.if %cond3A_445 {
        %add3A_776 = arith.addi %add3A, %add3A_394 : i32
        %add3A_777 = arith.constant 6 : i32
        %add3A_778 = arith.addi %add3A_776, %add3A_777 : i32
        %dma_start3A_779 = arith.constant 7 : i32
        %dma_start3A_780 = arith.constant 7 : i32
        %dma_start3A_781 = arith.constant 0 : i32
        %dma_start3A_782 = arith.constant 0 : i32
        %dma_start3A_783 = tpu.memref_slice %arg7[%dma_start3A_780, %dma_start3A_781, %dma_start3A_782] : memref<8x1x80xi32, #tpu.memory_space<vmem>> -> memref<1x1x80xi32, #tpu.memory_space<vmem>>
        %dma_start3A_784 = arith.constant 0 : i32
        %dma_start3A_785 = arith.constant 0 : i32
        %dma_start3A_786 = tpu.memref_slice %arg3[%add3A_778, %dma_start3A_784, %dma_start3A_785] : memref<8000x1x80xi32, #tpu.memory_space<hbm>> -> memref<1x1x80xi32, #tpu.memory_space<hbm>>
        %dma_start3A_787 = tpu.memref_slice %arg10[%dma_start3A_779] : memref<8x!tpu.dma_semaphore, #tpu.memory_space<semaphore_mem>> -> memref<1x!tpu.dma_semaphore, #tpu.memory_space<semaphore_mem>>
        %dma_start3A_788 = tpu.memref_squeeze %dma_start3A_787 : memref<1x!tpu.dma_semaphore, #tpu.memory_space<semaphore_mem>> -> memref<!tpu.dma_semaphore, #tpu.memory_space<semaphore_mem>>
        %dma_start3A_789 = arith.constant 7 : i32
        %dma_start3A_790 = arith.constant 0 : i32
        %dma_start3A_791 = arith.constant 0 : i32
        %dma_start3A_792 = tpu.memref_slice %arg7[%dma_start3A_789, %dma_start3A_790, %dma_start3A_791] : memref<8x1x80xi32, #tpu.memory_space<vmem>> -> memref<1x1x80xi32, #tpu.memory_space<vmem>>
        %dma_start3A_793 = arith.constant 0 : i32
        %dma_start3A_794 = arith.constant 0 : i32
        %dma_start3A_795 = tpu.memref_slice %arg3[%add3A_778, %dma_start3A_793, %dma_start3A_794] : memref<8000x1x80xi32, #tpu.memory_space<hbm>> -> memref<1x1x80xi32, #tpu.memory_space<hbm>>
        tpu.enqueue_dma source(%dma_start3A_795 : memref<1x1x80xi32, #tpu.memory_space<hbm>>) target(%dma_start3A_792 : memref<1x1x80xi32, #tpu.memory_space<vmem>>) target_semaphore(%dma_start3A_788 : memref<!tpu.dma_semaphore, #tpu.memory_space<semaphore_mem>>)
        %add3A_796 = arith.addi %mul3A_4, %add3A_394 : i32
        %add3A_797 = arith.constant 6 : i32
        %add3A_798 = arith.addi %add3A_796, %add3A_797 : i32
        %dma_start3A_799 = arith.constant 7 : i32
        %dma_start3A_800 = arith.constant 7 : i32
        %dma_start3A_801 = arith.constant 0 : i32
        %dma_start3A_802 = arith.constant 0 : i32
        %dma_start3A_803 = tpu.memref_slice %arg8[%dma_start3A_800, %dma_start3A_801, %dma_start3A_802] : memref<8x1x80xi32, #tpu.memory_space<vmem>> -> memref<1x1x80xi32, #tpu.memory_space<vmem>>
        %dma_start3A_804 = arith.constant 0 : i32
        %dma_start3A_805 = arith.constant 0 : i32
        %dma_start3A_806 = tpu.memref_slice %arg4[%add3A_798, %dma_start3A_804, %dma_start3A_805] : memref<4000x1x80xi32, #tpu.memory_space<hbm>> -> memref<1x1x80xi32, #tpu.memory_space<hbm>>
        %dma_start3A_807 = tpu.memref_slice %arg11[%dma_start3A_799] : memref<8x!tpu.dma_semaphore, #tpu.memory_space<semaphore_mem>> -> memref<1x!tpu.dma_semaphore, #tpu.memory_space<semaphore_mem>>
        %dma_start3A_808 = tpu.memref_squeeze %dma_start3A_807 : memref<1x!tpu.dma_semaphore, #tpu.memory_space<semaphore_mem>> -> memref<!tpu.dma_semaphore, #tpu.memory_space<semaphore_mem>>
        %dma_start3A_809 = arith.constant 7 : i32
        %dma_start3A_810 = arith.constant 0 : i32
        %dma_start3A_811 = arith.constant 0 : i32
        %dma_start3A_812 = tpu.memref_slice %arg8[%dma_start3A_809, %dma_start3A_810, %dma_start3A_811] : memref<8x1x80xi32, #tpu.memory_space<vmem>> -> memref<1x1x80xi32, #tpu.memory_space<vmem>>
        %dma_start3A_813 = arith.constant 0 : i32
        %dma_start3A_814 = arith.constant 0 : i32
        %dma_start3A_815 = tpu.memref_slice %arg4[%add3A_798, %dma_start3A_813, %dma_start3A_814] : memref<4000x1x80xi32, #tpu.memory_space<hbm>> -> memref<1x1x80xi32, #tpu.memory_space<hbm>>
        tpu.enqueue_dma source(%dma_start3A_815 : memref<1x1x80xi32, #tpu.memory_space<hbm>>) target(%dma_start3A_812 : memref<1x1x80xi32, #tpu.memory_space<vmem>>) target_semaphore(%dma_start3A_808 : memref<!tpu.dma_semaphore, #tpu.memory_space<semaphore_mem>>)
      } else {
      }
      %mul3A_446 = arith.constant 8 : i32
      %mul3A_447 = arith.muli %add3A_336, %mul3A_446 : i32
      %add3A_448 = arith.constant 2 : i32
      %add3A_449 = arith.addi %mul3A_447, %add3A_448 : i32
      %dma_wait3A_450 = arith.constant 2 : i32
      %dma_wait3A_451 = arith.constant 2 : i32
      %dma_wait3A_452 = arith.constant 0 : i32
      %dma_wait3A_453 = arith.constant 0 : i32
      %dma_wait3A_454 = tpu.memref_slice %arg7[%dma_wait3A_451, %dma_wait3A_452, %dma_wait3A_453] : memref<8x1x80xi32, #tpu.memory_space<vmem>> -> memref<1x1x80xi32, #tpu.memory_space<vmem>>
      %dma_wait3A_455 = arith.constant 0 : i32
      %dma_wait3A_456 = arith.constant 0 : i32
      %dma_wait3A_457 = arith.constant 0 : i32
      %dma_wait3A_458 = tpu.memref_slice %arg3[%dma_wait3A_455, %dma_wait3A_456, %dma_wait3A_457] : memref<8000x1x80xi32, #tpu.memory_space<hbm>> -> memref<1x1x80xi32, #tpu.memory_space<hbm>>
      %dma_wait3A_459 = tpu.memref_slice %arg10[%dma_wait3A_450] : memref<8x!tpu.dma_semaphore, #tpu.memory_space<semaphore_mem>> -> memref<1x!tpu.dma_semaphore, #tpu.memory_space<semaphore_mem>>
      %dma_wait3A_460 = tpu.memref_squeeze %dma_wait3A_459 : memref<1x!tpu.dma_semaphore, #tpu.memory_space<semaphore_mem>> -> memref<!tpu.dma_semaphore, #tpu.memory_space<semaphore_mem>>
      %dma_wait3A_461 = arith.constant 2 : i32
      %dma_wait3A_462 = arith.constant 0 : i32
      %dma_wait3A_463 = arith.constant 0 : i32
      %dma_wait3A_464 = tpu.memref_slice %arg7[%dma_wait3A_461, %dma_wait3A_462, %dma_wait3A_463] : memref<8x1x80xi32, #tpu.memory_space<vmem>> -> memref<1x1x80xi32, #tpu.memory_space<vmem>>
      %dma_wait3A_465 = arith.constant 0 : i32
      %dma_wait3A_466 = arith.constant 0 : i32
      %dma_wait3A_467 = arith.constant 0 : i32
      %dma_wait3A_468 = tpu.memref_slice %arg3[%dma_wait3A_465, %dma_wait3A_466, %dma_wait3A_467] : memref<8000x1x80xi32, #tpu.memory_space<hbm>> -> memref<1x1x80xi32, #tpu.memory_space<hbm>>
      tpu.wait_dma2 semaphore(%dma_wait3A_460 : memref<!tpu.dma_semaphore, #tpu.memory_space<semaphore_mem>>) src(%dma_wait3A_468 : memref<1x1x80xi32, #tpu.memory_space<hbm>>) dst(%dma_wait3A_464 : memref<1x1x80xi32, #tpu.memory_space<vmem>>)
      %dma_wait3A_469 = arith.constant 2 : i32
      %dma_wait3A_470 = arith.constant 2 : i32
      %dma_wait3A_471 = arith.constant 0 : i32
      %dma_wait3A_472 = arith.constant 0 : i32
      %dma_wait3A_473 = tpu.memref_slice %arg8[%dma_wait3A_470, %dma_wait3A_471, %dma_wait3A_472] : memref<8x1x80xi32, #tpu.memory_space<vmem>> -> memref<1x1x80xi32, #tpu.memory_space<vmem>>
      %dma_wait3A_474 = arith.constant 0 : i32
      %dma_wait3A_475 = arith.constant 0 : i32
      %dma_wait3A_476 = arith.constant 0 : i32
      %dma_wait3A_477 = tpu.memref_slice %arg4[%dma_wait3A_474, %dma_wait3A_475, %dma_wait3A_476] : memref<4000x1x80xi32, #tpu.memory_space<hbm>> -> memref<1x1x80xi32, #tpu.memory_space<hbm>>
      %dma_wait3A_478 = tpu.memref_slice %arg11[%dma_wait3A_469] : memref<8x!tpu.dma_semaphore, #tpu.memory_space<semaphore_mem>> -> memref<1x!tpu.dma_semaphore, #tpu.memory_space<semaphore_mem>>
      %dma_wait3A_479 = tpu.memref_squeeze %dma_wait3A_478 : memref<1x!tpu.dma_semaphore, #tpu.memory_space<semaphore_mem>> -> memref<!tpu.dma_semaphore, #tpu.memory_space<semaphore_mem>>
      %dma_wait3A_480 = arith.constant 2 : i32
      %dma_wait3A_481 = arith.constant 0 : i32
      %dma_wait3A_482 = arith.constant 0 : i32
      %dma_wait3A_483 = tpu.memref_slice %arg8[%dma_wait3A_480, %dma_wait3A_481, %dma_wait3A_482] : memref<8x1x80xi32, #tpu.memory_space<vmem>> -> memref<1x1x80xi32, #tpu.memory_space<vmem>>
      %dma_wait3A_484 = arith.constant 0 : i32
      %dma_wait3A_485 = arith.constant 0 : i32
      %dma_wait3A_486 = arith.constant 0 : i32
      %dma_wait3A_487 = tpu.memref_slice %arg4[%dma_wait3A_484, %dma_wait3A_485, %dma_wait3A_486] : memref<4000x1x80xi32, #tpu.memory_space<hbm>> -> memref<1x1x80xi32, #tpu.memory_space<hbm>>
      tpu.wait_dma2 semaphore(%dma_wait3A_479 : memref<!tpu.dma_semaphore, #tpu.memory_space<semaphore_mem>>) src(%dma_wait3A_487 : memref<1x1x80xi32, #tpu.memory_space<hbm>>) dst(%dma_wait3A_483 : memref<1x1x80xi32, #tpu.memory_space<vmem>>)
      %run_scoped3A_488 = arith.constant 2 : i32
      %run_scoped3A_489 = arith.constant 0 : i32
      %run_scoped3A_490 = arith.constant 2 : i32
      "tpu.region"() ({
        %run_scoped3A_776 = tpu.sem_alloc : memref<!tpu.dma_semaphore, #tpu.memory_space<semaphore_mem>>
        %dma_start3A_777 = arith.constant 0 : i32
        %dma_start3A_778 = arith.constant 0 : i32
        %dma_start3A_779 = tpu.memref_slice %arg9[%run_scoped3A_490, %dma_start3A_777, %dma_start3A_778] : memref<4x80x128xf32, #tpu.memory_space<vmem>> -> memref<1x80x128xf32, #tpu.memory_space<vmem>>
        %dma_start3A_780 = tpu.memref_squeeze %dma_start3A_779 : memref<1x80x128xf32, #tpu.memory_space<vmem>> -> memref<80x128xf32, #tpu.memory_space<vmem>>
        %dma_start3A_781 = arith.constant 0 : i32
        %dma_start3A_782 = tpu.memref_slice %arg7[%run_scoped3A_488, %run_scoped3A_489, %dma_start3A_781] : memref<8x1x80xi32, #tpu.memory_space<vmem>> -> memref<1x1x80xi32, #tpu.memory_space<vmem>>
        %dma_start3A_783 = tpu.memref_squeeze %dma_start3A_782 : memref<1x1x80xi32, #tpu.memory_space<vmem>> -> memref<80xi32, #tpu.memory_space<vmem>>
        %dma_start3A_784 = arith.constant 0 : i32
        %dma_start3A_785 = arith.constant 0 : i32
        %dma_start3A_786 = tpu.memref_slice %arg2[%dma_start3A_784, %dma_start3A_785] : memref<20000x128xf32, #tpu.memory_space<hbm>> -> memref<20000x128xf32, #tpu.memory_space<hbm>>
        tpu.enqueue_indirect_dma source(%dma_start3A_786 : memref<20000x128xf32, #tpu.memory_space<hbm>>) target(%dma_start3A_780 : memref<80x128xf32, #tpu.memory_space<vmem>>) offsets(%dma_start3A_783 : memref<80xi32, #tpu.memory_space<vmem>>) semaphore(%run_scoped3A_776 : memref<!tpu.dma_semaphore, #tpu.memory_space<semaphore_mem>>)
        %dma_wait3A_787 = arith.constant 0 : i32
        %dma_wait3A_788 = arith.constant 0 : i32
        %dma_wait3A_789 = tpu.memref_slice %arg9[%run_scoped3A_490, %dma_wait3A_787, %dma_wait3A_788] : memref<4x80x128xf32, #tpu.memory_space<vmem>> -> memref<1x80x128xf32, #tpu.memory_space<vmem>>
        %dma_wait3A_790 = tpu.memref_squeeze %dma_wait3A_789 : memref<1x80x128xf32, #tpu.memory_space<vmem>> -> memref<80x128xf32, #tpu.memory_space<vmem>>
        %dma_wait3A_791 = arith.constant 0 : i32
        %dma_wait3A_792 = tpu.memref_slice %arg7[%run_scoped3A_488, %run_scoped3A_489, %dma_wait3A_791] : memref<8x1x80xi32, #tpu.memory_space<vmem>> -> memref<1x1x80xi32, #tpu.memory_space<vmem>>
        %dma_wait3A_793 = tpu.memref_squeeze %dma_wait3A_792 : memref<1x1x80xi32, #tpu.memory_space<vmem>> -> memref<80xi32, #tpu.memory_space<vmem>>
        %dma_wait3A_794 = arith.constant 0 : i32
        %dma_wait3A_795 = arith.constant 0 : i32
        %dma_wait3A_796 = tpu.memref_slice %arg2[%dma_wait3A_794, %dma_wait3A_795] : memref<20000x128xf32, #tpu.memory_space<hbm>> -> memref<20000x128xf32, #tpu.memory_space<hbm>>
        tpu.wait_indirect_dma semaphore(%run_scoped3A_776 : memref<!tpu.dma_semaphore, #tpu.memory_space<semaphore_mem>>) src(%dma_wait3A_796 : memref<20000x128xf32, #tpu.memory_space<hbm>>) dst(%dma_wait3A_790 : memref<80x128xf32, #tpu.memory_space<vmem>>)
        tpu.yield
      }) : () -> ()
      %run_scoped3A_491 = arith.constant 2 : i32
      %run_scoped3A_492 = arith.constant 2 : i32
      %run_scoped3A_493 = arith.constant 0 : i32
      "tpu.region"() ({
        %run_scoped3A_776 = tpu.sem_alloc : memref<!tpu.dma_semaphore, #tpu.memory_space<semaphore_mem>>
        %dma_start3A_777 = arith.constant 0 : i32
        %dma_start3A_778 = arith.constant 0 : i32
        %dma_start3A_779 = tpu.memref_slice %arg9[%run_scoped3A_491, %dma_start3A_777, %dma_start3A_778] : memref<4x80x128xf32, #tpu.memory_space<vmem>> -> memref<1x80x128xf32, #tpu.memory_space<vmem>>
        %dma_start3A_780 = tpu.memref_squeeze %dma_start3A_779 : memref<1x80x128xf32, #tpu.memory_space<vmem>> -> memref<80x128xf32, #tpu.memory_space<vmem>>
        %dma_start3A_781 = arith.constant 0 : i32
        %dma_start3A_782 = tpu.memref_slice %arg8[%run_scoped3A_492, %run_scoped3A_493, %dma_start3A_781] : memref<8x1x80xi32, #tpu.memory_space<vmem>> -> memref<1x1x80xi32, #tpu.memory_space<vmem>>
        %dma_start3A_783 = tpu.memref_squeeze %dma_start3A_782 : memref<1x1x80xi32, #tpu.memory_space<vmem>> -> memref<80xi32, #tpu.memory_space<vmem>>
        %dma_start3A_784 = arith.constant 0 : i32
        %dma_start3A_785 = arith.constant 0 : i32
        %dma_start3A_786 = tpu.memref_slice %arg13[%dma_start3A_784, %dma_start3A_785] : memref<10000x128xf32, #tpu.memory_space<vmem_shared>> -> memref<10000x128xf32, #tpu.memory_space<vmem_shared>>
        tpu.enqueue_indirect_dma source(%dma_start3A_780 : memref<80x128xf32, #tpu.memory_space<vmem>>) target(%dma_start3A_786 : memref<10000x128xf32, #tpu.memory_space<vmem_shared>>) offsets(%dma_start3A_783 : memref<80xi32, #tpu.memory_space<vmem>>) semaphore(%run_scoped3A_776 : memref<!tpu.dma_semaphore, #tpu.memory_space<semaphore_mem>>) {add = true}
        %dma_wait3A_787 = arith.constant 0 : i32
        %dma_wait3A_788 = arith.constant 0 : i32
        %dma_wait3A_789 = tpu.memref_slice %arg9[%run_scoped3A_491, %dma_wait3A_787, %dma_wait3A_788] : memref<4x80x128xf32, #tpu.memory_space<vmem>> -> memref<1x80x128xf32, #tpu.memory_space<vmem>>
        %dma_wait3A_790 = tpu.memref_squeeze %dma_wait3A_789 : memref<1x80x128xf32, #tpu.memory_space<vmem>> -> memref<80x128xf32, #tpu.memory_space<vmem>>
        %dma_wait3A_791 = arith.constant 0 : i32
        %dma_wait3A_792 = tpu.memref_slice %arg8[%run_scoped3A_492, %run_scoped3A_493, %dma_wait3A_791] : memref<8x1x80xi32, #tpu.memory_space<vmem>> -> memref<1x1x80xi32, #tpu.memory_space<vmem>>
        %dma_wait3A_793 = tpu.memref_squeeze %dma_wait3A_792 : memref<1x1x80xi32, #tpu.memory_space<vmem>> -> memref<80xi32, #tpu.memory_space<vmem>>
        %dma_wait3A_794 = arith.constant 0 : i32
        %dma_wait3A_795 = arith.constant 0 : i32
        %dma_wait3A_796 = tpu.memref_slice %arg13[%dma_wait3A_794, %dma_wait3A_795] : memref<10000x128xf32, #tpu.memory_space<vmem_shared>> -> memref<10000x128xf32, #tpu.memory_space<vmem_shared>>
        tpu.wait_indirect_dma semaphore(%run_scoped3A_776 : memref<!tpu.dma_semaphore, #tpu.memory_space<semaphore_mem>>) src(%dma_wait3A_790 : memref<80x128xf32, #tpu.memory_space<vmem>>) dst(%dma_wait3A_796 : memref<10000x128xf32, #tpu.memory_space<vmem_shared>>)
        tpu.yield
      }) : () -> ()
      %add3A_494 = arith.constant 6 : i32
      %add3A_495 = arith.addi %add3A_449, %add3A_494 : i32
      %lt3A_496 = arith.constant 250 : i32
      %lt3A_497 = arith.cmpi slt, %add3A_495, %lt3A_496 : i32
      %convert_element_type3A_498 = arith.extui %lt3A_497 : i1 to i32
      %cond3A_499 = arith.constant 0 : i32
      %cond3A_500 = arith.cmpi ne, %convert_element_type3A_498, %cond3A_499 : i32
      scf.if %cond3A_500 {
        %add3A_776 = arith.addi %add3A, %add3A_449 : i32
        %add3A_777 = arith.constant 6 : i32
        %add3A_778 = arith.addi %add3A_776, %add3A_777 : i32
        %dma_start3A_779 = arith.constant 0 : i32
        %dma_start3A_780 = arith.constant 0 : i32
        %dma_start3A_781 = arith.constant 0 : i32
        %dma_start3A_782 = arith.constant 0 : i32
        %dma_start3A_783 = tpu.memref_slice %arg7[%dma_start3A_780, %dma_start3A_781, %dma_start3A_782] : memref<8x1x80xi32, #tpu.memory_space<vmem>> -> memref<1x1x80xi32, #tpu.memory_space<vmem>>
        %dma_start3A_784 = arith.constant 0 : i32
        %dma_start3A_785 = arith.constant 0 : i32
        %dma_start3A_786 = tpu.memref_slice %arg3[%add3A_778, %dma_start3A_784, %dma_start3A_785] : memref<8000x1x80xi32, #tpu.memory_space<hbm>> -> memref<1x1x80xi32, #tpu.memory_space<hbm>>
        %dma_start3A_787 = tpu.memref_slice %arg10[%dma_start3A_779] : memref<8x!tpu.dma_semaphore, #tpu.memory_space<semaphore_mem>> -> memref<1x!tpu.dma_semaphore, #tpu.memory_space<semaphore_mem>>
        %dma_start3A_788 = tpu.memref_squeeze %dma_start3A_787 : memref<1x!tpu.dma_semaphore, #tpu.memory_space<semaphore_mem>> -> memref<!tpu.dma_semaphore, #tpu.memory_space<semaphore_mem>>
        %dma_start3A_789 = arith.constant 0 : i32
        %dma_start3A_790 = arith.constant 0 : i32
        %dma_start3A_791 = arith.constant 0 : i32
        %dma_start3A_792 = tpu.memref_slice %arg7[%dma_start3A_789, %dma_start3A_790, %dma_start3A_791] : memref<8x1x80xi32, #tpu.memory_space<vmem>> -> memref<1x1x80xi32, #tpu.memory_space<vmem>>
        %dma_start3A_793 = arith.constant 0 : i32
        %dma_start3A_794 = arith.constant 0 : i32
        %dma_start3A_795 = tpu.memref_slice %arg3[%add3A_778, %dma_start3A_793, %dma_start3A_794] : memref<8000x1x80xi32, #tpu.memory_space<hbm>> -> memref<1x1x80xi32, #tpu.memory_space<hbm>>
        tpu.enqueue_dma source(%dma_start3A_795 : memref<1x1x80xi32, #tpu.memory_space<hbm>>) target(%dma_start3A_792 : memref<1x1x80xi32, #tpu.memory_space<vmem>>) target_semaphore(%dma_start3A_788 : memref<!tpu.dma_semaphore, #tpu.memory_space<semaphore_mem>>)
        %add3A_796 = arith.addi %mul3A_4, %add3A_449 : i32
        %add3A_797 = arith.constant 6 : i32
        %add3A_798 = arith.addi %add3A_796, %add3A_797 : i32
        %dma_start3A_799 = arith.constant 0 : i32
        %dma_start3A_800 = arith.constant 0 : i32
        %dma_start3A_801 = arith.constant 0 : i32
        %dma_start3A_802 = arith.constant 0 : i32
        %dma_start3A_803 = tpu.memref_slice %arg8[%dma_start3A_800, %dma_start3A_801, %dma_start3A_802] : memref<8x1x80xi32, #tpu.memory_space<vmem>> -> memref<1x1x80xi32, #tpu.memory_space<vmem>>
        %dma_start3A_804 = arith.constant 0 : i32
        %dma_start3A_805 = arith.constant 0 : i32
        %dma_start3A_806 = tpu.memref_slice %arg4[%add3A_798, %dma_start3A_804, %dma_start3A_805] : memref<4000x1x80xi32, #tpu.memory_space<hbm>> -> memref<1x1x80xi32, #tpu.memory_space<hbm>>
        %dma_start3A_807 = tpu.memref_slice %arg11[%dma_start3A_799] : memref<8x!tpu.dma_semaphore, #tpu.memory_space<semaphore_mem>> -> memref<1x!tpu.dma_semaphore, #tpu.memory_space<semaphore_mem>>
        %dma_start3A_808 = tpu.memref_squeeze %dma_start3A_807 : memref<1x!tpu.dma_semaphore, #tpu.memory_space<semaphore_mem>> -> memref<!tpu.dma_semaphore, #tpu.memory_space<semaphore_mem>>
        %dma_start3A_809 = arith.constant 0 : i32
        %dma_start3A_810 = arith.constant 0 : i32
        %dma_start3A_811 = arith.constant 0 : i32
        %dma_start3A_812 = tpu.memref_slice %arg8[%dma_start3A_809, %dma_start3A_810, %dma_start3A_811] : memref<8x1x80xi32, #tpu.memory_space<vmem>> -> memref<1x1x80xi32, #tpu.memory_space<vmem>>
        %dma_start3A_813 = arith.constant 0 : i32
        %dma_start3A_814 = arith.constant 0 : i32
        %dma_start3A_815 = tpu.memref_slice %arg4[%add3A_798, %dma_start3A_813, %dma_start3A_814] : memref<4000x1x80xi32, #tpu.memory_space<hbm>> -> memref<1x1x80xi32, #tpu.memory_space<hbm>>
        tpu.enqueue_dma source(%dma_start3A_815 : memref<1x1x80xi32, #tpu.memory_space<hbm>>) target(%dma_start3A_812 : memref<1x1x80xi32, #tpu.memory_space<vmem>>) target_semaphore(%dma_start3A_808 : memref<!tpu.dma_semaphore, #tpu.memory_space<semaphore_mem>>)
      } else {
      }
      %mul3A_501 = arith.constant 8 : i32
      %mul3A_502 = arith.muli %add3A_336, %mul3A_501 : i32
      %add3A_503 = arith.constant 3 : i32
      %add3A_504 = arith.addi %mul3A_502, %add3A_503 : i32
      %dma_wait3A_505 = arith.constant 3 : i32
      %dma_wait3A_506 = arith.constant 3 : i32
      %dma_wait3A_507 = arith.constant 0 : i32
      %dma_wait3A_508 = arith.constant 0 : i32
      %dma_wait3A_509 = tpu.memref_slice %arg7[%dma_wait3A_506, %dma_wait3A_507, %dma_wait3A_508] : memref<8x1x80xi32, #tpu.memory_space<vmem>> -> memref<1x1x80xi32, #tpu.memory_space<vmem>>
      %dma_wait3A_510 = arith.constant 0 : i32
      %dma_wait3A_511 = arith.constant 0 : i32
      %dma_wait3A_512 = arith.constant 0 : i32
      %dma_wait3A_513 = tpu.memref_slice %arg3[%dma_wait3A_510, %dma_wait3A_511, %dma_wait3A_512] : memref<8000x1x80xi32, #tpu.memory_space<hbm>> -> memref<1x1x80xi32, #tpu.memory_space<hbm>>
      %dma_wait3A_514 = tpu.memref_slice %arg10[%dma_wait3A_505] : memref<8x!tpu.dma_semaphore, #tpu.memory_space<semaphore_mem>> -> memref<1x!tpu.dma_semaphore, #tpu.memory_space<semaphore_mem>>
      %dma_wait3A_515 = tpu.memref_squeeze %dma_wait3A_514 : memref<1x!tpu.dma_semaphore, #tpu.memory_space<semaphore_mem>> -> memref<!tpu.dma_semaphore, #tpu.memory_space<semaphore_mem>>
      %dma_wait3A_516 = arith.constant 3 : i32
      %dma_wait3A_517 = arith.constant 0 : i32
      %dma_wait3A_518 = arith.constant 0 : i32
      %dma_wait3A_519 = tpu.memref_slice %arg7[%dma_wait3A_516, %dma_wait3A_517, %dma_wait3A_518] : memref<8x1x80xi32, #tpu.memory_space<vmem>> -> memref<1x1x80xi32, #tpu.memory_space<vmem>>
      %dma_wait3A_520 = arith.constant 0 : i32
      %dma_wait3A_521 = arith.constant 0 : i32
      %dma_wait3A_522 = arith.constant 0 : i32
      %dma_wait3A_523 = tpu.memref_slice %arg3[%dma_wait3A_520, %dma_wait3A_521, %dma_wait3A_522] : memref<8000x1x80xi32, #tpu.memory_space<hbm>> -> memref<1x1x80xi32, #tpu.memory_space<hbm>>
      tpu.wait_dma2 semaphore(%dma_wait3A_515 : memref<!tpu.dma_semaphore, #tpu.memory_space<semaphore_mem>>) src(%dma_wait3A_523 : memref<1x1x80xi32, #tpu.memory_space<hbm>>) dst(%dma_wait3A_519 : memref<1x1x80xi32, #tpu.memory_space<vmem>>)
      %dma_wait3A_524 = arith.constant 3 : i32
      %dma_wait3A_525 = arith.constant 3 : i32
      %dma_wait3A_526 = arith.constant 0 : i32
      %dma_wait3A_527 = arith.constant 0 : i32
      %dma_wait3A_528 = tpu.memref_slice %arg8[%dma_wait3A_525, %dma_wait3A_526, %dma_wait3A_527] : memref<8x1x80xi32, #tpu.memory_space<vmem>> -> memref<1x1x80xi32, #tpu.memory_space<vmem>>
      %dma_wait3A_529 = arith.constant 0 : i32
      %dma_wait3A_530 = arith.constant 0 : i32
      %dma_wait3A_531 = arith.constant 0 : i32
      %dma_wait3A_532 = tpu.memref_slice %arg4[%dma_wait3A_529, %dma_wait3A_530, %dma_wait3A_531] : memref<4000x1x80xi32, #tpu.memory_space<hbm>> -> memref<1x1x80xi32, #tpu.memory_space<hbm>>
      %dma_wait3A_533 = tpu.memref_slice %arg11[%dma_wait3A_524] : memref<8x!tpu.dma_semaphore, #tpu.memory_space<semaphore_mem>> -> memref<1x!tpu.dma_semaphore, #tpu.memory_space<semaphore_mem>>
      %dma_wait3A_534 = tpu.memref_squeeze %dma_wait3A_533 : memref<1x!tpu.dma_semaphore, #tpu.memory_space<semaphore_mem>> -> memref<!tpu.dma_semaphore, #tpu.memory_space<semaphore_mem>>
      %dma_wait3A_535 = arith.constant 3 : i32
      %dma_wait3A_536 = arith.constant 0 : i32
      %dma_wait3A_537 = arith.constant 0 : i32
      %dma_wait3A_538 = tpu.memref_slice %arg8[%dma_wait3A_535, %dma_wait3A_536, %dma_wait3A_537] : memref<8x1x80xi32, #tpu.memory_space<vmem>> -> memref<1x1x80xi32, #tpu.memory_space<vmem>>
      %dma_wait3A_539 = arith.constant 0 : i32
      %dma_wait3A_540 = arith.constant 0 : i32
      %dma_wait3A_541 = arith.constant 0 : i32
      %dma_wait3A_542 = tpu.memref_slice %arg4[%dma_wait3A_539, %dma_wait3A_540, %dma_wait3A_541] : memref<4000x1x80xi32, #tpu.memory_space<hbm>> -> memref<1x1x80xi32, #tpu.memory_space<hbm>>
      tpu.wait_dma2 semaphore(%dma_wait3A_534 : memref<!tpu.dma_semaphore, #tpu.memory_space<semaphore_mem>>) src(%dma_wait3A_542 : memref<1x1x80xi32, #tpu.memory_space<hbm>>) dst(%dma_wait3A_538 : memref<1x1x80xi32, #tpu.memory_space<vmem>>)
      %run_scoped3A_543 = arith.constant 3 : i32
      %run_scoped3A_544 = arith.constant 0 : i32
      %run_scoped3A_545 = arith.constant 3 : i32
      "tpu.region"() ({
        %run_scoped3A_776 = tpu.sem_alloc : memref<!tpu.dma_semaphore, #tpu.memory_space<semaphore_mem>>
        %dma_start3A_777 = arith.constant 0 : i32
        %dma_start3A_778 = arith.constant 0 : i32
        %dma_start3A_779 = tpu.memref_slice %arg9[%run_scoped3A_545, %dma_start3A_777, %dma_start3A_778] : memref<4x80x128xf32, #tpu.memory_space<vmem>> -> memref<1x80x128xf32, #tpu.memory_space<vmem>>
        %dma_start3A_780 = tpu.memref_squeeze %dma_start3A_779 : memref<1x80x128xf32, #tpu.memory_space<vmem>> -> memref<80x128xf32, #tpu.memory_space<vmem>>
        %dma_start3A_781 = arith.constant 0 : i32
        %dma_start3A_782 = tpu.memref_slice %arg7[%run_scoped3A_543, %run_scoped3A_544, %dma_start3A_781] : memref<8x1x80xi32, #tpu.memory_space<vmem>> -> memref<1x1x80xi32, #tpu.memory_space<vmem>>
        %dma_start3A_783 = tpu.memref_squeeze %dma_start3A_782 : memref<1x1x80xi32, #tpu.memory_space<vmem>> -> memref<80xi32, #tpu.memory_space<vmem>>
        %dma_start3A_784 = arith.constant 0 : i32
        %dma_start3A_785 = arith.constant 0 : i32
        %dma_start3A_786 = tpu.memref_slice %arg2[%dma_start3A_784, %dma_start3A_785] : memref<20000x128xf32, #tpu.memory_space<hbm>> -> memref<20000x128xf32, #tpu.memory_space<hbm>>
        tpu.enqueue_indirect_dma source(%dma_start3A_786 : memref<20000x128xf32, #tpu.memory_space<hbm>>) target(%dma_start3A_780 : memref<80x128xf32, #tpu.memory_space<vmem>>) offsets(%dma_start3A_783 : memref<80xi32, #tpu.memory_space<vmem>>) semaphore(%run_scoped3A_776 : memref<!tpu.dma_semaphore, #tpu.memory_space<semaphore_mem>>)
        %dma_wait3A_787 = arith.constant 0 : i32
        %dma_wait3A_788 = arith.constant 0 : i32
        %dma_wait3A_789 = tpu.memref_slice %arg9[%run_scoped3A_545, %dma_wait3A_787, %dma_wait3A_788] : memref<4x80x128xf32, #tpu.memory_space<vmem>> -> memref<1x80x128xf32, #tpu.memory_space<vmem>>
        %dma_wait3A_790 = tpu.memref_squeeze %dma_wait3A_789 : memref<1x80x128xf32, #tpu.memory_space<vmem>> -> memref<80x128xf32, #tpu.memory_space<vmem>>
        %dma_wait3A_791 = arith.constant 0 : i32
        %dma_wait3A_792 = tpu.memref_slice %arg7[%run_scoped3A_543, %run_scoped3A_544, %dma_wait3A_791] : memref<8x1x80xi32, #tpu.memory_space<vmem>> -> memref<1x1x80xi32, #tpu.memory_space<vmem>>
        %dma_wait3A_793 = tpu.memref_squeeze %dma_wait3A_792 : memref<1x1x80xi32, #tpu.memory_space<vmem>> -> memref<80xi32, #tpu.memory_space<vmem>>
        %dma_wait3A_794 = arith.constant 0 : i32
        %dma_wait3A_795 = arith.constant 0 : i32
        %dma_wait3A_796 = tpu.memref_slice %arg2[%dma_wait3A_794, %dma_wait3A_795] : memref<20000x128xf32, #tpu.memory_space<hbm>> -> memref<20000x128xf32, #tpu.memory_space<hbm>>
        tpu.wait_indirect_dma semaphore(%run_scoped3A_776 : memref<!tpu.dma_semaphore, #tpu.memory_space<semaphore_mem>>) src(%dma_wait3A_796 : memref<20000x128xf32, #tpu.memory_space<hbm>>) dst(%dma_wait3A_790 : memref<80x128xf32, #tpu.memory_space<vmem>>)
        tpu.yield
      }) : () -> ()
      %run_scoped3A_546 = arith.constant 3 : i32
      %run_scoped3A_547 = arith.constant 3 : i32
      %run_scoped3A_548 = arith.constant 0 : i32
      "tpu.region"() ({
        %run_scoped3A_776 = tpu.sem_alloc : memref<!tpu.dma_semaphore, #tpu.memory_space<semaphore_mem>>
        %dma_start3A_777 = arith.constant 0 : i32
        %dma_start3A_778 = arith.constant 0 : i32
        %dma_start3A_779 = tpu.memref_slice %arg9[%run_scoped3A_546, %dma_start3A_777, %dma_start3A_778] : memref<4x80x128xf32, #tpu.memory_space<vmem>> -> memref<1x80x128xf32, #tpu.memory_space<vmem>>
        %dma_start3A_780 = tpu.memref_squeeze %dma_start3A_779 : memref<1x80x128xf32, #tpu.memory_space<vmem>> -> memref<80x128xf32, #tpu.memory_space<vmem>>
        %dma_start3A_781 = arith.constant 0 : i32
        %dma_start3A_782 = tpu.memref_slice %arg8[%run_scoped3A_547, %run_scoped3A_548, %dma_start3A_781] : memref<8x1x80xi32, #tpu.memory_space<vmem>> -> memref<1x1x80xi32, #tpu.memory_space<vmem>>
        %dma_start3A_783 = tpu.memref_squeeze %dma_start3A_782 : memref<1x1x80xi32, #tpu.memory_space<vmem>> -> memref<80xi32, #tpu.memory_space<vmem>>
        %dma_start3A_784 = arith.constant 0 : i32
        %dma_start3A_785 = arith.constant 0 : i32
        %dma_start3A_786 = tpu.memref_slice %arg13[%dma_start3A_784, %dma_start3A_785] : memref<10000x128xf32, #tpu.memory_space<vmem_shared>> -> memref<10000x128xf32, #tpu.memory_space<vmem_shared>>
        tpu.enqueue_indirect_dma source(%dma_start3A_780 : memref<80x128xf32, #tpu.memory_space<vmem>>) target(%dma_start3A_786 : memref<10000x128xf32, #tpu.memory_space<vmem_shared>>) offsets(%dma_start3A_783 : memref<80xi32, #tpu.memory_space<vmem>>) semaphore(%run_scoped3A_776 : memref<!tpu.dma_semaphore, #tpu.memory_space<semaphore_mem>>) {add = true}
        %dma_wait3A_787 = arith.constant 0 : i32
        %dma_wait3A_788 = arith.constant 0 : i32
        %dma_wait3A_789 = tpu.memref_slice %arg9[%run_scoped3A_546, %dma_wait3A_787, %dma_wait3A_788] : memref<4x80x128xf32, #tpu.memory_space<vmem>> -> memref<1x80x128xf32, #tpu.memory_space<vmem>>
        %dma_wait3A_790 = tpu.memref_squeeze %dma_wait3A_789 : memref<1x80x128xf32, #tpu.memory_space<vmem>> -> memref<80x128xf32, #tpu.memory_space<vmem>>
        %dma_wait3A_791 = arith.constant 0 : i32
        %dma_wait3A_792 = tpu.memref_slice %arg8[%run_scoped3A_547, %run_scoped3A_548, %dma_wait3A_791] : memref<8x1x80xi32, #tpu.memory_space<vmem>> -> memref<1x1x80xi32, #tpu.memory_space<vmem>>
        %dma_wait3A_793 = tpu.memref_squeeze %dma_wait3A_792 : memref<1x1x80xi32, #tpu.memory_space<vmem>> -> memref<80xi32, #tpu.memory_space<vmem>>
        %dma_wait3A_794 = arith.constant 0 : i32
        %dma_wait3A_795 = arith.constant 0 : i32
        %dma_wait3A_796 = tpu.memref_slice %arg13[%dma_wait3A_794, %dma_wait3A_795] : memref<10000x128xf32, #tpu.memory_space<vmem_shared>> -> memref<10000x128xf32, #tpu.memory_space<vmem_shared>>
        tpu.wait_indirect_dma semaphore(%run_scoped3A_776 : memref<!tpu.dma_semaphore, #tpu.memory_space<semaphore_mem>>) src(%dma_wait3A_790 : memref<80x128xf32, #tpu.memory_space<vmem>>) dst(%dma_wait3A_796 : memref<10000x128xf32, #tpu.memory_space<vmem_shared>>)
        tpu.yield
      }) : () -> ()
      %add3A_549 = arith.constant 6 : i32
      %add3A_550 = arith.addi %add3A_504, %add3A_549 : i32
      %lt3A_551 = arith.constant 250 : i32
      %lt3A_552 = arith.cmpi slt, %add3A_550, %lt3A_551 : i32
      %convert_element_type3A_553 = arith.extui %lt3A_552 : i1 to i32
      %cond3A_554 = arith.constant 0 : i32
      %cond3A_555 = arith.cmpi ne, %convert_element_type3A_553, %cond3A_554 : i32
      scf.if %cond3A_555 {
        %add3A_776 = arith.addi %add3A, %add3A_504 : i32
        %add3A_777 = arith.constant 6 : i32
        %add3A_778 = arith.addi %add3A_776, %add3A_777 : i32
        %dma_start3A_779 = arith.constant 1 : i32
        %dma_start3A_780 = arith.constant 1 : i32
        %dma_start3A_781 = arith.constant 0 : i32
        %dma_start3A_782 = arith.constant 0 : i32
        %dma_start3A_783 = tpu.memref_slice %arg7[%dma_start3A_780, %dma_start3A_781, %dma_start3A_782] : memref<8x1x80xi32, #tpu.memory_space<vmem>> -> memref<1x1x80xi32, #tpu.memory_space<vmem>>
        %dma_start3A_784 = arith.constant 0 : i32
        %dma_start3A_785 = arith.constant 0 : i32
        %dma_start3A_786 = tpu.memref_slice %arg3[%add3A_778, %dma_start3A_784, %dma_start3A_785] : memref<8000x1x80xi32, #tpu.memory_space<hbm>> -> memref<1x1x80xi32, #tpu.memory_space<hbm>>
        %dma_start3A_787 = tpu.memref_slice %arg10[%dma_start3A_779] : memref<8x!tpu.dma_semaphore, #tpu.memory_space<semaphore_mem>> -> memref<1x!tpu.dma_semaphore, #tpu.memory_space<semaphore_mem>>
        %dma_start3A_788 = tpu.memref_squeeze %dma_start3A_787 : memref<1x!tpu.dma_semaphore, #tpu.memory_space<semaphore_mem>> -> memref<!tpu.dma_semaphore, #tpu.memory_space<semaphore_mem>>
        %dma_start3A_789 = arith.constant 1 : i32
        %dma_start3A_790 = arith.constant 0 : i32
        %dma_start3A_791 = arith.constant 0 : i32
        %dma_start3A_792 = tpu.memref_slice %arg7[%dma_start3A_789, %dma_start3A_790, %dma_start3A_791] : memref<8x1x80xi32, #tpu.memory_space<vmem>> -> memref<1x1x80xi32, #tpu.memory_space<vmem>>
        %dma_start3A_793 = arith.constant 0 : i32
        %dma_start3A_794 = arith.constant 0 : i32
        %dma_start3A_795 = tpu.memref_slice %arg3[%add3A_778, %dma_start3A_793, %dma_start3A_794] : memref<8000x1x80xi32, #tpu.memory_space<hbm>> -> memref<1x1x80xi32, #tpu.memory_space<hbm>>
        tpu.enqueue_dma source(%dma_start3A_795 : memref<1x1x80xi32, #tpu.memory_space<hbm>>) target(%dma_start3A_792 : memref<1x1x80xi32, #tpu.memory_space<vmem>>) target_semaphore(%dma_start3A_788 : memref<!tpu.dma_semaphore, #tpu.memory_space<semaphore_mem>>)
        %add3A_796 = arith.addi %mul3A_4, %add3A_504 : i32
        %add3A_797 = arith.constant 6 : i32
        %add3A_798 = arith.addi %add3A_796, %add3A_797 : i32
        %dma_start3A_799 = arith.constant 1 : i32
        %dma_start3A_800 = arith.constant 1 : i32
        %dma_start3A_801 = arith.constant 0 : i32
        %dma_start3A_802 = arith.constant 0 : i32
        %dma_start3A_803 = tpu.memref_slice %arg8[%dma_start3A_800, %dma_start3A_801, %dma_start3A_802] : memref<8x1x80xi32, #tpu.memory_space<vmem>> -> memref<1x1x80xi32, #tpu.memory_space<vmem>>
        %dma_start3A_804 = arith.constant 0 : i32
        %dma_start3A_805 = arith.constant 0 : i32
        %dma_start3A_806 = tpu.memref_slice %arg4[%add3A_798, %dma_start3A_804, %dma_start3A_805] : memref<4000x1x80xi32, #tpu.memory_space<hbm>> -> memref<1x1x80xi32, #tpu.memory_space<hbm>>
        %dma_start3A_807 = tpu.memref_slice %arg11[%dma_start3A_799] : memref<8x!tpu.dma_semaphore, #tpu.memory_space<semaphore_mem>> -> memref<1x!tpu.dma_semaphore, #tpu.memory_space<semaphore_mem>>
        %dma_start3A_808 = tpu.memref_squeeze %dma_start3A_807 : memref<1x!tpu.dma_semaphore, #tpu.memory_space<semaphore_mem>> -> memref<!tpu.dma_semaphore, #tpu.memory_space<semaphore_mem>>
        %dma_start3A_809 = arith.constant 1 : i32
        %dma_start3A_810 = arith.constant 0 : i32
        %dma_start3A_811 = arith.constant 0 : i32
        %dma_start3A_812 = tpu.memref_slice %arg8[%dma_start3A_809, %dma_start3A_810, %dma_start3A_811] : memref<8x1x80xi32, #tpu.memory_space<vmem>> -> memref<1x1x80xi32, #tpu.memory_space<vmem>>
        %dma_start3A_813 = arith.constant 0 : i32
        %dma_start3A_814 = arith.constant 0 : i32
        %dma_start3A_815 = tpu.memref_slice %arg4[%add3A_798, %dma_start3A_813, %dma_start3A_814] : memref<4000x1x80xi32, #tpu.memory_space<hbm>> -> memref<1x1x80xi32, #tpu.memory_space<hbm>>
        tpu.enqueue_dma source(%dma_start3A_815 : memref<1x1x80xi32, #tpu.memory_space<hbm>>) target(%dma_start3A_812 : memref<1x1x80xi32, #tpu.memory_space<vmem>>) target_semaphore(%dma_start3A_808 : memref<!tpu.dma_semaphore, #tpu.memory_space<semaphore_mem>>)
      } else {
      }
      %mul3A_556 = arith.constant 8 : i32
      %mul3A_557 = arith.muli %add3A_336, %mul3A_556 : i32
      %add3A_558 = arith.constant 4 : i32
      %add3A_559 = arith.addi %mul3A_557, %add3A_558 : i32
      %dma_wait3A_560 = arith.constant 4 : i32
      %dma_wait3A_561 = arith.constant 4 : i32
      %dma_wait3A_562 = arith.constant 0 : i32
      %dma_wait3A_563 = arith.constant 0 : i32
      %dma_wait3A_564 = tpu.memref_slice %arg7[%dma_wait3A_561, %dma_wait3A_562, %dma_wait3A_563] : memref<8x1x80xi32, #tpu.memory_space<vmem>> -> memref<1x1x80xi32, #tpu.memory_space<vmem>>
      %dma_wait3A_565 = arith.constant 0 : i32
      %dma_wait3A_566 = arith.constant 0 : i32
      %dma_wait3A_567 = arith.constant 0 : i32
      %dma_wait3A_568 = tpu.memref_slice %arg3[%dma_wait3A_565, %dma_wait3A_566, %dma_wait3A_567] : memref<8000x1x80xi32, #tpu.memory_space<hbm>> -> memref<1x1x80xi32, #tpu.memory_space<hbm>>
      %dma_wait3A_569 = tpu.memref_slice %arg10[%dma_wait3A_560] : memref<8x!tpu.dma_semaphore, #tpu.memory_space<semaphore_mem>> -> memref<1x!tpu.dma_semaphore, #tpu.memory_space<semaphore_mem>>
      %dma_wait3A_570 = tpu.memref_squeeze %dma_wait3A_569 : memref<1x!tpu.dma_semaphore, #tpu.memory_space<semaphore_mem>> -> memref<!tpu.dma_semaphore, #tpu.memory_space<semaphore_mem>>
      %dma_wait3A_571 = arith.constant 4 : i32
      %dma_wait3A_572 = arith.constant 0 : i32
      %dma_wait3A_573 = arith.constant 0 : i32
      %dma_wait3A_574 = tpu.memref_slice %arg7[%dma_wait3A_571, %dma_wait3A_572, %dma_wait3A_573] : memref<8x1x80xi32, #tpu.memory_space<vmem>> -> memref<1x1x80xi32, #tpu.memory_space<vmem>>
      %dma_wait3A_575 = arith.constant 0 : i32
      %dma_wait3A_576 = arith.constant 0 : i32
      %dma_wait3A_577 = arith.constant 0 : i32
      %dma_wait3A_578 = tpu.memref_slice %arg3[%dma_wait3A_575, %dma_wait3A_576, %dma_wait3A_577] : memref<8000x1x80xi32, #tpu.memory_space<hbm>> -> memref<1x1x80xi32, #tpu.memory_space<hbm>>
      tpu.wait_dma2 semaphore(%dma_wait3A_570 : memref<!tpu.dma_semaphore, #tpu.memory_space<semaphore_mem>>) src(%dma_wait3A_578 : memref<1x1x80xi32, #tpu.memory_space<hbm>>) dst(%dma_wait3A_574 : memref<1x1x80xi32, #tpu.memory_space<vmem>>)
      %dma_wait3A_579 = arith.constant 4 : i32
      %dma_wait3A_580 = arith.constant 4 : i32
      %dma_wait3A_581 = arith.constant 0 : i32
      %dma_wait3A_582 = arith.constant 0 : i32
      %dma_wait3A_583 = tpu.memref_slice %arg8[%dma_wait3A_580, %dma_wait3A_581, %dma_wait3A_582] : memref<8x1x80xi32, #tpu.memory_space<vmem>> -> memref<1x1x80xi32, #tpu.memory_space<vmem>>
      %dma_wait3A_584 = arith.constant 0 : i32
      %dma_wait3A_585 = arith.constant 0 : i32
      %dma_wait3A_586 = arith.constant 0 : i32
      %dma_wait3A_587 = tpu.memref_slice %arg4[%dma_wait3A_584, %dma_wait3A_585, %dma_wait3A_586] : memref<4000x1x80xi32, #tpu.memory_space<hbm>> -> memref<1x1x80xi32, #tpu.memory_space<hbm>>
      %dma_wait3A_588 = tpu.memref_slice %arg11[%dma_wait3A_579] : memref<8x!tpu.dma_semaphore, #tpu.memory_space<semaphore_mem>> -> memref<1x!tpu.dma_semaphore, #tpu.memory_space<semaphore_mem>>
      %dma_wait3A_589 = tpu.memref_squeeze %dma_wait3A_588 : memref<1x!tpu.dma_semaphore, #tpu.memory_space<semaphore_mem>> -> memref<!tpu.dma_semaphore, #tpu.memory_space<semaphore_mem>>
      %dma_wait3A_590 = arith.constant 4 : i32
      %dma_wait3A_591 = arith.constant 0 : i32
      %dma_wait3A_592 = arith.constant 0 : i32
      %dma_wait3A_593 = tpu.memref_slice %arg8[%dma_wait3A_590, %dma_wait3A_591, %dma_wait3A_592] : memref<8x1x80xi32, #tpu.memory_space<vmem>> -> memref<1x1x80xi32, #tpu.memory_space<vmem>>
      %dma_wait3A_594 = arith.constant 0 : i32
      %dma_wait3A_595 = arith.constant 0 : i32
      %dma_wait3A_596 = arith.constant 0 : i32
      %dma_wait3A_597 = tpu.memref_slice %arg4[%dma_wait3A_594, %dma_wait3A_595, %dma_wait3A_596] : memref<4000x1x80xi32, #tpu.memory_space<hbm>> -> memref<1x1x80xi32, #tpu.memory_space<hbm>>
      tpu.wait_dma2 semaphore(%dma_wait3A_589 : memref<!tpu.dma_semaphore, #tpu.memory_space<semaphore_mem>>) src(%dma_wait3A_597 : memref<1x1x80xi32, #tpu.memory_space<hbm>>) dst(%dma_wait3A_593 : memref<1x1x80xi32, #tpu.memory_space<vmem>>)
      %run_scoped3A_598 = arith.constant 4 : i32
      %run_scoped3A_599 = arith.constant 0 : i32
      %run_scoped3A_600 = arith.constant 0 : i32
      "tpu.region"() ({
        %run_scoped3A_776 = tpu.sem_alloc : memref<!tpu.dma_semaphore, #tpu.memory_space<semaphore_mem>>
        %dma_start3A_777 = arith.constant 0 : i32
        %dma_start3A_778 = arith.constant 0 : i32
        %dma_start3A_779 = tpu.memref_slice %arg9[%run_scoped3A_600, %dma_start3A_777, %dma_start3A_778] : memref<4x80x128xf32, #tpu.memory_space<vmem>> -> memref<1x80x128xf32, #tpu.memory_space<vmem>>
        %dma_start3A_780 = tpu.memref_squeeze %dma_start3A_779 : memref<1x80x128xf32, #tpu.memory_space<vmem>> -> memref<80x128xf32, #tpu.memory_space<vmem>>
        %dma_start3A_781 = arith.constant 0 : i32
        %dma_start3A_782 = tpu.memref_slice %arg7[%run_scoped3A_598, %run_scoped3A_599, %dma_start3A_781] : memref<8x1x80xi32, #tpu.memory_space<vmem>> -> memref<1x1x80xi32, #tpu.memory_space<vmem>>
        %dma_start3A_783 = tpu.memref_squeeze %dma_start3A_782 : memref<1x1x80xi32, #tpu.memory_space<vmem>> -> memref<80xi32, #tpu.memory_space<vmem>>
        %dma_start3A_784 = arith.constant 0 : i32
        %dma_start3A_785 = arith.constant 0 : i32
        %dma_start3A_786 = tpu.memref_slice %arg2[%dma_start3A_784, %dma_start3A_785] : memref<20000x128xf32, #tpu.memory_space<hbm>> -> memref<20000x128xf32, #tpu.memory_space<hbm>>
        tpu.enqueue_indirect_dma source(%dma_start3A_786 : memref<20000x128xf32, #tpu.memory_space<hbm>>) target(%dma_start3A_780 : memref<80x128xf32, #tpu.memory_space<vmem>>) offsets(%dma_start3A_783 : memref<80xi32, #tpu.memory_space<vmem>>) semaphore(%run_scoped3A_776 : memref<!tpu.dma_semaphore, #tpu.memory_space<semaphore_mem>>)
        %dma_wait3A_787 = arith.constant 0 : i32
        %dma_wait3A_788 = arith.constant 0 : i32
        %dma_wait3A_789 = tpu.memref_slice %arg9[%run_scoped3A_600, %dma_wait3A_787, %dma_wait3A_788] : memref<4x80x128xf32, #tpu.memory_space<vmem>> -> memref<1x80x128xf32, #tpu.memory_space<vmem>>
        %dma_wait3A_790 = tpu.memref_squeeze %dma_wait3A_789 : memref<1x80x128xf32, #tpu.memory_space<vmem>> -> memref<80x128xf32, #tpu.memory_space<vmem>>
        %dma_wait3A_791 = arith.constant 0 : i32
        %dma_wait3A_792 = tpu.memref_slice %arg7[%run_scoped3A_598, %run_scoped3A_599, %dma_wait3A_791] : memref<8x1x80xi32, #tpu.memory_space<vmem>> -> memref<1x1x80xi32, #tpu.memory_space<vmem>>
        %dma_wait3A_793 = tpu.memref_squeeze %dma_wait3A_792 : memref<1x1x80xi32, #tpu.memory_space<vmem>> -> memref<80xi32, #tpu.memory_space<vmem>>
        %dma_wait3A_794 = arith.constant 0 : i32
        %dma_wait3A_795 = arith.constant 0 : i32
        %dma_wait3A_796 = tpu.memref_slice %arg2[%dma_wait3A_794, %dma_wait3A_795] : memref<20000x128xf32, #tpu.memory_space<hbm>> -> memref<20000x128xf32, #tpu.memory_space<hbm>>
        tpu.wait_indirect_dma semaphore(%run_scoped3A_776 : memref<!tpu.dma_semaphore, #tpu.memory_space<semaphore_mem>>) src(%dma_wait3A_796 : memref<20000x128xf32, #tpu.memory_space<hbm>>) dst(%dma_wait3A_790 : memref<80x128xf32, #tpu.memory_space<vmem>>)
        tpu.yield
      }) : () -> ()
      %run_scoped3A_601 = arith.constant 0 : i32
      %run_scoped3A_602 = arith.constant 4 : i32
      %run_scoped3A_603 = arith.constant 0 : i32
      "tpu.region"() ({
        %run_scoped3A_776 = tpu.sem_alloc : memref<!tpu.dma_semaphore, #tpu.memory_space<semaphore_mem>>
        %dma_start3A_777 = arith.constant 0 : i32
        %dma_start3A_778 = arith.constant 0 : i32
        %dma_start3A_779 = tpu.memref_slice %arg9[%run_scoped3A_601, %dma_start3A_777, %dma_start3A_778] : memref<4x80x128xf32, #tpu.memory_space<vmem>> -> memref<1x80x128xf32, #tpu.memory_space<vmem>>
        %dma_start3A_780 = tpu.memref_squeeze %dma_start3A_779 : memref<1x80x128xf32, #tpu.memory_space<vmem>> -> memref<80x128xf32, #tpu.memory_space<vmem>>
        %dma_start3A_781 = arith.constant 0 : i32
        %dma_start3A_782 = tpu.memref_slice %arg8[%run_scoped3A_602, %run_scoped3A_603, %dma_start3A_781] : memref<8x1x80xi32, #tpu.memory_space<vmem>> -> memref<1x1x80xi32, #tpu.memory_space<vmem>>
        %dma_start3A_783 = tpu.memref_squeeze %dma_start3A_782 : memref<1x1x80xi32, #tpu.memory_space<vmem>> -> memref<80xi32, #tpu.memory_space<vmem>>
        %dma_start3A_784 = arith.constant 0 : i32
        %dma_start3A_785 = arith.constant 0 : i32
        %dma_start3A_786 = tpu.memref_slice %arg13[%dma_start3A_784, %dma_start3A_785] : memref<10000x128xf32, #tpu.memory_space<vmem_shared>> -> memref<10000x128xf32, #tpu.memory_space<vmem_shared>>
        tpu.enqueue_indirect_dma source(%dma_start3A_780 : memref<80x128xf32, #tpu.memory_space<vmem>>) target(%dma_start3A_786 : memref<10000x128xf32, #tpu.memory_space<vmem_shared>>) offsets(%dma_start3A_783 : memref<80xi32, #tpu.memory_space<vmem>>) semaphore(%run_scoped3A_776 : memref<!tpu.dma_semaphore, #tpu.memory_space<semaphore_mem>>) {add = true}
        %dma_wait3A_787 = arith.constant 0 : i32
        %dma_wait3A_788 = arith.constant 0 : i32
        %dma_wait3A_789 = tpu.memref_slice %arg9[%run_scoped3A_601, %dma_wait3A_787, %dma_wait3A_788] : memref<4x80x128xf32, #tpu.memory_space<vmem>> -> memref<1x80x128xf32, #tpu.memory_space<vmem>>
        %dma_wait3A_790 = tpu.memref_squeeze %dma_wait3A_789 : memref<1x80x128xf32, #tpu.memory_space<vmem>> -> memref<80x128xf32, #tpu.memory_space<vmem>>
        %dma_wait3A_791 = arith.constant 0 : i32
        %dma_wait3A_792 = tpu.memref_slice %arg8[%run_scoped3A_602, %run_scoped3A_603, %dma_wait3A_791] : memref<8x1x80xi32, #tpu.memory_space<vmem>> -> memref<1x1x80xi32, #tpu.memory_space<vmem>>
        %dma_wait3A_793 = tpu.memref_squeeze %dma_wait3A_792 : memref<1x1x80xi32, #tpu.memory_space<vmem>> -> memref<80xi32, #tpu.memory_space<vmem>>
        %dma_wait3A_794 = arith.constant 0 : i32
        %dma_wait3A_795 = arith.constant 0 : i32
        %dma_wait3A_796 = tpu.memref_slice %arg13[%dma_wait3A_794, %dma_wait3A_795] : memref<10000x128xf32, #tpu.memory_space<vmem_shared>> -> memref<10000x128xf32, #tpu.memory_space<vmem_shared>>
        tpu.wait_indirect_dma semaphore(%run_scoped3A_776 : memref<!tpu.dma_semaphore, #tpu.memory_space<semaphore_mem>>) src(%dma_wait3A_790 : memref<80x128xf32, #tpu.memory_space<vmem>>) dst(%dma_wait3A_796 : memref<10000x128xf32, #tpu.memory_space<vmem_shared>>)
        tpu.yield
      }) : () -> ()
      %add3A_604 = arith.constant 6 : i32
      %add3A_605 = arith.addi %add3A_559, %add3A_604 : i32
      %lt3A_606 = arith.constant 250 : i32
      %lt3A_607 = arith.cmpi slt, %add3A_605, %lt3A_606 : i32
      %convert_element_type3A_608 = arith.extui %lt3A_607 : i1 to i32
      %cond3A_609 = arith.constant 0 : i32
      %cond3A_610 = arith.cmpi ne, %convert_element_type3A_608, %cond3A_609 : i32
      scf.if %cond3A_610 {
        %add3A_776 = arith.addi %add3A, %add3A_559 : i32
        %add3A_777 = arith.constant 6 : i32
        %add3A_778 = arith.addi %add3A_776, %add3A_777 : i32
        %dma_start3A_779 = arith.constant 2 : i32
        %dma_start3A_780 = arith.constant 2 : i32
        %dma_start3A_781 = arith.constant 0 : i32
        %dma_start3A_782 = arith.constant 0 : i32
        %dma_start3A_783 = tpu.memref_slice %arg7[%dma_start3A_780, %dma_start3A_781, %dma_start3A_782] : memref<8x1x80xi32, #tpu.memory_space<vmem>> -> memref<1x1x80xi32, #tpu.memory_space<vmem>>
        %dma_start3A_784 = arith.constant 0 : i32
        %dma_start3A_785 = arith.constant 0 : i32
        %dma_start3A_786 = tpu.memref_slice %arg3[%add3A_778, %dma_start3A_784, %dma_start3A_785] : memref<8000x1x80xi32, #tpu.memory_space<hbm>> -> memref<1x1x80xi32, #tpu.memory_space<hbm>>
        %dma_start3A_787 = tpu.memref_slice %arg10[%dma_start3A_779] : memref<8x!tpu.dma_semaphore, #tpu.memory_space<semaphore_mem>> -> memref<1x!tpu.dma_semaphore, #tpu.memory_space<semaphore_mem>>
        %dma_start3A_788 = tpu.memref_squeeze %dma_start3A_787 : memref<1x!tpu.dma_semaphore, #tpu.memory_space<semaphore_mem>> -> memref<!tpu.dma_semaphore, #tpu.memory_space<semaphore_mem>>
        %dma_start3A_789 = arith.constant 2 : i32
        %dma_start3A_790 = arith.constant 0 : i32
        %dma_start3A_791 = arith.constant 0 : i32
        %dma_start3A_792 = tpu.memref_slice %arg7[%dma_start3A_789, %dma_start3A_790, %dma_start3A_791] : memref<8x1x80xi32, #tpu.memory_space<vmem>> -> memref<1x1x80xi32, #tpu.memory_space<vmem>>
        %dma_start3A_793 = arith.constant 0 : i32
        %dma_start3A_794 = arith.constant 0 : i32
        %dma_start3A_795 = tpu.memref_slice %arg3[%add3A_778, %dma_start3A_793, %dma_start3A_794] : memref<8000x1x80xi32, #tpu.memory_space<hbm>> -> memref<1x1x80xi32, #tpu.memory_space<hbm>>
        tpu.enqueue_dma source(%dma_start3A_795 : memref<1x1x80xi32, #tpu.memory_space<hbm>>) target(%dma_start3A_792 : memref<1x1x80xi32, #tpu.memory_space<vmem>>) target_semaphore(%dma_start3A_788 : memref<!tpu.dma_semaphore, #tpu.memory_space<semaphore_mem>>)
        %add3A_796 = arith.addi %mul3A_4, %add3A_559 : i32
        %add3A_797 = arith.constant 6 : i32
        %add3A_798 = arith.addi %add3A_796, %add3A_797 : i32
        %dma_start3A_799 = arith.constant 2 : i32
        %dma_start3A_800 = arith.constant 2 : i32
        %dma_start3A_801 = arith.constant 0 : i32
        %dma_start3A_802 = arith.constant 0 : i32
        %dma_start3A_803 = tpu.memref_slice %arg8[%dma_start3A_800, %dma_start3A_801, %dma_start3A_802] : memref<8x1x80xi32, #tpu.memory_space<vmem>> -> memref<1x1x80xi32, #tpu.memory_space<vmem>>
        %dma_start3A_804 = arith.constant 0 : i32
        %dma_start3A_805 = arith.constant 0 : i32
        %dma_start3A_806 = tpu.memref_slice %arg4[%add3A_798, %dma_start3A_804, %dma_start3A_805] : memref<4000x1x80xi32, #tpu.memory_space<hbm>> -> memref<1x1x80xi32, #tpu.memory_space<hbm>>
        %dma_start3A_807 = tpu.memref_slice %arg11[%dma_start3A_799] : memref<8x!tpu.dma_semaphore, #tpu.memory_space<semaphore_mem>> -> memref<1x!tpu.dma_semaphore, #tpu.memory_space<semaphore_mem>>
        %dma_start3A_808 = tpu.memref_squeeze %dma_start3A_807 : memref<1x!tpu.dma_semaphore, #tpu.memory_space<semaphore_mem>> -> memref<!tpu.dma_semaphore, #tpu.memory_space<semaphore_mem>>
        %dma_start3A_809 = arith.constant 2 : i32
        %dma_start3A_810 = arith.constant 0 : i32
        %dma_start3A_811 = arith.constant 0 : i32
        %dma_start3A_812 = tpu.memref_slice %arg8[%dma_start3A_809, %dma_start3A_810, %dma_start3A_811] : memref<8x1x80xi32, #tpu.memory_space<vmem>> -> memref<1x1x80xi32, #tpu.memory_space<vmem>>
        %dma_start3A_813 = arith.constant 0 : i32
        %dma_start3A_814 = arith.constant 0 : i32
        %dma_start3A_815 = tpu.memref_slice %arg4[%add3A_798, %dma_start3A_813, %dma_start3A_814] : memref<4000x1x80xi32, #tpu.memory_space<hbm>> -> memref<1x1x80xi32, #tpu.memory_space<hbm>>
        tpu.enqueue_dma source(%dma_start3A_815 : memref<1x1x80xi32, #tpu.memory_space<hbm>>) target(%dma_start3A_812 : memref<1x1x80xi32, #tpu.memory_space<vmem>>) target_semaphore(%dma_start3A_808 : memref<!tpu.dma_semaphore, #tpu.memory_space<semaphore_mem>>)
      } else {
      }
      %mul3A_611 = arith.constant 8 : i32
      %mul3A_612 = arith.muli %add3A_336, %mul3A_611 : i32
      %add3A_613 = arith.constant 5 : i32
      %add3A_614 = arith.addi %mul3A_612, %add3A_613 : i32
      %dma_wait3A_615 = arith.constant 5 : i32
      %dma_wait3A_616 = arith.constant 5 : i32
      %dma_wait3A_617 = arith.constant 0 : i32
      %dma_wait3A_618 = arith.constant 0 : i32
      %dma_wait3A_619 = tpu.memref_slice %arg7[%dma_wait3A_616, %dma_wait3A_617, %dma_wait3A_618] : memref<8x1x80xi32, #tpu.memory_space<vmem>> -> memref<1x1x80xi32, #tpu.memory_space<vmem>>
      %dma_wait3A_620 = arith.constant 0 : i32
      %dma_wait3A_621 = arith.constant 0 : i32
      %dma_wait3A_622 = arith.constant 0 : i32
      %dma_wait3A_623 = tpu.memref_slice %arg3[%dma_wait3A_620, %dma_wait3A_621, %dma_wait3A_622] : memref<8000x1x80xi32, #tpu.memory_space<hbm>> -> memref<1x1x80xi32, #tpu.memory_space<hbm>>
      %dma_wait3A_624 = tpu.memref_slice %arg10[%dma_wait3A_615] : memref<8x!tpu.dma_semaphore, #tpu.memory_space<semaphore_mem>> -> memref<1x!tpu.dma_semaphore, #tpu.memory_space<semaphore_mem>>
      %dma_wait3A_625 = tpu.memref_squeeze %dma_wait3A_624 : memref<1x!tpu.dma_semaphore, #tpu.memory_space<semaphore_mem>> -> memref<!tpu.dma_semaphore, #tpu.memory_space<semaphore_mem>>
      %dma_wait3A_626 = arith.constant 5 : i32
      %dma_wait3A_627 = arith.constant 0 : i32
      %dma_wait3A_628 = arith.constant 0 : i32
      %dma_wait3A_629 = tpu.memref_slice %arg7[%dma_wait3A_626, %dma_wait3A_627, %dma_wait3A_628] : memref<8x1x80xi32, #tpu.memory_space<vmem>> -> memref<1x1x80xi32, #tpu.memory_space<vmem>>
      %dma_wait3A_630 = arith.constant 0 : i32
      %dma_wait3A_631 = arith.constant 0 : i32
      %dma_wait3A_632 = arith.constant 0 : i32
      %dma_wait3A_633 = tpu.memref_slice %arg3[%dma_wait3A_630, %dma_wait3A_631, %dma_wait3A_632] : memref<8000x1x80xi32, #tpu.memory_space<hbm>> -> memref<1x1x80xi32, #tpu.memory_space<hbm>>
      tpu.wait_dma2 semaphore(%dma_wait3A_625 : memref<!tpu.dma_semaphore, #tpu.memory_space<semaphore_mem>>) src(%dma_wait3A_633 : memref<1x1x80xi32, #tpu.memory_space<hbm>>) dst(%dma_wait3A_629 : memref<1x1x80xi32, #tpu.memory_space<vmem>>)
      %dma_wait3A_634 = arith.constant 5 : i32
      %dma_wait3A_635 = arith.constant 5 : i32
      %dma_wait3A_636 = arith.constant 0 : i32
      %dma_wait3A_637 = arith.constant 0 : i32
      %dma_wait3A_638 = tpu.memref_slice %arg8[%dma_wait3A_635, %dma_wait3A_636, %dma_wait3A_637] : memref<8x1x80xi32, #tpu.memory_space<vmem>> -> memref<1x1x80xi32, #tpu.memory_space<vmem>>
      %dma_wait3A_639 = arith.constant 0 : i32
      %dma_wait3A_640 = arith.constant 0 : i32
      %dma_wait3A_641 = arith.constant 0 : i32
      %dma_wait3A_642 = tpu.memref_slice %arg4[%dma_wait3A_639, %dma_wait3A_640, %dma_wait3A_641] : memref<4000x1x80xi32, #tpu.memory_space<hbm>> -> memref<1x1x80xi32, #tpu.memory_space<hbm>>
      %dma_wait3A_643 = tpu.memref_slice %arg11[%dma_wait3A_634] : memref<8x!tpu.dma_semaphore, #tpu.memory_space<semaphore_mem>> -> memref<1x!tpu.dma_semaphore, #tpu.memory_space<semaphore_mem>>
      %dma_wait3A_644 = tpu.memref_squeeze %dma_wait3A_643 : memref<1x!tpu.dma_semaphore, #tpu.memory_space<semaphore_mem>> -> memref<!tpu.dma_semaphore, #tpu.memory_space<semaphore_mem>>
      %dma_wait3A_645 = arith.constant 5 : i32
      %dma_wait3A_646 = arith.constant 0 : i32
      %dma_wait3A_647 = arith.constant 0 : i32
      %dma_wait3A_648 = tpu.memref_slice %arg8[%dma_wait3A_645, %dma_wait3A_646, %dma_wait3A_647] : memref<8x1x80xi32, #tpu.memory_space<vmem>> -> memref<1x1x80xi32, #tpu.memory_space<vmem>>
      %dma_wait3A_649 = arith.constant 0 : i32
      %dma_wait3A_650 = arith.constant 0 : i32
      %dma_wait3A_651 = arith.constant 0 : i32
      %dma_wait3A_652 = tpu.memref_slice %arg4[%dma_wait3A_649, %dma_wait3A_650, %dma_wait3A_651] : memref<4000x1x80xi32, #tpu.memory_space<hbm>> -> memref<1x1x80xi32, #tpu.memory_space<hbm>>
      tpu.wait_dma2 semaphore(%dma_wait3A_644 : memref<!tpu.dma_semaphore, #tpu.memory_space<semaphore_mem>>) src(%dma_wait3A_652 : memref<1x1x80xi32, #tpu.memory_space<hbm>>) dst(%dma_wait3A_648 : memref<1x1x80xi32, #tpu.memory_space<vmem>>)
      %run_scoped3A_653 = arith.constant 5 : i32
      %run_scoped3A_654 = arith.constant 0 : i32
      %run_scoped3A_655 = arith.constant 1 : i32
      "tpu.region"() ({
        %run_scoped3A_776 = tpu.sem_alloc : memref<!tpu.dma_semaphore, #tpu.memory_space<semaphore_mem>>
        %dma_start3A_777 = arith.constant 0 : i32
        %dma_start3A_778 = arith.constant 0 : i32
        %dma_start3A_779 = tpu.memref_slice %arg9[%run_scoped3A_655, %dma_start3A_777, %dma_start3A_778] : memref<4x80x128xf32, #tpu.memory_space<vmem>> -> memref<1x80x128xf32, #tpu.memory_space<vmem>>
        %dma_start3A_780 = tpu.memref_squeeze %dma_start3A_779 : memref<1x80x128xf32, #tpu.memory_space<vmem>> -> memref<80x128xf32, #tpu.memory_space<vmem>>
        %dma_start3A_781 = arith.constant 0 : i32
        %dma_start3A_782 = tpu.memref_slice %arg7[%run_scoped3A_653, %run_scoped3A_654, %dma_start3A_781] : memref<8x1x80xi32, #tpu.memory_space<vmem>> -> memref<1x1x80xi32, #tpu.memory_space<vmem>>
        %dma_start3A_783 = tpu.memref_squeeze %dma_start3A_782 : memref<1x1x80xi32, #tpu.memory_space<vmem>> -> memref<80xi32, #tpu.memory_space<vmem>>
        %dma_start3A_784 = arith.constant 0 : i32
        %dma_start3A_785 = arith.constant 0 : i32
        %dma_start3A_786 = tpu.memref_slice %arg2[%dma_start3A_784, %dma_start3A_785] : memref<20000x128xf32, #tpu.memory_space<hbm>> -> memref<20000x128xf32, #tpu.memory_space<hbm>>
        tpu.enqueue_indirect_dma source(%dma_start3A_786 : memref<20000x128xf32, #tpu.memory_space<hbm>>) target(%dma_start3A_780 : memref<80x128xf32, #tpu.memory_space<vmem>>) offsets(%dma_start3A_783 : memref<80xi32, #tpu.memory_space<vmem>>) semaphore(%run_scoped3A_776 : memref<!tpu.dma_semaphore, #tpu.memory_space<semaphore_mem>>)
        %dma_wait3A_787 = arith.constant 0 : i32
        %dma_wait3A_788 = arith.constant 0 : i32
        %dma_wait3A_789 = tpu.memref_slice %arg9[%run_scoped3A_655, %dma_wait3A_787, %dma_wait3A_788] : memref<4x80x128xf32, #tpu.memory_space<vmem>> -> memref<1x80x128xf32, #tpu.memory_space<vmem>>
        %dma_wait3A_790 = tpu.memref_squeeze %dma_wait3A_789 : memref<1x80x128xf32, #tpu.memory_space<vmem>> -> memref<80x128xf32, #tpu.memory_space<vmem>>
        %dma_wait3A_791 = arith.constant 0 : i32
        %dma_wait3A_792 = tpu.memref_slice %arg7[%run_scoped3A_653, %run_scoped3A_654, %dma_wait3A_791] : memref<8x1x80xi32, #tpu.memory_space<vmem>> -> memref<1x1x80xi32, #tpu.memory_space<vmem>>
        %dma_wait3A_793 = tpu.memref_squeeze %dma_wait3A_792 : memref<1x1x80xi32, #tpu.memory_space<vmem>> -> memref<80xi32, #tpu.memory_space<vmem>>
        %dma_wait3A_794 = arith.constant 0 : i32
        %dma_wait3A_795 = arith.constant 0 : i32
        %dma_wait3A_796 = tpu.memref_slice %arg2[%dma_wait3A_794, %dma_wait3A_795] : memref<20000x128xf32, #tpu.memory_space<hbm>> -> memref<20000x128xf32, #tpu.memory_space<hbm>>
        tpu.wait_indirect_dma semaphore(%run_scoped3A_776 : memref<!tpu.dma_semaphore, #tpu.memory_space<semaphore_mem>>) src(%dma_wait3A_796 : memref<20000x128xf32, #tpu.memory_space<hbm>>) dst(%dma_wait3A_790 : memref<80x128xf32, #tpu.memory_space<vmem>>)
        tpu.yield
      }) : () -> ()
      %run_scoped3A_656 = arith.constant 1 : i32
      %run_scoped3A_657 = arith.constant 5 : i32
      %run_scoped3A_658 = arith.constant 0 : i32
      "tpu.region"() ({
        %run_scoped3A_776 = tpu.sem_alloc : memref<!tpu.dma_semaphore, #tpu.memory_space<semaphore_mem>>
        %dma_start3A_777 = arith.constant 0 : i32
        %dma_start3A_778 = arith.constant 0 : i32
        %dma_start3A_779 = tpu.memref_slice %arg9[%run_scoped3A_656, %dma_start3A_777, %dma_start3A_778] : memref<4x80x128xf32, #tpu.memory_space<vmem>> -> memref<1x80x128xf32, #tpu.memory_space<vmem>>
        %dma_start3A_780 = tpu.memref_squeeze %dma_start3A_779 : memref<1x80x128xf32, #tpu.memory_space<vmem>> -> memref<80x128xf32, #tpu.memory_space<vmem>>
        %dma_start3A_781 = arith.constant 0 : i32
        %dma_start3A_782 = tpu.memref_slice %arg8[%run_scoped3A_657, %run_scoped3A_658, %dma_start3A_781] : memref<8x1x80xi32, #tpu.memory_space<vmem>> -> memref<1x1x80xi32, #tpu.memory_space<vmem>>
        %dma_start3A_783 = tpu.memref_squeeze %dma_start3A_782 : memref<1x1x80xi32, #tpu.memory_space<vmem>> -> memref<80xi32, #tpu.memory_space<vmem>>
        %dma_start3A_784 = arith.constant 0 : i32
        %dma_start3A_785 = arith.constant 0 : i32
        %dma_start3A_786 = tpu.memref_slice %arg13[%dma_start3A_784, %dma_start3A_785] : memref<10000x128xf32, #tpu.memory_space<vmem_shared>> -> memref<10000x128xf32, #tpu.memory_space<vmem_shared>>
        tpu.enqueue_indirect_dma source(%dma_start3A_780 : memref<80x128xf32, #tpu.memory_space<vmem>>) target(%dma_start3A_786 : memref<10000x128xf32, #tpu.memory_space<vmem_shared>>) offsets(%dma_start3A_783 : memref<80xi32, #tpu.memory_space<vmem>>) semaphore(%run_scoped3A_776 : memref<!tpu.dma_semaphore, #tpu.memory_space<semaphore_mem>>) {add = true}
        %dma_wait3A_787 = arith.constant 0 : i32
        %dma_wait3A_788 = arith.constant 0 : i32
        %dma_wait3A_789 = tpu.memref_slice %arg9[%run_scoped3A_656, %dma_wait3A_787, %dma_wait3A_788] : memref<4x80x128xf32, #tpu.memory_space<vmem>> -> memref<1x80x128xf32, #tpu.memory_space<vmem>>
        %dma_wait3A_790 = tpu.memref_squeeze %dma_wait3A_789 : memref<1x80x128xf32, #tpu.memory_space<vmem>> -> memref<80x128xf32, #tpu.memory_space<vmem>>
        %dma_wait3A_791 = arith.constant 0 : i32
        %dma_wait3A_792 = tpu.memref_slice %arg8[%run_scoped3A_657, %run_scoped3A_658, %dma_wait3A_791] : memref<8x1x80xi32, #tpu.memory_space<vmem>> -> memref<1x1x80xi32, #tpu.memory_space<vmem>>
        %dma_wait3A_793 = tpu.memref_squeeze %dma_wait3A_792 : memref<1x1x80xi32, #tpu.memory_space<vmem>> -> memref<80xi32, #tpu.memory_space<vmem>>
        %dma_wait3A_794 = arith.constant 0 : i32
        %dma_wait3A_795 = arith.constant 0 : i32
        %dma_wait3A_796 = tpu.memref_slice %arg13[%dma_wait3A_794, %dma_wait3A_795] : memref<10000x128xf32, #tpu.memory_space<vmem_shared>> -> memref<10000x128xf32, #tpu.memory_space<vmem_shared>>
        tpu.wait_indirect_dma semaphore(%run_scoped3A_776 : memref<!tpu.dma_semaphore, #tpu.memory_space<semaphore_mem>>) src(%dma_wait3A_790 : memref<80x128xf32, #tpu.memory_space<vmem>>) dst(%dma_wait3A_796 : memref<10000x128xf32, #tpu.memory_space<vmem_shared>>)
        tpu.yield
      }) : () -> ()
      %add3A_659 = arith.constant 6 : i32
      %add3A_660 = arith.addi %add3A_614, %add3A_659 : i32
      %lt3A_661 = arith.constant 250 : i32
      %lt3A_662 = arith.cmpi slt, %add3A_660, %lt3A_661 : i32
      %convert_element_type3A_663 = arith.extui %lt3A_662 : i1 to i32
      %cond3A_664 = arith.constant 0 : i32
      %cond3A_665 = arith.cmpi ne, %convert_element_type3A_663, %cond3A_664 : i32
      scf.if %cond3A_665 {
        %add3A_776 = arith.addi %add3A, %add3A_614 : i32
        %add3A_777 = arith.constant 6 : i32
        %add3A_778 = arith.addi %add3A_776, %add3A_777 : i32
        %dma_start3A_779 = arith.constant 3 : i32
        %dma_start3A_780 = arith.constant 3 : i32
        %dma_start3A_781 = arith.constant 0 : i32
        %dma_start3A_782 = arith.constant 0 : i32
        %dma_start3A_783 = tpu.memref_slice %arg7[%dma_start3A_780, %dma_start3A_781, %dma_start3A_782] : memref<8x1x80xi32, #tpu.memory_space<vmem>> -> memref<1x1x80xi32, #tpu.memory_space<vmem>>
        %dma_start3A_784 = arith.constant 0 : i32
        %dma_start3A_785 = arith.constant 0 : i32
        %dma_start3A_786 = tpu.memref_slice %arg3[%add3A_778, %dma_start3A_784, %dma_start3A_785] : memref<8000x1x80xi32, #tpu.memory_space<hbm>> -> memref<1x1x80xi32, #tpu.memory_space<hbm>>
        %dma_start3A_787 = tpu.memref_slice %arg10[%dma_start3A_779] : memref<8x!tpu.dma_semaphore, #tpu.memory_space<semaphore_mem>> -> memref<1x!tpu.dma_semaphore, #tpu.memory_space<semaphore_mem>>
        %dma_start3A_788 = tpu.memref_squeeze %dma_start3A_787 : memref<1x!tpu.dma_semaphore, #tpu.memory_space<semaphore_mem>> -> memref<!tpu.dma_semaphore, #tpu.memory_space<semaphore_mem>>
        %dma_start3A_789 = arith.constant 3 : i32
        %dma_start3A_790 = arith.constant 0 : i32
        %dma_start3A_791 = arith.constant 0 : i32
        %dma_start3A_792 = tpu.memref_slice %arg7[%dma_start3A_789, %dma_start3A_790, %dma_start3A_791] : memref<8x1x80xi32, #tpu.memory_space<vmem>> -> memref<1x1x80xi32, #tpu.memory_space<vmem>>
        %dma_start3A_793 = arith.constant 0 : i32
        %dma_start3A_794 = arith.constant 0 : i32
        %dma_start3A_795 = tpu.memref_slice %arg3[%add3A_778, %dma_start3A_793, %dma_start3A_794] : memref<8000x1x80xi32, #tpu.memory_space<hbm>> -> memref<1x1x80xi32, #tpu.memory_space<hbm>>
        tpu.enqueue_dma source(%dma_start3A_795 : memref<1x1x80xi32, #tpu.memory_space<hbm>>) target(%dma_start3A_792 : memref<1x1x80xi32, #tpu.memory_space<vmem>>) target_semaphore(%dma_start3A_788 : memref<!tpu.dma_semaphore, #tpu.memory_space<semaphore_mem>>)
        %add3A_796 = arith.addi %mul3A_4, %add3A_614 : i32
        %add3A_797 = arith.constant 6 : i32
        %add3A_798 = arith.addi %add3A_796, %add3A_797 : i32
        %dma_start3A_799 = arith.constant 3 : i32
        %dma_start3A_800 = arith.constant 3 : i32
        %dma_start3A_801 = arith.constant 0 : i32
        %dma_start3A_802 = arith.constant 0 : i32
        %dma_start3A_803 = tpu.memref_slice %arg8[%dma_start3A_800, %dma_start3A_801, %dma_start3A_802] : memref<8x1x80xi32, #tpu.memory_space<vmem>> -> memref<1x1x80xi32, #tpu.memory_space<vmem>>
        %dma_start3A_804 = arith.constant 0 : i32
        %dma_start3A_805 = arith.constant 0 : i32
        %dma_start3A_806 = tpu.memref_slice %arg4[%add3A_798, %dma_start3A_804, %dma_start3A_805] : memref<4000x1x80xi32, #tpu.memory_space<hbm>> -> memref<1x1x80xi32, #tpu.memory_space<hbm>>
        %dma_start3A_807 = tpu.memref_slice %arg11[%dma_start3A_799] : memref<8x!tpu.dma_semaphore, #tpu.memory_space<semaphore_mem>> -> memref<1x!tpu.dma_semaphore, #tpu.memory_space<semaphore_mem>>
        %dma_start3A_808 = tpu.memref_squeeze %dma_start3A_807 : memref<1x!tpu.dma_semaphore, #tpu.memory_space<semaphore_mem>> -> memref<!tpu.dma_semaphore, #tpu.memory_space<semaphore_mem>>
        %dma_start3A_809 = arith.constant 3 : i32
        %dma_start3A_810 = arith.constant 0 : i32
        %dma_start3A_811 = arith.constant 0 : i32
        %dma_start3A_812 = tpu.memref_slice %arg8[%dma_start3A_809, %dma_start3A_810, %dma_start3A_811] : memref<8x1x80xi32, #tpu.memory_space<vmem>> -> memref<1x1x80xi32, #tpu.memory_space<vmem>>
        %dma_start3A_813 = arith.constant 0 : i32
        %dma_start3A_814 = arith.constant 0 : i32
        %dma_start3A_815 = tpu.memref_slice %arg4[%add3A_798, %dma_start3A_813, %dma_start3A_814] : memref<4000x1x80xi32, #tpu.memory_space<hbm>> -> memref<1x1x80xi32, #tpu.memory_space<hbm>>
        tpu.enqueue_dma source(%dma_start3A_815 : memref<1x1x80xi32, #tpu.memory_space<hbm>>) target(%dma_start3A_812 : memref<1x1x80xi32, #tpu.memory_space<vmem>>) target_semaphore(%dma_start3A_808 : memref<!tpu.dma_semaphore, #tpu.memory_space<semaphore_mem>>)
      } else {
      }
      %mul3A_666 = arith.constant 8 : i32
      %mul3A_667 = arith.muli %add3A_336, %mul3A_666 : i32
      %add3A_668 = arith.constant 6 : i32
      %add3A_669 = arith.addi %mul3A_667, %add3A_668 : i32
      %dma_wait3A_670 = arith.constant 6 : i32
      %dma_wait3A_671 = arith.constant 6 : i32
      %dma_wait3A_672 = arith.constant 0 : i32
      %dma_wait3A_673 = arith.constant 0 : i32
      %dma_wait3A_674 = tpu.memref_slice %arg7[%dma_wait3A_671, %dma_wait3A_672, %dma_wait3A_673] : memref<8x1x80xi32, #tpu.memory_space<vmem>> -> memref<1x1x80xi32, #tpu.memory_space<vmem>>
      %dma_wait3A_675 = arith.constant 0 : i32
      %dma_wait3A_676 = arith.constant 0 : i32
      %dma_wait3A_677 = arith.constant 0 : i32
      %dma_wait3A_678 = tpu.memref_slice %arg3[%dma_wait3A_675, %dma_wait3A_676, %dma_wait3A_677] : memref<8000x1x80xi32, #tpu.memory_space<hbm>> -> memref<1x1x80xi32, #tpu.memory_space<hbm>>
      %dma_wait3A_679 = tpu.memref_slice %arg10[%dma_wait3A_670] : memref<8x!tpu.dma_semaphore, #tpu.memory_space<semaphore_mem>> -> memref<1x!tpu.dma_semaphore, #tpu.memory_space<semaphore_mem>>
      %dma_wait3A_680 = tpu.memref_squeeze %dma_wait3A_679 : memref<1x!tpu.dma_semaphore, #tpu.memory_space<semaphore_mem>> -> memref<!tpu.dma_semaphore, #tpu.memory_space<semaphore_mem>>
      %dma_wait3A_681 = arith.constant 6 : i32
      %dma_wait3A_682 = arith.constant 0 : i32
      %dma_wait3A_683 = arith.constant 0 : i32
      %dma_wait3A_684 = tpu.memref_slice %arg7[%dma_wait3A_681, %dma_wait3A_682, %dma_wait3A_683] : memref<8x1x80xi32, #tpu.memory_space<vmem>> -> memref<1x1x80xi32, #tpu.memory_space<vmem>>
      %dma_wait3A_685 = arith.constant 0 : i32
      %dma_wait3A_686 = arith.constant 0 : i32
      %dma_wait3A_687 = arith.constant 0 : i32
      %dma_wait3A_688 = tpu.memref_slice %arg3[%dma_wait3A_685, %dma_wait3A_686, %dma_wait3A_687] : memref<8000x1x80xi32, #tpu.memory_space<hbm>> -> memref<1x1x80xi32, #tpu.memory_space<hbm>>
      tpu.wait_dma2 semaphore(%dma_wait3A_680 : memref<!tpu.dma_semaphore, #tpu.memory_space<semaphore_mem>>) src(%dma_wait3A_688 : memref<1x1x80xi32, #tpu.memory_space<hbm>>) dst(%dma_wait3A_684 : memref<1x1x80xi32, #tpu.memory_space<vmem>>)
      %dma_wait3A_689 = arith.constant 6 : i32
      %dma_wait3A_690 = arith.constant 6 : i32
      %dma_wait3A_691 = arith.constant 0 : i32
      %dma_wait3A_692 = arith.constant 0 : i32
      %dma_wait3A_693 = tpu.memref_slice %arg8[%dma_wait3A_690, %dma_wait3A_691, %dma_wait3A_692] : memref<8x1x80xi32, #tpu.memory_space<vmem>> -> memref<1x1x80xi32, #tpu.memory_space<vmem>>
      %dma_wait3A_694 = arith.constant 0 : i32
      %dma_wait3A_695 = arith.constant 0 : i32
      %dma_wait3A_696 = arith.constant 0 : i32
      %dma_wait3A_697 = tpu.memref_slice %arg4[%dma_wait3A_694, %dma_wait3A_695, %dma_wait3A_696] : memref<4000x1x80xi32, #tpu.memory_space<hbm>> -> memref<1x1x80xi32, #tpu.memory_space<hbm>>
      %dma_wait3A_698 = tpu.memref_slice %arg11[%dma_wait3A_689] : memref<8x!tpu.dma_semaphore, #tpu.memory_space<semaphore_mem>> -> memref<1x!tpu.dma_semaphore, #tpu.memory_space<semaphore_mem>>
      %dma_wait3A_699 = tpu.memref_squeeze %dma_wait3A_698 : memref<1x!tpu.dma_semaphore, #tpu.memory_space<semaphore_mem>> -> memref<!tpu.dma_semaphore, #tpu.memory_space<semaphore_mem>>
      %dma_wait3A_700 = arith.constant 6 : i32
      %dma_wait3A_701 = arith.constant 0 : i32
      %dma_wait3A_702 = arith.constant 0 : i32
      %dma_wait3A_703 = tpu.memref_slice %arg8[%dma_wait3A_700, %dma_wait3A_701, %dma_wait3A_702] : memref<8x1x80xi32, #tpu.memory_space<vmem>> -> memref<1x1x80xi32, #tpu.memory_space<vmem>>
      %dma_wait3A_704 = arith.constant 0 : i32
      %dma_wait3A_705 = arith.constant 0 : i32
      %dma_wait3A_706 = arith.constant 0 : i32
      %dma_wait3A_707 = tpu.memref_slice %arg4[%dma_wait3A_704, %dma_wait3A_705, %dma_wait3A_706] : memref<4000x1x80xi32, #tpu.memory_space<hbm>> -> memref<1x1x80xi32, #tpu.memory_space<hbm>>
      tpu.wait_dma2 semaphore(%dma_wait3A_699 : memref<!tpu.dma_semaphore, #tpu.memory_space<semaphore_mem>>) src(%dma_wait3A_707 : memref<1x1x80xi32, #tpu.memory_space<hbm>>) dst(%dma_wait3A_703 : memref<1x1x80xi32, #tpu.memory_space<vmem>>)
      %run_scoped3A_708 = arith.constant 6 : i32
      %run_scoped3A_709 = arith.constant 0 : i32
      %run_scoped3A_710 = arith.constant 2 : i32
      "tpu.region"() ({
        %run_scoped3A_776 = tpu.sem_alloc : memref<!tpu.dma_semaphore, #tpu.memory_space<semaphore_mem>>
        %dma_start3A_777 = arith.constant 0 : i32
        %dma_start3A_778 = arith.constant 0 : i32
        %dma_start3A_779 = tpu.memref_slice %arg9[%run_scoped3A_710, %dma_start3A_777, %dma_start3A_778] : memref<4x80x128xf32, #tpu.memory_space<vmem>> -> memref<1x80x128xf32, #tpu.memory_space<vmem>>
        %dma_start3A_780 = tpu.memref_squeeze %dma_start3A_779 : memref<1x80x128xf32, #tpu.memory_space<vmem>> -> memref<80x128xf32, #tpu.memory_space<vmem>>
        %dma_start3A_781 = arith.constant 0 : i32
        %dma_start3A_782 = tpu.memref_slice %arg7[%run_scoped3A_708, %run_scoped3A_709, %dma_start3A_781] : memref<8x1x80xi32, #tpu.memory_space<vmem>> -> memref<1x1x80xi32, #tpu.memory_space<vmem>>
        %dma_start3A_783 = tpu.memref_squeeze %dma_start3A_782 : memref<1x1x80xi32, #tpu.memory_space<vmem>> -> memref<80xi32, #tpu.memory_space<vmem>>
        %dma_start3A_784 = arith.constant 0 : i32
        %dma_start3A_785 = arith.constant 0 : i32
        %dma_start3A_786 = tpu.memref_slice %arg2[%dma_start3A_784, %dma_start3A_785] : memref<20000x128xf32, #tpu.memory_space<hbm>> -> memref<20000x128xf32, #tpu.memory_space<hbm>>
        tpu.enqueue_indirect_dma source(%dma_start3A_786 : memref<20000x128xf32, #tpu.memory_space<hbm>>) target(%dma_start3A_780 : memref<80x128xf32, #tpu.memory_space<vmem>>) offsets(%dma_start3A_783 : memref<80xi32, #tpu.memory_space<vmem>>) semaphore(%run_scoped3A_776 : memref<!tpu.dma_semaphore, #tpu.memory_space<semaphore_mem>>)
        %dma_wait3A_787 = arith.constant 0 : i32
        %dma_wait3A_788 = arith.constant 0 : i32
        %dma_wait3A_789 = tpu.memref_slice %arg9[%run_scoped3A_710, %dma_wait3A_787, %dma_wait3A_788] : memref<4x80x128xf32, #tpu.memory_space<vmem>> -> memref<1x80x128xf32, #tpu.memory_space<vmem>>
        %dma_wait3A_790 = tpu.memref_squeeze %dma_wait3A_789 : memref<1x80x128xf32, #tpu.memory_space<vmem>> -> memref<80x128xf32, #tpu.memory_space<vmem>>
        %dma_wait3A_791 = arith.constant 0 : i32
        %dma_wait3A_792 = tpu.memref_slice %arg7[%run_scoped3A_708, %run_scoped3A_709, %dma_wait3A_791] : memref<8x1x80xi32, #tpu.memory_space<vmem>> -> memref<1x1x80xi32, #tpu.memory_space<vmem>>
        %dma_wait3A_793 = tpu.memref_squeeze %dma_wait3A_792 : memref<1x1x80xi32, #tpu.memory_space<vmem>> -> memref<80xi32, #tpu.memory_space<vmem>>
        %dma_wait3A_794 = arith.constant 0 : i32
        %dma_wait3A_795 = arith.constant 0 : i32
        %dma_wait3A_796 = tpu.memref_slice %arg2[%dma_wait3A_794, %dma_wait3A_795] : memref<20000x128xf32, #tpu.memory_space<hbm>> -> memref<20000x128xf32, #tpu.memory_space<hbm>>
        tpu.wait_indirect_dma semaphore(%run_scoped3A_776 : memref<!tpu.dma_semaphore, #tpu.memory_space<semaphore_mem>>) src(%dma_wait3A_796 : memref<20000x128xf32, #tpu.memory_space<hbm>>) dst(%dma_wait3A_790 : memref<80x128xf32, #tpu.memory_space<vmem>>)
        tpu.yield
      }) : () -> ()
      %run_scoped3A_711 = arith.constant 2 : i32
      %run_scoped3A_712 = arith.constant 6 : i32
      %run_scoped3A_713 = arith.constant 0 : i32
      "tpu.region"() ({
        %run_scoped3A_776 = tpu.sem_alloc : memref<!tpu.dma_semaphore, #tpu.memory_space<semaphore_mem>>
        %dma_start3A_777 = arith.constant 0 : i32
        %dma_start3A_778 = arith.constant 0 : i32
        %dma_start3A_779 = tpu.memref_slice %arg9[%run_scoped3A_711, %dma_start3A_777, %dma_start3A_778] : memref<4x80x128xf32, #tpu.memory_space<vmem>> -> memref<1x80x128xf32, #tpu.memory_space<vmem>>
        %dma_start3A_780 = tpu.memref_squeeze %dma_start3A_779 : memref<1x80x128xf32, #tpu.memory_space<vmem>> -> memref<80x128xf32, #tpu.memory_space<vmem>>
        %dma_start3A_781 = arith.constant 0 : i32
        %dma_start3A_782 = tpu.memref_slice %arg8[%run_scoped3A_712, %run_scoped3A_713, %dma_start3A_781] : memref<8x1x80xi32, #tpu.memory_space<vmem>> -> memref<1x1x80xi32, #tpu.memory_space<vmem>>
        %dma_start3A_783 = tpu.memref_squeeze %dma_start3A_782 : memref<1x1x80xi32, #tpu.memory_space<vmem>> -> memref<80xi32, #tpu.memory_space<vmem>>
        %dma_start3A_784 = arith.constant 0 : i32
        %dma_start3A_785 = arith.constant 0 : i32
        %dma_start3A_786 = tpu.memref_slice %arg13[%dma_start3A_784, %dma_start3A_785] : memref<10000x128xf32, #tpu.memory_space<vmem_shared>> -> memref<10000x128xf32, #tpu.memory_space<vmem_shared>>
        tpu.enqueue_indirect_dma source(%dma_start3A_780 : memref<80x128xf32, #tpu.memory_space<vmem>>) target(%dma_start3A_786 : memref<10000x128xf32, #tpu.memory_space<vmem_shared>>) offsets(%dma_start3A_783 : memref<80xi32, #tpu.memory_space<vmem>>) semaphore(%run_scoped3A_776 : memref<!tpu.dma_semaphore, #tpu.memory_space<semaphore_mem>>) {add = true}
        %dma_wait3A_787 = arith.constant 0 : i32
        %dma_wait3A_788 = arith.constant 0 : i32
        %dma_wait3A_789 = tpu.memref_slice %arg9[%run_scoped3A_711, %dma_wait3A_787, %dma_wait3A_788] : memref<4x80x128xf32, #tpu.memory_space<vmem>> -> memref<1x80x128xf32, #tpu.memory_space<vmem>>
        %dma_wait3A_790 = tpu.memref_squeeze %dma_wait3A_789 : memref<1x80x128xf32, #tpu.memory_space<vmem>> -> memref<80x128xf32, #tpu.memory_space<vmem>>
        %dma_wait3A_791 = arith.constant 0 : i32
        %dma_wait3A_792 = tpu.memref_slice %arg8[%run_scoped3A_712, %run_scoped3A_713, %dma_wait3A_791] : memref<8x1x80xi32, #tpu.memory_space<vmem>> -> memref<1x1x80xi32, #tpu.memory_space<vmem>>
        %dma_wait3A_793 = tpu.memref_squeeze %dma_wait3A_792 : memref<1x1x80xi32, #tpu.memory_space<vmem>> -> memref<80xi32, #tpu.memory_space<vmem>>
        %dma_wait3A_794 = arith.constant 0 : i32
        %dma_wait3A_795 = arith.constant 0 : i32
        %dma_wait3A_796 = tpu.memref_slice %arg13[%dma_wait3A_794, %dma_wait3A_795] : memref<10000x128xf32, #tpu.memory_space<vmem_shared>> -> memref<10000x128xf32, #tpu.memory_space<vmem_shared>>
        tpu.wait_indirect_dma semaphore(%run_scoped3A_776 : memref<!tpu.dma_semaphore, #tpu.memory_space<semaphore_mem>>) src(%dma_wait3A_790 : memref<80x128xf32, #tpu.memory_space<vmem>>) dst(%dma_wait3A_796 : memref<10000x128xf32, #tpu.memory_space<vmem_shared>>)
        tpu.yield
      }) : () -> ()
      %add3A_714 = arith.constant 6 : i32
      %add3A_715 = arith.addi %add3A_669, %add3A_714 : i32
      %lt3A_716 = arith.constant 250 : i32
      %lt3A_717 = arith.cmpi slt, %add3A_715, %lt3A_716 : i32
      %convert_element_type3A_718 = arith.extui %lt3A_717 : i1 to i32
      %cond3A_719 = arith.constant 0 : i32
      %cond3A_720 = arith.cmpi ne, %convert_element_type3A_718, %cond3A_719 : i32
      scf.if %cond3A_720 {
        %add3A_776 = arith.addi %add3A, %add3A_669 : i32
        %add3A_777 = arith.constant 6 : i32
        %add3A_778 = arith.addi %add3A_776, %add3A_777 : i32
        %dma_start3A_779 = arith.constant 4 : i32
        %dma_start3A_780 = arith.constant 4 : i32
        %dma_start3A_781 = arith.constant 0 : i32
        %dma_start3A_782 = arith.constant 0 : i32
        %dma_start3A_783 = tpu.memref_slice %arg7[%dma_start3A_780, %dma_start3A_781, %dma_start3A_782] : memref<8x1x80xi32, #tpu.memory_space<vmem>> -> memref<1x1x80xi32, #tpu.memory_space<vmem>>
        %dma_start3A_784 = arith.constant 0 : i32
        %dma_start3A_785 = arith.constant 0 : i32
        %dma_start3A_786 = tpu.memref_slice %arg3[%add3A_778, %dma_start3A_784, %dma_start3A_785] : memref<8000x1x80xi32, #tpu.memory_space<hbm>> -> memref<1x1x80xi32, #tpu.memory_space<hbm>>
        %dma_start3A_787 = tpu.memref_slice %arg10[%dma_start3A_779] : memref<8x!tpu.dma_semaphore, #tpu.memory_space<semaphore_mem>> -> memref<1x!tpu.dma_semaphore, #tpu.memory_space<semaphore_mem>>
        %dma_start3A_788 = tpu.memref_squeeze %dma_start3A_787 : memref<1x!tpu.dma_semaphore, #tpu.memory_space<semaphore_mem>> -> memref<!tpu.dma_semaphore, #tpu.memory_space<semaphore_mem>>
        %dma_start3A_789 = arith.constant 4 : i32
        %dma_start3A_790 = arith.constant 0 : i32
        %dma_start3A_791 = arith.constant 0 : i32
        %dma_start3A_792 = tpu.memref_slice %arg7[%dma_start3A_789, %dma_start3A_790, %dma_start3A_791] : memref<8x1x80xi32, #tpu.memory_space<vmem>> -> memref<1x1x80xi32, #tpu.memory_space<vmem>>
        %dma_start3A_793 = arith.constant 0 : i32
        %dma_start3A_794 = arith.constant 0 : i32
        %dma_start3A_795 = tpu.memref_slice %arg3[%add3A_778, %dma_start3A_793, %dma_start3A_794] : memref<8000x1x80xi32, #tpu.memory_space<hbm>> -> memref<1x1x80xi32, #tpu.memory_space<hbm>>
        tpu.enqueue_dma source(%dma_start3A_795 : memref<1x1x80xi32, #tpu.memory_space<hbm>>) target(%dma_start3A_792 : memref<1x1x80xi32, #tpu.memory_space<vmem>>) target_semaphore(%dma_start3A_788 : memref<!tpu.dma_semaphore, #tpu.memory_space<semaphore_mem>>)
        %add3A_796 = arith.addi %mul3A_4, %add3A_669 : i32
        %add3A_797 = arith.constant 6 : i32
        %add3A_798 = arith.addi %add3A_796, %add3A_797 : i32
        %dma_start3A_799 = arith.constant 4 : i32
        %dma_start3A_800 = arith.constant 4 : i32
        %dma_start3A_801 = arith.constant 0 : i32
        %dma_start3A_802 = arith.constant 0 : i32
        %dma_start3A_803 = tpu.memref_slice %arg8[%dma_start3A_800, %dma_start3A_801, %dma_start3A_802] : memref<8x1x80xi32, #tpu.memory_space<vmem>> -> memref<1x1x80xi32, #tpu.memory_space<vmem>>
        %dma_start3A_804 = arith.constant 0 : i32
        %dma_start3A_805 = arith.constant 0 : i32
        %dma_start3A_806 = tpu.memref_slice %arg4[%add3A_798, %dma_start3A_804, %dma_start3A_805] : memref<4000x1x80xi32, #tpu.memory_space<hbm>> -> memref<1x1x80xi32, #tpu.memory_space<hbm>>
        %dma_start3A_807 = tpu.memref_slice %arg11[%dma_start3A_799] : memref<8x!tpu.dma_semaphore, #tpu.memory_space<semaphore_mem>> -> memref<1x!tpu.dma_semaphore, #tpu.memory_space<semaphore_mem>>
        %dma_start3A_808 = tpu.memref_squeeze %dma_start3A_807 : memref<1x!tpu.dma_semaphore, #tpu.memory_space<semaphore_mem>> -> memref<!tpu.dma_semaphore, #tpu.memory_space<semaphore_mem>>
        %dma_start3A_809 = arith.constant 4 : i32
        %dma_start3A_810 = arith.constant 0 : i32
        %dma_start3A_811 = arith.constant 0 : i32
        %dma_start3A_812 = tpu.memref_slice %arg8[%dma_start3A_809, %dma_start3A_810, %dma_start3A_811] : memref<8x1x80xi32, #tpu.memory_space<vmem>> -> memref<1x1x80xi32, #tpu.memory_space<vmem>>
        %dma_start3A_813 = arith.constant 0 : i32
        %dma_start3A_814 = arith.constant 0 : i32
        %dma_start3A_815 = tpu.memref_slice %arg4[%add3A_798, %dma_start3A_813, %dma_start3A_814] : memref<4000x1x80xi32, #tpu.memory_space<hbm>> -> memref<1x1x80xi32, #tpu.memory_space<hbm>>
        tpu.enqueue_dma source(%dma_start3A_815 : memref<1x1x80xi32, #tpu.memory_space<hbm>>) target(%dma_start3A_812 : memref<1x1x80xi32, #tpu.memory_space<vmem>>) target_semaphore(%dma_start3A_808 : memref<!tpu.dma_semaphore, #tpu.memory_space<semaphore_mem>>)
      } else {
      }
      %mul3A_721 = arith.constant 8 : i32
      %mul3A_722 = arith.muli %add3A_336, %mul3A_721 : i32
      %add3A_723 = arith.constant 7 : i32
      %add3A_724 = arith.addi %mul3A_722, %add3A_723 : i32
      %dma_wait3A_725 = arith.constant 7 : i32
      %dma_wait3A_726 = arith.constant 7 : i32
      %dma_wait3A_727 = arith.constant 0 : i32
      %dma_wait3A_728 = arith.constant 0 : i32
      %dma_wait3A_729 = tpu.memref_slice %arg7[%dma_wait3A_726, %dma_wait3A_727, %dma_wait3A_728] : memref<8x1x80xi32, #tpu.memory_space<vmem>> -> memref<1x1x80xi32, #tpu.memory_space<vmem>>
      %dma_wait3A_730 = arith.constant 0 : i32
      %dma_wait3A_731 = arith.constant 0 : i32
      %dma_wait3A_732 = arith.constant 0 : i32
      %dma_wait3A_733 = tpu.memref_slice %arg3[%dma_wait3A_730, %dma_wait3A_731, %dma_wait3A_732] : memref<8000x1x80xi32, #tpu.memory_space<hbm>> -> memref<1x1x80xi32, #tpu.memory_space<hbm>>
      %dma_wait3A_734 = tpu.memref_slice %arg10[%dma_wait3A_725] : memref<8x!tpu.dma_semaphore, #tpu.memory_space<semaphore_mem>> -> memref<1x!tpu.dma_semaphore, #tpu.memory_space<semaphore_mem>>
      %dma_wait3A_735 = tpu.memref_squeeze %dma_wait3A_734 : memref<1x!tpu.dma_semaphore, #tpu.memory_space<semaphore_mem>> -> memref<!tpu.dma_semaphore, #tpu.memory_space<semaphore_mem>>
      %dma_wait3A_736 = arith.constant 7 : i32
      %dma_wait3A_737 = arith.constant 0 : i32
      %dma_wait3A_738 = arith.constant 0 : i32
      %dma_wait3A_739 = tpu.memref_slice %arg7[%dma_wait3A_736, %dma_wait3A_737, %dma_wait3A_738] : memref<8x1x80xi32, #tpu.memory_space<vmem>> -> memref<1x1x80xi32, #tpu.memory_space<vmem>>
      %dma_wait3A_740 = arith.constant 0 : i32
      %dma_wait3A_741 = arith.constant 0 : i32
      %dma_wait3A_742 = arith.constant 0 : i32
      %dma_wait3A_743 = tpu.memref_slice %arg3[%dma_wait3A_740, %dma_wait3A_741, %dma_wait3A_742] : memref<8000x1x80xi32, #tpu.memory_space<hbm>> -> memref<1x1x80xi32, #tpu.memory_space<hbm>>
      tpu.wait_dma2 semaphore(%dma_wait3A_735 : memref<!tpu.dma_semaphore, #tpu.memory_space<semaphore_mem>>) src(%dma_wait3A_743 : memref<1x1x80xi32, #tpu.memory_space<hbm>>) dst(%dma_wait3A_739 : memref<1x1x80xi32, #tpu.memory_space<vmem>>)
      %dma_wait3A_744 = arith.constant 7 : i32
      %dma_wait3A_745 = arith.constant 7 : i32
      %dma_wait3A_746 = arith.constant 0 : i32
      %dma_wait3A_747 = arith.constant 0 : i32
      %dma_wait3A_748 = tpu.memref_slice %arg8[%dma_wait3A_745, %dma_wait3A_746, %dma_wait3A_747] : memref<8x1x80xi32, #tpu.memory_space<vmem>> -> memref<1x1x80xi32, #tpu.memory_space<vmem>>
      %dma_wait3A_749 = arith.constant 0 : i32
      %dma_wait3A_750 = arith.constant 0 : i32
      %dma_wait3A_751 = arith.constant 0 : i32
      %dma_wait3A_752 = tpu.memref_slice %arg4[%dma_wait3A_749, %dma_wait3A_750, %dma_wait3A_751] : memref<4000x1x80xi32, #tpu.memory_space<hbm>> -> memref<1x1x80xi32, #tpu.memory_space<hbm>>
      %dma_wait3A_753 = tpu.memref_slice %arg11[%dma_wait3A_744] : memref<8x!tpu.dma_semaphore, #tpu.memory_space<semaphore_mem>> -> memref<1x!tpu.dma_semaphore, #tpu.memory_space<semaphore_mem>>
      %dma_wait3A_754 = tpu.memref_squeeze %dma_wait3A_753 : memref<1x!tpu.dma_semaphore, #tpu.memory_space<semaphore_mem>> -> memref<!tpu.dma_semaphore, #tpu.memory_space<semaphore_mem>>
      %dma_wait3A_755 = arith.constant 7 : i32
      %dma_wait3A_756 = arith.constant 0 : i32
      %dma_wait3A_757 = arith.constant 0 : i32
      %dma_wait3A_758 = tpu.memref_slice %arg8[%dma_wait3A_755, %dma_wait3A_756, %dma_wait3A_757] : memref<8x1x80xi32, #tpu.memory_space<vmem>> -> memref<1x1x80xi32, #tpu.memory_space<vmem>>
      %dma_wait3A_759 = arith.constant 0 : i32
      %dma_wait3A_760 = arith.constant 0 : i32
      %dma_wait3A_761 = arith.constant 0 : i32
      %dma_wait3A_762 = tpu.memref_slice %arg4[%dma_wait3A_759, %dma_wait3A_760, %dma_wait3A_761] : memref<4000x1x80xi32, #tpu.memory_space<hbm>> -> memref<1x1x80xi32, #tpu.memory_space<hbm>>
      tpu.wait_dma2 semaphore(%dma_wait3A_754 : memref<!tpu.dma_semaphore, #tpu.memory_space<semaphore_mem>>) src(%dma_wait3A_762 : memref<1x1x80xi32, #tpu.memory_space<hbm>>) dst(%dma_wait3A_758 : memref<1x1x80xi32, #tpu.memory_space<vmem>>)
      %run_scoped3A_763 = arith.constant 7 : i32
      %run_scoped3A_764 = arith.constant 0 : i32
      %run_scoped3A_765 = arith.constant 3 : i32
      "tpu.region"() ({
        %run_scoped3A_776 = tpu.sem_alloc : memref<!tpu.dma_semaphore, #tpu.memory_space<semaphore_mem>>
        %dma_start3A_777 = arith.constant 0 : i32
        %dma_start3A_778 = arith.constant 0 : i32
        %dma_start3A_779 = tpu.memref_slice %arg9[%run_scoped3A_765, %dma_start3A_777, %dma_start3A_778] : memref<4x80x128xf32, #tpu.memory_space<vmem>> -> memref<1x80x128xf32, #tpu.memory_space<vmem>>
        %dma_start3A_780 = tpu.memref_squeeze %dma_start3A_779 : memref<1x80x128xf32, #tpu.memory_space<vmem>> -> memref<80x128xf32, #tpu.memory_space<vmem>>
        %dma_start3A_781 = arith.constant 0 : i32
        %dma_start3A_782 = tpu.memref_slice %arg7[%run_scoped3A_763, %run_scoped3A_764, %dma_start3A_781] : memref<8x1x80xi32, #tpu.memory_space<vmem>> -> memref<1x1x80xi32, #tpu.memory_space<vmem>>
        %dma_start3A_783 = tpu.memref_squeeze %dma_start3A_782 : memref<1x1x80xi32, #tpu.memory_space<vmem>> -> memref<80xi32, #tpu.memory_space<vmem>>
        %dma_start3A_784 = arith.constant 0 : i32
        %dma_start3A_785 = arith.constant 0 : i32
        %dma_start3A_786 = tpu.memref_slice %arg2[%dma_start3A_784, %dma_start3A_785] : memref<20000x128xf32, #tpu.memory_space<hbm>> -> memref<20000x128xf32, #tpu.memory_space<hbm>>
        tpu.enqueue_indirect_dma source(%dma_start3A_786 : memref<20000x128xf32, #tpu.memory_space<hbm>>) target(%dma_start3A_780 : memref<80x128xf32, #tpu.memory_space<vmem>>) offsets(%dma_start3A_783 : memref<80xi32, #tpu.memory_space<vmem>>) semaphore(%run_scoped3A_776 : memref<!tpu.dma_semaphore, #tpu.memory_space<semaphore_mem>>)
        %dma_wait3A_787 = arith.constant 0 : i32
        %dma_wait3A_788 = arith.constant 0 : i32
        %dma_wait3A_789 = tpu.memref_slice %arg9[%run_scoped3A_765, %dma_wait3A_787, %dma_wait3A_788] : memref<4x80x128xf32, #tpu.memory_space<vmem>> -> memref<1x80x128xf32, #tpu.memory_space<vmem>>
        %dma_wait3A_790 = tpu.memref_squeeze %dma_wait3A_789 : memref<1x80x128xf32, #tpu.memory_space<vmem>> -> memref<80x128xf32, #tpu.memory_space<vmem>>
        %dma_wait3A_791 = arith.constant 0 : i32
        %dma_wait3A_792 = tpu.memref_slice %arg7[%run_scoped3A_763, %run_scoped3A_764, %dma_wait3A_791] : memref<8x1x80xi32, #tpu.memory_space<vmem>> -> memref<1x1x80xi32, #tpu.memory_space<vmem>>
        %dma_wait3A_793 = tpu.memref_squeeze %dma_wait3A_792 : memref<1x1x80xi32, #tpu.memory_space<vmem>> -> memref<80xi32, #tpu.memory_space<vmem>>
        %dma_wait3A_794 = arith.constant 0 : i32
        %dma_wait3A_795 = arith.constant 0 : i32
        %dma_wait3A_796 = tpu.memref_slice %arg2[%dma_wait3A_794, %dma_wait3A_795] : memref<20000x128xf32, #tpu.memory_space<hbm>> -> memref<20000x128xf32, #tpu.memory_space<hbm>>
        tpu.wait_indirect_dma semaphore(%run_scoped3A_776 : memref<!tpu.dma_semaphore, #tpu.memory_space<semaphore_mem>>) src(%dma_wait3A_796 : memref<20000x128xf32, #tpu.memory_space<hbm>>) dst(%dma_wait3A_790 : memref<80x128xf32, #tpu.memory_space<vmem>>)
        tpu.yield
      }) : () -> ()
      %run_scoped3A_766 = arith.constant 3 : i32
      %run_scoped3A_767 = arith.constant 7 : i32
      %run_scoped3A_768 = arith.constant 0 : i32
      "tpu.region"() ({
        %run_scoped3A_776 = tpu.sem_alloc : memref<!tpu.dma_semaphore, #tpu.memory_space<semaphore_mem>>
        %dma_start3A_777 = arith.constant 0 : i32
        %dma_start3A_778 = arith.constant 0 : i32
        %dma_start3A_779 = tpu.memref_slice %arg9[%run_scoped3A_766, %dma_start3A_777, %dma_start3A_778] : memref<4x80x128xf32, #tpu.memory_space<vmem>> -> memref<1x80x128xf32, #tpu.memory_space<vmem>>
        %dma_start3A_780 = tpu.memref_squeeze %dma_start3A_779 : memref<1x80x128xf32, #tpu.memory_space<vmem>> -> memref<80x128xf32, #tpu.memory_space<vmem>>
        %dma_start3A_781 = arith.constant 0 : i32
        %dma_start3A_782 = tpu.memref_slice %arg8[%run_scoped3A_767, %run_scoped3A_768, %dma_start3A_781] : memref<8x1x80xi32, #tpu.memory_space<vmem>> -> memref<1x1x80xi32, #tpu.memory_space<vmem>>
        %dma_start3A_783 = tpu.memref_squeeze %dma_start3A_782 : memref<1x1x80xi32, #tpu.memory_space<vmem>> -> memref<80xi32, #tpu.memory_space<vmem>>
        %dma_start3A_784 = arith.constant 0 : i32
        %dma_start3A_785 = arith.constant 0 : i32
        %dma_start3A_786 = tpu.memref_slice %arg13[%dma_start3A_784, %dma_start3A_785] : memref<10000x128xf32, #tpu.memory_space<vmem_shared>> -> memref<10000x128xf32, #tpu.memory_space<vmem_shared>>
        tpu.enqueue_indirect_dma source(%dma_start3A_780 : memref<80x128xf32, #tpu.memory_space<vmem>>) target(%dma_start3A_786 : memref<10000x128xf32, #tpu.memory_space<vmem_shared>>) offsets(%dma_start3A_783 : memref<80xi32, #tpu.memory_space<vmem>>) semaphore(%run_scoped3A_776 : memref<!tpu.dma_semaphore, #tpu.memory_space<semaphore_mem>>) {add = true}
        %dma_wait3A_787 = arith.constant 0 : i32
        %dma_wait3A_788 = arith.constant 0 : i32
        %dma_wait3A_789 = tpu.memref_slice %arg9[%run_scoped3A_766, %dma_wait3A_787, %dma_wait3A_788] : memref<4x80x128xf32, #tpu.memory_space<vmem>> -> memref<1x80x128xf32, #tpu.memory_space<vmem>>
        %dma_wait3A_790 = tpu.memref_squeeze %dma_wait3A_789 : memref<1x80x128xf32, #tpu.memory_space<vmem>> -> memref<80x128xf32, #tpu.memory_space<vmem>>
        %dma_wait3A_791 = arith.constant 0 : i32
        %dma_wait3A_792 = tpu.memref_slice %arg8[%run_scoped3A_767, %run_scoped3A_768, %dma_wait3A_791] : memref<8x1x80xi32, #tpu.memory_space<vmem>> -> memref<1x1x80xi32, #tpu.memory_space<vmem>>
        %dma_wait3A_793 = tpu.memref_squeeze %dma_wait3A_792 : memref<1x1x80xi32, #tpu.memory_space<vmem>> -> memref<80xi32, #tpu.memory_space<vmem>>
        %dma_wait3A_794 = arith.constant 0 : i32
        %dma_wait3A_795 = arith.constant 0 : i32
        %dma_wait3A_796 = tpu.memref_slice %arg13[%dma_wait3A_794, %dma_wait3A_795] : memref<10000x128xf32, #tpu.memory_space<vmem_shared>> -> memref<10000x128xf32, #tpu.memory_space<vmem_shared>>
        tpu.wait_indirect_dma semaphore(%run_scoped3A_776 : memref<!tpu.dma_semaphore, #tpu.memory_space<semaphore_mem>>) src(%dma_wait3A_790 : memref<80x128xf32, #tpu.memory_space<vmem>>) dst(%dma_wait3A_796 : memref<10000x128xf32, #tpu.memory_space<vmem_shared>>)
        tpu.yield
      }) : () -> ()
      %add3A_769 = arith.constant 6 : i32
      %add3A_770 = arith.addi %add3A_724, %add3A_769 : i32
      %lt3A_771 = arith.constant 250 : i32
      %lt3A_772 = arith.cmpi slt, %add3A_770, %lt3A_771 : i32
      %convert_element_type3A_773 = arith.extui %lt3A_772 : i1 to i32
      %cond3A_774 = arith.constant 0 : i32
      %cond3A_775 = arith.cmpi ne, %convert_element_type3A_773, %cond3A_774 : i32
      scf.if %cond3A_775 {
        %add3A_776 = arith.addi %add3A, %add3A_724 : i32
        %add3A_777 = arith.constant 6 : i32
        %add3A_778 = arith.addi %add3A_776, %add3A_777 : i32
        %dma_start3A_779 = arith.constant 5 : i32
        %dma_start3A_780 = arith.constant 5 : i32
        %dma_start3A_781 = arith.constant 0 : i32
        %dma_start3A_782 = arith.constant 0 : i32
        %dma_start3A_783 = tpu.memref_slice %arg7[%dma_start3A_780, %dma_start3A_781, %dma_start3A_782] : memref<8x1x80xi32, #tpu.memory_space<vmem>> -> memref<1x1x80xi32, #tpu.memory_space<vmem>>
        %dma_start3A_784 = arith.constant 0 : i32
        %dma_start3A_785 = arith.constant 0 : i32
        %dma_start3A_786 = tpu.memref_slice %arg3[%add3A_778, %dma_start3A_784, %dma_start3A_785] : memref<8000x1x80xi32, #tpu.memory_space<hbm>> -> memref<1x1x80xi32, #tpu.memory_space<hbm>>
        %dma_start3A_787 = tpu.memref_slice %arg10[%dma_start3A_779] : memref<8x!tpu.dma_semaphore, #tpu.memory_space<semaphore_mem>> -> memref<1x!tpu.dma_semaphore, #tpu.memory_space<semaphore_mem>>
        %dma_start3A_788 = tpu.memref_squeeze %dma_start3A_787 : memref<1x!tpu.dma_semaphore, #tpu.memory_space<semaphore_mem>> -> memref<!tpu.dma_semaphore, #tpu.memory_space<semaphore_mem>>
        %dma_start3A_789 = arith.constant 5 : i32
        %dma_start3A_790 = arith.constant 0 : i32
        %dma_start3A_791 = arith.constant 0 : i32
        %dma_start3A_792 = tpu.memref_slice %arg7[%dma_start3A_789, %dma_start3A_790, %dma_start3A_791] : memref<8x1x80xi32, #tpu.memory_space<vmem>> -> memref<1x1x80xi32, #tpu.memory_space<vmem>>
        %dma_start3A_793 = arith.constant 0 : i32
        %dma_start3A_794 = arith.constant 0 : i32
        %dma_start3A_795 = tpu.memref_slice %arg3[%add3A_778, %dma_start3A_793, %dma_start3A_794] : memref<8000x1x80xi32, #tpu.memory_space<hbm>> -> memref<1x1x80xi32, #tpu.memory_space<hbm>>
        tpu.enqueue_dma source(%dma_start3A_795 : memref<1x1x80xi32, #tpu.memory_space<hbm>>) target(%dma_start3A_792 : memref<1x1x80xi32, #tpu.memory_space<vmem>>) target_semaphore(%dma_start3A_788 : memref<!tpu.dma_semaphore, #tpu.memory_space<semaphore_mem>>)
        %add3A_796 = arith.addi %mul3A_4, %add3A_724 : i32
        %add3A_797 = arith.constant 6 : i32
        %add3A_798 = arith.addi %add3A_796, %add3A_797 : i32
        %dma_start3A_799 = arith.constant 5 : i32
        %dma_start3A_800 = arith.constant 5 : i32
        %dma_start3A_801 = arith.constant 0 : i32
        %dma_start3A_802 = arith.constant 0 : i32
        %dma_start3A_803 = tpu.memref_slice %arg8[%dma_start3A_800, %dma_start3A_801, %dma_start3A_802] : memref<8x1x80xi32, #tpu.memory_space<vmem>> -> memref<1x1x80xi32, #tpu.memory_space<vmem>>
        %dma_start3A_804 = arith.constant 0 : i32
        %dma_start3A_805 = arith.constant 0 : i32
        %dma_start3A_806 = tpu.memref_slice %arg4[%add3A_798, %dma_start3A_804, %dma_start3A_805] : memref<4000x1x80xi32, #tpu.memory_space<hbm>> -> memref<1x1x80xi32, #tpu.memory_space<hbm>>
        %dma_start3A_807 = tpu.memref_slice %arg11[%dma_start3A_799] : memref<8x!tpu.dma_semaphore, #tpu.memory_space<semaphore_mem>> -> memref<1x!tpu.dma_semaphore, #tpu.memory_space<semaphore_mem>>
        %dma_start3A_808 = tpu.memref_squeeze %dma_start3A_807 : memref<1x!tpu.dma_semaphore, #tpu.memory_space<semaphore_mem>> -> memref<!tpu.dma_semaphore, #tpu.memory_space<semaphore_mem>>
        %dma_start3A_809 = arith.constant 5 : i32
        %dma_start3A_810 = arith.constant 0 : i32
        %dma_start3A_811 = arith.constant 0 : i32
        %dma_start3A_812 = tpu.memref_slice %arg8[%dma_start3A_809, %dma_start3A_810, %dma_start3A_811] : memref<8x1x80xi32, #tpu.memory_space<vmem>> -> memref<1x1x80xi32, #tpu.memory_space<vmem>>
        %dma_start3A_813 = arith.constant 0 : i32
        %dma_start3A_814 = arith.constant 0 : i32
        %dma_start3A_815 = tpu.memref_slice %arg4[%add3A_798, %dma_start3A_813, %dma_start3A_814] : memref<4000x1x80xi32, #tpu.memory_space<hbm>> -> memref<1x1x80xi32, #tpu.memory_space<hbm>>
        tpu.enqueue_dma source(%dma_start3A_815 : memref<1x1x80xi32, #tpu.memory_space<hbm>>) target(%dma_start3A_812 : memref<1x1x80xi32, #tpu.memory_space<vmem>>) target_semaphore(%dma_start3A_808 : memref<!tpu.dma_semaphore, #tpu.memory_space<semaphore_mem>>)
      } else {
      }
    }
    %scan3A_239 = arith.constant 31 : i32
    %dma_wait3A = arith.constant 0 : i32
    %dma_wait3A_240 = arith.constant 0 : i32
    %dma_wait3A_241 = arith.constant 0 : i32
    %dma_wait3A_242 = arith.constant 0 : i32
    %dma_wait3A_243 = tpu.memref_slice %arg7[%dma_wait3A_240, %dma_wait3A_241, %dma_wait3A_242] : memref<8x1x80xi32, #tpu.memory_space<vmem>> -> memref<1x1x80xi32, #tpu.memory_space<vmem>>
    %dma_wait3A_244 = arith.constant 0 : i32
    %dma_wait3A_245 = arith.constant 0 : i32
    %dma_wait3A_246 = arith.constant 0 : i32
    %dma_wait3A_247 = tpu.memref_slice %arg3[%dma_wait3A_244, %dma_wait3A_245, %dma_wait3A_246] : memref<8000x1x80xi32, #tpu.memory_space<hbm>> -> memref<1x1x80xi32, #tpu.memory_space<hbm>>
    %dma_wait3A_248 = tpu.memref_slice %arg10[%dma_wait3A] : memref<8x!tpu.dma_semaphore, #tpu.memory_space<semaphore_mem>> -> memref<1x!tpu.dma_semaphore, #tpu.memory_space<semaphore_mem>>
    %dma_wait3A_249 = tpu.memref_squeeze %dma_wait3A_248 : memref<1x!tpu.dma_semaphore, #tpu.memory_space<semaphore_mem>> -> memref<!tpu.dma_semaphore, #tpu.memory_space<semaphore_mem>>
    %dma_wait3A_250 = arith.constant 0 : i32
    %dma_wait3A_251 = arith.constant 0 : i32
    %dma_wait3A_252 = arith.constant 0 : i32
    %dma_wait3A_253 = tpu.memref_slice %arg7[%dma_wait3A_250, %dma_wait3A_251, %dma_wait3A_252] : memref<8x1x80xi32, #tpu.memory_space<vmem>> -> memref<1x1x80xi32, #tpu.memory_space<vmem>>
    %dma_wait3A_254 = arith.constant 0 : i32
    %dma_wait3A_255 = arith.constant 0 : i32
    %dma_wait3A_256 = arith.constant 0 : i32
    %dma_wait3A_257 = tpu.memref_slice %arg3[%dma_wait3A_254, %dma_wait3A_255, %dma_wait3A_256] : memref<8000x1x80xi32, #tpu.memory_space<hbm>> -> memref<1x1x80xi32, #tpu.memory_space<hbm>>
    tpu.wait_dma2 semaphore(%dma_wait3A_249 : memref<!tpu.dma_semaphore, #tpu.memory_space<semaphore_mem>>) src(%dma_wait3A_257 : memref<1x1x80xi32, #tpu.memory_space<hbm>>) dst(%dma_wait3A_253 : memref<1x1x80xi32, #tpu.memory_space<vmem>>)
    %dma_wait3A_258 = arith.constant 0 : i32
    %dma_wait3A_259 = arith.constant 0 : i32
    %dma_wait3A_260 = arith.constant 0 : i32
    %dma_wait3A_261 = arith.constant 0 : i32
    %dma_wait3A_262 = tpu.memref_slice %arg8[%dma_wait3A_259, %dma_wait3A_260, %dma_wait3A_261] : memref<8x1x80xi32, #tpu.memory_space<vmem>> -> memref<1x1x80xi32, #tpu.memory_space<vmem>>
    %dma_wait3A_263 = arith.constant 0 : i32
    %dma_wait3A_264 = arith.constant 0 : i32
    %dma_wait3A_265 = arith.constant 0 : i32
    %dma_wait3A_266 = tpu.memref_slice %arg4[%dma_wait3A_263, %dma_wait3A_264, %dma_wait3A_265] : memref<4000x1x80xi32, #tpu.memory_space<hbm>> -> memref<1x1x80xi32, #tpu.memory_space<hbm>>
    %dma_wait3A_267 = tpu.memref_slice %arg11[%dma_wait3A_258] : memref<8x!tpu.dma_semaphore, #tpu.memory_space<semaphore_mem>> -> memref<1x!tpu.dma_semaphore, #tpu.memory_space<semaphore_mem>>
    %dma_wait3A_268 = tpu.memref_squeeze %dma_wait3A_267 : memref<1x!tpu.dma_semaphore, #tpu.memory_space<semaphore_mem>> -> memref<!tpu.dma_semaphore, #tpu.memory_space<semaphore_mem>>
    %dma_wait3A_269 = arith.constant 0 : i32
    %dma_wait3A_270 = arith.constant 0 : i32
    %dma_wait3A_271 = arith.constant 0 : i32
    %dma_wait3A_272 = tpu.memref_slice %arg8[%dma_wait3A_269, %dma_wait3A_270, %dma_wait3A_271] : memref<8x1x80xi32, #tpu.memory_space<vmem>> -> memref<1x1x80xi32, #tpu.memory_space<vmem>>
    %dma_wait3A_273 = arith.constant 0 : i32
    %dma_wait3A_274 = arith.constant 0 : i32
    %dma_wait3A_275 = arith.constant 0 : i32
    %dma_wait3A_276 = tpu.memref_slice %arg4[%dma_wait3A_273, %dma_wait3A_274, %dma_wait3A_275] : memref<4000x1x80xi32, #tpu.memory_space<hbm>> -> memref<1x1x80xi32, #tpu.memory_space<hbm>>
    tpu.wait_dma2 semaphore(%dma_wait3A_268 : memref<!tpu.dma_semaphore, #tpu.memory_space<semaphore_mem>>) src(%dma_wait3A_276 : memref<1x1x80xi32, #tpu.memory_space<hbm>>) dst(%dma_wait3A_272 : memref<1x1x80xi32, #tpu.memory_space<vmem>>)
    %run_scoped3A = arith.constant 0 : i32
    %run_scoped3A_277 = arith.constant 0 : i32
    %run_scoped3A_278 = arith.constant 0 : i32
    "tpu.region"() ({
      %run_scoped3A_332 = tpu.sem_alloc : memref<!tpu.dma_semaphore, #tpu.memory_space<semaphore_mem>>
      %dma_start3A_333 = arith.constant 0 : i32
      %dma_start3A_334 = arith.constant 0 : i32
      %dma_start3A_335 = tpu.memref_slice %arg9[%run_scoped3A_278, %dma_start3A_333, %dma_start3A_334] : memref<4x80x128xf32, #tpu.memory_space<vmem>> -> memref<1x80x128xf32, #tpu.memory_space<vmem>>
      %dma_start3A_336 = tpu.memref_squeeze %dma_start3A_335 : memref<1x80x128xf32, #tpu.memory_space<vmem>> -> memref<80x128xf32, #tpu.memory_space<vmem>>
      %dma_start3A_337 = arith.constant 0 : i32
      %dma_start3A_338 = tpu.memref_slice %arg7[%run_scoped3A, %run_scoped3A_277, %dma_start3A_337] : memref<8x1x80xi32, #tpu.memory_space<vmem>> -> memref<1x1x80xi32, #tpu.memory_space<vmem>>
      %dma_start3A_339 = tpu.memref_squeeze %dma_start3A_338 : memref<1x1x80xi32, #tpu.memory_space<vmem>> -> memref<80xi32, #tpu.memory_space<vmem>>
      %dma_start3A_340 = arith.constant 0 : i32
      %dma_start3A_341 = arith.constant 0 : i32
      %dma_start3A_342 = tpu.memref_slice %arg2[%dma_start3A_340, %dma_start3A_341] : memref<20000x128xf32, #tpu.memory_space<hbm>> -> memref<20000x128xf32, #tpu.memory_space<hbm>>
      tpu.enqueue_indirect_dma source(%dma_start3A_342 : memref<20000x128xf32, #tpu.memory_space<hbm>>) target(%dma_start3A_336 : memref<80x128xf32, #tpu.memory_space<vmem>>) offsets(%dma_start3A_339 : memref<80xi32, #tpu.memory_space<vmem>>) semaphore(%run_scoped3A_332 : memref<!tpu.dma_semaphore, #tpu.memory_space<semaphore_mem>>)
      %dma_wait3A_343 = arith.constant 0 : i32
      %dma_wait3A_344 = arith.constant 0 : i32
      %dma_wait3A_345 = tpu.memref_slice %arg9[%run_scoped3A_278, %dma_wait3A_343, %dma_wait3A_344] : memref<4x80x128xf32, #tpu.memory_space<vmem>> -> memref<1x80x128xf32, #tpu.memory_space<vmem>>
      %dma_wait3A_346 = tpu.memref_squeeze %dma_wait3A_345 : memref<1x80x128xf32, #tpu.memory_space<vmem>> -> memref<80x128xf32, #tpu.memory_space<vmem>>
      %dma_wait3A_347 = arith.constant 0 : i32
      %dma_wait3A_348 = tpu.memref_slice %arg7[%run_scoped3A, %run_scoped3A_277, %dma_wait3A_347] : memref<8x1x80xi32, #tpu.memory_space<vmem>> -> memref<1x1x80xi32, #tpu.memory_space<vmem>>
      %dma_wait3A_349 = tpu.memref_squeeze %dma_wait3A_348 : memref<1x1x80xi32, #tpu.memory_space<vmem>> -> memref<80xi32, #tpu.memory_space<vmem>>
      %dma_wait3A_350 = arith.constant 0 : i32
      %dma_wait3A_351 = arith.constant 0 : i32
      %dma_wait3A_352 = tpu.memref_slice %arg2[%dma_wait3A_350, %dma_wait3A_351] : memref<20000x128xf32, #tpu.memory_space<hbm>> -> memref<20000x128xf32, #tpu.memory_space<hbm>>
      tpu.wait_indirect_dma semaphore(%run_scoped3A_332 : memref<!tpu.dma_semaphore, #tpu.memory_space<semaphore_mem>>) src(%dma_wait3A_352 : memref<20000x128xf32, #tpu.memory_space<hbm>>) dst(%dma_wait3A_346 : memref<80x128xf32, #tpu.memory_space<vmem>>)
      tpu.yield
    }) : () -> ()
    %run_scoped3A_279 = arith.constant 0 : i32
    %run_scoped3A_280 = arith.constant 0 : i32
    %run_scoped3A_281 = arith.constant 0 : i32
    "tpu.region"() ({
      %run_scoped3A_332 = tpu.sem_alloc : memref<!tpu.dma_semaphore, #tpu.memory_space<semaphore_mem>>
      %dma_start3A_333 = arith.constant 0 : i32
      %dma_start3A_334 = arith.constant 0 : i32
      %dma_start3A_335 = tpu.memref_slice %arg9[%run_scoped3A_279, %dma_start3A_333, %dma_start3A_334] : memref<4x80x128xf32, #tpu.memory_space<vmem>> -> memref<1x80x128xf32, #tpu.memory_space<vmem>>
      %dma_start3A_336 = tpu.memref_squeeze %dma_start3A_335 : memref<1x80x128xf32, #tpu.memory_space<vmem>> -> memref<80x128xf32, #tpu.memory_space<vmem>>
      %dma_start3A_337 = arith.constant 0 : i32
      %dma_start3A_338 = tpu.memref_slice %arg8[%run_scoped3A_280, %run_scoped3A_281, %dma_start3A_337] : memref<8x1x80xi32, #tpu.memory_space<vmem>> -> memref<1x1x80xi32, #tpu.memory_space<vmem>>
      %dma_start3A_339 = tpu.memref_squeeze %dma_start3A_338 : memref<1x1x80xi32, #tpu.memory_space<vmem>> -> memref<80xi32, #tpu.memory_space<vmem>>
      %dma_start3A_340 = arith.constant 0 : i32
      %dma_start3A_341 = arith.constant 0 : i32
      %dma_start3A_342 = tpu.memref_slice %arg13[%dma_start3A_340, %dma_start3A_341] : memref<10000x128xf32, #tpu.memory_space<vmem_shared>> -> memref<10000x128xf32, #tpu.memory_space<vmem_shared>>
      tpu.enqueue_indirect_dma source(%dma_start3A_336 : memref<80x128xf32, #tpu.memory_space<vmem>>) target(%dma_start3A_342 : memref<10000x128xf32, #tpu.memory_space<vmem_shared>>) offsets(%dma_start3A_339 : memref<80xi32, #tpu.memory_space<vmem>>) semaphore(%run_scoped3A_332 : memref<!tpu.dma_semaphore, #tpu.memory_space<semaphore_mem>>) {add = true}
      %dma_wait3A_343 = arith.constant 0 : i32
      %dma_wait3A_344 = arith.constant 0 : i32
      %dma_wait3A_345 = tpu.memref_slice %arg9[%run_scoped3A_279, %dma_wait3A_343, %dma_wait3A_344] : memref<4x80x128xf32, #tpu.memory_space<vmem>> -> memref<1x80x128xf32, #tpu.memory_space<vmem>>
      %dma_wait3A_346 = tpu.memref_squeeze %dma_wait3A_345 : memref<1x80x128xf32, #tpu.memory_space<vmem>> -> memref<80x128xf32, #tpu.memory_space<vmem>>
      %dma_wait3A_347 = arith.constant 0 : i32
      %dma_wait3A_348 = tpu.memref_slice %arg8[%run_scoped3A_280, %run_scoped3A_281, %dma_wait3A_347] : memref<8x1x80xi32, #tpu.memory_space<vmem>> -> memref<1x1x80xi32, #tpu.memory_space<vmem>>
      %dma_wait3A_349 = tpu.memref_squeeze %dma_wait3A_348 : memref<1x1x80xi32, #tpu.memory_space<vmem>> -> memref<80xi32, #tpu.memory_space<vmem>>
      %dma_wait3A_350 = arith.constant 0 : i32
      %dma_wait3A_351 = arith.constant 0 : i32
      %dma_wait3A_352 = tpu.memref_slice %arg13[%dma_wait3A_350, %dma_wait3A_351] : memref<10000x128xf32, #tpu.memory_space<vmem_shared>> -> memref<10000x128xf32, #tpu.memory_space<vmem_shared>>
      tpu.wait_indirect_dma semaphore(%run_scoped3A_332 : memref<!tpu.dma_semaphore, #tpu.memory_space<semaphore_mem>>) src(%dma_wait3A_346 : memref<80x128xf32, #tpu.memory_space<vmem>>) dst(%dma_wait3A_352 : memref<10000x128xf32, #tpu.memory_space<vmem_shared>>)
      tpu.yield
    }) : () -> ()
    %dma_wait3A_282 = arith.constant 1 : i32
    %dma_wait3A_283 = arith.constant 1 : i32
    %dma_wait3A_284 = arith.constant 0 : i32
    %dma_wait3A_285 = arith.constant 0 : i32
    %dma_wait3A_286 = tpu.memref_slice %arg7[%dma_wait3A_283, %dma_wait3A_284, %dma_wait3A_285] : memref<8x1x80xi32, #tpu.memory_space<vmem>> -> memref<1x1x80xi32, #tpu.memory_space<vmem>>
    %dma_wait3A_287 = arith.constant 0 : i32
    %dma_wait3A_288 = arith.constant 0 : i32
    %dma_wait3A_289 = arith.constant 0 : i32
    %dma_wait3A_290 = tpu.memref_slice %arg3[%dma_wait3A_287, %dma_wait3A_288, %dma_wait3A_289] : memref<8000x1x80xi32, #tpu.memory_space<hbm>> -> memref<1x1x80xi32, #tpu.memory_space<hbm>>
    %dma_wait3A_291 = tpu.memref_slice %arg10[%dma_wait3A_282] : memref<8x!tpu.dma_semaphore, #tpu.memory_space<semaphore_mem>> -> memref<1x!tpu.dma_semaphore, #tpu.memory_space<semaphore_mem>>
    %dma_wait3A_292 = tpu.memref_squeeze %dma_wait3A_291 : memref<1x!tpu.dma_semaphore, #tpu.memory_space<semaphore_mem>> -> memref<!tpu.dma_semaphore, #tpu.memory_space<semaphore_mem>>
    %dma_wait3A_293 = arith.constant 1 : i32
    %dma_wait3A_294 = arith.constant 0 : i32
    %dma_wait3A_295 = arith.constant 0 : i32
    %dma_wait3A_296 = tpu.memref_slice %arg7[%dma_wait3A_293, %dma_wait3A_294, %dma_wait3A_295] : memref<8x1x80xi32, #tpu.memory_space<vmem>> -> memref<1x1x80xi32, #tpu.memory_space<vmem>>
    %dma_wait3A_297 = arith.constant 0 : i32
    %dma_wait3A_298 = arith.constant 0 : i32
    %dma_wait3A_299 = arith.constant 0 : i32
    %dma_wait3A_300 = tpu.memref_slice %arg3[%dma_wait3A_297, %dma_wait3A_298, %dma_wait3A_299] : memref<8000x1x80xi32, #tpu.memory_space<hbm>> -> memref<1x1x80xi32, #tpu.memory_space<hbm>>
    tpu.wait_dma2 semaphore(%dma_wait3A_292 : memref<!tpu.dma_semaphore, #tpu.memory_space<semaphore_mem>>) src(%dma_wait3A_300 : memref<1x1x80xi32, #tpu.memory_space<hbm>>) dst(%dma_wait3A_296 : memref<1x1x80xi32, #tpu.memory_space<vmem>>)
    %dma_wait3A_301 = arith.constant 1 : i32
    %dma_wait3A_302 = arith.constant 1 : i32
    %dma_wait3A_303 = arith.constant 0 : i32
    %dma_wait3A_304 = arith.constant 0 : i32
    %dma_wait3A_305 = tpu.memref_slice %arg8[%dma_wait3A_302, %dma_wait3A_303, %dma_wait3A_304] : memref<8x1x80xi32, #tpu.memory_space<vmem>> -> memref<1x1x80xi32, #tpu.memory_space<vmem>>
    %dma_wait3A_306 = arith.constant 0 : i32
    %dma_wait3A_307 = arith.constant 0 : i32
    %dma_wait3A_308 = arith.constant 0 : i32
    %dma_wait3A_309 = tpu.memref_slice %arg4[%dma_wait3A_306, %dma_wait3A_307, %dma_wait3A_308] : memref<4000x1x80xi32, #tpu.memory_space<hbm>> -> memref<1x1x80xi32, #tpu.memory_space<hbm>>
    %dma_wait3A_310 = tpu.memref_slice %arg11[%dma_wait3A_301] : memref<8x!tpu.dma_semaphore, #tpu.memory_space<semaphore_mem>> -> memref<1x!tpu.dma_semaphore, #tpu.memory_space<semaphore_mem>>
    %dma_wait3A_311 = tpu.memref_squeeze %dma_wait3A_310 : memref<1x!tpu.dma_semaphore, #tpu.memory_space<semaphore_mem>> -> memref<!tpu.dma_semaphore, #tpu.memory_space<semaphore_mem>>
    %dma_wait3A_312 = arith.constant 1 : i32
    %dma_wait3A_313 = arith.constant 0 : i32
    %dma_wait3A_314 = arith.constant 0 : i32
    %dma_wait3A_315 = tpu.memref_slice %arg8[%dma_wait3A_312, %dma_wait3A_313, %dma_wait3A_314] : memref<8x1x80xi32, #tpu.memory_space<vmem>> -> memref<1x1x80xi32, #tpu.memory_space<vmem>>
    %dma_wait3A_316 = arith.constant 0 : i32
    %dma_wait3A_317 = arith.constant 0 : i32
    %dma_wait3A_318 = arith.constant 0 : i32
    %dma_wait3A_319 = tpu.memref_slice %arg4[%dma_wait3A_316, %dma_wait3A_317, %dma_wait3A_318] : memref<4000x1x80xi32, #tpu.memory_space<hbm>> -> memref<1x1x80xi32, #tpu.memory_space<hbm>>
    tpu.wait_dma2 semaphore(%dma_wait3A_311 : memref<!tpu.dma_semaphore, #tpu.memory_space<semaphore_mem>>) src(%dma_wait3A_319 : memref<1x1x80xi32, #tpu.memory_space<hbm>>) dst(%dma_wait3A_315 : memref<1x1x80xi32, #tpu.memory_space<vmem>>)
    %run_scoped3A_320 = arith.constant 1 : i32
    %run_scoped3A_321 = arith.constant 0 : i32
    %run_scoped3A_322 = arith.constant 1 : i32
    "tpu.region"() ({
      %run_scoped3A_332 = tpu.sem_alloc : memref<!tpu.dma_semaphore, #tpu.memory_space<semaphore_mem>>
      %dma_start3A_333 = arith.constant 0 : i32
      %dma_start3A_334 = arith.constant 0 : i32
      %dma_start3A_335 = tpu.memref_slice %arg9[%run_scoped3A_322, %dma_start3A_333, %dma_start3A_334] : memref<4x80x128xf32, #tpu.memory_space<vmem>> -> memref<1x80x128xf32, #tpu.memory_space<vmem>>
      %dma_start3A_336 = tpu.memref_squeeze %dma_start3A_335 : memref<1x80x128xf32, #tpu.memory_space<vmem>> -> memref<80x128xf32, #tpu.memory_space<vmem>>
      %dma_start3A_337 = arith.constant 0 : i32
      %dma_start3A_338 = tpu.memref_slice %arg7[%run_scoped3A_320, %run_scoped3A_321, %dma_start3A_337] : memref<8x1x80xi32, #tpu.memory_space<vmem>> -> memref<1x1x80xi32, #tpu.memory_space<vmem>>
      %dma_start3A_339 = tpu.memref_squeeze %dma_start3A_338 : memref<1x1x80xi32, #tpu.memory_space<vmem>> -> memref<80xi32, #tpu.memory_space<vmem>>
      %dma_start3A_340 = arith.constant 0 : i32
      %dma_start3A_341 = arith.constant 0 : i32
      %dma_start3A_342 = tpu.memref_slice %arg2[%dma_start3A_340, %dma_start3A_341] : memref<20000x128xf32, #tpu.memory_space<hbm>> -> memref<20000x128xf32, #tpu.memory_space<hbm>>
      tpu.enqueue_indirect_dma source(%dma_start3A_342 : memref<20000x128xf32, #tpu.memory_space<hbm>>) target(%dma_start3A_336 : memref<80x128xf32, #tpu.memory_space<vmem>>) offsets(%dma_start3A_339 : memref<80xi32, #tpu.memory_space<vmem>>) semaphore(%run_scoped3A_332 : memref<!tpu.dma_semaphore, #tpu.memory_space<semaphore_mem>>)
      %dma_wait3A_343 = arith.constant 0 : i32
      %dma_wait3A_344 = arith.constant 0 : i32
      %dma_wait3A_345 = tpu.memref_slice %arg9[%run_scoped3A_322, %dma_wait3A_343, %dma_wait3A_344] : memref<4x80x128xf32, #tpu.memory_space<vmem>> -> memref<1x80x128xf32, #tpu.memory_space<vmem>>
      %dma_wait3A_346 = tpu.memref_squeeze %dma_wait3A_345 : memref<1x80x128xf32, #tpu.memory_space<vmem>> -> memref<80x128xf32, #tpu.memory_space<vmem>>
      %dma_wait3A_347 = arith.constant 0 : i32
      %dma_wait3A_348 = tpu.memref_slice %arg7[%run_scoped3A_320, %run_scoped3A_321, %dma_wait3A_347] : memref<8x1x80xi32, #tpu.memory_space<vmem>> -> memref<1x1x80xi32, #tpu.memory_space<vmem>>
      %dma_wait3A_349 = tpu.memref_squeeze %dma_wait3A_348 : memref<1x1x80xi32, #tpu.memory_space<vmem>> -> memref<80xi32, #tpu.memory_space<vmem>>
      %dma_wait3A_350 = arith.constant 0 : i32
      %dma_wait3A_351 = arith.constant 0 : i32
      %dma_wait3A_352 = tpu.memref_slice %arg2[%dma_wait3A_350, %dma_wait3A_351] : memref<20000x128xf32, #tpu.memory_space<hbm>> -> memref<20000x128xf32, #tpu.memory_space<hbm>>
      tpu.wait_indirect_dma semaphore(%run_scoped3A_332 : memref<!tpu.dma_semaphore, #tpu.memory_space<semaphore_mem>>) src(%dma_wait3A_352 : memref<20000x128xf32, #tpu.memory_space<hbm>>) dst(%dma_wait3A_346 : memref<80x128xf32, #tpu.memory_space<vmem>>)
      tpu.yield
    }) : () -> ()
    %run_scoped3A_323 = arith.constant 1 : i32
    %run_scoped3A_324 = arith.constant 1 : i32
    %run_scoped3A_325 = arith.constant 0 : i32
    "tpu.region"() ({
      %run_scoped3A_332 = tpu.sem_alloc : memref<!tpu.dma_semaphore, #tpu.memory_space<semaphore_mem>>
      %dma_start3A_333 = arith.constant 0 : i32
      %dma_start3A_334 = arith.constant 0 : i32
      %dma_start3A_335 = tpu.memref_slice %arg9[%run_scoped3A_323, %dma_start3A_333, %dma_start3A_334] : memref<4x80x128xf32, #tpu.memory_space<vmem>> -> memref<1x80x128xf32, #tpu.memory_space<vmem>>
      %dma_start3A_336 = tpu.memref_squeeze %dma_start3A_335 : memref<1x80x128xf32, #tpu.memory_space<vmem>> -> memref<80x128xf32, #tpu.memory_space<vmem>>
      %dma_start3A_337 = arith.constant 0 : i32
      %dma_start3A_338 = tpu.memref_slice %arg8[%run_scoped3A_324, %run_scoped3A_325, %dma_start3A_337] : memref<8x1x80xi32, #tpu.memory_space<vmem>> -> memref<1x1x80xi32, #tpu.memory_space<vmem>>
      %dma_start3A_339 = tpu.memref_squeeze %dma_start3A_338 : memref<1x1x80xi32, #tpu.memory_space<vmem>> -> memref<80xi32, #tpu.memory_space<vmem>>
      %dma_start3A_340 = arith.constant 0 : i32
      %dma_start3A_341 = arith.constant 0 : i32
      %dma_start3A_342 = tpu.memref_slice %arg13[%dma_start3A_340, %dma_start3A_341] : memref<10000x128xf32, #tpu.memory_space<vmem_shared>> -> memref<10000x128xf32, #tpu.memory_space<vmem_shared>>
      tpu.enqueue_indirect_dma source(%dma_start3A_336 : memref<80x128xf32, #tpu.memory_space<vmem>>) target(%dma_start3A_342 : memref<10000x128xf32, #tpu.memory_space<vmem_shared>>) offsets(%dma_start3A_339 : memref<80xi32, #tpu.memory_space<vmem>>) semaphore(%run_scoped3A_332 : memref<!tpu.dma_semaphore, #tpu.memory_space<semaphore_mem>>) {add = true}
      %dma_wait3A_343 = arith.constant 0 : i32
      %dma_wait3A_344 = arith.constant 0 : i32
      %dma_wait3A_345 = tpu.memref_slice %arg9[%run_scoped3A_323, %dma_wait3A_343, %dma_wait3A_344] : memref<4x80x128xf32, #tpu.memory_space<vmem>> -> memref<1x80x128xf32, #tpu.memory_space<vmem>>
      %dma_wait3A_346 = tpu.memref_squeeze %dma_wait3A_345 : memref<1x80x128xf32, #tpu.memory_space<vmem>> -> memref<80x128xf32, #tpu.memory_space<vmem>>
      %dma_wait3A_347 = arith.constant 0 : i32
      %dma_wait3A_348 = tpu.memref_slice %arg8[%run_scoped3A_324, %run_scoped3A_325, %dma_wait3A_347] : memref<8x1x80xi32, #tpu.memory_space<vmem>> -> memref<1x1x80xi32, #tpu.memory_space<vmem>>
      %dma_wait3A_349 = tpu.memref_squeeze %dma_wait3A_348 : memref<1x1x80xi32, #tpu.memory_space<vmem>> -> memref<80xi32, #tpu.memory_space<vmem>>
      %dma_wait3A_350 = arith.constant 0 : i32
      %dma_wait3A_351 = arith.constant 0 : i32
      %dma_wait3A_352 = tpu.memref_slice %arg13[%dma_wait3A_350, %dma_wait3A_351] : memref<10000x128xf32, #tpu.memory_space<vmem_shared>> -> memref<10000x128xf32, #tpu.memory_space<vmem_shared>>
      tpu.wait_indirect_dma semaphore(%run_scoped3A_332 : memref<!tpu.dma_semaphore, #tpu.memory_space<semaphore_mem>>) src(%dma_wait3A_346 : memref<80x128xf32, #tpu.memory_space<vmem>>) dst(%dma_wait3A_352 : memref<10000x128xf32, #tpu.memory_space<vmem_shared>>)
      tpu.yield
    }) : () -> ()
    %barrier3A_326 = arith.constant 0 : index
    tpu.barrier barrier_id(%barrier3A_326)
    "tpu.region"() ({
      %run_scoped3A_332 = tpu.sem_alloc : memref<!tpu.dma_semaphore, #tpu.memory_space<semaphore_mem>>
      %dma_start3A_333 = arith.constant 0 : i32
      %dma_start3A_334 = tpu.memref_slice %arg6[%arg0, %mul3A_6, %dma_start3A_333] : memref<2x10000x128xf32, #tpu.memory_space<hbm>> -> memref<1x624x128xf32, #tpu.memory_space<hbm>>
      %dma_start3A_335 = tpu.memref_squeeze %dma_start3A_334 : memref<1x624x128xf32, #tpu.memory_space<hbm>> -> memref<624x128xf32, #tpu.memory_space<hbm>>
      %dma_start3A_336 = arith.constant 0 : i32
      %dma_start3A_337 = tpu.memref_slice %arg13[%mul3A_6, %dma_start3A_336] : memref<10000x128xf32, #tpu.memory_space<vmem_shared>> -> memref<624x128xf32, #tpu.memory_space<vmem_shared>>
      tpu.enqueue_dma source(%dma_start3A_337 : memref<624x128xf32, #tpu.memory_space<vmem_shared>>) target(%dma_start3A_335 : memref<624x128xf32, #tpu.memory_space<hbm>>) target_semaphore(%run_scoped3A_332 : memref<!tpu.dma_semaphore, #tpu.memory_space<semaphore_mem>>)
      %dma_wait3A_338 = arith.constant 0 : i32
      %dma_wait3A_339 = tpu.memref_slice %arg6[%arg0, %mul3A_6, %dma_wait3A_338] : memref<2x10000x128xf32, #tpu.memory_space<hbm>> -> memref<1x624x128xf32, #tpu.memory_space<hbm>>
      %dma_wait3A_340 = tpu.memref_squeeze %dma_wait3A_339 : memref<1x624x128xf32, #tpu.memory_space<hbm>> -> memref<624x128xf32, #tpu.memory_space<hbm>>
      %dma_wait3A_341 = arith.constant 0 : i32
      %dma_wait3A_342 = tpu.memref_slice %arg13[%mul3A_6, %dma_wait3A_341] : memref<10000x128xf32, #tpu.memory_space<vmem_shared>> -> memref<624x128xf32, #tpu.memory_space<vmem_shared>>
      tpu.wait_dma2 semaphore(%run_scoped3A_332 : memref<!tpu.dma_semaphore, #tpu.memory_space<semaphore_mem>>) src(%dma_wait3A_342 : memref<624x128xf32, #tpu.memory_space<vmem_shared>>) dst(%dma_wait3A_340 : memref<624x128xf32, #tpu.memory_space<hbm>>)
      tpu.yield
    }) : () -> ()
    %eq3A_327 = arith.constant 15 : i32
    %eq3A_328 = arith.cmpi eq, %arg1, %eq3A_327 : i32
    %convert_element_type3A_329 = arith.extui %eq3A_328 : i1 to i32
    %cond3A_330 = arith.constant 0 : i32
    %cond3A_331 = arith.cmpi ne, %convert_element_type3A_329, %cond3A_330 : i32
    scf.if %cond3A_331 {
      "tpu.region"() ({
        %run_scoped3A_332 = tpu.sem_alloc : memref<!tpu.dma_semaphore, #tpu.memory_space<semaphore_mem>>
        %dma_start3A_333 = arith.constant 9984 : i32
        %dma_start3A_334 = arith.constant 0 : i32
        %dma_start3A_335 = tpu.memref_slice %arg6[%arg0, %dma_start3A_333, %dma_start3A_334] : memref<2x10000x128xf32, #tpu.memory_space<hbm>> -> memref<1x16x128xf32, #tpu.memory_space<hbm>>
        %dma_start3A_336 = tpu.memref_squeeze %dma_start3A_335 : memref<1x16x128xf32, #tpu.memory_space<hbm>> -> memref<16x128xf32, #tpu.memory_space<hbm>>
        %dma_start3A_337 = arith.constant 9984 : i32
        %dma_start3A_338 = arith.constant 0 : i32
        %dma_start3A_339 = tpu.memref_slice %arg13[%dma_start3A_337, %dma_start3A_338] : memref<10000x128xf32, #tpu.memory_space<vmem_shared>> -> memref<16x128xf32, #tpu.memory_space<vmem_shared>>
        tpu.enqueue_dma source(%dma_start3A_339 : memref<16x128xf32, #tpu.memory_space<vmem_shared>>) target(%dma_start3A_336 : memref<16x128xf32, #tpu.memory_space<hbm>>) target_semaphore(%run_scoped3A_332 : memref<!tpu.dma_semaphore, #tpu.memory_space<semaphore_mem>>)
        %dma_wait3A_340 = arith.constant 9984 : i32
        %dma_wait3A_341 = arith.constant 0 : i32
        %dma_wait3A_342 = tpu.memref_slice %arg6[%arg0, %dma_wait3A_340, %dma_wait3A_341] : memref<2x10000x128xf32, #tpu.memory_space<hbm>> -> memref<1x16x128xf32, #tpu.memory_space<hbm>>
        %dma_wait3A_343 = tpu.memref_squeeze %dma_wait3A_342 : memref<1x16x128xf32, #tpu.memory_space<hbm>> -> memref<16x128xf32, #tpu.memory_space<hbm>>
        %dma_wait3A_344 = arith.constant 9984 : i32
        %dma_wait3A_345 = arith.constant 0 : i32
        %dma_wait3A_346 = tpu.memref_slice %arg13[%dma_wait3A_344, %dma_wait3A_345] : memref<10000x128xf32, #tpu.memory_space<vmem_shared>> -> memref<16x128xf32, #tpu.memory_space<vmem_shared>>
        tpu.wait_dma2 semaphore(%run_scoped3A_332 : memref<!tpu.dma_semaphore, #tpu.memory_space<semaphore_mem>>) src(%dma_wait3A_346 : memref<16x128xf32, #tpu.memory_space<vmem_shared>>) dst(%dma_wait3A_343 : memref<16x128xf32, #tpu.memory_space<hbm>>)
        tpu.yield
      }) : () -> ()
    } else {
    }
    return
  }
}

#map = affine_map<(d0, d1) -> (0, 0, 0)>
#map1 = affine_map<(d0, d1) -> (0, 0)>
module attributes {stable_mosaic.version = 14 : i64} {
  func.func @gcn_deg_sc(%arg0: i32, %arg1: i32, %arg2: memref<4000x1x80xi32, #tpu.memory_space<hbm>>, %arg3: memref<624x16xf32, #tpu.memory_space<hbm>>, %arg4: memref<80x16xf32, #tpu.memory_space<hbm>>, %arg5: memref<2x10000x16xf32, #tpu.memory_space<hbm>>, %arg6: memref<125x1x80xi32, #tpu.memory_space<vmem>>, %arg7: memref<80x16xf32, #tpu.memory_space<vmem>>, %arg8: memref<10000x16xf32, #tpu.memory_space<vmem_shared>>) attributes {dimension_semantics = [#tpu.dimension_semantics<core_parallel>, #tpu.dimension_semantics<subcore_parallel>], iteration_bounds = array<i64: 2, 16>, scalar_prefetch = 0 : i64, scratch_operands = 3 : i64, tpu.core_type = #tpu.core_type<sc_vector_subcore>, window_params = [{transform_indices = #map}, {transform_indices = #map1}, {transform_indices = #map1}, {transform_indices = #map}]} {
    "tpu.region"() ({
      %run_scoped3A = tpu.sem_alloc : memref<!tpu.dma_semaphore, #tpu.memory_space<semaphore_mem>>
      tpu.enqueue_dma source(%arg4 : memref<80x16xf32, #tpu.memory_space<hbm>>) target(%arg7 : memref<80x16xf32, #tpu.memory_space<vmem>>) target_semaphore(%run_scoped3A : memref<!tpu.dma_semaphore, #tpu.memory_space<semaphore_mem>>)
      tpu.wait_dma2 semaphore(%run_scoped3A : memref<!tpu.dma_semaphore, #tpu.memory_space<semaphore_mem>>) src(%arg4 : memref<80x16xf32, #tpu.memory_space<hbm>>) dst(%arg7 : memref<80x16xf32, #tpu.memory_space<vmem>>)
      tpu.yield
    }) : () -> ()
    %mul3A = arith.constant 624 : i32
    %mul3A_0 = arith.muli %arg1, %mul3A : i32
    "tpu.region"() ({
      %run_scoped3A = tpu.sem_alloc : memref<!tpu.dma_semaphore, #tpu.memory_space<semaphore_mem>>
      %dma_start3A = arith.constant 0 : i32
      %dma_start3A_17 = tpu.memref_slice %arg8[%mul3A_0, %dma_start3A] : memref<10000x16xf32, #tpu.memory_space<vmem_shared>> -> memref<624x16xf32, #tpu.memory_space<vmem_shared>>
      %dma_start3A_18 = arith.constant 0 : i32
      %dma_start3A_19 = arith.constant 0 : i32
      %dma_start3A_20 = tpu.memref_slice %arg3[%dma_start3A_18, %dma_start3A_19] : memref<624x16xf32, #tpu.memory_space<hbm>> -> memref<624x16xf32, #tpu.memory_space<hbm>>
      tpu.enqueue_dma source(%dma_start3A_20 : memref<624x16xf32, #tpu.memory_space<hbm>>) target(%dma_start3A_17 : memref<624x16xf32, #tpu.memory_space<vmem_shared>>) target_semaphore(%run_scoped3A : memref<!tpu.dma_semaphore, #tpu.memory_space<semaphore_mem>>)
      %dma_wait3A = arith.constant 0 : i32
      %dma_wait3A_21 = tpu.memref_slice %arg8[%mul3A_0, %dma_wait3A] : memref<10000x16xf32, #tpu.memory_space<vmem_shared>> -> memref<624x16xf32, #tpu.memory_space<vmem_shared>>
      %dma_wait3A_22 = arith.constant 0 : i32
      %dma_wait3A_23 = arith.constant 0 : i32
      %dma_wait3A_24 = tpu.memref_slice %arg3[%dma_wait3A_22, %dma_wait3A_23] : memref<624x16xf32, #tpu.memory_space<hbm>> -> memref<624x16xf32, #tpu.memory_space<hbm>>
      tpu.wait_dma2 semaphore(%run_scoped3A : memref<!tpu.dma_semaphore, #tpu.memory_space<semaphore_mem>>) src(%dma_wait3A_24 : memref<624x16xf32, #tpu.memory_space<hbm>>) dst(%dma_wait3A_21 : memref<624x16xf32, #tpu.memory_space<vmem_shared>>)
      tpu.yield
    }) : () -> ()
    %eq3A = arith.constant 15 : i32
    %eq3A_1 = arith.cmpi eq, %arg1, %eq3A : i32
    %convert_element_type3A = arith.extui %eq3A_1 : i1 to i32
    %cond3A = arith.constant 0 : i32
    %cond3A_2 = arith.cmpi ne, %convert_element_type3A, %cond3A : i32
    scf.if %cond3A_2 {
      "tpu.region"() ({
        %run_scoped3A = tpu.sem_alloc : memref<!tpu.dma_semaphore, #tpu.memory_space<semaphore_mem>>
        %dma_start3A = arith.constant 9984 : i32
        %dma_start3A_17 = arith.constant 0 : i32
        %dma_start3A_18 = tpu.memref_slice %arg8[%dma_start3A, %dma_start3A_17] : memref<10000x16xf32, #tpu.memory_space<vmem_shared>> -> memref<16x16xf32, #tpu.memory_space<vmem_shared>>
        %dma_start3A_19 = arith.constant 0 : i32
        %dma_start3A_20 = arith.constant 0 : i32
        %dma_start3A_21 = tpu.memref_slice %arg3[%dma_start3A_19, %dma_start3A_20] : memref<624x16xf32, #tpu.memory_space<hbm>> -> memref<16x16xf32, #tpu.memory_space<hbm>>
        tpu.enqueue_dma source(%dma_start3A_21 : memref<16x16xf32, #tpu.memory_space<hbm>>) target(%dma_start3A_18 : memref<16x16xf32, #tpu.memory_space<vmem_shared>>) target_semaphore(%run_scoped3A : memref<!tpu.dma_semaphore, #tpu.memory_space<semaphore_mem>>)
        %dma_wait3A = arith.constant 9984 : i32
        %dma_wait3A_22 = arith.constant 0 : i32
        %dma_wait3A_23 = tpu.memref_slice %arg8[%dma_wait3A, %dma_wait3A_22] : memref<10000x16xf32, #tpu.memory_space<vmem_shared>> -> memref<16x16xf32, #tpu.memory_space<vmem_shared>>
        %dma_wait3A_24 = arith.constant 0 : i32
        %dma_wait3A_25 = arith.constant 0 : i32
        %dma_wait3A_26 = tpu.memref_slice %arg3[%dma_wait3A_24, %dma_wait3A_25] : memref<624x16xf32, #tpu.memory_space<hbm>> -> memref<16x16xf32, #tpu.memory_space<hbm>>
        tpu.wait_dma2 semaphore(%run_scoped3A : memref<!tpu.dma_semaphore, #tpu.memory_space<semaphore_mem>>) src(%dma_wait3A_26 : memref<16x16xf32, #tpu.memory_space<hbm>>) dst(%dma_wait3A_23 : memref<16x16xf32, #tpu.memory_space<vmem_shared>>)
        tpu.yield
      }) : () -> ()
    } else {
    }
    %mul3A_3 = arith.constant 16 : i32
    %mul3A_4 = arith.muli %arg0, %mul3A_3 : i32
    %add3A = arith.addi %mul3A_4, %arg1 : i32
    %mul3A_5 = arith.constant 125 : i32
    %mul3A_6 = arith.muli %add3A, %mul3A_5 : i32
    "tpu.region"() ({
      %run_scoped3A = tpu.sem_alloc : memref<!tpu.dma_semaphore, #tpu.memory_space<semaphore_mem>>
      %dma_start3A = arith.constant 0 : i32
      %dma_start3A_17 = arith.constant 0 : i32
      %dma_start3A_18 = tpu.memref_slice %arg2[%mul3A_6, %dma_start3A, %dma_start3A_17] : memref<4000x1x80xi32, #tpu.memory_space<hbm>> -> memref<125x1x80xi32, #tpu.memory_space<hbm>>
      %dma_start3A_19 = arith.constant 0 : i32
      %dma_start3A_20 = arith.constant 0 : i32
      %dma_start3A_21 = tpu.memref_slice %arg2[%mul3A_6, %dma_start3A_19, %dma_start3A_20] : memref<4000x1x80xi32, #tpu.memory_space<hbm>> -> memref<125x1x80xi32, #tpu.memory_space<hbm>>
      tpu.enqueue_dma source(%dma_start3A_21 : memref<125x1x80xi32, #tpu.memory_space<hbm>>) target(%arg6 : memref<125x1x80xi32, #tpu.memory_space<vmem>>) target_semaphore(%run_scoped3A : memref<!tpu.dma_semaphore, #tpu.memory_space<semaphore_mem>>)
      %dma_wait3A = arith.constant 0 : i32
      %dma_wait3A_22 = arith.constant 0 : i32
      %dma_wait3A_23 = tpu.memref_slice %arg2[%mul3A_6, %dma_wait3A, %dma_wait3A_22] : memref<4000x1x80xi32, #tpu.memory_space<hbm>> -> memref<125x1x80xi32, #tpu.memory_space<hbm>>
      %dma_wait3A_24 = arith.constant 0 : i32
      %dma_wait3A_25 = arith.constant 0 : i32
      %dma_wait3A_26 = tpu.memref_slice %arg2[%mul3A_6, %dma_wait3A_24, %dma_wait3A_25] : memref<4000x1x80xi32, #tpu.memory_space<hbm>> -> memref<125x1x80xi32, #tpu.memory_space<hbm>>
      tpu.wait_dma2 semaphore(%run_scoped3A : memref<!tpu.dma_semaphore, #tpu.memory_space<semaphore_mem>>) src(%dma_wait3A_26 : memref<125x1x80xi32, #tpu.memory_space<hbm>>) dst(%arg6 : memref<125x1x80xi32, #tpu.memory_space<vmem>>)
      tpu.yield
    }) : () -> ()
    %barrier3A = arith.constant 0 : index
    tpu.barrier barrier_id(%barrier3A)
    %scan3A = arith.constant 0 : i32
    %scan3A_7 = arith.constant 125 : i32
    %scan3A_8 = arith.addi %scan3A, %scan3A_7 : i32
    %scan3A_9 = arith.constant 1 : i32
    scf.for %scan3A_17 = %scan3A to %scan3A_8 step %scan3A_9  : i32 {
      %mul3A_18 = arith.constant 1 : i32
      %mul3A_19 = arith.muli %scan3A_17, %mul3A_18 : i32
      %add3A_20 = arith.constant 0 : i32
      %add3A_21 = arith.addi %add3A_20, %mul3A_19 : i32
      %run_scoped3A = arith.constant 0 : i32
      "tpu.region"() ({
        %run_scoped3A_22 = tpu.sem_alloc : memref<!tpu.dma_semaphore, #tpu.memory_space<semaphore_mem>>
        %dma_start3A = arith.constant 0 : i32
        %dma_start3A_23 = tpu.memref_slice %arg6[%add3A_21, %run_scoped3A, %dma_start3A] : memref<125x1x80xi32, #tpu.memory_space<vmem>> -> memref<1x1x80xi32, #tpu.memory_space<vmem>>
        %dma_start3A_24 = tpu.memref_squeeze %dma_start3A_23 : memref<1x1x80xi32, #tpu.memory_space<vmem>> -> memref<80xi32, #tpu.memory_space<vmem>>
        %dma_start3A_25 = arith.constant 0 : i32
        %dma_start3A_26 = arith.constant 0 : i32
        %dma_start3A_27 = tpu.memref_slice %arg8[%dma_start3A_25, %dma_start3A_26] : memref<10000x16xf32, #tpu.memory_space<vmem_shared>> -> memref<10000x16xf32, #tpu.memory_space<vmem_shared>>
        tpu.enqueue_indirect_dma source(%arg7 : memref<80x16xf32, #tpu.memory_space<vmem>>) target(%dma_start3A_27 : memref<10000x16xf32, #tpu.memory_space<vmem_shared>>) offsets(%dma_start3A_24 : memref<80xi32, #tpu.memory_space<vmem>>) semaphore(%run_scoped3A_22 : memref<!tpu.dma_semaphore, #tpu.memory_space<semaphore_mem>>) {add = true}
        %dma_wait3A = arith.constant 0 : i32
        %dma_wait3A_28 = tpu.memref_slice %arg6[%add3A_21, %run_scoped3A, %dma_wait3A] : memref<125x1x80xi32, #tpu.memory_space<vmem>> -> memref<1x1x80xi32, #tpu.memory_space<vmem>>
        %dma_wait3A_29 = tpu.memref_squeeze %dma_wait3A_28 : memref<1x1x80xi32, #tpu.memory_space<vmem>> -> memref<80xi32, #tpu.memory_space<vmem>>
        %dma_wait3A_30 = arith.constant 0 : i32
        %dma_wait3A_31 = arith.constant 0 : i32
        %dma_wait3A_32 = tpu.memref_slice %arg8[%dma_wait3A_30, %dma_wait3A_31] : memref<10000x16xf32, #tpu.memory_space<vmem_shared>> -> memref<10000x16xf32, #tpu.memory_space<vmem_shared>>
        tpu.wait_indirect_dma semaphore(%run_scoped3A_22 : memref<!tpu.dma_semaphore, #tpu.memory_space<semaphore_mem>>) src(%arg7 : memref<80x16xf32, #tpu.memory_space<vmem>>) dst(%dma_wait3A_32 : memref<10000x16xf32, #tpu.memory_space<vmem_shared>>)
        tpu.yield
      }) : () -> ()
    }
    %scan3A_10 = arith.constant 125 : i32
    %barrier3A_11 = arith.constant 0 : index
    tpu.barrier barrier_id(%barrier3A_11)
    "tpu.region"() ({
      %run_scoped3A = tpu.sem_alloc : memref<!tpu.dma_semaphore, #tpu.memory_space<semaphore_mem>>
      %dma_start3A = arith.constant 0 : i32
      %dma_start3A_17 = tpu.memref_slice %arg5[%arg0, %mul3A_0, %dma_start3A] : memref<2x10000x16xf32, #tpu.memory_space<hbm>> -> memref<1x624x16xf32, #tpu.memory_space<hbm>>
      %dma_start3A_18 = tpu.memref_squeeze %dma_start3A_17 : memref<1x624x16xf32, #tpu.memory_space<hbm>> -> memref<624x16xf32, #tpu.memory_space<hbm>>
      %dma_start3A_19 = arith.constant 0 : i32
      %dma_start3A_20 = tpu.memref_slice %arg8[%mul3A_0, %dma_start3A_19] : memref<10000x16xf32, #tpu.memory_space<vmem_shared>> -> memref<624x16xf32, #tpu.memory_space<vmem_shared>>
      tpu.enqueue_dma source(%dma_start3A_20 : memref<624x16xf32, #tpu.memory_space<vmem_shared>>) target(%dma_start3A_18 : memref<624x16xf32, #tpu.memory_space<hbm>>) target_semaphore(%run_scoped3A : memref<!tpu.dma_semaphore, #tpu.memory_space<semaphore_mem>>)
      %dma_wait3A = arith.constant 0 : i32
      %dma_wait3A_21 = tpu.memref_slice %arg5[%arg0, %mul3A_0, %dma_wait3A] : memref<2x10000x16xf32, #tpu.memory_space<hbm>> -> memref<1x624x16xf32, #tpu.memory_space<hbm>>
      %dma_wait3A_22 = tpu.memref_squeeze %dma_wait3A_21 : memref<1x624x16xf32, #tpu.memory_space<hbm>> -> memref<624x16xf32, #tpu.memory_space<hbm>>
      %dma_wait3A_23 = arith.constant 0 : i32
      %dma_wait3A_24 = tpu.memref_slice %arg8[%mul3A_0, %dma_wait3A_23] : memref<10000x16xf32, #tpu.memory_space<vmem_shared>> -> memref<624x16xf32, #tpu.memory_space<vmem_shared>>
      tpu.wait_dma2 semaphore(%run_scoped3A : memref<!tpu.dma_semaphore, #tpu.memory_space<semaphore_mem>>) src(%dma_wait3A_24 : memref<624x16xf32, #tpu.memory_space<vmem_shared>>) dst(%dma_wait3A_22 : memref<624x16xf32, #tpu.memory_space<hbm>>)
      tpu.yield
    }) : () -> ()
    %eq3A_12 = arith.constant 15 : i32
    %eq3A_13 = arith.cmpi eq, %arg1, %eq3A_12 : i32
    %convert_element_type3A_14 = arith.extui %eq3A_13 : i1 to i32
    %cond3A_15 = arith.constant 0 : i32
    %cond3A_16 = arith.cmpi ne, %convert_element_type3A_14, %cond3A_15 : i32
    scf.if %cond3A_16 {
      "tpu.region"() ({
        %run_scoped3A = tpu.sem_alloc : memref<!tpu.dma_semaphore, #tpu.memory_space<semaphore_mem>>
        %dma_start3A = arith.constant 9984 : i32
        %dma_start3A_17 = arith.constant 0 : i32
        %dma_start3A_18 = tpu.memref_slice %arg5[%arg0, %dma_start3A, %dma_start3A_17] : memref<2x10000x16xf32, #tpu.memory_space<hbm>> -> memref<1x16x16xf32, #tpu.memory_space<hbm>>
        %dma_start3A_19 = tpu.memref_squeeze %dma_start3A_18 : memref<1x16x16xf32, #tpu.memory_space<hbm>> -> memref<16x16xf32, #tpu.memory_space<hbm>>
        %dma_start3A_20 = arith.constant 9984 : i32
        %dma_start3A_21 = arith.constant 0 : i32
        %dma_start3A_22 = tpu.memref_slice %arg8[%dma_start3A_20, %dma_start3A_21] : memref<10000x16xf32, #tpu.memory_space<vmem_shared>> -> memref<16x16xf32, #tpu.memory_space<vmem_shared>>
        tpu.enqueue_dma source(%dma_start3A_22 : memref<16x16xf32, #tpu.memory_space<vmem_shared>>) target(%dma_start3A_19 : memref<16x16xf32, #tpu.memory_space<hbm>>) target_semaphore(%run_scoped3A : memref<!tpu.dma_semaphore, #tpu.memory_space<semaphore_mem>>)
        %dma_wait3A = arith.constant 9984 : i32
        %dma_wait3A_23 = arith.constant 0 : i32
        %dma_wait3A_24 = tpu.memref_slice %arg5[%arg0, %dma_wait3A, %dma_wait3A_23] : memref<2x10000x16xf32, #tpu.memory_space<hbm>> -> memref<1x16x16xf32, #tpu.memory_space<hbm>>
        %dma_wait3A_25 = tpu.memref_squeeze %dma_wait3A_24 : memref<1x16x16xf32, #tpu.memory_space<hbm>> -> memref<16x16xf32, #tpu.memory_space<hbm>>
        %dma_wait3A_26 = arith.constant 9984 : i32
        %dma_wait3A_27 = arith.constant 0 : i32
        %dma_wait3A_28 = tpu.memref_slice %arg8[%dma_wait3A_26, %dma_wait3A_27] : memref<10000x16xf32, #tpu.memory_space<vmem_shared>> -> memref<16x16xf32, #tpu.memory_space<vmem_shared>>
        tpu.wait_dma2 semaphore(%run_scoped3A : memref<!tpu.dma_semaphore, #tpu.memory_space<semaphore_mem>>) src(%dma_wait3A_28 : memref<16x16xf32, #tpu.memory_space<vmem_shared>>) dst(%dma_wait3A_25 : memref<16x16xf32, #tpu.memory_space<hbm>>)
        tpu.yield
      }) : () -> ()
    } else {
    }
    return
  }
}

#map = affine_map<(d0, d1) -> (0, 0)>
#map1 = affine_map<(d0, d1) -> (0, 0, 0)>
module attributes {stable_mosaic.version = 14 : i64} {
  func.func @gcn_msg_sc(%arg0: i32, %arg1: i32, %arg2: memref<20000x128xf32, #tpu.memory_space<hbm>>, %arg3: memref<8000x1x80xi32, #tpu.memory_space<hbm>>, %arg4: memref<4000x1x80xi32, #tpu.memory_space<hbm>>, %arg5: memref<624x128xf32, #tpu.memory_space<hbm>>, %arg6: memref<2x10000x128xf32, #tpu.memory_space<hbm>>, %arg7: memref<8x1x80xi32, #tpu.memory_space<vmem>>, %arg8: memref<8x1x80xi32, #tpu.memory_space<vmem>>, %arg9: memref<4x80x128xf32, #tpu.memory_space<vmem>>, %arg10: memref<8x!tpu.dma_semaphore, #tpu.memory_space<semaphore_mem>>, %arg11: memref<8x!tpu.dma_semaphore, #tpu.memory_space<semaphore_mem>>, %arg12: memref<4x!tpu.dma_semaphore, #tpu.memory_space<semaphore_mem>>, %arg13: memref<10000x128xf32, #tpu.memory_space<vmem_shared>>) attributes {dimension_semantics = [#tpu.dimension_semantics<core_parallel>, #tpu.dimension_semantics<subcore_parallel>], iteration_bounds = array<i64: 2, 16>, scalar_prefetch = 0 : i64, scratch_operands = 7 : i64, tpu.core_type = #tpu.core_type<sc_vector_subcore>, window_params = [{transform_indices = #map}, {transform_indices = #map1}, {transform_indices = #map1}, {transform_indices = #map}, {transform_indices = #map1}]} {
    %mul3A = arith.constant 4000 : i32
    %mul3A_0 = arith.muli %arg0, %mul3A : i32
    %mul3A_1 = arith.constant 250 : i32
    %mul3A_2 = arith.muli %arg1, %mul3A_1 : i32
    %add3A = arith.addi %mul3A_0, %mul3A_2 : i32
    %mul3A_3 = arith.constant 250 : i32
    %mul3A_4 = arith.muli %arg1, %mul3A_3 : i32
    %mul3A_5 = arith.constant 624 : i32
    %mul3A_6 = arith.muli %arg1, %mul3A_5 : i32
    "tpu.region"() ({
      %run_scoped3A_332 = tpu.sem_alloc : memref<!tpu.dma_semaphore, #tpu.memory_space<semaphore_mem>>
      %dma_start3A_333 = arith.constant 0 : i32
      %dma_start3A_334 = tpu.memref_slice %arg13[%mul3A_6, %dma_start3A_333] : memref<10000x128xf32, #tpu.memory_space<vmem_shared>> -> memref<624x128xf32, #tpu.memory_space<vmem_shared>>
      %dma_start3A_335 = arith.constant 0 : i32
      %dma_start3A_336 = arith.constant 0 : i32
      %dma_start3A_337 = tpu.memref_slice %arg5[%dma_start3A_335, %dma_start3A_336] : memref<624x128xf32, #tpu.memory_space<hbm>> -> memref<624x128xf32, #tpu.memory_space<hbm>>
      tpu.enqueue_dma source(%dma_start3A_337 : memref<624x128xf32, #tpu.memory_space<hbm>>) target(%dma_start3A_334 : memref<624x128xf32, #tpu.memory_space<vmem_shared>>) target_semaphore(%run_scoped3A_332 : memref<!tpu.dma_semaphore, #tpu.memory_space<semaphore_mem>>)
      %dma_wait3A_338 = arith.constant 0 : i32
      %dma_wait3A_339 = tpu.memref_slice %arg13[%mul3A_6, %dma_wait3A_338] : memref<10000x128xf32, #tpu.memory_space<vmem_shared>> -> memref<624x128xf32, #tpu.memory_space<vmem_shared>>
      %dma_wait3A_340 = arith.constant 0 : i32
      %dma_wait3A_341 = arith.constant 0 : i32
      %dma_wait3A_342 = tpu.memref_slice %arg5[%dma_wait3A_340, %dma_wait3A_341] : memref<624x128xf32, #tpu.memory_space<hbm>> -> memref<624x128xf32, #tpu.memory_space<hbm>>
      tpu.wait_dma2 semaphore(%run_scoped3A_332 : memref<!tpu.dma_semaphore, #tpu.memory_space<semaphore_mem>>) src(%dma_wait3A_342 : memref<624x128xf32, #tpu.memory_space<hbm>>) dst(%dma_wait3A_339 : memref<624x128xf32, #tpu.memory_space<vmem_shared>>)
      tpu.yield
    }) : () -> ()
    %eq3A = arith.constant 15 : i32
    %eq3A_7 = arith.cmpi eq, %arg1, %eq3A : i32
    %convert_element_type3A = arith.extui %eq3A_7 : i1 to i32
    %cond3A = arith.constant 0 : i32
    %cond3A_8 = arith.cmpi ne, %convert_element_type3A, %cond3A : i32
    scf.if %cond3A_8 {
      "tpu.region"() ({
        %run_scoped3A_332 = tpu.sem_alloc : memref<!tpu.dma_semaphore, #tpu.memory_space<semaphore_mem>>
        %dma_start3A_333 = arith.constant 9984 : i32
        %dma_start3A_334 = arith.constant 0 : i32
        %dma_start3A_335 = tpu.memref_slice %arg13[%dma_start3A_333, %dma_start3A_334] : memref<10000x128xf32, #tpu.memory_space<vmem_shared>> -> memref<16x128xf32, #tpu.memory_space<vmem_shared>>
        %dma_start3A_336 = arith.constant 0 : i32
        %dma_start3A_337 = arith.constant 0 : i32
        %dma_start3A_338 = tpu.memref_slice %arg5[%dma_start3A_336, %dma_start3A_337] : memref<624x128xf32, #tpu.memory_space<hbm>> -> memref<16x128xf32, #tpu.memory_space<hbm>>
        tpu.enqueue_dma source(%dma_start3A_338 : memref<16x128xf32, #tpu.memory_space<hbm>>) target(%dma_start3A_335 : memref<16x128xf32, #tpu.memory_space<vmem_shared>>) target_semaphore(%run_scoped3A_332 : memref<!tpu.dma_semaphore, #tpu.memory_space<semaphore_mem>>)
        %dma_wait3A_339 = arith.constant 9984 : i32
        %dma_wait3A_340 = arith.constant 0 : i32
        %dma_wait3A_341 = tpu.memref_slice %arg13[%dma_wait3A_339, %dma_wait3A_340] : memref<10000x128xf32, #tpu.memory_space<vmem_shared>> -> memref<16x128xf32, #tpu.memory_space<vmem_shared>>
        %dma_wait3A_342 = arith.constant 0 : i32
        %dma_wait3A_343 = arith.constant 0 : i32
        %dma_wait3A_344 = tpu.memref_slice %arg5[%dma_wait3A_342, %dma_wait3A_343] : memref<624x128xf32, #tpu.memory_space<hbm>> -> memref<16x128xf32, #tpu.memory_space<hbm>>
        tpu.wait_dma2 semaphore(%run_scoped3A_332 : memref<!tpu.dma_semaphore, #tpu.memory_space<semaphore_mem>>) src(%dma_wait3A_344 : memref<16x128xf32, #tpu.memory_space<hbm>>) dst(%dma_wait3A_341 : memref<16x128xf32, #tpu.memory_space<vmem_shared>>)
        tpu.yield
      }) : () -> ()
    } else {
    }
    %add3A_9 = arith.constant 0 : i32
    %add3A_10 = arith.addi %add3A, %add3A_9 : i32
    %dma_start3A = arith.constant 0 : i32
    %dma_start3A_11 = arith.constant 0 : i32
    %dma_start3A_12 = arith.constant 0 : i32
    %dma_start3A_13 = arith.constant 0 : i32
    %dma_start3A_14 = tpu.memref_slice %arg7[%dma_start3A_11, %dma_start3A_12, %dma_start3A_13] : memref<8x1x80xi32, #tpu.memory_space<vmem>> -> memref<1x1x80xi32, #tpu.memory_space<vmem>>
    %dma_start3A_15 = arith.constant 0 : i32
    %dma_start3A_16 = arith.constant 0 : i32
    %dma_start3A_17 = tpu.memref_slice %arg3[%add3A_10, %dma_start3A_15, %dma_start3A_16] : memref<8000x1x80xi32, #tpu.memory_space<hbm>> -> memref<1x1x80xi32, #tpu.memory_space<hbm>>
    %dma_start3A_18 = tpu.memref_slice %arg10[%dma_start3A] : memref<8x!tpu.dma_semaphore, #tpu.memory_space<semaphore_mem>> -> memref<1x!tpu.dma_semaphore, #tpu.memory_space<semaphore_mem>>
    %dma_start3A_19 = tpu.memref_squeeze %dma_start3A_18 : memref<1x!tpu.dma_semaphore, #tpu.memory_space<semaphore_mem>> -> memref<!tpu.dma_semaphore, #tpu.memory_space<semaphore_mem>>
    %dma_start3A_20 = arith.constant 0 : i32
    %dma_start3A_21 = arith.constant 0 : i32
    %dma_start3A_22 = arith.constant 0 : i32
    %dma_start3A_23 = tpu.memref_slice %arg7[%dma_start3A_20, %dma_start3A_21, %dma_start3A_22] : memref<8x1x80xi32, #tpu.memory_space<vmem>> -> memref<1x1x80xi32, #tpu.memory_space<vmem>>
    %dma_start3A_24 = arith.constant 0 : i32
    %dma_start3A_25 = arith.constant 0 : i32
    %dma_start3A_26 = tpu.memref_slice %arg3[%add3A_10, %dma_start3A_24, %dma_start3A_25] : memref<8000x1x80xi32, #tpu.memory_space<hbm>> -> memref<1x1x80xi32, #tpu.memory_space<hbm>>
    tpu.enqueue_dma source(%dma_start3A_26 : memref<1x1x80xi32, #tpu.memory_space<hbm>>) target(%dma_start3A_23 : memref<1x1x80xi32, #tpu.memory_space<vmem>>) target_semaphore(%dma_start3A_19 : memref<!tpu.dma_semaphore, #tpu.memory_space<semaphore_mem>>)
    %add3A_27 = arith.constant 0 : i32
    %add3A_28 = arith.addi %mul3A_4, %add3A_27 : i32
    %dma_start3A_29 = arith.constant 0 : i32
    %dma_start3A_30 = arith.constant 0 : i32
    %dma_start3A_31 = arith.constant 0 : i32
    %dma_start3A_32 = arith.constant 0 : i32
    %dma_start3A_33 = tpu.memref_slice %arg8[%dma_start3A_30, %dma_start3A_31, %dma_start3A_32] : memref<8x1x80xi32, #tpu.memory_space<vmem>> -> memref<1x1x80xi32, #tpu.memory_space<vmem>>
    %dma_start3A_34 = arith.constant 0 : i32
    %dma_start3A_35 = arith.constant 0 : i32
    %dma_start3A_36 = tpu.memref_slice %arg4[%add3A_28, %dma_start3A_34, %dma_start3A_35] : memref<4000x1x80xi32, #tpu.memory_space<hbm>> -> memref<1x1x80xi32, #tpu.memory_space<hbm>>
    %dma_start3A_37 = tpu.memref_slice %arg11[%dma_start3A_29] : memref<8x!tpu.dma_semaphore, #tpu.memory_space<semaphore_mem>> -> memref<1x!tpu.dma_semaphore, #tpu.memory_space<semaphore_mem>>
    %dma_start3A_38 = tpu.memref_squeeze %dma_start3A_37 : memref<1x!tpu.dma_semaphore, #tpu.memory_space<semaphore_mem>> -> memref<!tpu.dma_semaphore, #tpu.memory_space<semaphore_mem>>
    %dma_start3A_39 = arith.constant 0 : i32
    %dma_start3A_40 = arith.constant 0 : i32
    %dma_start3A_41 = arith.constant 0 : i32
    %dma_start3A_42 = tpu.memref_slice %arg8[%dma_start3A_39, %dma_start3A_40, %dma_start3A_41] : memref<8x1x80xi32, #tpu.memory_space<vmem>> -> memref<1x1x80xi32, #tpu.memory_space<vmem>>
    %dma_start3A_43 = arith.constant 0 : i32
    %dma_start3A_44 = arith.constant 0 : i32
    %dma_start3A_45 = tpu.memref_slice %arg4[%add3A_28, %dma_start3A_43, %dma_start3A_44] : memref<4000x1x80xi32, #tpu.memory_space<hbm>> -> memref<1x1x80xi32, #tpu.memory_space<hbm>>
    tpu.enqueue_dma source(%dma_start3A_45 : memref<1x1x80xi32, #tpu.memory_space<hbm>>) target(%dma_start3A_42 : memref<1x1x80xi32, #tpu.memory_space<vmem>>) target_semaphore(%dma_start3A_38 : memref<!tpu.dma_semaphore, #tpu.memory_space<semaphore_mem>>)
    %add3A_46 = arith.constant 1 : i32
    %add3A_47 = arith.addi %add3A, %add3A_46 : i32
    %dma_start3A_48 = arith.constant 1 : i32
    %dma_start3A_49 = arith.constant 1 : i32
    %dma_start3A_50 = arith.constant 0 : i32
    %dma_start3A_51 = arith.constant 0 : i32
    %dma_start3A_52 = tpu.memref_slice %arg7[%dma_start3A_49, %dma_start3A_50, %dma_start3A_51] : memref<8x1x80xi32, #tpu.memory_space<vmem>> -> memref<1x1x80xi32, #tpu.memory_space<vmem>>
    %dma_start3A_53 = arith.constant 0 : i32
    %dma_start3A_54 = arith.constant 0 : i32
    %dma_start3A_55 = tpu.memref_slice %arg3[%add3A_47, %dma_start3A_53, %dma_start3A_54] : memref<8000x1x80xi32, #tpu.memory_space<hbm>> -> memref<1x1x80xi32, #tpu.memory_space<hbm>>
    %dma_start3A_56 = tpu.memref_slice %arg10[%dma_start3A_48] : memref<8x!tpu.dma_semaphore, #tpu.memory_space<semaphore_mem>> -> memref<1x!tpu.dma_semaphore, #tpu.memory_space<semaphore_mem>>
    %dma_start3A_57 = tpu.memref_squeeze %dma_start3A_56 : memref<1x!tpu.dma_semaphore, #tpu.memory_space<semaphore_mem>> -> memref<!tpu.dma_semaphore, #tpu.memory_space<semaphore_mem>>
    %dma_start3A_58 = arith.constant 1 : i32
    %dma_start3A_59 = arith.constant 0 : i32
    %dma_start3A_60 = arith.constant 0 : i32
    %dma_start3A_61 = tpu.memref_slice %arg7[%dma_start3A_58, %dma_start3A_59, %dma_start3A_60] : memref<8x1x80xi32, #tpu.memory_space<vmem>> -> memref<1x1x80xi32, #tpu.memory_space<vmem>>
    %dma_start3A_62 = arith.constant 0 : i32
    %dma_start3A_63 = arith.constant 0 : i32
    %dma_start3A_64 = tpu.memref_slice %arg3[%add3A_47, %dma_start3A_62, %dma_start3A_63] : memref<8000x1x80xi32, #tpu.memory_space<hbm>> -> memref<1x1x80xi32, #tpu.memory_space<hbm>>
    tpu.enqueue_dma source(%dma_start3A_64 : memref<1x1x80xi32, #tpu.memory_space<hbm>>) target(%dma_start3A_61 : memref<1x1x80xi32, #tpu.memory_space<vmem>>) target_semaphore(%dma_start3A_57 : memref<!tpu.dma_semaphore, #tpu.memory_space<semaphore_mem>>)
    %add3A_65 = arith.constant 1 : i32
    %add3A_66 = arith.addi %mul3A_4, %add3A_65 : i32
    %dma_start3A_67 = arith.constant 1 : i32
    %dma_start3A_68 = arith.constant 1 : i32
    %dma_start3A_69 = arith.constant 0 : i32
    %dma_start3A_70 = arith.constant 0 : i32
    %dma_start3A_71 = tpu.memref_slice %arg8[%dma_start3A_68, %dma_start3A_69, %dma_start3A_70] : memref<8x1x80xi32, #tpu.memory_space<vmem>> -> memref<1x1x80xi32, #tpu.memory_space<vmem>>
    %dma_start3A_72 = arith.constant 0 : i32
    %dma_start3A_73 = arith.constant 0 : i32
    %dma_start3A_74 = tpu.memref_slice %arg4[%add3A_66, %dma_start3A_72, %dma_start3A_73] : memref<4000x1x80xi32, #tpu.memory_space<hbm>> -> memref<1x1x80xi32, #tpu.memory_space<hbm>>
    %dma_start3A_75 = tpu.memref_slice %arg11[%dma_start3A_67] : memref<8x!tpu.dma_semaphore, #tpu.memory_space<semaphore_mem>> -> memref<1x!tpu.dma_semaphore, #tpu.memory_space<semaphore_mem>>
    %dma_start3A_76 = tpu.memref_squeeze %dma_start3A_75 : memref<1x!tpu.dma_semaphore, #tpu.memory_space<semaphore_mem>> -> memref<!tpu.dma_semaphore, #tpu.memory_space<semaphore_mem>>
    %dma_start3A_77 = arith.constant 1 : i32
    %dma_start3A_78 = arith.constant 0 : i32
    %dma_start3A_79 = arith.constant 0 : i32
    %dma_start3A_80 = tpu.memref_slice %arg8[%dma_start3A_77, %dma_start3A_78, %dma_start3A_79] : memref<8x1x80xi32, #tpu.memory_space<vmem>> -> memref<1x1x80xi32, #tpu.memory_space<vmem>>
    %dma_start3A_81 = arith.constant 0 : i32
    %dma_start3A_82 = arith.constant 0 : i32
    %dma_start3A_83 = tpu.memref_slice %arg4[%add3A_66, %dma_start3A_81, %dma_start3A_82] : memref<4000x1x80xi32, #tpu.memory_space<hbm>> -> memref<1x1x80xi32, #tpu.memory_space<hbm>>
    tpu.enqueue_dma source(%dma_start3A_83 : memref<1x1x80xi32, #tpu.memory_space<hbm>>) target(%dma_start3A_80 : memref<1x1x80xi32, #tpu.memory_space<vmem>>) target_semaphore(%dma_start3A_76 : memref<!tpu.dma_semaphore, #tpu.memory_space<semaphore_mem>>)
    %add3A_84 = arith.constant 2 : i32
    %add3A_85 = arith.addi %add3A, %add3A_84 : i32
    %dma_start3A_86 = arith.constant 2 : i32
    %dma_start3A_87 = arith.constant 2 : i32
    %dma_start3A_88 = arith.constant 0 : i32
    %dma_start3A_89 = arith.constant 0 : i32
    %dma_start3A_90 = tpu.memref_slice %arg7[%dma_start3A_87, %dma_start3A_88, %dma_start3A_89] : memref<8x1x80xi32, #tpu.memory_space<vmem>> -> memref<1x1x80xi32, #tpu.memory_space<vmem>>
    %dma_start3A_91 = arith.constant 0 : i32
    %dma_start3A_92 = arith.constant 0 : i32
    %dma_start3A_93 = tpu.memref_slice %arg3[%add3A_85, %dma_start3A_91, %dma_start3A_92] : memref<8000x1x80xi32, #tpu.memory_space<hbm>> -> memref<1x1x80xi32, #tpu.memory_space<hbm>>
    %dma_start3A_94 = tpu.memref_slice %arg10[%dma_start3A_86] : memref<8x!tpu.dma_semaphore, #tpu.memory_space<semaphore_mem>> -> memref<1x!tpu.dma_semaphore, #tpu.memory_space<semaphore_mem>>
    %dma_start3A_95 = tpu.memref_squeeze %dma_start3A_94 : memref<1x!tpu.dma_semaphore, #tpu.memory_space<semaphore_mem>> -> memref<!tpu.dma_semaphore, #tpu.memory_space<semaphore_mem>>
    %dma_start3A_96 = arith.constant 2 : i32
    %dma_start3A_97 = arith.constant 0 : i32
    %dma_start3A_98 = arith.constant 0 : i32
    %dma_start3A_99 = tpu.memref_slice %arg7[%dma_start3A_96, %dma_start3A_97, %dma_start3A_98] : memref<8x1x80xi32, #tpu.memory_space<vmem>> -> memref<1x1x80xi32, #tpu.memory_space<vmem>>
    %dma_start3A_100 = arith.constant 0 : i32
    %dma_start3A_101 = arith.constant 0 : i32
    %dma_start3A_102 = tpu.memref_slice %arg3[%add3A_85, %dma_start3A_100, %dma_start3A_101] : memref<8000x1x80xi32, #tpu.memory_space<hbm>> -> memref<1x1x80xi32, #tpu.memory_space<hbm>>
    tpu.enqueue_dma source(%dma_start3A_102 : memref<1x1x80xi32, #tpu.memory_space<hbm>>) target(%dma_start3A_99 : memref<1x1x80xi32, #tpu.memory_space<vmem>>) target_semaphore(%dma_start3A_95 : memref<!tpu.dma_semaphore, #tpu.memory_space<semaphore_mem>>)
    %add3A_103 = arith.constant 2 : i32
    %add3A_104 = arith.addi %mul3A_4, %add3A_103 : i32
    %dma_start3A_105 = arith.constant 2 : i32
    %dma_start3A_106 = arith.constant 2 : i32
    %dma_start3A_107 = arith.constant 0 : i32
    %dma_start3A_108 = arith.constant 0 : i32
    %dma_start3A_109 = tpu.memref_slice %arg8[%dma_start3A_106, %dma_start3A_107, %dma_start3A_108] : memref<8x1x80xi32, #tpu.memory_space<vmem>> -> memref<1x1x80xi32, #tpu.memory_space<vmem>>
    %dma_start3A_110 = arith.constant 0 : i32
    %dma_start3A_111 = arith.constant 0 : i32
    %dma_start3A_112 = tpu.memref_slice %arg4[%add3A_104, %dma_start3A_110, %dma_start3A_111] : memref<4000x1x80xi32, #tpu.memory_space<hbm>> -> memref<1x1x80xi32, #tpu.memory_space<hbm>>
    %dma_start3A_113 = tpu.memref_slice %arg11[%dma_start3A_105] : memref<8x!tpu.dma_semaphore, #tpu.memory_space<semaphore_mem>> -> memref<1x!tpu.dma_semaphore, #tpu.memory_space<semaphore_mem>>
    %dma_start3A_114 = tpu.memref_squeeze %dma_start3A_113 : memref<1x!tpu.dma_semaphore, #tpu.memory_space<semaphore_mem>> -> memref<!tpu.dma_semaphore, #tpu.memory_space<semaphore_mem>>
    %dma_start3A_115 = arith.constant 2 : i32
    %dma_start3A_116 = arith.constant 0 : i32
    %dma_start3A_117 = arith.constant 0 : i32
    %dma_start3A_118 = tpu.memref_slice %arg8[%dma_start3A_115, %dma_start3A_116, %dma_start3A_117] : memref<8x1x80xi32, #tpu.memory_space<vmem>> -> memref<1x1x80xi32, #tpu.memory_space<vmem>>
    %dma_start3A_119 = arith.constant 0 : i32
    %dma_start3A_120 = arith.constant 0 : i32
    %dma_start3A_121 = tpu.memref_slice %arg4[%add3A_104, %dma_start3A_119, %dma_start3A_120] : memref<4000x1x80xi32, #tpu.memory_space<hbm>> -> memref<1x1x80xi32, #tpu.memory_space<hbm>>
    tpu.enqueue_dma source(%dma_start3A_121 : memref<1x1x80xi32, #tpu.memory_space<hbm>>) target(%dma_start3A_118 : memref<1x1x80xi32, #tpu.memory_space<vmem>>) target_semaphore(%dma_start3A_114 : memref<!tpu.dma_semaphore, #tpu.memory_space<semaphore_mem>>)
    %add3A_122 = arith.constant 3 : i32
    %add3A_123 = arith.addi %add3A, %add3A_122 : i32
    %dma_start3A_124 = arith.constant 3 : i32
    %dma_start3A_125 = arith.constant 3 : i32
    %dma_start3A_126 = arith.constant 0 : i32
    %dma_start3A_127 = arith.constant 0 : i32
    %dma_start3A_128 = tpu.memref_slice %arg7[%dma_start3A_125, %dma_start3A_126, %dma_start3A_127] : memref<8x1x80xi32, #tpu.memory_space<vmem>> -> memref<1x1x80xi32, #tpu.memory_space<vmem>>
    %dma_start3A_129 = arith.constant 0 : i32
    %dma_start3A_130 = arith.constant 0 : i32
    %dma_start3A_131 = tpu.memref_slice %arg3[%add3A_123, %dma_start3A_129, %dma_start3A_130] : memref<8000x1x80xi32, #tpu.memory_space<hbm>> -> memref<1x1x80xi32, #tpu.memory_space<hbm>>
    %dma_start3A_132 = tpu.memref_slice %arg10[%dma_start3A_124] : memref<8x!tpu.dma_semaphore, #tpu.memory_space<semaphore_mem>> -> memref<1x!tpu.dma_semaphore, #tpu.memory_space<semaphore_mem>>
    %dma_start3A_133 = tpu.memref_squeeze %dma_start3A_132 : memref<1x!tpu.dma_semaphore, #tpu.memory_space<semaphore_mem>> -> memref<!tpu.dma_semaphore, #tpu.memory_space<semaphore_mem>>
    %dma_start3A_134 = arith.constant 3 : i32
    %dma_start3A_135 = arith.constant 0 : i32
    %dma_start3A_136 = arith.constant 0 : i32
    %dma_start3A_137 = tpu.memref_slice %arg7[%dma_start3A_134, %dma_start3A_135, %dma_start3A_136] : memref<8x1x80xi32, #tpu.memory_space<vmem>> -> memref<1x1x80xi32, #tpu.memory_space<vmem>>
    %dma_start3A_138 = arith.constant 0 : i32
    %dma_start3A_139 = arith.constant 0 : i32
    %dma_start3A_140 = tpu.memref_slice %arg3[%add3A_123, %dma_start3A_138, %dma_start3A_139] : memref<8000x1x80xi32, #tpu.memory_space<hbm>> -> memref<1x1x80xi32, #tpu.memory_space<hbm>>
    tpu.enqueue_dma source(%dma_start3A_140 : memref<1x1x80xi32, #tpu.memory_space<hbm>>) target(%dma_start3A_137 : memref<1x1x80xi32, #tpu.memory_space<vmem>>) target_semaphore(%dma_start3A_133 : memref<!tpu.dma_semaphore, #tpu.memory_space<semaphore_mem>>)
    %add3A_141 = arith.constant 3 : i32
    %add3A_142 = arith.addi %mul3A_4, %add3A_141 : i32
    %dma_start3A_143 = arith.constant 3 : i32
    %dma_start3A_144 = arith.constant 3 : i32
    %dma_start3A_145 = arith.constant 0 : i32
    %dma_start3A_146 = arith.constant 0 : i32
    %dma_start3A_147 = tpu.memref_slice %arg8[%dma_start3A_144, %dma_start3A_145, %dma_start3A_146] : memref<8x1x80xi32, #tpu.memory_space<vmem>> -> memref<1x1x80xi32, #tpu.memory_space<vmem>>
    %dma_start3A_148 = arith.constant 0 : i32
    %dma_start3A_149 = arith.constant 0 : i32
    %dma_start3A_150 = tpu.memref_slice %arg4[%add3A_142, %dma_start3A_148, %dma_start3A_149] : memref<4000x1x80xi32, #tpu.memory_space<hbm>> -> memref<1x1x80xi32, #tpu.memory_space<hbm>>
    %dma_start3A_151 = tpu.memref_slice %arg11[%dma_start3A_143] : memref<8x!tpu.dma_semaphore, #tpu.memory_space<semaphore_mem>> -> memref<1x!tpu.dma_semaphore, #tpu.memory_space<semaphore_mem>>
    %dma_start3A_152 = tpu.memref_squeeze %dma_start3A_151 : memref<1x!tpu.dma_semaphore, #tpu.memory_space<semaphore_mem>> -> memref<!tpu.dma_semaphore, #tpu.memory_space<semaphore_mem>>
    %dma_start3A_153 = arith.constant 3 : i32
    %dma_start3A_154 = arith.constant 0 : i32
    %dma_start3A_155 = arith.constant 0 : i32
    %dma_start3A_156 = tpu.memref_slice %arg8[%dma_start3A_153, %dma_start3A_154, %dma_start3A_155] : memref<8x1x80xi32, #tpu.memory_space<vmem>> -> memref<1x1x80xi32, #tpu.memory_space<vmem>>
    %dma_start3A_157 = arith.constant 0 : i32
    %dma_start3A_158 = arith.constant 0 : i32
    %dma_start3A_159 = tpu.memref_slice %arg4[%add3A_142, %dma_start3A_157, %dma_start3A_158] : memref<4000x1x80xi32, #tpu.memory_space<hbm>> -> memref<1x1x80xi32, #tpu.memory_space<hbm>>
    tpu.enqueue_dma source(%dma_start3A_159 : memref<1x1x80xi32, #tpu.memory_space<hbm>>) target(%dma_start3A_156 : memref<1x1x80xi32, #tpu.memory_space<vmem>>) target_semaphore(%dma_start3A_152 : memref<!tpu.dma_semaphore, #tpu.memory_space<semaphore_mem>>)
    %add3A_160 = arith.constant 4 : i32
    %add3A_161 = arith.addi %add3A, %add3A_160 : i32
    %dma_start3A_162 = arith.constant 4 : i32
    %dma_start3A_163 = arith.constant 4 : i32
    %dma_start3A_164 = arith.constant 0 : i32
    %dma_start3A_165 = arith.constant 0 : i32
    %dma_start3A_166 = tpu.memref_slice %arg7[%dma_start3A_163, %dma_start3A_164, %dma_start3A_165] : memref<8x1x80xi32, #tpu.memory_space<vmem>> -> memref<1x1x80xi32, #tpu.memory_space<vmem>>
    %dma_start3A_167 = arith.constant 0 : i32
    %dma_start3A_168 = arith.constant 0 : i32
    %dma_start3A_169 = tpu.memref_slice %arg3[%add3A_161, %dma_start3A_167, %dma_start3A_168] : memref<8000x1x80xi32, #tpu.memory_space<hbm>> -> memref<1x1x80xi32, #tpu.memory_space<hbm>>
    %dma_start3A_170 = tpu.memref_slice %arg10[%dma_start3A_162] : memref<8x!tpu.dma_semaphore, #tpu.memory_space<semaphore_mem>> -> memref<1x!tpu.dma_semaphore, #tpu.memory_space<semaphore_mem>>
    %dma_start3A_171 = tpu.memref_squeeze %dma_start3A_170 : memref<1x!tpu.dma_semaphore, #tpu.memory_space<semaphore_mem>> -> memref<!tpu.dma_semaphore, #tpu.memory_space<semaphore_mem>>
    %dma_start3A_172 = arith.constant 4 : i32
    %dma_start3A_173 = arith.constant 0 : i32
    %dma_start3A_174 = arith.constant 0 : i32
    %dma_start3A_175 = tpu.memref_slice %arg7[%dma_start3A_172, %dma_start3A_173, %dma_start3A_174] : memref<8x1x80xi32, #tpu.memory_space<vmem>> -> memref<1x1x80xi32, #tpu.memory_space<vmem>>
    %dma_start3A_176 = arith.constant 0 : i32
    %dma_start3A_177 = arith.constant 0 : i32
    %dma_start3A_178 = tpu.memref_slice %arg3[%add3A_161, %dma_start3A_176, %dma_start3A_177] : memref<8000x1x80xi32, #tpu.memory_space<hbm>> -> memref<1x1x80xi32, #tpu.memory_space<hbm>>
    tpu.enqueue_dma source(%dma_start3A_178 : memref<1x1x80xi32, #tpu.memory_space<hbm>>) target(%dma_start3A_175 : memref<1x1x80xi32, #tpu.memory_space<vmem>>) target_semaphore(%dma_start3A_171 : memref<!tpu.dma_semaphore, #tpu.memory_space<semaphore_mem>>)
    %add3A_179 = arith.constant 4 : i32
    %add3A_180 = arith.addi %mul3A_4, %add3A_179 : i32
    %dma_start3A_181 = arith.constant 4 : i32
    %dma_start3A_182 = arith.constant 4 : i32
    %dma_start3A_183 = arith.constant 0 : i32
    %dma_start3A_184 = arith.constant 0 : i32
    %dma_start3A_185 = tpu.memref_slice %arg8[%dma_start3A_182, %dma_start3A_183, %dma_start3A_184] : memref<8x1x80xi32, #tpu.memory_space<vmem>> -> memref<1x1x80xi32, #tpu.memory_space<vmem>>
    %dma_start3A_186 = arith.constant 0 : i32
    %dma_start3A_187 = arith.constant 0 : i32
    %dma_start3A_188 = tpu.memref_slice %arg4[%add3A_180, %dma_start3A_186, %dma_start3A_187] : memref<4000x1x80xi32, #tpu.memory_space<hbm>> -> memref<1x1x80xi32, #tpu.memory_space<hbm>>
    %dma_start3A_189 = tpu.memref_slice %arg11[%dma_start3A_181] : memref<8x!tpu.dma_semaphore, #tpu.memory_space<semaphore_mem>> -> memref<1x!tpu.dma_semaphore, #tpu.memory_space<semaphore_mem>>
    %dma_start3A_190 = tpu.memref_squeeze %dma_start3A_189 : memref<1x!tpu.dma_semaphore, #tpu.memory_space<semaphore_mem>> -> memref<!tpu.dma_semaphore, #tpu.memory_space<semaphore_mem>>
    %dma_start3A_191 = arith.constant 4 : i32
    %dma_start3A_192 = arith.constant 0 : i32
    %dma_start3A_193 = arith.constant 0 : i32
    %dma_start3A_194 = tpu.memref_slice %arg8[%dma_start3A_191, %dma_start3A_192, %dma_start3A_193] : memref<8x1x80xi32, #tpu.memory_space<vmem>> -> memref<1x1x80xi32, #tpu.memory_space<vmem>>
    %dma_start3A_195 = arith.constant 0 : i32
    %dma_start3A_196 = arith.constant 0 : i32
    %dma_start3A_197 = tpu.memref_slice %arg4[%add3A_180, %dma_start3A_195, %dma_start3A_196] : memref<4000x1x80xi32, #tpu.memory_space<hbm>> -> memref<1x1x80xi32, #tpu.memory_space<hbm>>
    tpu.enqueue_dma source(%dma_start3A_197 : memref<1x1x80xi32, #tpu.memory_space<hbm>>) target(%dma_start3A_194 : memref<1x1x80xi32, #tpu.memory_space<vmem>>) target_semaphore(%dma_start3A_190 : memref<!tpu.dma_semaphore, #tpu.memory_space<semaphore_mem>>)
    %add3A_198 = arith.constant 5 : i32
    %add3A_199 = arith.addi %add3A, %add3A_198 : i32
    %dma_start3A_200 = arith.constant 5 : i32
    %dma_start3A_201 = arith.constant 5 : i32
    %dma_start3A_202 = arith.constant 0 : i32
    %dma_start3A_203 = arith.constant 0 : i32
    %dma_start3A_204 = tpu.memref_slice %arg7[%dma_start3A_201, %dma_start3A_202, %dma_start3A_203] : memref<8x1x80xi32, #tpu.memory_space<vmem>> -> memref<1x1x80xi32, #tpu.memory_space<vmem>>
    %dma_start3A_205 = arith.constant 0 : i32
    %dma_start3A_206 = arith.constant 0 : i32
    %dma_start3A_207 = tpu.memref_slice %arg3[%add3A_199, %dma_start3A_205, %dma_start3A_206] : memref<8000x1x80xi32, #tpu.memory_space<hbm>> -> memref<1x1x80xi32, #tpu.memory_space<hbm>>
    %dma_start3A_208 = tpu.memref_slice %arg10[%dma_start3A_200] : memref<8x!tpu.dma_semaphore, #tpu.memory_space<semaphore_mem>> -> memref<1x!tpu.dma_semaphore, #tpu.memory_space<semaphore_mem>>
    %dma_start3A_209 = tpu.memref_squeeze %dma_start3A_208 : memref<1x!tpu.dma_semaphore, #tpu.memory_space<semaphore_mem>> -> memref<!tpu.dma_semaphore, #tpu.memory_space<semaphore_mem>>
    %dma_start3A_210 = arith.constant 5 : i32
    %dma_start3A_211 = arith.constant 0 : i32
    %dma_start3A_212 = arith.constant 0 : i32
    %dma_start3A_213 = tpu.memref_slice %arg7[%dma_start3A_210, %dma_start3A_211, %dma_start3A_212] : memref<8x1x80xi32, #tpu.memory_space<vmem>> -> memref<1x1x80xi32, #tpu.memory_space<vmem>>
    %dma_start3A_214 = arith.constant 0 : i32
    %dma_start3A_215 = arith.constant 0 : i32
    %dma_start3A_216 = tpu.memref_slice %arg3[%add3A_199, %dma_start3A_214, %dma_start3A_215] : memref<8000x1x80xi32, #tpu.memory_space<hbm>> -> memref<1x1x80xi32, #tpu.memory_space<hbm>>
    tpu.enqueue_dma source(%dma_start3A_216 : memref<1x1x80xi32, #tpu.memory_space<hbm>>) target(%dma_start3A_213 : memref<1x1x80xi32, #tpu.memory_space<vmem>>) target_semaphore(%dma_start3A_209 : memref<!tpu.dma_semaphore, #tpu.memory_space<semaphore_mem>>)
    %add3A_217 = arith.constant 5 : i32
    %add3A_218 = arith.addi %mul3A_4, %add3A_217 : i32
    %dma_start3A_219 = arith.constant 5 : i32
    %dma_start3A_220 = arith.constant 5 : i32
    %dma_start3A_221 = arith.constant 0 : i32
    %dma_start3A_222 = arith.constant 0 : i32
    %dma_start3A_223 = tpu.memref_slice %arg8[%dma_start3A_220, %dma_start3A_221, %dma_start3A_222] : memref<8x1x80xi32, #tpu.memory_space<vmem>> -> memref<1x1x80xi32, #tpu.memory_space<vmem>>
    %dma_start3A_224 = arith.constant 0 : i32
    %dma_start3A_225 = arith.constant 0 : i32
    %dma_start3A_226 = tpu.memref_slice %arg4[%add3A_218, %dma_start3A_224, %dma_start3A_225] : memref<4000x1x80xi32, #tpu.memory_space<hbm>> -> memref<1x1x80xi32, #tpu.memory_space<hbm>>
    %dma_start3A_227 = tpu.memref_slice %arg11[%dma_start3A_219] : memref<8x!tpu.dma_semaphore, #tpu.memory_space<semaphore_mem>> -> memref<1x!tpu.dma_semaphore, #tpu.memory_space<semaphore_mem>>
    %dma_start3A_228 = tpu.memref_squeeze %dma_start3A_227 : memref<1x!tpu.dma_semaphore, #tpu.memory_space<semaphore_mem>> -> memref<!tpu.dma_semaphore, #tpu.memory_space<semaphore_mem>>
    %dma_start3A_229 = arith.constant 5 : i32
    %dma_start3A_230 = arith.constant 0 : i32
    %dma_start3A_231 = arith.constant 0 : i32
    %dma_start3A_232 = tpu.memref_slice %arg8[%dma_start3A_229, %dma_start3A_230, %dma_start3A_231] : memref<8x1x80xi32, #tpu.memory_space<vmem>> -> memref<1x1x80xi32, #tpu.memory_space<vmem>>
    %dma_start3A_233 = arith.constant 0 : i32
    %dma_start3A_234 = arith.constant 0 : i32
    %dma_start3A_235 = tpu.memref_slice %arg4[%add3A_218, %dma_start3A_233, %dma_start3A_234] : memref<4000x1x80xi32, #tpu.memory_space<hbm>> -> memref<1x1x80xi32, #tpu.memory_space<hbm>>
    tpu.enqueue_dma source(%dma_start3A_235 : memref<1x1x80xi32, #tpu.memory_space<hbm>>) target(%dma_start3A_232 : memref<1x1x80xi32, #tpu.memory_space<vmem>>) target_semaphore(%dma_start3A_228 : memref<!tpu.dma_semaphore, #tpu.memory_space<semaphore_mem>>)
    %barrier3A = arith.constant 0 : index
    tpu.barrier barrier_id(%barrier3A)
    %scan3A = arith.constant 0 : i32
    %scan3A_236 = arith.constant 31 : i32
    %scan3A_237 = arith.addi %scan3A, %scan3A_236 : i32
    %scan3A_238 = arith.constant 1 : i32
    scf.for %scan3A_332 = %scan3A to %scan3A_237 step %scan3A_238  : i32 {
      %mul3A_333 = arith.constant 1 : i32
      %mul3A_334 = arith.muli %scan3A_332, %mul3A_333 : i32
      %add3A_335 = arith.constant 0 : i32
      %add3A_336 = arith.addi %add3A_335, %mul3A_334 : i32
      %mul3A_337 = arith.constant 8 : i32
      %mul3A_338 = arith.muli %add3A_336, %mul3A_337 : i32
      %add3A_339 = arith.constant 0 : i32
      %add3A_340 = arith.addi %mul3A_338, %add3A_339 : i32
      %dma_wait3A_341 = arith.constant 0 : i32
      %dma_wait3A_342 = arith.constant 0 : i32
      %dma_wait3A_343 = arith.constant 0 : i32
      %dma_wait3A_344 = arith.constant 0 : i32
      %dma_wait3A_345 = tpu.memref_slice %arg7[%dma_wait3A_342, %dma_wait3A_343, %dma_wait3A_344] : memref<8x1x80xi32, #tpu.memory_space<vmem>> -> memref<1x1x80xi32, #tpu.memory_space<vmem>>
      %dma_wait3A_346 = arith.constant 0 : i32
      %dma_wait3A_347 = arith.constant 0 : i32
      %dma_wait3A_348 = arith.constant 0 : i32
      %dma_wait3A_349 = tpu.memref_slice %arg3[%dma_wait3A_346, %dma_wait3A_347, %dma_wait3A_348] : memref<8000x1x80xi32, #tpu.memory_space<hbm>> -> memref<1x1x80xi32, #tpu.memory_space<hbm>>
      %dma_wait3A_350 = tpu.memref_slice %arg10[%dma_wait3A_341] : memref<8x!tpu.dma_semaphore, #tpu.memory_space<semaphore_mem>> -> memref<1x!tpu.dma_semaphore, #tpu.memory_space<semaphore_mem>>
      %dma_wait3A_351 = tpu.memref_squeeze %dma_wait3A_350 : memref<1x!tpu.dma_semaphore, #tpu.memory_space<semaphore_mem>> -> memref<!tpu.dma_semaphore, #tpu.memory_space<semaphore_mem>>
      %dma_wait3A_352 = arith.constant 0 : i32
      %dma_wait3A_353 = arith.constant 0 : i32
      %dma_wait3A_354 = arith.constant 0 : i32
      %dma_wait3A_355 = tpu.memref_slice %arg7[%dma_wait3A_352, %dma_wait3A_353, %dma_wait3A_354] : memref<8x1x80xi32, #tpu.memory_space<vmem>> -> memref<1x1x80xi32, #tpu.memory_space<vmem>>
      %dma_wait3A_356 = arith.constant 0 : i32
      %dma_wait3A_357 = arith.constant 0 : i32
      %dma_wait3A_358 = arith.constant 0 : i32
      %dma_wait3A_359 = tpu.memref_slice %arg3[%dma_wait3A_356, %dma_wait3A_357, %dma_wait3A_358] : memref<8000x1x80xi32, #tpu.memory_space<hbm>> -> memref<1x1x80xi32, #tpu.memory_space<hbm>>
      tpu.wait_dma2 semaphore(%dma_wait3A_351 : memref<!tpu.dma_semaphore, #tpu.memory_space<semaphore_mem>>) src(%dma_wait3A_359 : memref<1x1x80xi32, #tpu.memory_space<hbm>>) dst(%dma_wait3A_355 : memref<1x1x80xi32, #tpu.memory_space<vmem>>)
      %dma_wait3A_360 = arith.constant 0 : i32
      %dma_wait3A_361 = arith.constant 0 : i32
      %dma_wait3A_362 = arith.constant 0 : i32
      %dma_wait3A_363 = arith.constant 0 : i32
      %dma_wait3A_364 = tpu.memref_slice %arg8[%dma_wait3A_361, %dma_wait3A_362, %dma_wait3A_363] : memref<8x1x80xi32, #tpu.memory_space<vmem>> -> memref<1x1x80xi32, #tpu.memory_space<vmem>>
      %dma_wait3A_365 = arith.constant 0 : i32
      %dma_wait3A_366 = arith.constant 0 : i32
      %dma_wait3A_367 = arith.constant 0 : i32
      %dma_wait3A_368 = tpu.memref_slice %arg4[%dma_wait3A_365, %dma_wait3A_366, %dma_wait3A_367] : memref<4000x1x80xi32, #tpu.memory_space<hbm>> -> memref<1x1x80xi32, #tpu.memory_space<hbm>>
      %dma_wait3A_369 = tpu.memref_slice %arg11[%dma_wait3A_360] : memref<8x!tpu.dma_semaphore, #tpu.memory_space<semaphore_mem>> -> memref<1x!tpu.dma_semaphore, #tpu.memory_space<semaphore_mem>>
      %dma_wait3A_370 = tpu.memref_squeeze %dma_wait3A_369 : memref<1x!tpu.dma_semaphore, #tpu.memory_space<semaphore_mem>> -> memref<!tpu.dma_semaphore, #tpu.memory_space<semaphore_mem>>
      %dma_wait3A_371 = arith.constant 0 : i32
      %dma_wait3A_372 = arith.constant 0 : i32
      %dma_wait3A_373 = arith.constant 0 : i32
      %dma_wait3A_374 = tpu.memref_slice %arg8[%dma_wait3A_371, %dma_wait3A_372, %dma_wait3A_373] : memref<8x1x80xi32, #tpu.memory_space<vmem>> -> memref<1x1x80xi32, #tpu.memory_space<vmem>>
      %dma_wait3A_375 = arith.constant 0 : i32
      %dma_wait3A_376 = arith.constant 0 : i32
      %dma_wait3A_377 = arith.constant 0 : i32
      %dma_wait3A_378 = tpu.memref_slice %arg4[%dma_wait3A_375, %dma_wait3A_376, %dma_wait3A_377] : memref<4000x1x80xi32, #tpu.memory_space<hbm>> -> memref<1x1x80xi32, #tpu.memory_space<hbm>>
      tpu.wait_dma2 semaphore(%dma_wait3A_370 : memref<!tpu.dma_semaphore, #tpu.memory_space<semaphore_mem>>) src(%dma_wait3A_378 : memref<1x1x80xi32, #tpu.memory_space<hbm>>) dst(%dma_wait3A_374 : memref<1x1x80xi32, #tpu.memory_space<vmem>>)
      %run_scoped3A_379 = arith.constant 0 : i32
      %run_scoped3A_380 = arith.constant 0 : i32
      %run_scoped3A_381 = arith.constant 0 : i32
      "tpu.region"() ({
        %run_scoped3A_776 = tpu.sem_alloc : memref<!tpu.dma_semaphore, #tpu.memory_space<semaphore_mem>>
        %dma_start3A_777 = arith.constant 0 : i32
        %dma_start3A_778 = arith.constant 0 : i32
        %dma_start3A_779 = tpu.memref_slice %arg9[%run_scoped3A_381, %dma_start3A_777, %dma_start3A_778] : memref<4x80x128xf32, #tpu.memory_space<vmem>> -> memref<1x80x128xf32, #tpu.memory_space<vmem>>
        %dma_start3A_780 = tpu.memref_squeeze %dma_start3A_779 : memref<1x80x128xf32, #tpu.memory_space<vmem>> -> memref<80x128xf32, #tpu.memory_space<vmem>>
        %dma_start3A_781 = arith.constant 0 : i32
        %dma_start3A_782 = tpu.memref_slice %arg7[%run_scoped3A_379, %run_scoped3A_380, %dma_start3A_781] : memref<8x1x80xi32, #tpu.memory_space<vmem>> -> memref<1x1x80xi32, #tpu.memory_space<vmem>>
        %dma_start3A_783 = tpu.memref_squeeze %dma_start3A_782 : memref<1x1x80xi32, #tpu.memory_space<vmem>> -> memref<80xi32, #tpu.memory_space<vmem>>
        %dma_start3A_784 = arith.constant 0 : i32
        %dma_start3A_785 = arith.constant 0 : i32
        %dma_start3A_786 = tpu.memref_slice %arg2[%dma_start3A_784, %dma_start3A_785] : memref<20000x128xf32, #tpu.memory_space<hbm>> -> memref<20000x128xf32, #tpu.memory_space<hbm>>
        tpu.enqueue_indirect_dma source(%dma_start3A_786 : memref<20000x128xf32, #tpu.memory_space<hbm>>) target(%dma_start3A_780 : memref<80x128xf32, #tpu.memory_space<vmem>>) offsets(%dma_start3A_783 : memref<80xi32, #tpu.memory_space<vmem>>) semaphore(%run_scoped3A_776 : memref<!tpu.dma_semaphore, #tpu.memory_space<semaphore_mem>>)
        %dma_wait3A_787 = arith.constant 0 : i32
        %dma_wait3A_788 = arith.constant 0 : i32
        %dma_wait3A_789 = tpu.memref_slice %arg9[%run_scoped3A_381, %dma_wait3A_787, %dma_wait3A_788] : memref<4x80x128xf32, #tpu.memory_space<vmem>> -> memref<1x80x128xf32, #tpu.memory_space<vmem>>
        %dma_wait3A_790 = tpu.memref_squeeze %dma_wait3A_789 : memref<1x80x128xf32, #tpu.memory_space<vmem>> -> memref<80x128xf32, #tpu.memory_space<vmem>>
        %dma_wait3A_791 = arith.constant 0 : i32
        %dma_wait3A_792 = tpu.memref_slice %arg7[%run_scoped3A_379, %run_scoped3A_380, %dma_wait3A_791] : memref<8x1x80xi32, #tpu.memory_space<vmem>> -> memref<1x1x80xi32, #tpu.memory_space<vmem>>
        %dma_wait3A_793 = tpu.memref_squeeze %dma_wait3A_792 : memref<1x1x80xi32, #tpu.memory_space<vmem>> -> memref<80xi32, #tpu.memory_space<vmem>>
        %dma_wait3A_794 = arith.constant 0 : i32
        %dma_wait3A_795 = arith.constant 0 : i32
        %dma_wait3A_796 = tpu.memref_slice %arg2[%dma_wait3A_794, %dma_wait3A_795] : memref<20000x128xf32, #tpu.memory_space<hbm>> -> memref<20000x128xf32, #tpu.memory_space<hbm>>
        tpu.wait_indirect_dma semaphore(%run_scoped3A_776 : memref<!tpu.dma_semaphore, #tpu.memory_space<semaphore_mem>>) src(%dma_wait3A_796 : memref<20000x128xf32, #tpu.memory_space<hbm>>) dst(%dma_wait3A_790 : memref<80x128xf32, #tpu.memory_space<vmem>>)
        tpu.yield
      }) : () -> ()
      %run_scoped3A_382 = arith.constant 0 : i32
      %run_scoped3A_383 = arith.constant 0 : i32
      %run_scoped3A_384 = arith.constant 0 : i32
      "tpu.region"() ({
        %run_scoped3A_776 = tpu.sem_alloc : memref<!tpu.dma_semaphore, #tpu.memory_space<semaphore_mem>>
        %dma_start3A_777 = arith.constant 0 : i32
        %dma_start3A_778 = arith.constant 0 : i32
        %dma_start3A_779 = tpu.memref_slice %arg9[%run_scoped3A_382, %dma_start3A_777, %dma_start3A_778] : memref<4x80x128xf32, #tpu.memory_space<vmem>> -> memref<1x80x128xf32, #tpu.memory_space<vmem>>
        %dma_start3A_780 = tpu.memref_squeeze %dma_start3A_779 : memref<1x80x128xf32, #tpu.memory_space<vmem>> -> memref<80x128xf32, #tpu.memory_space<vmem>>
        %dma_start3A_781 = arith.constant 0 : i32
        %dma_start3A_782 = tpu.memref_slice %arg8[%run_scoped3A_383, %run_scoped3A_384, %dma_start3A_781] : memref<8x1x80xi32, #tpu.memory_space<vmem>> -> memref<1x1x80xi32, #tpu.memory_space<vmem>>
        %dma_start3A_783 = tpu.memref_squeeze %dma_start3A_782 : memref<1x1x80xi32, #tpu.memory_space<vmem>> -> memref<80xi32, #tpu.memory_space<vmem>>
        %dma_start3A_784 = arith.constant 0 : i32
        %dma_start3A_785 = arith.constant 0 : i32
        %dma_start3A_786 = tpu.memref_slice %arg13[%dma_start3A_784, %dma_start3A_785] : memref<10000x128xf32, #tpu.memory_space<vmem_shared>> -> memref<10000x128xf32, #tpu.memory_space<vmem_shared>>
        tpu.enqueue_indirect_dma source(%dma_start3A_780 : memref<80x128xf32, #tpu.memory_space<vmem>>) target(%dma_start3A_786 : memref<10000x128xf32, #tpu.memory_space<vmem_shared>>) offsets(%dma_start3A_783 : memref<80xi32, #tpu.memory_space<vmem>>) semaphore(%run_scoped3A_776 : memref<!tpu.dma_semaphore, #tpu.memory_space<semaphore_mem>>) {add = true}
        %dma_wait3A_787 = arith.constant 0 : i32
        %dma_wait3A_788 = arith.constant 0 : i32
        %dma_wait3A_789 = tpu.memref_slice %arg9[%run_scoped3A_382, %dma_wait3A_787, %dma_wait3A_788] : memref<4x80x128xf32, #tpu.memory_space<vmem>> -> memref<1x80x128xf32, #tpu.memory_space<vmem>>
        %dma_wait3A_790 = tpu.memref_squeeze %dma_wait3A_789 : memref<1x80x128xf32, #tpu.memory_space<vmem>> -> memref<80x128xf32, #tpu.memory_space<vmem>>
        %dma_wait3A_791 = arith.constant 0 : i32
        %dma_wait3A_792 = tpu.memref_slice %arg8[%run_scoped3A_383, %run_scoped3A_384, %dma_wait3A_791] : memref<8x1x80xi32, #tpu.memory_space<vmem>> -> memref<1x1x80xi32, #tpu.memory_space<vmem>>
        %dma_wait3A_793 = tpu.memref_squeeze %dma_wait3A_792 : memref<1x1x80xi32, #tpu.memory_space<vmem>> -> memref<80xi32, #tpu.memory_space<vmem>>
        %dma_wait3A_794 = arith.constant 0 : i32
        %dma_wait3A_795 = arith.constant 0 : i32
        %dma_wait3A_796 = tpu.memref_slice %arg13[%dma_wait3A_794, %dma_wait3A_795] : memref<10000x128xf32, #tpu.memory_space<vmem_shared>> -> memref<10000x128xf32, #tpu.memory_space<vmem_shared>>
        tpu.wait_indirect_dma semaphore(%run_scoped3A_776 : memref<!tpu.dma_semaphore, #tpu.memory_space<semaphore_mem>>) src(%dma_wait3A_790 : memref<80x128xf32, #tpu.memory_space<vmem>>) dst(%dma_wait3A_796 : memref<10000x128xf32, #tpu.memory_space<vmem_shared>>)
        tpu.yield
      }) : () -> ()
      %add3A_385 = arith.constant 6 : i32
      %add3A_386 = arith.addi %add3A_340, %add3A_385 : i32
      %lt3A = arith.constant 250 : i32
      %lt3A_387 = arith.cmpi slt, %add3A_386, %lt3A : i32
      %convert_element_type3A_388 = arith.extui %lt3A_387 : i1 to i32
      %cond3A_389 = arith.constant 0 : i32
      %cond3A_390 = arith.cmpi ne, %convert_element_type3A_388, %cond3A_389 : i32
      scf.if %cond3A_390 {
        %add3A_776 = arith.addi %add3A, %add3A_340 : i32
        %add3A_777 = arith.constant 6 : i32
        %add3A_778 = arith.addi %add3A_776, %add3A_777 : i32
        %dma_start3A_779 = arith.constant 6 : i32
        %dma_start3A_780 = arith.constant 6 : i32
        %dma_start3A_781 = arith.constant 0 : i32
        %dma_start3A_782 = arith.constant 0 : i32
        %dma_start3A_783 = tpu.memref_slice %arg7[%dma_start3A_780, %dma_start3A_781, %dma_start3A_782] : memref<8x1x80xi32, #tpu.memory_space<vmem>> -> memref<1x1x80xi32, #tpu.memory_space<vmem>>
        %dma_start3A_784 = arith.constant 0 : i32
        %dma_start3A_785 = arith.constant 0 : i32
        %dma_start3A_786 = tpu.memref_slice %arg3[%add3A_778, %dma_start3A_784, %dma_start3A_785] : memref<8000x1x80xi32, #tpu.memory_space<hbm>> -> memref<1x1x80xi32, #tpu.memory_space<hbm>>
        %dma_start3A_787 = tpu.memref_slice %arg10[%dma_start3A_779] : memref<8x!tpu.dma_semaphore, #tpu.memory_space<semaphore_mem>> -> memref<1x!tpu.dma_semaphore, #tpu.memory_space<semaphore_mem>>
        %dma_start3A_788 = tpu.memref_squeeze %dma_start3A_787 : memref<1x!tpu.dma_semaphore, #tpu.memory_space<semaphore_mem>> -> memref<!tpu.dma_semaphore, #tpu.memory_space<semaphore_mem>>
        %dma_start3A_789 = arith.constant 6 : i32
        %dma_start3A_790 = arith.constant 0 : i32
        %dma_start3A_791 = arith.constant 0 : i32
        %dma_start3A_792 = tpu.memref_slice %arg7[%dma_start3A_789, %dma_start3A_790, %dma_start3A_791] : memref<8x1x80xi32, #tpu.memory_space<vmem>> -> memref<1x1x80xi32, #tpu.memory_space<vmem>>
        %dma_start3A_793 = arith.constant 0 : i32
        %dma_start3A_794 = arith.constant 0 : i32
        %dma_start3A_795 = tpu.memref_slice %arg3[%add3A_778, %dma_start3A_793, %dma_start3A_794] : memref<8000x1x80xi32, #tpu.memory_space<hbm>> -> memref<1x1x80xi32, #tpu.memory_space<hbm>>
        tpu.enqueue_dma source(%dma_start3A_795 : memref<1x1x80xi32, #tpu.memory_space<hbm>>) target(%dma_start3A_792 : memref<1x1x80xi32, #tpu.memory_space<vmem>>) target_semaphore(%dma_start3A_788 : memref<!tpu.dma_semaphore, #tpu.memory_space<semaphore_mem>>)
        %add3A_796 = arith.addi %mul3A_4, %add3A_340 : i32
        %add3A_797 = arith.constant 6 : i32
        %add3A_798 = arith.addi %add3A_796, %add3A_797 : i32
        %dma_start3A_799 = arith.constant 6 : i32
        %dma_start3A_800 = arith.constant 6 : i32
        %dma_start3A_801 = arith.constant 0 : i32
        %dma_start3A_802 = arith.constant 0 : i32
        %dma_start3A_803 = tpu.memref_slice %arg8[%dma_start3A_800, %dma_start3A_801, %dma_start3A_802] : memref<8x1x80xi32, #tpu.memory_space<vmem>> -> memref<1x1x80xi32, #tpu.memory_space<vmem>>
        %dma_start3A_804 = arith.constant 0 : i32
        %dma_start3A_805 = arith.constant 0 : i32
        %dma_start3A_806 = tpu.memref_slice %arg4[%add3A_798, %dma_start3A_804, %dma_start3A_805] : memref<4000x1x80xi32, #tpu.memory_space<hbm>> -> memref<1x1x80xi32, #tpu.memory_space<hbm>>
        %dma_start3A_807 = tpu.memref_slice %arg11[%dma_start3A_799] : memref<8x!tpu.dma_semaphore, #tpu.memory_space<semaphore_mem>> -> memref<1x!tpu.dma_semaphore, #tpu.memory_space<semaphore_mem>>
        %dma_start3A_808 = tpu.memref_squeeze %dma_start3A_807 : memref<1x!tpu.dma_semaphore, #tpu.memory_space<semaphore_mem>> -> memref<!tpu.dma_semaphore, #tpu.memory_space<semaphore_mem>>
        %dma_start3A_809 = arith.constant 6 : i32
        %dma_start3A_810 = arith.constant 0 : i32
        %dma_start3A_811 = arith.constant 0 : i32
        %dma_start3A_812 = tpu.memref_slice %arg8[%dma_start3A_809, %dma_start3A_810, %dma_start3A_811] : memref<8x1x80xi32, #tpu.memory_space<vmem>> -> memref<1x1x80xi32, #tpu.memory_space<vmem>>
        %dma_start3A_813 = arith.constant 0 : i32
        %dma_start3A_814 = arith.constant 0 : i32
        %dma_start3A_815 = tpu.memref_slice %arg4[%add3A_798, %dma_start3A_813, %dma_start3A_814] : memref<4000x1x80xi32, #tpu.memory_space<hbm>> -> memref<1x1x80xi32, #tpu.memory_space<hbm>>
        tpu.enqueue_dma source(%dma_start3A_815 : memref<1x1x80xi32, #tpu.memory_space<hbm>>) target(%dma_start3A_812 : memref<1x1x80xi32, #tpu.memory_space<vmem>>) target_semaphore(%dma_start3A_808 : memref<!tpu.dma_semaphore, #tpu.memory_space<semaphore_mem>>)
      } else {
      }
      %mul3A_391 = arith.constant 8 : i32
      %mul3A_392 = arith.muli %add3A_336, %mul3A_391 : i32
      %add3A_393 = arith.constant 1 : i32
      %add3A_394 = arith.addi %mul3A_392, %add3A_393 : i32
      %dma_wait3A_395 = arith.constant 1 : i32
      %dma_wait3A_396 = arith.constant 1 : i32
      %dma_wait3A_397 = arith.constant 0 : i32
      %dma_wait3A_398 = arith.constant 0 : i32
      %dma_wait3A_399 = tpu.memref_slice %arg7[%dma_wait3A_396, %dma_wait3A_397, %dma_wait3A_398] : memref<8x1x80xi32, #tpu.memory_space<vmem>> -> memref<1x1x80xi32, #tpu.memory_space<vmem>>
      %dma_wait3A_400 = arith.constant 0 : i32
      %dma_wait3A_401 = arith.constant 0 : i32
      %dma_wait3A_402 = arith.constant 0 : i32
      %dma_wait3A_403 = tpu.memref_slice %arg3[%dma_wait3A_400, %dma_wait3A_401, %dma_wait3A_402] : memref<8000x1x80xi32, #tpu.memory_space<hbm>> -> memref<1x1x80xi32, #tpu.memory_space<hbm>>
      %dma_wait3A_404 = tpu.memref_slice %arg10[%dma_wait3A_395] : memref<8x!tpu.dma_semaphore, #tpu.memory_space<semaphore_mem>> -> memref<1x!tpu.dma_semaphore, #tpu.memory_space<semaphore_mem>>
      %dma_wait3A_405 = tpu.memref_squeeze %dma_wait3A_404 : memref<1x!tpu.dma_semaphore, #tpu.memory_space<semaphore_mem>> -> memref<!tpu.dma_semaphore, #tpu.memory_space<semaphore_mem>>
      %dma_wait3A_406 = arith.constant 1 : i32
      %dma_wait3A_407 = arith.constant 0 : i32
      %dma_wait3A_408 = arith.constant 0 : i32
      %dma_wait3A_409 = tpu.memref_slice %arg7[%dma_wait3A_406, %dma_wait3A_407, %dma_wait3A_408] : memref<8x1x80xi32, #tpu.memory_space<vmem>> -> memref<1x1x80xi32, #tpu.memory_space<vmem>>
      %dma_wait3A_410 = arith.constant 0 : i32
      %dma_wait3A_411 = arith.constant 0 : i32
      %dma_wait3A_412 = arith.constant 0 : i32
      %dma_wait3A_413 = tpu.memref_slice %arg3[%dma_wait3A_410, %dma_wait3A_411, %dma_wait3A_412] : memref<8000x1x80xi32, #tpu.memory_space<hbm>> -> memref<1x1x80xi32, #tpu.memory_space<hbm>>
      tpu.wait_dma2 semaphore(%dma_wait3A_405 : memref<!tpu.dma_semaphore, #tpu.memory_space<semaphore_mem>>) src(%dma_wait3A_413 : memref<1x1x80xi32, #tpu.memory_space<hbm>>) dst(%dma_wait3A_409 : memref<1x1x80xi32, #tpu.memory_space<vmem>>)
      %dma_wait3A_414 = arith.constant 1 : i32
      %dma_wait3A_415 = arith.constant 1 : i32
      %dma_wait3A_416 = arith.constant 0 : i32
      %dma_wait3A_417 = arith.constant 0 : i32
      %dma_wait3A_418 = tpu.memref_slice %arg8[%dma_wait3A_415, %dma_wait3A_416, %dma_wait3A_417] : memref<8x1x80xi32, #tpu.memory_space<vmem>> -> memref<1x1x80xi32, #tpu.memory_space<vmem>>
      %dma_wait3A_419 = arith.constant 0 : i32
      %dma_wait3A_420 = arith.constant 0 : i32
      %dma_wait3A_421 = arith.constant 0 : i32
      %dma_wait3A_422 = tpu.memref_slice %arg4[%dma_wait3A_419, %dma_wait3A_420, %dma_wait3A_421] : memref<4000x1x80xi32, #tpu.memory_space<hbm>> -> memref<1x1x80xi32, #tpu.memory_space<hbm>>
      %dma_wait3A_423 = tpu.memref_slice %arg11[%dma_wait3A_414] : memref<8x!tpu.dma_semaphore, #tpu.memory_space<semaphore_mem>> -> memref<1x!tpu.dma_semaphore, #tpu.memory_space<semaphore_mem>>
      %dma_wait3A_424 = tpu.memref_squeeze %dma_wait3A_423 : memref<1x!tpu.dma_semaphore, #tpu.memory_space<semaphore_mem>> -> memref<!tpu.dma_semaphore, #tpu.memory_space<semaphore_mem>>
      %dma_wait3A_425 = arith.constant 1 : i32
      %dma_wait3A_426 = arith.constant 0 : i32
      %dma_wait3A_427 = arith.constant 0 : i32
      %dma_wait3A_428 = tpu.memref_slice %arg8[%dma_wait3A_425, %dma_wait3A_426, %dma_wait3A_427] : memref<8x1x80xi32, #tpu.memory_space<vmem>> -> memref<1x1x80xi32, #tpu.memory_space<vmem>>
      %dma_wait3A_429 = arith.constant 0 : i32
      %dma_wait3A_430 = arith.constant 0 : i32
      %dma_wait3A_431 = arith.constant 0 : i32
      %dma_wait3A_432 = tpu.memref_slice %arg4[%dma_wait3A_429, %dma_wait3A_430, %dma_wait3A_431] : memref<4000x1x80xi32, #tpu.memory_space<hbm>> -> memref<1x1x80xi32, #tpu.memory_space<hbm>>
      tpu.wait_dma2 semaphore(%dma_wait3A_424 : memref<!tpu.dma_semaphore, #tpu.memory_space<semaphore_mem>>) src(%dma_wait3A_432 : memref<1x1x80xi32, #tpu.memory_space<hbm>>) dst(%dma_wait3A_428 : memref<1x1x80xi32, #tpu.memory_space<vmem>>)
      %run_scoped3A_433 = arith.constant 1 : i32
      %run_scoped3A_434 = arith.constant 0 : i32
      %run_scoped3A_435 = arith.constant 1 : i32
      "tpu.region"() ({
        %run_scoped3A_776 = tpu.sem_alloc : memref<!tpu.dma_semaphore, #tpu.memory_space<semaphore_mem>>
        %dma_start3A_777 = arith.constant 0 : i32
        %dma_start3A_778 = arith.constant 0 : i32
        %dma_start3A_779 = tpu.memref_slice %arg9[%run_scoped3A_435, %dma_start3A_777, %dma_start3A_778] : memref<4x80x128xf32, #tpu.memory_space<vmem>> -> memref<1x80x128xf32, #tpu.memory_space<vmem>>
        %dma_start3A_780 = tpu.memref_squeeze %dma_start3A_779 : memref<1x80x128xf32, #tpu.memory_space<vmem>> -> memref<80x128xf32, #tpu.memory_space<vmem>>
        %dma_start3A_781 = arith.constant 0 : i32
        %dma_start3A_782 = tpu.memref_slice %arg7[%run_scoped3A_433, %run_scoped3A_434, %dma_start3A_781] : memref<8x1x80xi32, #tpu.memory_space<vmem>> -> memref<1x1x80xi32, #tpu.memory_space<vmem>>
        %dma_start3A_783 = tpu.memref_squeeze %dma_start3A_782 : memref<1x1x80xi32, #tpu.memory_space<vmem>> -> memref<80xi32, #tpu.memory_space<vmem>>
        %dma_start3A_784 = arith.constant 0 : i32
        %dma_start3A_785 = arith.constant 0 : i32
        %dma_start3A_786 = tpu.memref_slice %arg2[%dma_start3A_784, %dma_start3A_785] : memref<20000x128xf32, #tpu.memory_space<hbm>> -> memref<20000x128xf32, #tpu.memory_space<hbm>>
        tpu.enqueue_indirect_dma source(%dma_start3A_786 : memref<20000x128xf32, #tpu.memory_space<hbm>>) target(%dma_start3A_780 : memref<80x128xf32, #tpu.memory_space<vmem>>) offsets(%dma_start3A_783 : memref<80xi32, #tpu.memory_space<vmem>>) semaphore(%run_scoped3A_776 : memref<!tpu.dma_semaphore, #tpu.memory_space<semaphore_mem>>)
        %dma_wait3A_787 = arith.constant 0 : i32
        %dma_wait3A_788 = arith.constant 0 : i32
        %dma_wait3A_789 = tpu.memref_slice %arg9[%run_scoped3A_435, %dma_wait3A_787, %dma_wait3A_788] : memref<4x80x128xf32, #tpu.memory_space<vmem>> -> memref<1x80x128xf32, #tpu.memory_space<vmem>>
        %dma_wait3A_790 = tpu.memref_squeeze %dma_wait3A_789 : memref<1x80x128xf32, #tpu.memory_space<vmem>> -> memref<80x128xf32, #tpu.memory_space<vmem>>
        %dma_wait3A_791 = arith.constant 0 : i32
        %dma_wait3A_792 = tpu.memref_slice %arg7[%run_scoped3A_433, %run_scoped3A_434, %dma_wait3A_791] : memref<8x1x80xi32, #tpu.memory_space<vmem>> -> memref<1x1x80xi32, #tpu.memory_space<vmem>>
        %dma_wait3A_793 = tpu.memref_squeeze %dma_wait3A_792 : memref<1x1x80xi32, #tpu.memory_space<vmem>> -> memref<80xi32, #tpu.memory_space<vmem>>
        %dma_wait3A_794 = arith.constant 0 : i32
        %dma_wait3A_795 = arith.constant 0 : i32
        %dma_wait3A_796 = tpu.memref_slice %arg2[%dma_wait3A_794, %dma_wait3A_795] : memref<20000x128xf32, #tpu.memory_space<hbm>> -> memref<20000x128xf32, #tpu.memory_space<hbm>>
        tpu.wait_indirect_dma semaphore(%run_scoped3A_776 : memref<!tpu.dma_semaphore, #tpu.memory_space<semaphore_mem>>) src(%dma_wait3A_796 : memref<20000x128xf32, #tpu.memory_space<hbm>>) dst(%dma_wait3A_790 : memref<80x128xf32, #tpu.memory_space<vmem>>)
        tpu.yield
      }) : () -> ()
      %run_scoped3A_436 = arith.constant 1 : i32
      %run_scoped3A_437 = arith.constant 1 : i32
      %run_scoped3A_438 = arith.constant 0 : i32
      "tpu.region"() ({
        %run_scoped3A_776 = tpu.sem_alloc : memref<!tpu.dma_semaphore, #tpu.memory_space<semaphore_mem>>
        %dma_start3A_777 = arith.constant 0 : i32
        %dma_start3A_778 = arith.constant 0 : i32
        %dma_start3A_779 = tpu.memref_slice %arg9[%run_scoped3A_436, %dma_start3A_777, %dma_start3A_778] : memref<4x80x128xf32, #tpu.memory_space<vmem>> -> memref<1x80x128xf32, #tpu.memory_space<vmem>>
        %dma_start3A_780 = tpu.memref_squeeze %dma_start3A_779 : memref<1x80x128xf32, #tpu.memory_space<vmem>> -> memref<80x128xf32, #tpu.memory_space<vmem>>
        %dma_start3A_781 = arith.constant 0 : i32
        %dma_start3A_782 = tpu.memref_slice %arg8[%run_scoped3A_437, %run_scoped3A_438, %dma_start3A_781] : memref<8x1x80xi32, #tpu.memory_space<vmem>> -> memref<1x1x80xi32, #tpu.memory_space<vmem>>
        %dma_start3A_783 = tpu.memref_squeeze %dma_start3A_782 : memref<1x1x80xi32, #tpu.memory_space<vmem>> -> memref<80xi32, #tpu.memory_space<vmem>>
        %dma_start3A_784 = arith.constant 0 : i32
        %dma_start3A_785 = arith.constant 0 : i32
        %dma_start3A_786 = tpu.memref_slice %arg13[%dma_start3A_784, %dma_start3A_785] : memref<10000x128xf32, #tpu.memory_space<vmem_shared>> -> memref<10000x128xf32, #tpu.memory_space<vmem_shared>>
        tpu.enqueue_indirect_dma source(%dma_start3A_780 : memref<80x128xf32, #tpu.memory_space<vmem>>) target(%dma_start3A_786 : memref<10000x128xf32, #tpu.memory_space<vmem_shared>>) offsets(%dma_start3A_783 : memref<80xi32, #tpu.memory_space<vmem>>) semaphore(%run_scoped3A_776 : memref<!tpu.dma_semaphore, #tpu.memory_space<semaphore_mem>>) {add = true}
        %dma_wait3A_787 = arith.constant 0 : i32
        %dma_wait3A_788 = arith.constant 0 : i32
        %dma_wait3A_789 = tpu.memref_slice %arg9[%run_scoped3A_436, %dma_wait3A_787, %dma_wait3A_788] : memref<4x80x128xf32, #tpu.memory_space<vmem>> -> memref<1x80x128xf32, #tpu.memory_space<vmem>>
        %dma_wait3A_790 = tpu.memref_squeeze %dma_wait3A_789 : memref<1x80x128xf32, #tpu.memory_space<vmem>> -> memref<80x128xf32, #tpu.memory_space<vmem>>
        %dma_wait3A_791 = arith.constant 0 : i32
        %dma_wait3A_792 = tpu.memref_slice %arg8[%run_scoped3A_437, %run_scoped3A_438, %dma_wait3A_791] : memref<8x1x80xi32, #tpu.memory_space<vmem>> -> memref<1x1x80xi32, #tpu.memory_space<vmem>>
        %dma_wait3A_793 = tpu.memref_squeeze %dma_wait3A_792 : memref<1x1x80xi32, #tpu.memory_space<vmem>> -> memref<80xi32, #tpu.memory_space<vmem>>
        %dma_wait3A_794 = arith.constant 0 : i32
        %dma_wait3A_795 = arith.constant 0 : i32
        %dma_wait3A_796 = tpu.memref_slice %arg13[%dma_wait3A_794, %dma_wait3A_795] : memref<10000x128xf32, #tpu.memory_space<vmem_shared>> -> memref<10000x128xf32, #tpu.memory_space<vmem_shared>>
        tpu.wait_indirect_dma semaphore(%run_scoped3A_776 : memref<!tpu.dma_semaphore, #tpu.memory_space<semaphore_mem>>) src(%dma_wait3A_790 : memref<80x128xf32, #tpu.memory_space<vmem>>) dst(%dma_wait3A_796 : memref<10000x128xf32, #tpu.memory_space<vmem_shared>>)
        tpu.yield
      }) : () -> ()
      %add3A_439 = arith.constant 6 : i32
      %add3A_440 = arith.addi %add3A_394, %add3A_439 : i32
      %lt3A_441 = arith.constant 250 : i32
      %lt3A_442 = arith.cmpi slt, %add3A_440, %lt3A_441 : i32
      %convert_element_type3A_443 = arith.extui %lt3A_442 : i1 to i32
      %cond3A_444 = arith.constant 0 : i32
      %cond3A_445 = arith.cmpi ne, %convert_element_type3A_443, %cond3A_444 : i32
      scf.if %cond3A_445 {
        %add3A_776 = arith.addi %add3A, %add3A_394 : i32
        %add3A_777 = arith.constant 6 : i32
        %add3A_778 = arith.addi %add3A_776, %add3A_777 : i32
        %dma_start3A_779 = arith.constant 7 : i32
        %dma_start3A_780 = arith.constant 7 : i32
        %dma_start3A_781 = arith.constant 0 : i32
        %dma_start3A_782 = arith.constant 0 : i32
        %dma_start3A_783 = tpu.memref_slice %arg7[%dma_start3A_780, %dma_start3A_781, %dma_start3A_782] : memref<8x1x80xi32, #tpu.memory_space<vmem>> -> memref<1x1x80xi32, #tpu.memory_space<vmem>>
        %dma_start3A_784 = arith.constant 0 : i32
        %dma_start3A_785 = arith.constant 0 : i32
        %dma_start3A_786 = tpu.memref_slice %arg3[%add3A_778, %dma_start3A_784, %dma_start3A_785] : memref<8000x1x80xi32, #tpu.memory_space<hbm>> -> memref<1x1x80xi32, #tpu.memory_space<hbm>>
        %dma_start3A_787 = tpu.memref_slice %arg10[%dma_start3A_779] : memref<8x!tpu.dma_semaphore, #tpu.memory_space<semaphore_mem>> -> memref<1x!tpu.dma_semaphore, #tpu.memory_space<semaphore_mem>>
        %dma_start3A_788 = tpu.memref_squeeze %dma_start3A_787 : memref<1x!tpu.dma_semaphore, #tpu.memory_space<semaphore_mem>> -> memref<!tpu.dma_semaphore, #tpu.memory_space<semaphore_mem>>
        %dma_start3A_789 = arith.constant 7 : i32
        %dma_start3A_790 = arith.constant 0 : i32
        %dma_start3A_791 = arith.constant 0 : i32
        %dma_start3A_792 = tpu.memref_slice %arg7[%dma_start3A_789, %dma_start3A_790, %dma_start3A_791] : memref<8x1x80xi32, #tpu.memory_space<vmem>> -> memref<1x1x80xi32, #tpu.memory_space<vmem>>
        %dma_start3A_793 = arith.constant 0 : i32
        %dma_start3A_794 = arith.constant 0 : i32
        %dma_start3A_795 = tpu.memref_slice %arg3[%add3A_778, %dma_start3A_793, %dma_start3A_794] : memref<8000x1x80xi32, #tpu.memory_space<hbm>> -> memref<1x1x80xi32, #tpu.memory_space<hbm>>
        tpu.enqueue_dma source(%dma_start3A_795 : memref<1x1x80xi32, #tpu.memory_space<hbm>>) target(%dma_start3A_792 : memref<1x1x80xi32, #tpu.memory_space<vmem>>) target_semaphore(%dma_start3A_788 : memref<!tpu.dma_semaphore, #tpu.memory_space<semaphore_mem>>)
        %add3A_796 = arith.addi %mul3A_4, %add3A_394 : i32
        %add3A_797 = arith.constant 6 : i32
        %add3A_798 = arith.addi %add3A_796, %add3A_797 : i32
        %dma_start3A_799 = arith.constant 7 : i32
        %dma_start3A_800 = arith.constant 7 : i32
        %dma_start3A_801 = arith.constant 0 : i32
        %dma_start3A_802 = arith.constant 0 : i32
        %dma_start3A_803 = tpu.memref_slice %arg8[%dma_start3A_800, %dma_start3A_801, %dma_start3A_802] : memref<8x1x80xi32, #tpu.memory_space<vmem>> -> memref<1x1x80xi32, #tpu.memory_space<vmem>>
        %dma_start3A_804 = arith.constant 0 : i32
        %dma_start3A_805 = arith.constant 0 : i32
        %dma_start3A_806 = tpu.memref_slice %arg4[%add3A_798, %dma_start3A_804, %dma_start3A_805] : memref<4000x1x80xi32, #tpu.memory_space<hbm>> -> memref<1x1x80xi32, #tpu.memory_space<hbm>>
        %dma_start3A_807 = tpu.memref_slice %arg11[%dma_start3A_799] : memref<8x!tpu.dma_semaphore, #tpu.memory_space<semaphore_mem>> -> memref<1x!tpu.dma_semaphore, #tpu.memory_space<semaphore_mem>>
        %dma_start3A_808 = tpu.memref_squeeze %dma_start3A_807 : memref<1x!tpu.dma_semaphore, #tpu.memory_space<semaphore_mem>> -> memref<!tpu.dma_semaphore, #tpu.memory_space<semaphore_mem>>
        %dma_start3A_809 = arith.constant 7 : i32
        %dma_start3A_810 = arith.constant 0 : i32
        %dma_start3A_811 = arith.constant 0 : i32
        %dma_start3A_812 = tpu.memref_slice %arg8[%dma_start3A_809, %dma_start3A_810, %dma_start3A_811] : memref<8x1x80xi32, #tpu.memory_space<vmem>> -> memref<1x1x80xi32, #tpu.memory_space<vmem>>
        %dma_start3A_813 = arith.constant 0 : i32
        %dma_start3A_814 = arith.constant 0 : i32
        %dma_start3A_815 = tpu.memref_slice %arg4[%add3A_798, %dma_start3A_813, %dma_start3A_814] : memref<4000x1x80xi32, #tpu.memory_space<hbm>> -> memref<1x1x80xi32, #tpu.memory_space<hbm>>
        tpu.enqueue_dma source(%dma_start3A_815 : memref<1x1x80xi32, #tpu.memory_space<hbm>>) target(%dma_start3A_812 : memref<1x1x80xi32, #tpu.memory_space<vmem>>) target_semaphore(%dma_start3A_808 : memref<!tpu.dma_semaphore, #tpu.memory_space<semaphore_mem>>)
      } else {
      }
      %mul3A_446 = arith.constant 8 : i32
      %mul3A_447 = arith.muli %add3A_336, %mul3A_446 : i32
      %add3A_448 = arith.constant 2 : i32
      %add3A_449 = arith.addi %mul3A_447, %add3A_448 : i32
      %dma_wait3A_450 = arith.constant 2 : i32
      %dma_wait3A_451 = arith.constant 2 : i32
      %dma_wait3A_452 = arith.constant 0 : i32
      %dma_wait3A_453 = arith.constant 0 : i32
      %dma_wait3A_454 = tpu.memref_slice %arg7[%dma_wait3A_451, %dma_wait3A_452, %dma_wait3A_453] : memref<8x1x80xi32, #tpu.memory_space<vmem>> -> memref<1x1x80xi32, #tpu.memory_space<vmem>>
      %dma_wait3A_455 = arith.constant 0 : i32
      %dma_wait3A_456 = arith.constant 0 : i32
      %dma_wait3A_457 = arith.constant 0 : i32
      %dma_wait3A_458 = tpu.memref_slice %arg3[%dma_wait3A_455, %dma_wait3A_456, %dma_wait3A_457] : memref<8000x1x80xi32, #tpu.memory_space<hbm>> -> memref<1x1x80xi32, #tpu.memory_space<hbm>>
      %dma_wait3A_459 = tpu.memref_slice %arg10[%dma_wait3A_450] : memref<8x!tpu.dma_semaphore, #tpu.memory_space<semaphore_mem>> -> memref<1x!tpu.dma_semaphore, #tpu.memory_space<semaphore_mem>>
      %dma_wait3A_460 = tpu.memref_squeeze %dma_wait3A_459 : memref<1x!tpu.dma_semaphore, #tpu.memory_space<semaphore_mem>> -> memref<!tpu.dma_semaphore, #tpu.memory_space<semaphore_mem>>
      %dma_wait3A_461 = arith.constant 2 : i32
      %dma_wait3A_462 = arith.constant 0 : i32
      %dma_wait3A_463 = arith.constant 0 : i32
      %dma_wait3A_464 = tpu.memref_slice %arg7[%dma_wait3A_461, %dma_wait3A_462, %dma_wait3A_463] : memref<8x1x80xi32, #tpu.memory_space<vmem>> -> memref<1x1x80xi32, #tpu.memory_space<vmem>>
      %dma_wait3A_465 = arith.constant 0 : i32
      %dma_wait3A_466 = arith.constant 0 : i32
      %dma_wait3A_467 = arith.constant 0 : i32
      %dma_wait3A_468 = tpu.memref_slice %arg3[%dma_wait3A_465, %dma_wait3A_466, %dma_wait3A_467] : memref<8000x1x80xi32, #tpu.memory_space<hbm>> -> memref<1x1x80xi32, #tpu.memory_space<hbm>>
      tpu.wait_dma2 semaphore(%dma_wait3A_460 : memref<!tpu.dma_semaphore, #tpu.memory_space<semaphore_mem>>) src(%dma_wait3A_468 : memref<1x1x80xi32, #tpu.memory_space<hbm>>) dst(%dma_wait3A_464 : memref<1x1x80xi32, #tpu.memory_space<vmem>>)
      %dma_wait3A_469 = arith.constant 2 : i32
      %dma_wait3A_470 = arith.constant 2 : i32
      %dma_wait3A_471 = arith.constant 0 : i32
      %dma_wait3A_472 = arith.constant 0 : i32
      %dma_wait3A_473 = tpu.memref_slice %arg8[%dma_wait3A_470, %dma_wait3A_471, %dma_wait3A_472] : memref<8x1x80xi32, #tpu.memory_space<vmem>> -> memref<1x1x80xi32, #tpu.memory_space<vmem>>
      %dma_wait3A_474 = arith.constant 0 : i32
      %dma_wait3A_475 = arith.constant 0 : i32
      %dma_wait3A_476 = arith.constant 0 : i32
      %dma_wait3A_477 = tpu.memref_slice %arg4[%dma_wait3A_474, %dma_wait3A_475, %dma_wait3A_476] : memref<4000x1x80xi32, #tpu.memory_space<hbm>> -> memref<1x1x80xi32, #tpu.memory_space<hbm>>
      %dma_wait3A_478 = tpu.memref_slice %arg11[%dma_wait3A_469] : memref<8x!tpu.dma_semaphore, #tpu.memory_space<semaphore_mem>> -> memref<1x!tpu.dma_semaphore, #tpu.memory_space<semaphore_mem>>
      %dma_wait3A_479 = tpu.memref_squeeze %dma_wait3A_478 : memref<1x!tpu.dma_semaphore, #tpu.memory_space<semaphore_mem>> -> memref<!tpu.dma_semaphore, #tpu.memory_space<semaphore_mem>>
      %dma_wait3A_480 = arith.constant 2 : i32
      %dma_wait3A_481 = arith.constant 0 : i32
      %dma_wait3A_482 = arith.constant 0 : i32
      %dma_wait3A_483 = tpu.memref_slice %arg8[%dma_wait3A_480, %dma_wait3A_481, %dma_wait3A_482] : memref<8x1x80xi32, #tpu.memory_space<vmem>> -> memref<1x1x80xi32, #tpu.memory_space<vmem>>
      %dma_wait3A_484 = arith.constant 0 : i32
      %dma_wait3A_485 = arith.constant 0 : i32
      %dma_wait3A_486 = arith.constant 0 : i32
      %dma_wait3A_487 = tpu.memref_slice %arg4[%dma_wait3A_484, %dma_wait3A_485, %dma_wait3A_486] : memref<4000x1x80xi32, #tpu.memory_space<hbm>> -> memref<1x1x80xi32, #tpu.memory_space<hbm>>
      tpu.wait_dma2 semaphore(%dma_wait3A_479 : memref<!tpu.dma_semaphore, #tpu.memory_space<semaphore_mem>>) src(%dma_wait3A_487 : memref<1x1x80xi32, #tpu.memory_space<hbm>>) dst(%dma_wait3A_483 : memref<1x1x80xi32, #tpu.memory_space<vmem>>)
      %run_scoped3A_488 = arith.constant 2 : i32
      %run_scoped3A_489 = arith.constant 0 : i32
      %run_scoped3A_490 = arith.constant 2 : i32
      "tpu.region"() ({
        %run_scoped3A_776 = tpu.sem_alloc : memref<!tpu.dma_semaphore, #tpu.memory_space<semaphore_mem>>
        %dma_start3A_777 = arith.constant 0 : i32
        %dma_start3A_778 = arith.constant 0 : i32
        %dma_start3A_779 = tpu.memref_slice %arg9[%run_scoped3A_490, %dma_start3A_777, %dma_start3A_778] : memref<4x80x128xf32, #tpu.memory_space<vmem>> -> memref<1x80x128xf32, #tpu.memory_space<vmem>>
        %dma_start3A_780 = tpu.memref_squeeze %dma_start3A_779 : memref<1x80x128xf32, #tpu.memory_space<vmem>> -> memref<80x128xf32, #tpu.memory_space<vmem>>
        %dma_start3A_781 = arith.constant 0 : i32
        %dma_start3A_782 = tpu.memref_slice %arg7[%run_scoped3A_488, %run_scoped3A_489, %dma_start3A_781] : memref<8x1x80xi32, #tpu.memory_space<vmem>> -> memref<1x1x80xi32, #tpu.memory_space<vmem>>
        %dma_start3A_783 = tpu.memref_squeeze %dma_start3A_782 : memref<1x1x80xi32, #tpu.memory_space<vmem>> -> memref<80xi32, #tpu.memory_space<vmem>>
        %dma_start3A_784 = arith.constant 0 : i32
        %dma_start3A_785 = arith.constant 0 : i32
        %dma_start3A_786 = tpu.memref_slice %arg2[%dma_start3A_784, %dma_start3A_785] : memref<20000x128xf32, #tpu.memory_space<hbm>> -> memref<20000x128xf32, #tpu.memory_space<hbm>>
        tpu.enqueue_indirect_dma source(%dma_start3A_786 : memref<20000x128xf32, #tpu.memory_space<hbm>>) target(%dma_start3A_780 : memref<80x128xf32, #tpu.memory_space<vmem>>) offsets(%dma_start3A_783 : memref<80xi32, #tpu.memory_space<vmem>>) semaphore(%run_scoped3A_776 : memref<!tpu.dma_semaphore, #tpu.memory_space<semaphore_mem>>)
        %dma_wait3A_787 = arith.constant 0 : i32
        %dma_wait3A_788 = arith.constant 0 : i32
        %dma_wait3A_789 = tpu.memref_slice %arg9[%run_scoped3A_490, %dma_wait3A_787, %dma_wait3A_788] : memref<4x80x128xf32, #tpu.memory_space<vmem>> -> memref<1x80x128xf32, #tpu.memory_space<vmem>>
        %dma_wait3A_790 = tpu.memref_squeeze %dma_wait3A_789 : memref<1x80x128xf32, #tpu.memory_space<vmem>> -> memref<80x128xf32, #tpu.memory_space<vmem>>
        %dma_wait3A_791 = arith.constant 0 : i32
        %dma_wait3A_792 = tpu.memref_slice %arg7[%run_scoped3A_488, %run_scoped3A_489, %dma_wait3A_791] : memref<8x1x80xi32, #tpu.memory_space<vmem>> -> memref<1x1x80xi32, #tpu.memory_space<vmem>>
        %dma_wait3A_793 = tpu.memref_squeeze %dma_wait3A_792 : memref<1x1x80xi32, #tpu.memory_space<vmem>> -> memref<80xi32, #tpu.memory_space<vmem>>
        %dma_wait3A_794 = arith.constant 0 : i32
        %dma_wait3A_795 = arith.constant 0 : i32
        %dma_wait3A_796 = tpu.memref_slice %arg2[%dma_wait3A_794, %dma_wait3A_795] : memref<20000x128xf32, #tpu.memory_space<hbm>> -> memref<20000x128xf32, #tpu.memory_space<hbm>>
        tpu.wait_indirect_dma semaphore(%run_scoped3A_776 : memref<!tpu.dma_semaphore, #tpu.memory_space<semaphore_mem>>) src(%dma_wait3A_796 : memref<20000x128xf32, #tpu.memory_space<hbm>>) dst(%dma_wait3A_790 : memref<80x128xf32, #tpu.memory_space<vmem>>)
        tpu.yield
      }) : () -> ()
      %run_scoped3A_491 = arith.constant 2 : i32
      %run_scoped3A_492 = arith.constant 2 : i32
      %run_scoped3A_493 = arith.constant 0 : i32
      "tpu.region"() ({
        %run_scoped3A_776 = tpu.sem_alloc : memref<!tpu.dma_semaphore, #tpu.memory_space<semaphore_mem>>
        %dma_start3A_777 = arith.constant 0 : i32
        %dma_start3A_778 = arith.constant 0 : i32
        %dma_start3A_779 = tpu.memref_slice %arg9[%run_scoped3A_491, %dma_start3A_777, %dma_start3A_778] : memref<4x80x128xf32, #tpu.memory_space<vmem>> -> memref<1x80x128xf32, #tpu.memory_space<vmem>>
        %dma_start3A_780 = tpu.memref_squeeze %dma_start3A_779 : memref<1x80x128xf32, #tpu.memory_space<vmem>> -> memref<80x128xf32, #tpu.memory_space<vmem>>
        %dma_start3A_781 = arith.constant 0 : i32
        %dma_start3A_782 = tpu.memref_slice %arg8[%run_scoped3A_492, %run_scoped3A_493, %dma_start3A_781] : memref<8x1x80xi32, #tpu.memory_space<vmem>> -> memref<1x1x80xi32, #tpu.memory_space<vmem>>
        %dma_start3A_783 = tpu.memref_squeeze %dma_start3A_782 : memref<1x1x80xi32, #tpu.memory_space<vmem>> -> memref<80xi32, #tpu.memory_space<vmem>>
        %dma_start3A_784 = arith.constant 0 : i32
        %dma_start3A_785 = arith.constant 0 : i32
        %dma_start3A_786 = tpu.memref_slice %arg13[%dma_start3A_784, %dma_start3A_785] : memref<10000x128xf32, #tpu.memory_space<vmem_shared>> -> memref<10000x128xf32, #tpu.memory_space<vmem_shared>>
        tpu.enqueue_indirect_dma source(%dma_start3A_780 : memref<80x128xf32, #tpu.memory_space<vmem>>) target(%dma_start3A_786 : memref<10000x128xf32, #tpu.memory_space<vmem_shared>>) offsets(%dma_start3A_783 : memref<80xi32, #tpu.memory_space<vmem>>) semaphore(%run_scoped3A_776 : memref<!tpu.dma_semaphore, #tpu.memory_space<semaphore_mem>>) {add = true}
        %dma_wait3A_787 = arith.constant 0 : i32
        %dma_wait3A_788 = arith.constant 0 : i32
        %dma_wait3A_789 = tpu.memref_slice %arg9[%run_scoped3A_491, %dma_wait3A_787, %dma_wait3A_788] : memref<4x80x128xf32, #tpu.memory_space<vmem>> -> memref<1x80x128xf32, #tpu.memory_space<vmem>>
        %dma_wait3A_790 = tpu.memref_squeeze %dma_wait3A_789 : memref<1x80x128xf32, #tpu.memory_space<vmem>> -> memref<80x128xf32, #tpu.memory_space<vmem>>
        %dma_wait3A_791 = arith.constant 0 : i32
        %dma_wait3A_792 = tpu.memref_slice %arg8[%run_scoped3A_492, %run_scoped3A_493, %dma_wait3A_791] : memref<8x1x80xi32, #tpu.memory_space<vmem>> -> memref<1x1x80xi32, #tpu.memory_space<vmem>>
        %dma_wait3A_793 = tpu.memref_squeeze %dma_wait3A_792 : memref<1x1x80xi32, #tpu.memory_space<vmem>> -> memref<80xi32, #tpu.memory_space<vmem>>
        %dma_wait3A_794 = arith.constant 0 : i32
        %dma_wait3A_795 = arith.constant 0 : i32
        %dma_wait3A_796 = tpu.memref_slice %arg13[%dma_wait3A_794, %dma_wait3A_795] : memref<10000x128xf32, #tpu.memory_space<vmem_shared>> -> memref<10000x128xf32, #tpu.memory_space<vmem_shared>>
        tpu.wait_indirect_dma semaphore(%run_scoped3A_776 : memref<!tpu.dma_semaphore, #tpu.memory_space<semaphore_mem>>) src(%dma_wait3A_790 : memref<80x128xf32, #tpu.memory_space<vmem>>) dst(%dma_wait3A_796 : memref<10000x128xf32, #tpu.memory_space<vmem_shared>>)
        tpu.yield
      }) : () -> ()
      %add3A_494 = arith.constant 6 : i32
      %add3A_495 = arith.addi %add3A_449, %add3A_494 : i32
      %lt3A_496 = arith.constant 250 : i32
      %lt3A_497 = arith.cmpi slt, %add3A_495, %lt3A_496 : i32
      %convert_element_type3A_498 = arith.extui %lt3A_497 : i1 to i32
      %cond3A_499 = arith.constant 0 : i32
      %cond3A_500 = arith.cmpi ne, %convert_element_type3A_498, %cond3A_499 : i32
      scf.if %cond3A_500 {
        %add3A_776 = arith.addi %add3A, %add3A_449 : i32
        %add3A_777 = arith.constant 6 : i32
        %add3A_778 = arith.addi %add3A_776, %add3A_777 : i32
        %dma_start3A_779 = arith.constant 0 : i32
        %dma_start3A_780 = arith.constant 0 : i32
        %dma_start3A_781 = arith.constant 0 : i32
        %dma_start3A_782 = arith.constant 0 : i32
        %dma_start3A_783 = tpu.memref_slice %arg7[%dma_start3A_780, %dma_start3A_781, %dma_start3A_782] : memref<8x1x80xi32, #tpu.memory_space<vmem>> -> memref<1x1x80xi32, #tpu.memory_space<vmem>>
        %dma_start3A_784 = arith.constant 0 : i32
        %dma_start3A_785 = arith.constant 0 : i32
        %dma_start3A_786 = tpu.memref_slice %arg3[%add3A_778, %dma_start3A_784, %dma_start3A_785] : memref<8000x1x80xi32, #tpu.memory_space<hbm>> -> memref<1x1x80xi32, #tpu.memory_space<hbm>>
        %dma_start3A_787 = tpu.memref_slice %arg10[%dma_start3A_779] : memref<8x!tpu.dma_semaphore, #tpu.memory_space<semaphore_mem>> -> memref<1x!tpu.dma_semaphore, #tpu.memory_space<semaphore_mem>>
        %dma_start3A_788 = tpu.memref_squeeze %dma_start3A_787 : memref<1x!tpu.dma_semaphore, #tpu.memory_space<semaphore_mem>> -> memref<!tpu.dma_semaphore, #tpu.memory_space<semaphore_mem>>
        %dma_start3A_789 = arith.constant 0 : i32
        %dma_start3A_790 = arith.constant 0 : i32
        %dma_start3A_791 = arith.constant 0 : i32
        %dma_start3A_792 = tpu.memref_slice %arg7[%dma_start3A_789, %dma_start3A_790, %dma_start3A_791] : memref<8x1x80xi32, #tpu.memory_space<vmem>> -> memref<1x1x80xi32, #tpu.memory_space<vmem>>
        %dma_start3A_793 = arith.constant 0 : i32
        %dma_start3A_794 = arith.constant 0 : i32
        %dma_start3A_795 = tpu.memref_slice %arg3[%add3A_778, %dma_start3A_793, %dma_start3A_794] : memref<8000x1x80xi32, #tpu.memory_space<hbm>> -> memref<1x1x80xi32, #tpu.memory_space<hbm>>
        tpu.enqueue_dma source(%dma_start3A_795 : memref<1x1x80xi32, #tpu.memory_space<hbm>>) target(%dma_start3A_792 : memref<1x1x80xi32, #tpu.memory_space<vmem>>) target_semaphore(%dma_start3A_788 : memref<!tpu.dma_semaphore, #tpu.memory_space<semaphore_mem>>)
        %add3A_796 = arith.addi %mul3A_4, %add3A_449 : i32
        %add3A_797 = arith.constant 6 : i32
        %add3A_798 = arith.addi %add3A_796, %add3A_797 : i32
        %dma_start3A_799 = arith.constant 0 : i32
        %dma_start3A_800 = arith.constant 0 : i32
        %dma_start3A_801 = arith.constant 0 : i32
        %dma_start3A_802 = arith.constant 0 : i32
        %dma_start3A_803 = tpu.memref_slice %arg8[%dma_start3A_800, %dma_start3A_801, %dma_start3A_802] : memref<8x1x80xi32, #tpu.memory_space<vmem>> -> memref<1x1x80xi32, #tpu.memory_space<vmem>>
        %dma_start3A_804 = arith.constant 0 : i32
        %dma_start3A_805 = arith.constant 0 : i32
        %dma_start3A_806 = tpu.memref_slice %arg4[%add3A_798, %dma_start3A_804, %dma_start3A_805] : memref<4000x1x80xi32, #tpu.memory_space<hbm>> -> memref<1x1x80xi32, #tpu.memory_space<hbm>>
        %dma_start3A_807 = tpu.memref_slice %arg11[%dma_start3A_799] : memref<8x!tpu.dma_semaphore, #tpu.memory_space<semaphore_mem>> -> memref<1x!tpu.dma_semaphore, #tpu.memory_space<semaphore_mem>>
        %dma_start3A_808 = tpu.memref_squeeze %dma_start3A_807 : memref<1x!tpu.dma_semaphore, #tpu.memory_space<semaphore_mem>> -> memref<!tpu.dma_semaphore, #tpu.memory_space<semaphore_mem>>
        %dma_start3A_809 = arith.constant 0 : i32
        %dma_start3A_810 = arith.constant 0 : i32
        %dma_start3A_811 = arith.constant 0 : i32
        %dma_start3A_812 = tpu.memref_slice %arg8[%dma_start3A_809, %dma_start3A_810, %dma_start3A_811] : memref<8x1x80xi32, #tpu.memory_space<vmem>> -> memref<1x1x80xi32, #tpu.memory_space<vmem>>
        %dma_start3A_813 = arith.constant 0 : i32
        %dma_start3A_814 = arith.constant 0 : i32
        %dma_start3A_815 = tpu.memref_slice %arg4[%add3A_798, %dma_start3A_813, %dma_start3A_814] : memref<4000x1x80xi32, #tpu.memory_space<hbm>> -> memref<1x1x80xi32, #tpu.memory_space<hbm>>
        tpu.enqueue_dma source(%dma_start3A_815 : memref<1x1x80xi32, #tpu.memory_space<hbm>>) target(%dma_start3A_812 : memref<1x1x80xi32, #tpu.memory_space<vmem>>) target_semaphore(%dma_start3A_808 : memref<!tpu.dma_semaphore, #tpu.memory_space<semaphore_mem>>)
      } else {
      }
      %mul3A_501 = arith.constant 8 : i32
      %mul3A_502 = arith.muli %add3A_336, %mul3A_501 : i32
      %add3A_503 = arith.constant 3 : i32
      %add3A_504 = arith.addi %mul3A_502, %add3A_503 : i32
      %dma_wait3A_505 = arith.constant 3 : i32
      %dma_wait3A_506 = arith.constant 3 : i32
      %dma_wait3A_507 = arith.constant 0 : i32
      %dma_wait3A_508 = arith.constant 0 : i32
      %dma_wait3A_509 = tpu.memref_slice %arg7[%dma_wait3A_506, %dma_wait3A_507, %dma_wait3A_508] : memref<8x1x80xi32, #tpu.memory_space<vmem>> -> memref<1x1x80xi32, #tpu.memory_space<vmem>>
      %dma_wait3A_510 = arith.constant 0 : i32
      %dma_wait3A_511 = arith.constant 0 : i32
      %dma_wait3A_512 = arith.constant 0 : i32
      %dma_wait3A_513 = tpu.memref_slice %arg3[%dma_wait3A_510, %dma_wait3A_511, %dma_wait3A_512] : memref<8000x1x80xi32, #tpu.memory_space<hbm>> -> memref<1x1x80xi32, #tpu.memory_space<hbm>>
      %dma_wait3A_514 = tpu.memref_slice %arg10[%dma_wait3A_505] : memref<8x!tpu.dma_semaphore, #tpu.memory_space<semaphore_mem>> -> memref<1x!tpu.dma_semaphore, #tpu.memory_space<semaphore_mem>>
      %dma_wait3A_515 = tpu.memref_squeeze %dma_wait3A_514 : memref<1x!tpu.dma_semaphore, #tpu.memory_space<semaphore_mem>> -> memref<!tpu.dma_semaphore, #tpu.memory_space<semaphore_mem>>
      %dma_wait3A_516 = arith.constant 3 : i32
      %dma_wait3A_517 = arith.constant 0 : i32
      %dma_wait3A_518 = arith.constant 0 : i32
      %dma_wait3A_519 = tpu.memref_slice %arg7[%dma_wait3A_516, %dma_wait3A_517, %dma_wait3A_518] : memref<8x1x80xi32, #tpu.memory_space<vmem>> -> memref<1x1x80xi32, #tpu.memory_space<vmem>>
      %dma_wait3A_520 = arith.constant 0 : i32
      %dma_wait3A_521 = arith.constant 0 : i32
      %dma_wait3A_522 = arith.constant 0 : i32
      %dma_wait3A_523 = tpu.memref_slice %arg3[%dma_wait3A_520, %dma_wait3A_521, %dma_wait3A_522] : memref<8000x1x80xi32, #tpu.memory_space<hbm>> -> memref<1x1x80xi32, #tpu.memory_space<hbm>>
      tpu.wait_dma2 semaphore(%dma_wait3A_515 : memref<!tpu.dma_semaphore, #tpu.memory_space<semaphore_mem>>) src(%dma_wait3A_523 : memref<1x1x80xi32, #tpu.memory_space<hbm>>) dst(%dma_wait3A_519 : memref<1x1x80xi32, #tpu.memory_space<vmem>>)
      %dma_wait3A_524 = arith.constant 3 : i32
      %dma_wait3A_525 = arith.constant 3 : i32
      %dma_wait3A_526 = arith.constant 0 : i32
      %dma_wait3A_527 = arith.constant 0 : i32
      %dma_wait3A_528 = tpu.memref_slice %arg8[%dma_wait3A_525, %dma_wait3A_526, %dma_wait3A_527] : memref<8x1x80xi32, #tpu.memory_space<vmem>> -> memref<1x1x80xi32, #tpu.memory_space<vmem>>
      %dma_wait3A_529 = arith.constant 0 : i32
      %dma_wait3A_530 = arith.constant 0 : i32
      %dma_wait3A_531 = arith.constant 0 : i32
      %dma_wait3A_532 = tpu.memref_slice %arg4[%dma_wait3A_529, %dma_wait3A_530, %dma_wait3A_531] : memref<4000x1x80xi32, #tpu.memory_space<hbm>> -> memref<1x1x80xi32, #tpu.memory_space<hbm>>
      %dma_wait3A_533 = tpu.memref_slice %arg11[%dma_wait3A_524] : memref<8x!tpu.dma_semaphore, #tpu.memory_space<semaphore_mem>> -> memref<1x!tpu.dma_semaphore, #tpu.memory_space<semaphore_mem>>
      %dma_wait3A_534 = tpu.memref_squeeze %dma_wait3A_533 : memref<1x!tpu.dma_semaphore, #tpu.memory_space<semaphore_mem>> -> memref<!tpu.dma_semaphore, #tpu.memory_space<semaphore_mem>>
      %dma_wait3A_535 = arith.constant 3 : i32
      %dma_wait3A_536 = arith.constant 0 : i32
      %dma_wait3A_537 = arith.constant 0 : i32
      %dma_wait3A_538 = tpu.memref_slice %arg8[%dma_wait3A_535, %dma_wait3A_536, %dma_wait3A_537] : memref<8x1x80xi32, #tpu.memory_space<vmem>> -> memref<1x1x80xi32, #tpu.memory_space<vmem>>
      %dma_wait3A_539 = arith.constant 0 : i32
      %dma_wait3A_540 = arith.constant 0 : i32
      %dma_wait3A_541 = arith.constant 0 : i32
      %dma_wait3A_542 = tpu.memref_slice %arg4[%dma_wait3A_539, %dma_wait3A_540, %dma_wait3A_541] : memref<4000x1x80xi32, #tpu.memory_space<hbm>> -> memref<1x1x80xi32, #tpu.memory_space<hbm>>
      tpu.wait_dma2 semaphore(%dma_wait3A_534 : memref<!tpu.dma_semaphore, #tpu.memory_space<semaphore_mem>>) src(%dma_wait3A_542 : memref<1x1x80xi32, #tpu.memory_space<hbm>>) dst(%dma_wait3A_538 : memref<1x1x80xi32, #tpu.memory_space<vmem>>)
      %run_scoped3A_543 = arith.constant 3 : i32
      %run_scoped3A_544 = arith.constant 0 : i32
      %run_scoped3A_545 = arith.constant 3 : i32
      "tpu.region"() ({
        %run_scoped3A_776 = tpu.sem_alloc : memref<!tpu.dma_semaphore, #tpu.memory_space<semaphore_mem>>
        %dma_start3A_777 = arith.constant 0 : i32
        %dma_start3A_778 = arith.constant 0 : i32
        %dma_start3A_779 = tpu.memref_slice %arg9[%run_scoped3A_545, %dma_start3A_777, %dma_start3A_778] : memref<4x80x128xf32, #tpu.memory_space<vmem>> -> memref<1x80x128xf32, #tpu.memory_space<vmem>>
        %dma_start3A_780 = tpu.memref_squeeze %dma_start3A_779 : memref<1x80x128xf32, #tpu.memory_space<vmem>> -> memref<80x128xf32, #tpu.memory_space<vmem>>
        %dma_start3A_781 = arith.constant 0 : i32
        %dma_start3A_782 = tpu.memref_slice %arg7[%run_scoped3A_543, %run_scoped3A_544, %dma_start3A_781] : memref<8x1x80xi32, #tpu.memory_space<vmem>> -> memref<1x1x80xi32, #tpu.memory_space<vmem>>
        %dma_start3A_783 = tpu.memref_squeeze %dma_start3A_782 : memref<1x1x80xi32, #tpu.memory_space<vmem>> -> memref<80xi32, #tpu.memory_space<vmem>>
        %dma_start3A_784 = arith.constant 0 : i32
        %dma_start3A_785 = arith.constant 0 : i32
        %dma_start3A_786 = tpu.memref_slice %arg2[%dma_start3A_784, %dma_start3A_785] : memref<20000x128xf32, #tpu.memory_space<hbm>> -> memref<20000x128xf32, #tpu.memory_space<hbm>>
        tpu.enqueue_indirect_dma source(%dma_start3A_786 : memref<20000x128xf32, #tpu.memory_space<hbm>>) target(%dma_start3A_780 : memref<80x128xf32, #tpu.memory_space<vmem>>) offsets(%dma_start3A_783 : memref<80xi32, #tpu.memory_space<vmem>>) semaphore(%run_scoped3A_776 : memref<!tpu.dma_semaphore, #tpu.memory_space<semaphore_mem>>)
        %dma_wait3A_787 = arith.constant 0 : i32
        %dma_wait3A_788 = arith.constant 0 : i32
        %dma_wait3A_789 = tpu.memref_slice %arg9[%run_scoped3A_545, %dma_wait3A_787, %dma_wait3A_788] : memref<4x80x128xf32, #tpu.memory_space<vmem>> -> memref<1x80x128xf32, #tpu.memory_space<vmem>>
        %dma_wait3A_790 = tpu.memref_squeeze %dma_wait3A_789 : memref<1x80x128xf32, #tpu.memory_space<vmem>> -> memref<80x128xf32, #tpu.memory_space<vmem>>
        %dma_wait3A_791 = arith.constant 0 : i32
        %dma_wait3A_792 = tpu.memref_slice %arg7[%run_scoped3A_543, %run_scoped3A_544, %dma_wait3A_791] : memref<8x1x80xi32, #tpu.memory_space<vmem>> -> memref<1x1x80xi32, #tpu.memory_space<vmem>>
        %dma_wait3A_793 = tpu.memref_squeeze %dma_wait3A_792 : memref<1x1x80xi32, #tpu.memory_space<vmem>> -> memref<80xi32, #tpu.memory_space<vmem>>
        %dma_wait3A_794 = arith.constant 0 : i32
        %dma_wait3A_795 = arith.constant 0 : i32
        %dma_wait3A_796 = tpu.memref_slice %arg2[%dma_wait3A_794, %dma_wait3A_795] : memref<20000x128xf32, #tpu.memory_space<hbm>> -> memref<20000x128xf32, #tpu.memory_space<hbm>>
        tpu.wait_indirect_dma semaphore(%run_scoped3A_776 : memref<!tpu.dma_semaphore, #tpu.memory_space<semaphore_mem>>) src(%dma_wait3A_796 : memref<20000x128xf32, #tpu.memory_space<hbm>>) dst(%dma_wait3A_790 : memref<80x128xf32, #tpu.memory_space<vmem>>)
        tpu.yield
      }) : () -> ()
      %run_scoped3A_546 = arith.constant 3 : i32
      %run_scoped3A_547 = arith.constant 3 : i32
      %run_scoped3A_548 = arith.constant 0 : i32
      "tpu.region"() ({
        %run_scoped3A_776 = tpu.sem_alloc : memref<!tpu.dma_semaphore, #tpu.memory_space<semaphore_mem>>
        %dma_start3A_777 = arith.constant 0 : i32
        %dma_start3A_778 = arith.constant 0 : i32
        %dma_start3A_779 = tpu.memref_slice %arg9[%run_scoped3A_546, %dma_start3A_777, %dma_start3A_778] : memref<4x80x128xf32, #tpu.memory_space<vmem>> -> memref<1x80x128xf32, #tpu.memory_space<vmem>>
        %dma_start3A_780 = tpu.memref_squeeze %dma_start3A_779 : memref<1x80x128xf32, #tpu.memory_space<vmem>> -> memref<80x128xf32, #tpu.memory_space<vmem>>
        %dma_start3A_781 = arith.constant 0 : i32
        %dma_start3A_782 = tpu.memref_slice %arg8[%run_scoped3A_547, %run_scoped3A_548, %dma_start3A_781] : memref<8x1x80xi32, #tpu.memory_space<vmem>> -> memref<1x1x80xi32, #tpu.memory_space<vmem>>
        %dma_start3A_783 = tpu.memref_squeeze %dma_start3A_782 : memref<1x1x80xi32, #tpu.memory_space<vmem>> -> memref<80xi32, #tpu.memory_space<vmem>>
        %dma_start3A_784 = arith.constant 0 : i32
        %dma_start3A_785 = arith.constant 0 : i32
        %dma_start3A_786 = tpu.memref_slice %arg13[%dma_start3A_784, %dma_start3A_785] : memref<10000x128xf32, #tpu.memory_space<vmem_shared>> -> memref<10000x128xf32, #tpu.memory_space<vmem_shared>>
        tpu.enqueue_indirect_dma source(%dma_start3A_780 : memref<80x128xf32, #tpu.memory_space<vmem>>) target(%dma_start3A_786 : memref<10000x128xf32, #tpu.memory_space<vmem_shared>>) offsets(%dma_start3A_783 : memref<80xi32, #tpu.memory_space<vmem>>) semaphore(%run_scoped3A_776 : memref<!tpu.dma_semaphore, #tpu.memory_space<semaphore_mem>>) {add = true}
        %dma_wait3A_787 = arith.constant 0 : i32
        %dma_wait3A_788 = arith.constant 0 : i32
        %dma_wait3A_789 = tpu.memref_slice %arg9[%run_scoped3A_546, %dma_wait3A_787, %dma_wait3A_788] : memref<4x80x128xf32, #tpu.memory_space<vmem>> -> memref<1x80x128xf32, #tpu.memory_space<vmem>>
        %dma_wait3A_790 = tpu.memref_squeeze %dma_wait3A_789 : memref<1x80x128xf32, #tpu.memory_space<vmem>> -> memref<80x128xf32, #tpu.memory_space<vmem>>
        %dma_wait3A_791 = arith.constant 0 : i32
        %dma_wait3A_792 = tpu.memref_slice %arg8[%run_scoped3A_547, %run_scoped3A_548, %dma_wait3A_791] : memref<8x1x80xi32, #tpu.memory_space<vmem>> -> memref<1x1x80xi32, #tpu.memory_space<vmem>>
        %dma_wait3A_793 = tpu.memref_squeeze %dma_wait3A_792 : memref<1x1x80xi32, #tpu.memory_space<vmem>> -> memref<80xi32, #tpu.memory_space<vmem>>
        %dma_wait3A_794 = arith.constant 0 : i32
        %dma_wait3A_795 = arith.constant 0 : i32
        %dma_wait3A_796 = tpu.memref_slice %arg13[%dma_wait3A_794, %dma_wait3A_795] : memref<10000x128xf32, #tpu.memory_space<vmem_shared>> -> memref<10000x128xf32, #tpu.memory_space<vmem_shared>>
        tpu.wait_indirect_dma semaphore(%run_scoped3A_776 : memref<!tpu.dma_semaphore, #tpu.memory_space<semaphore_mem>>) src(%dma_wait3A_790 : memref<80x128xf32, #tpu.memory_space<vmem>>) dst(%dma_wait3A_796 : memref<10000x128xf32, #tpu.memory_space<vmem_shared>>)
        tpu.yield
      }) : () -> ()
      %add3A_549 = arith.constant 6 : i32
      %add3A_550 = arith.addi %add3A_504, %add3A_549 : i32
      %lt3A_551 = arith.constant 250 : i32
      %lt3A_552 = arith.cmpi slt, %add3A_550, %lt3A_551 : i32
      %convert_element_type3A_553 = arith.extui %lt3A_552 : i1 to i32
      %cond3A_554 = arith.constant 0 : i32
      %cond3A_555 = arith.cmpi ne, %convert_element_type3A_553, %cond3A_554 : i32
      scf.if %cond3A_555 {
        %add3A_776 = arith.addi %add3A, %add3A_504 : i32
        %add3A_777 = arith.constant 6 : i32
        %add3A_778 = arith.addi %add3A_776, %add3A_777 : i32
        %dma_start3A_779 = arith.constant 1 : i32
        %dma_start3A_780 = arith.constant 1 : i32
        %dma_start3A_781 = arith.constant 0 : i32
        %dma_start3A_782 = arith.constant 0 : i32
        %dma_start3A_783 = tpu.memref_slice %arg7[%dma_start3A_780, %dma_start3A_781, %dma_start3A_782] : memref<8x1x80xi32, #tpu.memory_space<vmem>> -> memref<1x1x80xi32, #tpu.memory_space<vmem>>
        %dma_start3A_784 = arith.constant 0 : i32
        %dma_start3A_785 = arith.constant 0 : i32
        %dma_start3A_786 = tpu.memref_slice %arg3[%add3A_778, %dma_start3A_784, %dma_start3A_785] : memref<8000x1x80xi32, #tpu.memory_space<hbm>> -> memref<1x1x80xi32, #tpu.memory_space<hbm>>
        %dma_start3A_787 = tpu.memref_slice %arg10[%dma_start3A_779] : memref<8x!tpu.dma_semaphore, #tpu.memory_space<semaphore_mem>> -> memref<1x!tpu.dma_semaphore, #tpu.memory_space<semaphore_mem>>
        %dma_start3A_788 = tpu.memref_squeeze %dma_start3A_787 : memref<1x!tpu.dma_semaphore, #tpu.memory_space<semaphore_mem>> -> memref<!tpu.dma_semaphore, #tpu.memory_space<semaphore_mem>>
        %dma_start3A_789 = arith.constant 1 : i32
        %dma_start3A_790 = arith.constant 0 : i32
        %dma_start3A_791 = arith.constant 0 : i32
        %dma_start3A_792 = tpu.memref_slice %arg7[%dma_start3A_789, %dma_start3A_790, %dma_start3A_791] : memref<8x1x80xi32, #tpu.memory_space<vmem>> -> memref<1x1x80xi32, #tpu.memory_space<vmem>>
        %dma_start3A_793 = arith.constant 0 : i32
        %dma_start3A_794 = arith.constant 0 : i32
        %dma_start3A_795 = tpu.memref_slice %arg3[%add3A_778, %dma_start3A_793, %dma_start3A_794] : memref<8000x1x80xi32, #tpu.memory_space<hbm>> -> memref<1x1x80xi32, #tpu.memory_space<hbm>>
        tpu.enqueue_dma source(%dma_start3A_795 : memref<1x1x80xi32, #tpu.memory_space<hbm>>) target(%dma_start3A_792 : memref<1x1x80xi32, #tpu.memory_space<vmem>>) target_semaphore(%dma_start3A_788 : memref<!tpu.dma_semaphore, #tpu.memory_space<semaphore_mem>>)
        %add3A_796 = arith.addi %mul3A_4, %add3A_504 : i32
        %add3A_797 = arith.constant 6 : i32
        %add3A_798 = arith.addi %add3A_796, %add3A_797 : i32
        %dma_start3A_799 = arith.constant 1 : i32
        %dma_start3A_800 = arith.constant 1 : i32
        %dma_start3A_801 = arith.constant 0 : i32
        %dma_start3A_802 = arith.constant 0 : i32
        %dma_start3A_803 = tpu.memref_slice %arg8[%dma_start3A_800, %dma_start3A_801, %dma_start3A_802] : memref<8x1x80xi32, #tpu.memory_space<vmem>> -> memref<1x1x80xi32, #tpu.memory_space<vmem>>
        %dma_start3A_804 = arith.constant 0 : i32
        %dma_start3A_805 = arith.constant 0 : i32
        %dma_start3A_806 = tpu.memref_slice %arg4[%add3A_798, %dma_start3A_804, %dma_start3A_805] : memref<4000x1x80xi32, #tpu.memory_space<hbm>> -> memref<1x1x80xi32, #tpu.memory_space<hbm>>
        %dma_start3A_807 = tpu.memref_slice %arg11[%dma_start3A_799] : memref<8x!tpu.dma_semaphore, #tpu.memory_space<semaphore_mem>> -> memref<1x!tpu.dma_semaphore, #tpu.memory_space<semaphore_mem>>
        %dma_start3A_808 = tpu.memref_squeeze %dma_start3A_807 : memref<1x!tpu.dma_semaphore, #tpu.memory_space<semaphore_mem>> -> memref<!tpu.dma_semaphore, #tpu.memory_space<semaphore_mem>>
        %dma_start3A_809 = arith.constant 1 : i32
        %dma_start3A_810 = arith.constant 0 : i32
        %dma_start3A_811 = arith.constant 0 : i32
        %dma_start3A_812 = tpu.memref_slice %arg8[%dma_start3A_809, %dma_start3A_810, %dma_start3A_811] : memref<8x1x80xi32, #tpu.memory_space<vmem>> -> memref<1x1x80xi32, #tpu.memory_space<vmem>>
        %dma_start3A_813 = arith.constant 0 : i32
        %dma_start3A_814 = arith.constant 0 : i32
        %dma_start3A_815 = tpu.memref_slice %arg4[%add3A_798, %dma_start3A_813, %dma_start3A_814] : memref<4000x1x80xi32, #tpu.memory_space<hbm>> -> memref<1x1x80xi32, #tpu.memory_space<hbm>>
        tpu.enqueue_dma source(%dma_start3A_815 : memref<1x1x80xi32, #tpu.memory_space<hbm>>) target(%dma_start3A_812 : memref<1x1x80xi32, #tpu.memory_space<vmem>>) target_semaphore(%dma_start3A_808 : memref<!tpu.dma_semaphore, #tpu.memory_space<semaphore_mem>>)
      } else {
      }
      %mul3A_556 = arith.constant 8 : i32
      %mul3A_557 = arith.muli %add3A_336, %mul3A_556 : i32
      %add3A_558 = arith.constant 4 : i32
      %add3A_559 = arith.addi %mul3A_557, %add3A_558 : i32
      %dma_wait3A_560 = arith.constant 4 : i32
      %dma_wait3A_561 = arith.constant 4 : i32
      %dma_wait3A_562 = arith.constant 0 : i32
      %dma_wait3A_563 = arith.constant 0 : i32
      %dma_wait3A_564 = tpu.memref_slice %arg7[%dma_wait3A_561, %dma_wait3A_562, %dma_wait3A_563] : memref<8x1x80xi32, #tpu.memory_space<vmem>> -> memref<1x1x80xi32, #tpu.memory_space<vmem>>
      %dma_wait3A_565 = arith.constant 0 : i32
      %dma_wait3A_566 = arith.constant 0 : i32
      %dma_wait3A_567 = arith.constant 0 : i32
      %dma_wait3A_568 = tpu.memref_slice %arg3[%dma_wait3A_565, %dma_wait3A_566, %dma_wait3A_567] : memref<8000x1x80xi32, #tpu.memory_space<hbm>> -> memref<1x1x80xi32, #tpu.memory_space<hbm>>
      %dma_wait3A_569 = tpu.memref_slice %arg10[%dma_wait3A_560] : memref<8x!tpu.dma_semaphore, #tpu.memory_space<semaphore_mem>> -> memref<1x!tpu.dma_semaphore, #tpu.memory_space<semaphore_mem>>
      %dma_wait3A_570 = tpu.memref_squeeze %dma_wait3A_569 : memref<1x!tpu.dma_semaphore, #tpu.memory_space<semaphore_mem>> -> memref<!tpu.dma_semaphore, #tpu.memory_space<semaphore_mem>>
      %dma_wait3A_571 = arith.constant 4 : i32
      %dma_wait3A_572 = arith.constant 0 : i32
      %dma_wait3A_573 = arith.constant 0 : i32
      %dma_wait3A_574 = tpu.memref_slice %arg7[%dma_wait3A_571, %dma_wait3A_572, %dma_wait3A_573] : memref<8x1x80xi32, #tpu.memory_space<vmem>> -> memref<1x1x80xi32, #tpu.memory_space<vmem>>
      %dma_wait3A_575 = arith.constant 0 : i32
      %dma_wait3A_576 = arith.constant 0 : i32
      %dma_wait3A_577 = arith.constant 0 : i32
      %dma_wait3A_578 = tpu.memref_slice %arg3[%dma_wait3A_575, %dma_wait3A_576, %dma_wait3A_577] : memref<8000x1x80xi32, #tpu.memory_space<hbm>> -> memref<1x1x80xi32, #tpu.memory_space<hbm>>
      tpu.wait_dma2 semaphore(%dma_wait3A_570 : memref<!tpu.dma_semaphore, #tpu.memory_space<semaphore_mem>>) src(%dma_wait3A_578 : memref<1x1x80xi32, #tpu.memory_space<hbm>>) dst(%dma_wait3A_574 : memref<1x1x80xi32, #tpu.memory_space<vmem>>)
      %dma_wait3A_579 = arith.constant 4 : i32
      %dma_wait3A_580 = arith.constant 4 : i32
      %dma_wait3A_581 = arith.constant 0 : i32
      %dma_wait3A_582 = arith.constant 0 : i32
      %dma_wait3A_583 = tpu.memref_slice %arg8[%dma_wait3A_580, %dma_wait3A_581, %dma_wait3A_582] : memref<8x1x80xi32, #tpu.memory_space<vmem>> -> memref<1x1x80xi32, #tpu.memory_space<vmem>>
      %dma_wait3A_584 = arith.constant 0 : i32
      %dma_wait3A_585 = arith.constant 0 : i32
      %dma_wait3A_586 = arith.constant 0 : i32
      %dma_wait3A_587 = tpu.memref_slice %arg4[%dma_wait3A_584, %dma_wait3A_585, %dma_wait3A_586] : memref<4000x1x80xi32, #tpu.memory_space<hbm>> -> memref<1x1x80xi32, #tpu.memory_space<hbm>>
      %dma_wait3A_588 = tpu.memref_slice %arg11[%dma_wait3A_579] : memref<8x!tpu.dma_semaphore, #tpu.memory_space<semaphore_mem>> -> memref<1x!tpu.dma_semaphore, #tpu.memory_space<semaphore_mem>>
      %dma_wait3A_589 = tpu.memref_squeeze %dma_wait3A_588 : memref<1x!tpu.dma_semaphore, #tpu.memory_space<semaphore_mem>> -> memref<!tpu.dma_semaphore, #tpu.memory_space<semaphore_mem>>
      %dma_wait3A_590 = arith.constant 4 : i32
      %dma_wait3A_591 = arith.constant 0 : i32
      %dma_wait3A_592 = arith.constant 0 : i32
      %dma_wait3A_593 = tpu.memref_slice %arg8[%dma_wait3A_590, %dma_wait3A_591, %dma_wait3A_592] : memref<8x1x80xi32, #tpu.memory_space<vmem>> -> memref<1x1x80xi32, #tpu.memory_space<vmem>>
      %dma_wait3A_594 = arith.constant 0 : i32
      %dma_wait3A_595 = arith.constant 0 : i32
      %dma_wait3A_596 = arith.constant 0 : i32
      %dma_wait3A_597 = tpu.memref_slice %arg4[%dma_wait3A_594, %dma_wait3A_595, %dma_wait3A_596] : memref<4000x1x80xi32, #tpu.memory_space<hbm>> -> memref<1x1x80xi32, #tpu.memory_space<hbm>>
      tpu.wait_dma2 semaphore(%dma_wait3A_589 : memref<!tpu.dma_semaphore, #tpu.memory_space<semaphore_mem>>) src(%dma_wait3A_597 : memref<1x1x80xi32, #tpu.memory_space<hbm>>) dst(%dma_wait3A_593 : memref<1x1x80xi32, #tpu.memory_space<vmem>>)
      %run_scoped3A_598 = arith.constant 4 : i32
      %run_scoped3A_599 = arith.constant 0 : i32
      %run_scoped3A_600 = arith.constant 0 : i32
      "tpu.region"() ({
        %run_scoped3A_776 = tpu.sem_alloc : memref<!tpu.dma_semaphore, #tpu.memory_space<semaphore_mem>>
        %dma_start3A_777 = arith.constant 0 : i32
        %dma_start3A_778 = arith.constant 0 : i32
        %dma_start3A_779 = tpu.memref_slice %arg9[%run_scoped3A_600, %dma_start3A_777, %dma_start3A_778] : memref<4x80x128xf32, #tpu.memory_space<vmem>> -> memref<1x80x128xf32, #tpu.memory_space<vmem>>
        %dma_start3A_780 = tpu.memref_squeeze %dma_start3A_779 : memref<1x80x128xf32, #tpu.memory_space<vmem>> -> memref<80x128xf32, #tpu.memory_space<vmem>>
        %dma_start3A_781 = arith.constant 0 : i32
        %dma_start3A_782 = tpu.memref_slice %arg7[%run_scoped3A_598, %run_scoped3A_599, %dma_start3A_781] : memref<8x1x80xi32, #tpu.memory_space<vmem>> -> memref<1x1x80xi32, #tpu.memory_space<vmem>>
        %dma_start3A_783 = tpu.memref_squeeze %dma_start3A_782 : memref<1x1x80xi32, #tpu.memory_space<vmem>> -> memref<80xi32, #tpu.memory_space<vmem>>
        %dma_start3A_784 = arith.constant 0 : i32
        %dma_start3A_785 = arith.constant 0 : i32
        %dma_start3A_786 = tpu.memref_slice %arg2[%dma_start3A_784, %dma_start3A_785] : memref<20000x128xf32, #tpu.memory_space<hbm>> -> memref<20000x128xf32, #tpu.memory_space<hbm>>
        tpu.enqueue_indirect_dma source(%dma_start3A_786 : memref<20000x128xf32, #tpu.memory_space<hbm>>) target(%dma_start3A_780 : memref<80x128xf32, #tpu.memory_space<vmem>>) offsets(%dma_start3A_783 : memref<80xi32, #tpu.memory_space<vmem>>) semaphore(%run_scoped3A_776 : memref<!tpu.dma_semaphore, #tpu.memory_space<semaphore_mem>>)
        %dma_wait3A_787 = arith.constant 0 : i32
        %dma_wait3A_788 = arith.constant 0 : i32
        %dma_wait3A_789 = tpu.memref_slice %arg9[%run_scoped3A_600, %dma_wait3A_787, %dma_wait3A_788] : memref<4x80x128xf32, #tpu.memory_space<vmem>> -> memref<1x80x128xf32, #tpu.memory_space<vmem>>
        %dma_wait3A_790 = tpu.memref_squeeze %dma_wait3A_789 : memref<1x80x128xf32, #tpu.memory_space<vmem>> -> memref<80x128xf32, #tpu.memory_space<vmem>>
        %dma_wait3A_791 = arith.constant 0 : i32
        %dma_wait3A_792 = tpu.memref_slice %arg7[%run_scoped3A_598, %run_scoped3A_599, %dma_wait3A_791] : memref<8x1x80xi32, #tpu.memory_space<vmem>> -> memref<1x1x80xi32, #tpu.memory_space<vmem>>
        %dma_wait3A_793 = tpu.memref_squeeze %dma_wait3A_792 : memref<1x1x80xi32, #tpu.memory_space<vmem>> -> memref<80xi32, #tpu.memory_space<vmem>>
        %dma_wait3A_794 = arith.constant 0 : i32
        %dma_wait3A_795 = arith.constant 0 : i32
        %dma_wait3A_796 = tpu.memref_slice %arg2[%dma_wait3A_794, %dma_wait3A_795] : memref<20000x128xf32, #tpu.memory_space<hbm>> -> memref<20000x128xf32, #tpu.memory_space<hbm>>
        tpu.wait_indirect_dma semaphore(%run_scoped3A_776 : memref<!tpu.dma_semaphore, #tpu.memory_space<semaphore_mem>>) src(%dma_wait3A_796 : memref<20000x128xf32, #tpu.memory_space<hbm>>) dst(%dma_wait3A_790 : memref<80x128xf32, #tpu.memory_space<vmem>>)
        tpu.yield
      }) : () -> ()
      %run_scoped3A_601 = arith.constant 0 : i32
      %run_scoped3A_602 = arith.constant 4 : i32
      %run_scoped3A_603 = arith.constant 0 : i32
      "tpu.region"() ({
        %run_scoped3A_776 = tpu.sem_alloc : memref<!tpu.dma_semaphore, #tpu.memory_space<semaphore_mem>>
        %dma_start3A_777 = arith.constant 0 : i32
        %dma_start3A_778 = arith.constant 0 : i32
        %dma_start3A_779 = tpu.memref_slice %arg9[%run_scoped3A_601, %dma_start3A_777, %dma_start3A_778] : memref<4x80x128xf32, #tpu.memory_space<vmem>> -> memref<1x80x128xf32, #tpu.memory_space<vmem>>
        %dma_start3A_780 = tpu.memref_squeeze %dma_start3A_779 : memref<1x80x128xf32, #tpu.memory_space<vmem>> -> memref<80x128xf32, #tpu.memory_space<vmem>>
        %dma_start3A_781 = arith.constant 0 : i32
        %dma_start3A_782 = tpu.memref_slice %arg8[%run_scoped3A_602, %run_scoped3A_603, %dma_start3A_781] : memref<8x1x80xi32, #tpu.memory_space<vmem>> -> memref<1x1x80xi32, #tpu.memory_space<vmem>>
        %dma_start3A_783 = tpu.memref_squeeze %dma_start3A_782 : memref<1x1x80xi32, #tpu.memory_space<vmem>> -> memref<80xi32, #tpu.memory_space<vmem>>
        %dma_start3A_784 = arith.constant 0 : i32
        %dma_start3A_785 = arith.constant 0 : i32
        %dma_start3A_786 = tpu.memref_slice %arg13[%dma_start3A_784, %dma_start3A_785] : memref<10000x128xf32, #tpu.memory_space<vmem_shared>> -> memref<10000x128xf32, #tpu.memory_space<vmem_shared>>
        tpu.enqueue_indirect_dma source(%dma_start3A_780 : memref<80x128xf32, #tpu.memory_space<vmem>>) target(%dma_start3A_786 : memref<10000x128xf32, #tpu.memory_space<vmem_shared>>) offsets(%dma_start3A_783 : memref<80xi32, #tpu.memory_space<vmem>>) semaphore(%run_scoped3A_776 : memref<!tpu.dma_semaphore, #tpu.memory_space<semaphore_mem>>) {add = true}
        %dma_wait3A_787 = arith.constant 0 : i32
        %dma_wait3A_788 = arith.constant 0 : i32
        %dma_wait3A_789 = tpu.memref_slice %arg9[%run_scoped3A_601, %dma_wait3A_787, %dma_wait3A_788] : memref<4x80x128xf32, #tpu.memory_space<vmem>> -> memref<1x80x128xf32, #tpu.memory_space<vmem>>
        %dma_wait3A_790 = tpu.memref_squeeze %dma_wait3A_789 : memref<1x80x128xf32, #tpu.memory_space<vmem>> -> memref<80x128xf32, #tpu.memory_space<vmem>>
        %dma_wait3A_791 = arith.constant 0 : i32
        %dma_wait3A_792 = tpu.memref_slice %arg8[%run_scoped3A_602, %run_scoped3A_603, %dma_wait3A_791] : memref<8x1x80xi32, #tpu.memory_space<vmem>> -> memref<1x1x80xi32, #tpu.memory_space<vmem>>
        %dma_wait3A_793 = tpu.memref_squeeze %dma_wait3A_792 : memref<1x1x80xi32, #tpu.memory_space<vmem>> -> memref<80xi32, #tpu.memory_space<vmem>>
        %dma_wait3A_794 = arith.constant 0 : i32
        %dma_wait3A_795 = arith.constant 0 : i32
        %dma_wait3A_796 = tpu.memref_slice %arg13[%dma_wait3A_794, %dma_wait3A_795] : memref<10000x128xf32, #tpu.memory_space<vmem_shared>> -> memref<10000x128xf32, #tpu.memory_space<vmem_shared>>
        tpu.wait_indirect_dma semaphore(%run_scoped3A_776 : memref<!tpu.dma_semaphore, #tpu.memory_space<semaphore_mem>>) src(%dma_wait3A_790 : memref<80x128xf32, #tpu.memory_space<vmem>>) dst(%dma_wait3A_796 : memref<10000x128xf32, #tpu.memory_space<vmem_shared>>)
        tpu.yield
      }) : () -> ()
      %add3A_604 = arith.constant 6 : i32
      %add3A_605 = arith.addi %add3A_559, %add3A_604 : i32
      %lt3A_606 = arith.constant 250 : i32
      %lt3A_607 = arith.cmpi slt, %add3A_605, %lt3A_606 : i32
      %convert_element_type3A_608 = arith.extui %lt3A_607 : i1 to i32
      %cond3A_609 = arith.constant 0 : i32
      %cond3A_610 = arith.cmpi ne, %convert_element_type3A_608, %cond3A_609 : i32
      scf.if %cond3A_610 {
        %add3A_776 = arith.addi %add3A, %add3A_559 : i32
        %add3A_777 = arith.constant 6 : i32
        %add3A_778 = arith.addi %add3A_776, %add3A_777 : i32
        %dma_start3A_779 = arith.constant 2 : i32
        %dma_start3A_780 = arith.constant 2 : i32
        %dma_start3A_781 = arith.constant 0 : i32
        %dma_start3A_782 = arith.constant 0 : i32
        %dma_start3A_783 = tpu.memref_slice %arg7[%dma_start3A_780, %dma_start3A_781, %dma_start3A_782] : memref<8x1x80xi32, #tpu.memory_space<vmem>> -> memref<1x1x80xi32, #tpu.memory_space<vmem>>
        %dma_start3A_784 = arith.constant 0 : i32
        %dma_start3A_785 = arith.constant 0 : i32
        %dma_start3A_786 = tpu.memref_slice %arg3[%add3A_778, %dma_start3A_784, %dma_start3A_785] : memref<8000x1x80xi32, #tpu.memory_space<hbm>> -> memref<1x1x80xi32, #tpu.memory_space<hbm>>
        %dma_start3A_787 = tpu.memref_slice %arg10[%dma_start3A_779] : memref<8x!tpu.dma_semaphore, #tpu.memory_space<semaphore_mem>> -> memref<1x!tpu.dma_semaphore, #tpu.memory_space<semaphore_mem>>
        %dma_start3A_788 = tpu.memref_squeeze %dma_start3A_787 : memref<1x!tpu.dma_semaphore, #tpu.memory_space<semaphore_mem>> -> memref<!tpu.dma_semaphore, #tpu.memory_space<semaphore_mem>>
        %dma_start3A_789 = arith.constant 2 : i32
        %dma_start3A_790 = arith.constant 0 : i32
        %dma_start3A_791 = arith.constant 0 : i32
        %dma_start3A_792 = tpu.memref_slice %arg7[%dma_start3A_789, %dma_start3A_790, %dma_start3A_791] : memref<8x1x80xi32, #tpu.memory_space<vmem>> -> memref<1x1x80xi32, #tpu.memory_space<vmem>>
        %dma_start3A_793 = arith.constant 0 : i32
        %dma_start3A_794 = arith.constant 0 : i32
        %dma_start3A_795 = tpu.memref_slice %arg3[%add3A_778, %dma_start3A_793, %dma_start3A_794] : memref<8000x1x80xi32, #tpu.memory_space<hbm>> -> memref<1x1x80xi32, #tpu.memory_space<hbm>>
        tpu.enqueue_dma source(%dma_start3A_795 : memref<1x1x80xi32, #tpu.memory_space<hbm>>) target(%dma_start3A_792 : memref<1x1x80xi32, #tpu.memory_space<vmem>>) target_semaphore(%dma_start3A_788 : memref<!tpu.dma_semaphore, #tpu.memory_space<semaphore_mem>>)
        %add3A_796 = arith.addi %mul3A_4, %add3A_559 : i32
        %add3A_797 = arith.constant 6 : i32
        %add3A_798 = arith.addi %add3A_796, %add3A_797 : i32
        %dma_start3A_799 = arith.constant 2 : i32
        %dma_start3A_800 = arith.constant 2 : i32
        %dma_start3A_801 = arith.constant 0 : i32
        %dma_start3A_802 = arith.constant 0 : i32
        %dma_start3A_803 = tpu.memref_slice %arg8[%dma_start3A_800, %dma_start3A_801, %dma_start3A_802] : memref<8x1x80xi32, #tpu.memory_space<vmem>> -> memref<1x1x80xi32, #tpu.memory_space<vmem>>
        %dma_start3A_804 = arith.constant 0 : i32
        %dma_start3A_805 = arith.constant 0 : i32
        %dma_start3A_806 = tpu.memref_slice %arg4[%add3A_798, %dma_start3A_804, %dma_start3A_805] : memref<4000x1x80xi32, #tpu.memory_space<hbm>> -> memref<1x1x80xi32, #tpu.memory_space<hbm>>
        %dma_start3A_807 = tpu.memref_slice %arg11[%dma_start3A_799] : memref<8x!tpu.dma_semaphore, #tpu.memory_space<semaphore_mem>> -> memref<1x!tpu.dma_semaphore, #tpu.memory_space<semaphore_mem>>
        %dma_start3A_808 = tpu.memref_squeeze %dma_start3A_807 : memref<1x!tpu.dma_semaphore, #tpu.memory_space<semaphore_mem>> -> memref<!tpu.dma_semaphore, #tpu.memory_space<semaphore_mem>>
        %dma_start3A_809 = arith.constant 2 : i32
        %dma_start3A_810 = arith.constant 0 : i32
        %dma_start3A_811 = arith.constant 0 : i32
        %dma_start3A_812 = tpu.memref_slice %arg8[%dma_start3A_809, %dma_start3A_810, %dma_start3A_811] : memref<8x1x80xi32, #tpu.memory_space<vmem>> -> memref<1x1x80xi32, #tpu.memory_space<vmem>>
        %dma_start3A_813 = arith.constant 0 : i32
        %dma_start3A_814 = arith.constant 0 : i32
        %dma_start3A_815 = tpu.memref_slice %arg4[%add3A_798, %dma_start3A_813, %dma_start3A_814] : memref<4000x1x80xi32, #tpu.memory_space<hbm>> -> memref<1x1x80xi32, #tpu.memory_space<hbm>>
        tpu.enqueue_dma source(%dma_start3A_815 : memref<1x1x80xi32, #tpu.memory_space<hbm>>) target(%dma_start3A_812 : memref<1x1x80xi32, #tpu.memory_space<vmem>>) target_semaphore(%dma_start3A_808 : memref<!tpu.dma_semaphore, #tpu.memory_space<semaphore_mem>>)
      } else {
      }
      %mul3A_611 = arith.constant 8 : i32
      %mul3A_612 = arith.muli %add3A_336, %mul3A_611 : i32
      %add3A_613 = arith.constant 5 : i32
      %add3A_614 = arith.addi %mul3A_612, %add3A_613 : i32
      %dma_wait3A_615 = arith.constant 5 : i32
      %dma_wait3A_616 = arith.constant 5 : i32
      %dma_wait3A_617 = arith.constant 0 : i32
      %dma_wait3A_618 = arith.constant 0 : i32
      %dma_wait3A_619 = tpu.memref_slice %arg7[%dma_wait3A_616, %dma_wait3A_617, %dma_wait3A_618] : memref<8x1x80xi32, #tpu.memory_space<vmem>> -> memref<1x1x80xi32, #tpu.memory_space<vmem>>
      %dma_wait3A_620 = arith.constant 0 : i32
      %dma_wait3A_621 = arith.constant 0 : i32
      %dma_wait3A_622 = arith.constant 0 : i32
      %dma_wait3A_623 = tpu.memref_slice %arg3[%dma_wait3A_620, %dma_wait3A_621, %dma_wait3A_622] : memref<8000x1x80xi32, #tpu.memory_space<hbm>> -> memref<1x1x80xi32, #tpu.memory_space<hbm>>
      %dma_wait3A_624 = tpu.memref_slice %arg10[%dma_wait3A_615] : memref<8x!tpu.dma_semaphore, #tpu.memory_space<semaphore_mem>> -> memref<1x!tpu.dma_semaphore, #tpu.memory_space<semaphore_mem>>
      %dma_wait3A_625 = tpu.memref_squeeze %dma_wait3A_624 : memref<1x!tpu.dma_semaphore, #tpu.memory_space<semaphore_mem>> -> memref<!tpu.dma_semaphore, #tpu.memory_space<semaphore_mem>>
      %dma_wait3A_626 = arith.constant 5 : i32
      %dma_wait3A_627 = arith.constant 0 : i32
      %dma_wait3A_628 = arith.constant 0 : i32
      %dma_wait3A_629 = tpu.memref_slice %arg7[%dma_wait3A_626, %dma_wait3A_627, %dma_wait3A_628] : memref<8x1x80xi32, #tpu.memory_space<vmem>> -> memref<1x1x80xi32, #tpu.memory_space<vmem>>
      %dma_wait3A_630 = arith.constant 0 : i32
      %dma_wait3A_631 = arith.constant 0 : i32
      %dma_wait3A_632 = arith.constant 0 : i32
      %dma_wait3A_633 = tpu.memref_slice %arg3[%dma_wait3A_630, %dma_wait3A_631, %dma_wait3A_632] : memref<8000x1x80xi32, #tpu.memory_space<hbm>> -> memref<1x1x80xi32, #tpu.memory_space<hbm>>
      tpu.wait_dma2 semaphore(%dma_wait3A_625 : memref<!tpu.dma_semaphore, #tpu.memory_space<semaphore_mem>>) src(%dma_wait3A_633 : memref<1x1x80xi32, #tpu.memory_space<hbm>>) dst(%dma_wait3A_629 : memref<1x1x80xi32, #tpu.memory_space<vmem>>)
      %dma_wait3A_634 = arith.constant 5 : i32
      %dma_wait3A_635 = arith.constant 5 : i32
      %dma_wait3A_636 = arith.constant 0 : i32
      %dma_wait3A_637 = arith.constant 0 : i32
      %dma_wait3A_638 = tpu.memref_slice %arg8[%dma_wait3A_635, %dma_wait3A_636, %dma_wait3A_637] : memref<8x1x80xi32, #tpu.memory_space<vmem>> -> memref<1x1x80xi32, #tpu.memory_space<vmem>>
      %dma_wait3A_639 = arith.constant 0 : i32
      %dma_wait3A_640 = arith.constant 0 : i32
      %dma_wait3A_641 = arith.constant 0 : i32
      %dma_wait3A_642 = tpu.memref_slice %arg4[%dma_wait3A_639, %dma_wait3A_640, %dma_wait3A_641] : memref<4000x1x80xi32, #tpu.memory_space<hbm>> -> memref<1x1x80xi32, #tpu.memory_space<hbm>>
      %dma_wait3A_643 = tpu.memref_slice %arg11[%dma_wait3A_634] : memref<8x!tpu.dma_semaphore, #tpu.memory_space<semaphore_mem>> -> memref<1x!tpu.dma_semaphore, #tpu.memory_space<semaphore_mem>>
      %dma_wait3A_644 = tpu.memref_squeeze %dma_wait3A_643 : memref<1x!tpu.dma_semaphore, #tpu.memory_space<semaphore_mem>> -> memref<!tpu.dma_semaphore, #tpu.memory_space<semaphore_mem>>
      %dma_wait3A_645 = arith.constant 5 : i32
      %dma_wait3A_646 = arith.constant 0 : i32
      %dma_wait3A_647 = arith.constant 0 : i32
      %dma_wait3A_648 = tpu.memref_slice %arg8[%dma_wait3A_645, %dma_wait3A_646, %dma_wait3A_647] : memref<8x1x80xi32, #tpu.memory_space<vmem>> -> memref<1x1x80xi32, #tpu.memory_space<vmem>>
      %dma_wait3A_649 = arith.constant 0 : i32
      %dma_wait3A_650 = arith.constant 0 : i32
      %dma_wait3A_651 = arith.constant 0 : i32
      %dma_wait3A_652 = tpu.memref_slice %arg4[%dma_wait3A_649, %dma_wait3A_650, %dma_wait3A_651] : memref<4000x1x80xi32, #tpu.memory_space<hbm>> -> memref<1x1x80xi32, #tpu.memory_space<hbm>>
      tpu.wait_dma2 semaphore(%dma_wait3A_644 : memref<!tpu.dma_semaphore, #tpu.memory_space<semaphore_mem>>) src(%dma_wait3A_652 : memref<1x1x80xi32, #tpu.memory_space<hbm>>) dst(%dma_wait3A_648 : memref<1x1x80xi32, #tpu.memory_space<vmem>>)
      %run_scoped3A_653 = arith.constant 5 : i32
      %run_scoped3A_654 = arith.constant 0 : i32
      %run_scoped3A_655 = arith.constant 1 : i32
      "tpu.region"() ({
        %run_scoped3A_776 = tpu.sem_alloc : memref<!tpu.dma_semaphore, #tpu.memory_space<semaphore_mem>>
        %dma_start3A_777 = arith.constant 0 : i32
        %dma_start3A_778 = arith.constant 0 : i32
        %dma_start3A_779 = tpu.memref_slice %arg9[%run_scoped3A_655, %dma_start3A_777, %dma_start3A_778] : memref<4x80x128xf32, #tpu.memory_space<vmem>> -> memref<1x80x128xf32, #tpu.memory_space<vmem>>
        %dma_start3A_780 = tpu.memref_squeeze %dma_start3A_779 : memref<1x80x128xf32, #tpu.memory_space<vmem>> -> memref<80x128xf32, #tpu.memory_space<vmem>>
        %dma_start3A_781 = arith.constant 0 : i32
        %dma_start3A_782 = tpu.memref_slice %arg7[%run_scoped3A_653, %run_scoped3A_654, %dma_start3A_781] : memref<8x1x80xi32, #tpu.memory_space<vmem>> -> memref<1x1x80xi32, #tpu.memory_space<vmem>>
        %dma_start3A_783 = tpu.memref_squeeze %dma_start3A_782 : memref<1x1x80xi32, #tpu.memory_space<vmem>> -> memref<80xi32, #tpu.memory_space<vmem>>
        %dma_start3A_784 = arith.constant 0 : i32
        %dma_start3A_785 = arith.constant 0 : i32
        %dma_start3A_786 = tpu.memref_slice %arg2[%dma_start3A_784, %dma_start3A_785] : memref<20000x128xf32, #tpu.memory_space<hbm>> -> memref<20000x128xf32, #tpu.memory_space<hbm>>
        tpu.enqueue_indirect_dma source(%dma_start3A_786 : memref<20000x128xf32, #tpu.memory_space<hbm>>) target(%dma_start3A_780 : memref<80x128xf32, #tpu.memory_space<vmem>>) offsets(%dma_start3A_783 : memref<80xi32, #tpu.memory_space<vmem>>) semaphore(%run_scoped3A_776 : memref<!tpu.dma_semaphore, #tpu.memory_space<semaphore_mem>>)
        %dma_wait3A_787 = arith.constant 0 : i32
        %dma_wait3A_788 = arith.constant 0 : i32
        %dma_wait3A_789 = tpu.memref_slice %arg9[%run_scoped3A_655, %dma_wait3A_787, %dma_wait3A_788] : memref<4x80x128xf32, #tpu.memory_space<vmem>> -> memref<1x80x128xf32, #tpu.memory_space<vmem>>
        %dma_wait3A_790 = tpu.memref_squeeze %dma_wait3A_789 : memref<1x80x128xf32, #tpu.memory_space<vmem>> -> memref<80x128xf32, #tpu.memory_space<vmem>>
        %dma_wait3A_791 = arith.constant 0 : i32
        %dma_wait3A_792 = tpu.memref_slice %arg7[%run_scoped3A_653, %run_scoped3A_654, %dma_wait3A_791] : memref<8x1x80xi32, #tpu.memory_space<vmem>> -> memref<1x1x80xi32, #tpu.memory_space<vmem>>
        %dma_wait3A_793 = tpu.memref_squeeze %dma_wait3A_792 : memref<1x1x80xi32, #tpu.memory_space<vmem>> -> memref<80xi32, #tpu.memory_space<vmem>>
        %dma_wait3A_794 = arith.constant 0 : i32
        %dma_wait3A_795 = arith.constant 0 : i32
        %dma_wait3A_796 = tpu.memref_slice %arg2[%dma_wait3A_794, %dma_wait3A_795] : memref<20000x128xf32, #tpu.memory_space<hbm>> -> memref<20000x128xf32, #tpu.memory_space<hbm>>
        tpu.wait_indirect_dma semaphore(%run_scoped3A_776 : memref<!tpu.dma_semaphore, #tpu.memory_space<semaphore_mem>>) src(%dma_wait3A_796 : memref<20000x128xf32, #tpu.memory_space<hbm>>) dst(%dma_wait3A_790 : memref<80x128xf32, #tpu.memory_space<vmem>>)
        tpu.yield
      }) : () -> ()
      %run_scoped3A_656 = arith.constant 1 : i32
      %run_scoped3A_657 = arith.constant 5 : i32
      %run_scoped3A_658 = arith.constant 0 : i32
      "tpu.region"() ({
        %run_scoped3A_776 = tpu.sem_alloc : memref<!tpu.dma_semaphore, #tpu.memory_space<semaphore_mem>>
        %dma_start3A_777 = arith.constant 0 : i32
        %dma_start3A_778 = arith.constant 0 : i32
        %dma_start3A_779 = tpu.memref_slice %arg9[%run_scoped3A_656, %dma_start3A_777, %dma_start3A_778] : memref<4x80x128xf32, #tpu.memory_space<vmem>> -> memref<1x80x128xf32, #tpu.memory_space<vmem>>
        %dma_start3A_780 = tpu.memref_squeeze %dma_start3A_779 : memref<1x80x128xf32, #tpu.memory_space<vmem>> -> memref<80x128xf32, #tpu.memory_space<vmem>>
        %dma_start3A_781 = arith.constant 0 : i32
        %dma_start3A_782 = tpu.memref_slice %arg8[%run_scoped3A_657, %run_scoped3A_658, %dma_start3A_781] : memref<8x1x80xi32, #tpu.memory_space<vmem>> -> memref<1x1x80xi32, #tpu.memory_space<vmem>>
        %dma_start3A_783 = tpu.memref_squeeze %dma_start3A_782 : memref<1x1x80xi32, #tpu.memory_space<vmem>> -> memref<80xi32, #tpu.memory_space<vmem>>
        %dma_start3A_784 = arith.constant 0 : i32
        %dma_start3A_785 = arith.constant 0 : i32
        %dma_start3A_786 = tpu.memref_slice %arg13[%dma_start3A_784, %dma_start3A_785] : memref<10000x128xf32, #tpu.memory_space<vmem_shared>> -> memref<10000x128xf32, #tpu.memory_space<vmem_shared>>
        tpu.enqueue_indirect_dma source(%dma_start3A_780 : memref<80x128xf32, #tpu.memory_space<vmem>>) target(%dma_start3A_786 : memref<10000x128xf32, #tpu.memory_space<vmem_shared>>) offsets(%dma_start3A_783 : memref<80xi32, #tpu.memory_space<vmem>>) semaphore(%run_scoped3A_776 : memref<!tpu.dma_semaphore, #tpu.memory_space<semaphore_mem>>) {add = true}
        %dma_wait3A_787 = arith.constant 0 : i32
        %dma_wait3A_788 = arith.constant 0 : i32
        %dma_wait3A_789 = tpu.memref_slice %arg9[%run_scoped3A_656, %dma_wait3A_787, %dma_wait3A_788] : memref<4x80x128xf32, #tpu.memory_space<vmem>> -> memref<1x80x128xf32, #tpu.memory_space<vmem>>
        %dma_wait3A_790 = tpu.memref_squeeze %dma_wait3A_789 : memref<1x80x128xf32, #tpu.memory_space<vmem>> -> memref<80x128xf32, #tpu.memory_space<vmem>>
        %dma_wait3A_791 = arith.constant 0 : i32
        %dma_wait3A_792 = tpu.memref_slice %arg8[%run_scoped3A_657, %run_scoped3A_658, %dma_wait3A_791] : memref<8x1x80xi32, #tpu.memory_space<vmem>> -> memref<1x1x80xi32, #tpu.memory_space<vmem>>
        %dma_wait3A_793 = tpu.memref_squeeze %dma_wait3A_792 : memref<1x1x80xi32, #tpu.memory_space<vmem>> -> memref<80xi32, #tpu.memory_space<vmem>>
        %dma_wait3A_794 = arith.constant 0 : i32
        %dma_wait3A_795 = arith.constant 0 : i32
        %dma_wait3A_796 = tpu.memref_slice %arg13[%dma_wait3A_794, %dma_wait3A_795] : memref<10000x128xf32, #tpu.memory_space<vmem_shared>> -> memref<10000x128xf32, #tpu.memory_space<vmem_shared>>
        tpu.wait_indirect_dma semaphore(%run_scoped3A_776 : memref<!tpu.dma_semaphore, #tpu.memory_space<semaphore_mem>>) src(%dma_wait3A_790 : memref<80x128xf32, #tpu.memory_space<vmem>>) dst(%dma_wait3A_796 : memref<10000x128xf32, #tpu.memory_space<vmem_shared>>)
        tpu.yield
      }) : () -> ()
      %add3A_659 = arith.constant 6 : i32
      %add3A_660 = arith.addi %add3A_614, %add3A_659 : i32
      %lt3A_661 = arith.constant 250 : i32
      %lt3A_662 = arith.cmpi slt, %add3A_660, %lt3A_661 : i32
      %convert_element_type3A_663 = arith.extui %lt3A_662 : i1 to i32
      %cond3A_664 = arith.constant 0 : i32
      %cond3A_665 = arith.cmpi ne, %convert_element_type3A_663, %cond3A_664 : i32
      scf.if %cond3A_665 {
        %add3A_776 = arith.addi %add3A, %add3A_614 : i32
        %add3A_777 = arith.constant 6 : i32
        %add3A_778 = arith.addi %add3A_776, %add3A_777 : i32
        %dma_start3A_779 = arith.constant 3 : i32
        %dma_start3A_780 = arith.constant 3 : i32
        %dma_start3A_781 = arith.constant 0 : i32
        %dma_start3A_782 = arith.constant 0 : i32
        %dma_start3A_783 = tpu.memref_slice %arg7[%dma_start3A_780, %dma_start3A_781, %dma_start3A_782] : memref<8x1x80xi32, #tpu.memory_space<vmem>> -> memref<1x1x80xi32, #tpu.memory_space<vmem>>
        %dma_start3A_784 = arith.constant 0 : i32
        %dma_start3A_785 = arith.constant 0 : i32
        %dma_start3A_786 = tpu.memref_slice %arg3[%add3A_778, %dma_start3A_784, %dma_start3A_785] : memref<8000x1x80xi32, #tpu.memory_space<hbm>> -> memref<1x1x80xi32, #tpu.memory_space<hbm>>
        %dma_start3A_787 = tpu.memref_slice %arg10[%dma_start3A_779] : memref<8x!tpu.dma_semaphore, #tpu.memory_space<semaphore_mem>> -> memref<1x!tpu.dma_semaphore, #tpu.memory_space<semaphore_mem>>
        %dma_start3A_788 = tpu.memref_squeeze %dma_start3A_787 : memref<1x!tpu.dma_semaphore, #tpu.memory_space<semaphore_mem>> -> memref<!tpu.dma_semaphore, #tpu.memory_space<semaphore_mem>>
        %dma_start3A_789 = arith.constant 3 : i32
        %dma_start3A_790 = arith.constant 0 : i32
        %dma_start3A_791 = arith.constant 0 : i32
        %dma_start3A_792 = tpu.memref_slice %arg7[%dma_start3A_789, %dma_start3A_790, %dma_start3A_791] : memref<8x1x80xi32, #tpu.memory_space<vmem>> -> memref<1x1x80xi32, #tpu.memory_space<vmem>>
        %dma_start3A_793 = arith.constant 0 : i32
        %dma_start3A_794 = arith.constant 0 : i32
        %dma_start3A_795 = tpu.memref_slice %arg3[%add3A_778, %dma_start3A_793, %dma_start3A_794] : memref<8000x1x80xi32, #tpu.memory_space<hbm>> -> memref<1x1x80xi32, #tpu.memory_space<hbm>>
        tpu.enqueue_dma source(%dma_start3A_795 : memref<1x1x80xi32, #tpu.memory_space<hbm>>) target(%dma_start3A_792 : memref<1x1x80xi32, #tpu.memory_space<vmem>>) target_semaphore(%dma_start3A_788 : memref<!tpu.dma_semaphore, #tpu.memory_space<semaphore_mem>>)
        %add3A_796 = arith.addi %mul3A_4, %add3A_614 : i32
        %add3A_797 = arith.constant 6 : i32
        %add3A_798 = arith.addi %add3A_796, %add3A_797 : i32
        %dma_start3A_799 = arith.constant 3 : i32
        %dma_start3A_800 = arith.constant 3 : i32
        %dma_start3A_801 = arith.constant 0 : i32
        %dma_start3A_802 = arith.constant 0 : i32
        %dma_start3A_803 = tpu.memref_slice %arg8[%dma_start3A_800, %dma_start3A_801, %dma_start3A_802] : memref<8x1x80xi32, #tpu.memory_space<vmem>> -> memref<1x1x80xi32, #tpu.memory_space<vmem>>
        %dma_start3A_804 = arith.constant 0 : i32
        %dma_start3A_805 = arith.constant 0 : i32
        %dma_start3A_806 = tpu.memref_slice %arg4[%add3A_798, %dma_start3A_804, %dma_start3A_805] : memref<4000x1x80xi32, #tpu.memory_space<hbm>> -> memref<1x1x80xi32, #tpu.memory_space<hbm>>
        %dma_start3A_807 = tpu.memref_slice %arg11[%dma_start3A_799] : memref<8x!tpu.dma_semaphore, #tpu.memory_space<semaphore_mem>> -> memref<1x!tpu.dma_semaphore, #tpu.memory_space<semaphore_mem>>
        %dma_start3A_808 = tpu.memref_squeeze %dma_start3A_807 : memref<1x!tpu.dma_semaphore, #tpu.memory_space<semaphore_mem>> -> memref<!tpu.dma_semaphore, #tpu.memory_space<semaphore_mem>>
        %dma_start3A_809 = arith.constant 3 : i32
        %dma_start3A_810 = arith.constant 0 : i32
        %dma_start3A_811 = arith.constant 0 : i32
        %dma_start3A_812 = tpu.memref_slice %arg8[%dma_start3A_809, %dma_start3A_810, %dma_start3A_811] : memref<8x1x80xi32, #tpu.memory_space<vmem>> -> memref<1x1x80xi32, #tpu.memory_space<vmem>>
        %dma_start3A_813 = arith.constant 0 : i32
        %dma_start3A_814 = arith.constant 0 : i32
        %dma_start3A_815 = tpu.memref_slice %arg4[%add3A_798, %dma_start3A_813, %dma_start3A_814] : memref<4000x1x80xi32, #tpu.memory_space<hbm>> -> memref<1x1x80xi32, #tpu.memory_space<hbm>>
        tpu.enqueue_dma source(%dma_start3A_815 : memref<1x1x80xi32, #tpu.memory_space<hbm>>) target(%dma_start3A_812 : memref<1x1x80xi32, #tpu.memory_space<vmem>>) target_semaphore(%dma_start3A_808 : memref<!tpu.dma_semaphore, #tpu.memory_space<semaphore_mem>>)
      } else {
      }
      %mul3A_666 = arith.constant 8 : i32
      %mul3A_667 = arith.muli %add3A_336, %mul3A_666 : i32
      %add3A_668 = arith.constant 6 : i32
      %add3A_669 = arith.addi %mul3A_667, %add3A_668 : i32
      %dma_wait3A_670 = arith.constant 6 : i32
      %dma_wait3A_671 = arith.constant 6 : i32
      %dma_wait3A_672 = arith.constant 0 : i32
      %dma_wait3A_673 = arith.constant 0 : i32
      %dma_wait3A_674 = tpu.memref_slice %arg7[%dma_wait3A_671, %dma_wait3A_672, %dma_wait3A_673] : memref<8x1x80xi32, #tpu.memory_space<vmem>> -> memref<1x1x80xi32, #tpu.memory_space<vmem>>
      %dma_wait3A_675 = arith.constant 0 : i32
      %dma_wait3A_676 = arith.constant 0 : i32
      %dma_wait3A_677 = arith.constant 0 : i32
      %dma_wait3A_678 = tpu.memref_slice %arg3[%dma_wait3A_675, %dma_wait3A_676, %dma_wait3A_677] : memref<8000x1x80xi32, #tpu.memory_space<hbm>> -> memref<1x1x80xi32, #tpu.memory_space<hbm>>
      %dma_wait3A_679 = tpu.memref_slice %arg10[%dma_wait3A_670] : memref<8x!tpu.dma_semaphore, #tpu.memory_space<semaphore_mem>> -> memref<1x!tpu.dma_semaphore, #tpu.memory_space<semaphore_mem>>
      %dma_wait3A_680 = tpu.memref_squeeze %dma_wait3A_679 : memref<1x!tpu.dma_semaphore, #tpu.memory_space<semaphore_mem>> -> memref<!tpu.dma_semaphore, #tpu.memory_space<semaphore_mem>>
      %dma_wait3A_681 = arith.constant 6 : i32
      %dma_wait3A_682 = arith.constant 0 : i32
      %dma_wait3A_683 = arith.constant 0 : i32
      %dma_wait3A_684 = tpu.memref_slice %arg7[%dma_wait3A_681, %dma_wait3A_682, %dma_wait3A_683] : memref<8x1x80xi32, #tpu.memory_space<vmem>> -> memref<1x1x80xi32, #tpu.memory_space<vmem>>
      %dma_wait3A_685 = arith.constant 0 : i32
      %dma_wait3A_686 = arith.constant 0 : i32
      %dma_wait3A_687 = arith.constant 0 : i32
      %dma_wait3A_688 = tpu.memref_slice %arg3[%dma_wait3A_685, %dma_wait3A_686, %dma_wait3A_687] : memref<8000x1x80xi32, #tpu.memory_space<hbm>> -> memref<1x1x80xi32, #tpu.memory_space<hbm>>
      tpu.wait_dma2 semaphore(%dma_wait3A_680 : memref<!tpu.dma_semaphore, #tpu.memory_space<semaphore_mem>>) src(%dma_wait3A_688 : memref<1x1x80xi32, #tpu.memory_space<hbm>>) dst(%dma_wait3A_684 : memref<1x1x80xi32, #tpu.memory_space<vmem>>)
      %dma_wait3A_689 = arith.constant 6 : i32
      %dma_wait3A_690 = arith.constant 6 : i32
      %dma_wait3A_691 = arith.constant 0 : i32
      %dma_wait3A_692 = arith.constant 0 : i32
      %dma_wait3A_693 = tpu.memref_slice %arg8[%dma_wait3A_690, %dma_wait3A_691, %dma_wait3A_692] : memref<8x1x80xi32, #tpu.memory_space<vmem>> -> memref<1x1x80xi32, #tpu.memory_space<vmem>>
      %dma_wait3A_694 = arith.constant 0 : i32
      %dma_wait3A_695 = arith.constant 0 : i32
      %dma_wait3A_696 = arith.constant 0 : i32
      %dma_wait3A_697 = tpu.memref_slice %arg4[%dma_wait3A_694, %dma_wait3A_695, %dma_wait3A_696] : memref<4000x1x80xi32, #tpu.memory_space<hbm>> -> memref<1x1x80xi32, #tpu.memory_space<hbm>>
      %dma_wait3A_698 = tpu.memref_slice %arg11[%dma_wait3A_689] : memref<8x!tpu.dma_semaphore, #tpu.memory_space<semaphore_mem>> -> memref<1x!tpu.dma_semaphore, #tpu.memory_space<semaphore_mem>>
      %dma_wait3A_699 = tpu.memref_squeeze %dma_wait3A_698 : memref<1x!tpu.dma_semaphore, #tpu.memory_space<semaphore_mem>> -> memref<!tpu.dma_semaphore, #tpu.memory_space<semaphore_mem>>
      %dma_wait3A_700 = arith.constant 6 : i32
      %dma_wait3A_701 = arith.constant 0 : i32
      %dma_wait3A_702 = arith.constant 0 : i32
      %dma_wait3A_703 = tpu.memref_slice %arg8[%dma_wait3A_700, %dma_wait3A_701, %dma_wait3A_702] : memref<8x1x80xi32, #tpu.memory_space<vmem>> -> memref<1x1x80xi32, #tpu.memory_space<vmem>>
      %dma_wait3A_704 = arith.constant 0 : i32
      %dma_wait3A_705 = arith.constant 0 : i32
      %dma_wait3A_706 = arith.constant 0 : i32
      %dma_wait3A_707 = tpu.memref_slice %arg4[%dma_wait3A_704, %dma_wait3A_705, %dma_wait3A_706] : memref<4000x1x80xi32, #tpu.memory_space<hbm>> -> memref<1x1x80xi32, #tpu.memory_space<hbm>>
      tpu.wait_dma2 semaphore(%dma_wait3A_699 : memref<!tpu.dma_semaphore, #tpu.memory_space<semaphore_mem>>) src(%dma_wait3A_707 : memref<1x1x80xi32, #tpu.memory_space<hbm>>) dst(%dma_wait3A_703 : memref<1x1x80xi32, #tpu.memory_space<vmem>>)
      %run_scoped3A_708 = arith.constant 6 : i32
      %run_scoped3A_709 = arith.constant 0 : i32
      %run_scoped3A_710 = arith.constant 2 : i32
      "tpu.region"() ({
        %run_scoped3A_776 = tpu.sem_alloc : memref<!tpu.dma_semaphore, #tpu.memory_space<semaphore_mem>>
        %dma_start3A_777 = arith.constant 0 : i32
        %dma_start3A_778 = arith.constant 0 : i32
        %dma_start3A_779 = tpu.memref_slice %arg9[%run_scoped3A_710, %dma_start3A_777, %dma_start3A_778] : memref<4x80x128xf32, #tpu.memory_space<vmem>> -> memref<1x80x128xf32, #tpu.memory_space<vmem>>
        %dma_start3A_780 = tpu.memref_squeeze %dma_start3A_779 : memref<1x80x128xf32, #tpu.memory_space<vmem>> -> memref<80x128xf32, #tpu.memory_space<vmem>>
        %dma_start3A_781 = arith.constant 0 : i32
        %dma_start3A_782 = tpu.memref_slice %arg7[%run_scoped3A_708, %run_scoped3A_709, %dma_start3A_781] : memref<8x1x80xi32, #tpu.memory_space<vmem>> -> memref<1x1x80xi32, #tpu.memory_space<vmem>>
        %dma_start3A_783 = tpu.memref_squeeze %dma_start3A_782 : memref<1x1x80xi32, #tpu.memory_space<vmem>> -> memref<80xi32, #tpu.memory_space<vmem>>
        %dma_start3A_784 = arith.constant 0 : i32
        %dma_start3A_785 = arith.constant 0 : i32
        %dma_start3A_786 = tpu.memref_slice %arg2[%dma_start3A_784, %dma_start3A_785] : memref<20000x128xf32, #tpu.memory_space<hbm>> -> memref<20000x128xf32, #tpu.memory_space<hbm>>
        tpu.enqueue_indirect_dma source(%dma_start3A_786 : memref<20000x128xf32, #tpu.memory_space<hbm>>) target(%dma_start3A_780 : memref<80x128xf32, #tpu.memory_space<vmem>>) offsets(%dma_start3A_783 : memref<80xi32, #tpu.memory_space<vmem>>) semaphore(%run_scoped3A_776 : memref<!tpu.dma_semaphore, #tpu.memory_space<semaphore_mem>>)
        %dma_wait3A_787 = arith.constant 0 : i32
        %dma_wait3A_788 = arith.constant 0 : i32
        %dma_wait3A_789 = tpu.memref_slice %arg9[%run_scoped3A_710, %dma_wait3A_787, %dma_wait3A_788] : memref<4x80x128xf32, #tpu.memory_space<vmem>> -> memref<1x80x128xf32, #tpu.memory_space<vmem>>
        %dma_wait3A_790 = tpu.memref_squeeze %dma_wait3A_789 : memref<1x80x128xf32, #tpu.memory_space<vmem>> -> memref<80x128xf32, #tpu.memory_space<vmem>>
        %dma_wait3A_791 = arith.constant 0 : i32
        %dma_wait3A_792 = tpu.memref_slice %arg7[%run_scoped3A_708, %run_scoped3A_709, %dma_wait3A_791] : memref<8x1x80xi32, #tpu.memory_space<vmem>> -> memref<1x1x80xi32, #tpu.memory_space<vmem>>
        %dma_wait3A_793 = tpu.memref_squeeze %dma_wait3A_792 : memref<1x1x80xi32, #tpu.memory_space<vmem>> -> memref<80xi32, #tpu.memory_space<vmem>>
        %dma_wait3A_794 = arith.constant 0 : i32
        %dma_wait3A_795 = arith.constant 0 : i32
        %dma_wait3A_796 = tpu.memref_slice %arg2[%dma_wait3A_794, %dma_wait3A_795] : memref<20000x128xf32, #tpu.memory_space<hbm>> -> memref<20000x128xf32, #tpu.memory_space<hbm>>
        tpu.wait_indirect_dma semaphore(%run_scoped3A_776 : memref<!tpu.dma_semaphore, #tpu.memory_space<semaphore_mem>>) src(%dma_wait3A_796 : memref<20000x128xf32, #tpu.memory_space<hbm>>) dst(%dma_wait3A_790 : memref<80x128xf32, #tpu.memory_space<vmem>>)
        tpu.yield
      }) : () -> ()
      %run_scoped3A_711 = arith.constant 2 : i32
      %run_scoped3A_712 = arith.constant 6 : i32
      %run_scoped3A_713 = arith.constant 0 : i32
      "tpu.region"() ({
        %run_scoped3A_776 = tpu.sem_alloc : memref<!tpu.dma_semaphore, #tpu.memory_space<semaphore_mem>>
        %dma_start3A_777 = arith.constant 0 : i32
        %dma_start3A_778 = arith.constant 0 : i32
        %dma_start3A_779 = tpu.memref_slice %arg9[%run_scoped3A_711, %dma_start3A_777, %dma_start3A_778] : memref<4x80x128xf32, #tpu.memory_space<vmem>> -> memref<1x80x128xf32, #tpu.memory_space<vmem>>
        %dma_start3A_780 = tpu.memref_squeeze %dma_start3A_779 : memref<1x80x128xf32, #tpu.memory_space<vmem>> -> memref<80x128xf32, #tpu.memory_space<vmem>>
        %dma_start3A_781 = arith.constant 0 : i32
        %dma_start3A_782 = tpu.memref_slice %arg8[%run_scoped3A_712, %run_scoped3A_713, %dma_start3A_781] : memref<8x1x80xi32, #tpu.memory_space<vmem>> -> memref<1x1x80xi32, #tpu.memory_space<vmem>>
        %dma_start3A_783 = tpu.memref_squeeze %dma_start3A_782 : memref<1x1x80xi32, #tpu.memory_space<vmem>> -> memref<80xi32, #tpu.memory_space<vmem>>
        %dma_start3A_784 = arith.constant 0 : i32
        %dma_start3A_785 = arith.constant 0 : i32
        %dma_start3A_786 = tpu.memref_slice %arg13[%dma_start3A_784, %dma_start3A_785] : memref<10000x128xf32, #tpu.memory_space<vmem_shared>> -> memref<10000x128xf32, #tpu.memory_space<vmem_shared>>
        tpu.enqueue_indirect_dma source(%dma_start3A_780 : memref<80x128xf32, #tpu.memory_space<vmem>>) target(%dma_start3A_786 : memref<10000x128xf32, #tpu.memory_space<vmem_shared>>) offsets(%dma_start3A_783 : memref<80xi32, #tpu.memory_space<vmem>>) semaphore(%run_scoped3A_776 : memref<!tpu.dma_semaphore, #tpu.memory_space<semaphore_mem>>) {add = true}
        %dma_wait3A_787 = arith.constant 0 : i32
        %dma_wait3A_788 = arith.constant 0 : i32
        %dma_wait3A_789 = tpu.memref_slice %arg9[%run_scoped3A_711, %dma_wait3A_787, %dma_wait3A_788] : memref<4x80x128xf32, #tpu.memory_space<vmem>> -> memref<1x80x128xf32, #tpu.memory_space<vmem>>
        %dma_wait3A_790 = tpu.memref_squeeze %dma_wait3A_789 : memref<1x80x128xf32, #tpu.memory_space<vmem>> -> memref<80x128xf32, #tpu.memory_space<vmem>>
        %dma_wait3A_791 = arith.constant 0 : i32
        %dma_wait3A_792 = tpu.memref_slice %arg8[%run_scoped3A_712, %run_scoped3A_713, %dma_wait3A_791] : memref<8x1x80xi32, #tpu.memory_space<vmem>> -> memref<1x1x80xi32, #tpu.memory_space<vmem>>
        %dma_wait3A_793 = tpu.memref_squeeze %dma_wait3A_792 : memref<1x1x80xi32, #tpu.memory_space<vmem>> -> memref<80xi32, #tpu.memory_space<vmem>>
        %dma_wait3A_794 = arith.constant 0 : i32
        %dma_wait3A_795 = arith.constant 0 : i32
        %dma_wait3A_796 = tpu.memref_slice %arg13[%dma_wait3A_794, %dma_wait3A_795] : memref<10000x128xf32, #tpu.memory_space<vmem_shared>> -> memref<10000x128xf32, #tpu.memory_space<vmem_shared>>
        tpu.wait_indirect_dma semaphore(%run_scoped3A_776 : memref<!tpu.dma_semaphore, #tpu.memory_space<semaphore_mem>>) src(%dma_wait3A_790 : memref<80x128xf32, #tpu.memory_space<vmem>>) dst(%dma_wait3A_796 : memref<10000x128xf32, #tpu.memory_space<vmem_shared>>)
        tpu.yield
      }) : () -> ()
      %add3A_714 = arith.constant 6 : i32
      %add3A_715 = arith.addi %add3A_669, %add3A_714 : i32
      %lt3A_716 = arith.constant 250 : i32
      %lt3A_717 = arith.cmpi slt, %add3A_715, %lt3A_716 : i32
      %convert_element_type3A_718 = arith.extui %lt3A_717 : i1 to i32
      %cond3A_719 = arith.constant 0 : i32
      %cond3A_720 = arith.cmpi ne, %convert_element_type3A_718, %cond3A_719 : i32
      scf.if %cond3A_720 {
        %add3A_776 = arith.addi %add3A, %add3A_669 : i32
        %add3A_777 = arith.constant 6 : i32
        %add3A_778 = arith.addi %add3A_776, %add3A_777 : i32
        %dma_start3A_779 = arith.constant 4 : i32
        %dma_start3A_780 = arith.constant 4 : i32
        %dma_start3A_781 = arith.constant 0 : i32
        %dma_start3A_782 = arith.constant 0 : i32
        %dma_start3A_783 = tpu.memref_slice %arg7[%dma_start3A_780, %dma_start3A_781, %dma_start3A_782] : memref<8x1x80xi32, #tpu.memory_space<vmem>> -> memref<1x1x80xi32, #tpu.memory_space<vmem>>
        %dma_start3A_784 = arith.constant 0 : i32
        %dma_start3A_785 = arith.constant 0 : i32
        %dma_start3A_786 = tpu.memref_slice %arg3[%add3A_778, %dma_start3A_784, %dma_start3A_785] : memref<8000x1x80xi32, #tpu.memory_space<hbm>> -> memref<1x1x80xi32, #tpu.memory_space<hbm>>
        %dma_start3A_787 = tpu.memref_slice %arg10[%dma_start3A_779] : memref<8x!tpu.dma_semaphore, #tpu.memory_space<semaphore_mem>> -> memref<1x!tpu.dma_semaphore, #tpu.memory_space<semaphore_mem>>
        %dma_start3A_788 = tpu.memref_squeeze %dma_start3A_787 : memref<1x!tpu.dma_semaphore, #tpu.memory_space<semaphore_mem>> -> memref<!tpu.dma_semaphore, #tpu.memory_space<semaphore_mem>>
        %dma_start3A_789 = arith.constant 4 : i32
        %dma_start3A_790 = arith.constant 0 : i32
        %dma_start3A_791 = arith.constant 0 : i32
        %dma_start3A_792 = tpu.memref_slice %arg7[%dma_start3A_789, %dma_start3A_790, %dma_start3A_791] : memref<8x1x80xi32, #tpu.memory_space<vmem>> -> memref<1x1x80xi32, #tpu.memory_space<vmem>>
        %dma_start3A_793 = arith.constant 0 : i32
        %dma_start3A_794 = arith.constant 0 : i32
        %dma_start3A_795 = tpu.memref_slice %arg3[%add3A_778, %dma_start3A_793, %dma_start3A_794] : memref<8000x1x80xi32, #tpu.memory_space<hbm>> -> memref<1x1x80xi32, #tpu.memory_space<hbm>>
        tpu.enqueue_dma source(%dma_start3A_795 : memref<1x1x80xi32, #tpu.memory_space<hbm>>) target(%dma_start3A_792 : memref<1x1x80xi32, #tpu.memory_space<vmem>>) target_semaphore(%dma_start3A_788 : memref<!tpu.dma_semaphore, #tpu.memory_space<semaphore_mem>>)
        %add3A_796 = arith.addi %mul3A_4, %add3A_669 : i32
        %add3A_797 = arith.constant 6 : i32
        %add3A_798 = arith.addi %add3A_796, %add3A_797 : i32
        %dma_start3A_799 = arith.constant 4 : i32
        %dma_start3A_800 = arith.constant 4 : i32
        %dma_start3A_801 = arith.constant 0 : i32
        %dma_start3A_802 = arith.constant 0 : i32
        %dma_start3A_803 = tpu.memref_slice %arg8[%dma_start3A_800, %dma_start3A_801, %dma_start3A_802] : memref<8x1x80xi32, #tpu.memory_space<vmem>> -> memref<1x1x80xi32, #tpu.memory_space<vmem>>
        %dma_start3A_804 = arith.constant 0 : i32
        %dma_start3A_805 = arith.constant 0 : i32
        %dma_start3A_806 = tpu.memref_slice %arg4[%add3A_798, %dma_start3A_804, %dma_start3A_805] : memref<4000x1x80xi32, #tpu.memory_space<hbm>> -> memref<1x1x80xi32, #tpu.memory_space<hbm>>
        %dma_start3A_807 = tpu.memref_slice %arg11[%dma_start3A_799] : memref<8x!tpu.dma_semaphore, #tpu.memory_space<semaphore_mem>> -> memref<1x!tpu.dma_semaphore, #tpu.memory_space<semaphore_mem>>
        %dma_start3A_808 = tpu.memref_squeeze %dma_start3A_807 : memref<1x!tpu.dma_semaphore, #tpu.memory_space<semaphore_mem>> -> memref<!tpu.dma_semaphore, #tpu.memory_space<semaphore_mem>>
        %dma_start3A_809 = arith.constant 4 : i32
        %dma_start3A_810 = arith.constant 0 : i32
        %dma_start3A_811 = arith.constant 0 : i32
        %dma_start3A_812 = tpu.memref_slice %arg8[%dma_start3A_809, %dma_start3A_810, %dma_start3A_811] : memref<8x1x80xi32, #tpu.memory_space<vmem>> -> memref<1x1x80xi32, #tpu.memory_space<vmem>>
        %dma_start3A_813 = arith.constant 0 : i32
        %dma_start3A_814 = arith.constant 0 : i32
        %dma_start3A_815 = tpu.memref_slice %arg4[%add3A_798, %dma_start3A_813, %dma_start3A_814] : memref<4000x1x80xi32, #tpu.memory_space<hbm>> -> memref<1x1x80xi32, #tpu.memory_space<hbm>>
        tpu.enqueue_dma source(%dma_start3A_815 : memref<1x1x80xi32, #tpu.memory_space<hbm>>) target(%dma_start3A_812 : memref<1x1x80xi32, #tpu.memory_space<vmem>>) target_semaphore(%dma_start3A_808 : memref<!tpu.dma_semaphore, #tpu.memory_space<semaphore_mem>>)
      } else {
      }
      %mul3A_721 = arith.constant 8 : i32
      %mul3A_722 = arith.muli %add3A_336, %mul3A_721 : i32
      %add3A_723 = arith.constant 7 : i32
      %add3A_724 = arith.addi %mul3A_722, %add3A_723 : i32
      %dma_wait3A_725 = arith.constant 7 : i32
      %dma_wait3A_726 = arith.constant 7 : i32
      %dma_wait3A_727 = arith.constant 0 : i32
      %dma_wait3A_728 = arith.constant 0 : i32
      %dma_wait3A_729 = tpu.memref_slice %arg7[%dma_wait3A_726, %dma_wait3A_727, %dma_wait3A_728] : memref<8x1x80xi32, #tpu.memory_space<vmem>> -> memref<1x1x80xi32, #tpu.memory_space<vmem>>
      %dma_wait3A_730 = arith.constant 0 : i32
      %dma_wait3A_731 = arith.constant 0 : i32
      %dma_wait3A_732 = arith.constant 0 : i32
      %dma_wait3A_733 = tpu.memref_slice %arg3[%dma_wait3A_730, %dma_wait3A_731, %dma_wait3A_732] : memref<8000x1x80xi32, #tpu.memory_space<hbm>> -> memref<1x1x80xi32, #tpu.memory_space<hbm>>
      %dma_wait3A_734 = tpu.memref_slice %arg10[%dma_wait3A_725] : memref<8x!tpu.dma_semaphore, #tpu.memory_space<semaphore_mem>> -> memref<1x!tpu.dma_semaphore, #tpu.memory_space<semaphore_mem>>
      %dma_wait3A_735 = tpu.memref_squeeze %dma_wait3A_734 : memref<1x!tpu.dma_semaphore, #tpu.memory_space<semaphore_mem>> -> memref<!tpu.dma_semaphore, #tpu.memory_space<semaphore_mem>>
      %dma_wait3A_736 = arith.constant 7 : i32
      %dma_wait3A_737 = arith.constant 0 : i32
      %dma_wait3A_738 = arith.constant 0 : i32
      %dma_wait3A_739 = tpu.memref_slice %arg7[%dma_wait3A_736, %dma_wait3A_737, %dma_wait3A_738] : memref<8x1x80xi32, #tpu.memory_space<vmem>> -> memref<1x1x80xi32, #tpu.memory_space<vmem>>
      %dma_wait3A_740 = arith.constant 0 : i32
      %dma_wait3A_741 = arith.constant 0 : i32
      %dma_wait3A_742 = arith.constant 0 : i32
      %dma_wait3A_743 = tpu.memref_slice %arg3[%dma_wait3A_740, %dma_wait3A_741, %dma_wait3A_742] : memref<8000x1x80xi32, #tpu.memory_space<hbm>> -> memref<1x1x80xi32, #tpu.memory_space<hbm>>
      tpu.wait_dma2 semaphore(%dma_wait3A_735 : memref<!tpu.dma_semaphore, #tpu.memory_space<semaphore_mem>>) src(%dma_wait3A_743 : memref<1x1x80xi32, #tpu.memory_space<hbm>>) dst(%dma_wait3A_739 : memref<1x1x80xi32, #tpu.memory_space<vmem>>)
      %dma_wait3A_744 = arith.constant 7 : i32
      %dma_wait3A_745 = arith.constant 7 : i32
      %dma_wait3A_746 = arith.constant 0 : i32
      %dma_wait3A_747 = arith.constant 0 : i32
      %dma_wait3A_748 = tpu.memref_slice %arg8[%dma_wait3A_745, %dma_wait3A_746, %dma_wait3A_747] : memref<8x1x80xi32, #tpu.memory_space<vmem>> -> memref<1x1x80xi32, #tpu.memory_space<vmem>>
      %dma_wait3A_749 = arith.constant 0 : i32
      %dma_wait3A_750 = arith.constant 0 : i32
      %dma_wait3A_751 = arith.constant 0 : i32
      %dma_wait3A_752 = tpu.memref_slice %arg4[%dma_wait3A_749, %dma_wait3A_750, %dma_wait3A_751] : memref<4000x1x80xi32, #tpu.memory_space<hbm>> -> memref<1x1x80xi32, #tpu.memory_space<hbm>>
      %dma_wait3A_753 = tpu.memref_slice %arg11[%dma_wait3A_744] : memref<8x!tpu.dma_semaphore, #tpu.memory_space<semaphore_mem>> -> memref<1x!tpu.dma_semaphore, #tpu.memory_space<semaphore_mem>>
      %dma_wait3A_754 = tpu.memref_squeeze %dma_wait3A_753 : memref<1x!tpu.dma_semaphore, #tpu.memory_space<semaphore_mem>> -> memref<!tpu.dma_semaphore, #tpu.memory_space<semaphore_mem>>
      %dma_wait3A_755 = arith.constant 7 : i32
      %dma_wait3A_756 = arith.constant 0 : i32
      %dma_wait3A_757 = arith.constant 0 : i32
      %dma_wait3A_758 = tpu.memref_slice %arg8[%dma_wait3A_755, %dma_wait3A_756, %dma_wait3A_757] : memref<8x1x80xi32, #tpu.memory_space<vmem>> -> memref<1x1x80xi32, #tpu.memory_space<vmem>>
      %dma_wait3A_759 = arith.constant 0 : i32
      %dma_wait3A_760 = arith.constant 0 : i32
      %dma_wait3A_761 = arith.constant 0 : i32
      %dma_wait3A_762 = tpu.memref_slice %arg4[%dma_wait3A_759, %dma_wait3A_760, %dma_wait3A_761] : memref<4000x1x80xi32, #tpu.memory_space<hbm>> -> memref<1x1x80xi32, #tpu.memory_space<hbm>>
      tpu.wait_dma2 semaphore(%dma_wait3A_754 : memref<!tpu.dma_semaphore, #tpu.memory_space<semaphore_mem>>) src(%dma_wait3A_762 : memref<1x1x80xi32, #tpu.memory_space<hbm>>) dst(%dma_wait3A_758 : memref<1x1x80xi32, #tpu.memory_space<vmem>>)
      %run_scoped3A_763 = arith.constant 7 : i32
      %run_scoped3A_764 = arith.constant 0 : i32
      %run_scoped3A_765 = arith.constant 3 : i32
      "tpu.region"() ({
        %run_scoped3A_776 = tpu.sem_alloc : memref<!tpu.dma_semaphore, #tpu.memory_space<semaphore_mem>>
        %dma_start3A_777 = arith.constant 0 : i32
        %dma_start3A_778 = arith.constant 0 : i32
        %dma_start3A_779 = tpu.memref_slice %arg9[%run_scoped3A_765, %dma_start3A_777, %dma_start3A_778] : memref<4x80x128xf32, #tpu.memory_space<vmem>> -> memref<1x80x128xf32, #tpu.memory_space<vmem>>
        %dma_start3A_780 = tpu.memref_squeeze %dma_start3A_779 : memref<1x80x128xf32, #tpu.memory_space<vmem>> -> memref<80x128xf32, #tpu.memory_space<vmem>>
        %dma_start3A_781 = arith.constant 0 : i32
        %dma_start3A_782 = tpu.memref_slice %arg7[%run_scoped3A_763, %run_scoped3A_764, %dma_start3A_781] : memref<8x1x80xi32, #tpu.memory_space<vmem>> -> memref<1x1x80xi32, #tpu.memory_space<vmem>>
        %dma_start3A_783 = tpu.memref_squeeze %dma_start3A_782 : memref<1x1x80xi32, #tpu.memory_space<vmem>> -> memref<80xi32, #tpu.memory_space<vmem>>
        %dma_start3A_784 = arith.constant 0 : i32
        %dma_start3A_785 = arith.constant 0 : i32
        %dma_start3A_786 = tpu.memref_slice %arg2[%dma_start3A_784, %dma_start3A_785] : memref<20000x128xf32, #tpu.memory_space<hbm>> -> memref<20000x128xf32, #tpu.memory_space<hbm>>
        tpu.enqueue_indirect_dma source(%dma_start3A_786 : memref<20000x128xf32, #tpu.memory_space<hbm>>) target(%dma_start3A_780 : memref<80x128xf32, #tpu.memory_space<vmem>>) offsets(%dma_start3A_783 : memref<80xi32, #tpu.memory_space<vmem>>) semaphore(%run_scoped3A_776 : memref<!tpu.dma_semaphore, #tpu.memory_space<semaphore_mem>>)
        %dma_wait3A_787 = arith.constant 0 : i32
        %dma_wait3A_788 = arith.constant 0 : i32
        %dma_wait3A_789 = tpu.memref_slice %arg9[%run_scoped3A_765, %dma_wait3A_787, %dma_wait3A_788] : memref<4x80x128xf32, #tpu.memory_space<vmem>> -> memref<1x80x128xf32, #tpu.memory_space<vmem>>
        %dma_wait3A_790 = tpu.memref_squeeze %dma_wait3A_789 : memref<1x80x128xf32, #tpu.memory_space<vmem>> -> memref<80x128xf32, #tpu.memory_space<vmem>>
        %dma_wait3A_791 = arith.constant 0 : i32
        %dma_wait3A_792 = tpu.memref_slice %arg7[%run_scoped3A_763, %run_scoped3A_764, %dma_wait3A_791] : memref<8x1x80xi32, #tpu.memory_space<vmem>> -> memref<1x1x80xi32, #tpu.memory_space<vmem>>
        %dma_wait3A_793 = tpu.memref_squeeze %dma_wait3A_792 : memref<1x1x80xi32, #tpu.memory_space<vmem>> -> memref<80xi32, #tpu.memory_space<vmem>>
        %dma_wait3A_794 = arith.constant 0 : i32
        %dma_wait3A_795 = arith.constant 0 : i32
        %dma_wait3A_796 = tpu.memref_slice %arg2[%dma_wait3A_794, %dma_wait3A_795] : memref<20000x128xf32, #tpu.memory_space<hbm>> -> memref<20000x128xf32, #tpu.memory_space<hbm>>
        tpu.wait_indirect_dma semaphore(%run_scoped3A_776 : memref<!tpu.dma_semaphore, #tpu.memory_space<semaphore_mem>>) src(%dma_wait3A_796 : memref<20000x128xf32, #tpu.memory_space<hbm>>) dst(%dma_wait3A_790 : memref<80x128xf32, #tpu.memory_space<vmem>>)
        tpu.yield
      }) : () -> ()
      %run_scoped3A_766 = arith.constant 3 : i32
      %run_scoped3A_767 = arith.constant 7 : i32
      %run_scoped3A_768 = arith.constant 0 : i32
      "tpu.region"() ({
        %run_scoped3A_776 = tpu.sem_alloc : memref<!tpu.dma_semaphore, #tpu.memory_space<semaphore_mem>>
        %dma_start3A_777 = arith.constant 0 : i32
        %dma_start3A_778 = arith.constant 0 : i32
        %dma_start3A_779 = tpu.memref_slice %arg9[%run_scoped3A_766, %dma_start3A_777, %dma_start3A_778] : memref<4x80x128xf32, #tpu.memory_space<vmem>> -> memref<1x80x128xf32, #tpu.memory_space<vmem>>
        %dma_start3A_780 = tpu.memref_squeeze %dma_start3A_779 : memref<1x80x128xf32, #tpu.memory_space<vmem>> -> memref<80x128xf32, #tpu.memory_space<vmem>>
        %dma_start3A_781 = arith.constant 0 : i32
        %dma_start3A_782 = tpu.memref_slice %arg8[%run_scoped3A_767, %run_scoped3A_768, %dma_start3A_781] : memref<8x1x80xi32, #tpu.memory_space<vmem>> -> memref<1x1x80xi32, #tpu.memory_space<vmem>>
        %dma_start3A_783 = tpu.memref_squeeze %dma_start3A_782 : memref<1x1x80xi32, #tpu.memory_space<vmem>> -> memref<80xi32, #tpu.memory_space<vmem>>
        %dma_start3A_784 = arith.constant 0 : i32
        %dma_start3A_785 = arith.constant 0 : i32
        %dma_start3A_786 = tpu.memref_slice %arg13[%dma_start3A_784, %dma_start3A_785] : memref<10000x128xf32, #tpu.memory_space<vmem_shared>> -> memref<10000x128xf32, #tpu.memory_space<vmem_shared>>
        tpu.enqueue_indirect_dma source(%dma_start3A_780 : memref<80x128xf32, #tpu.memory_space<vmem>>) target(%dma_start3A_786 : memref<10000x128xf32, #tpu.memory_space<vmem_shared>>) offsets(%dma_start3A_783 : memref<80xi32, #tpu.memory_space<vmem>>) semaphore(%run_scoped3A_776 : memref<!tpu.dma_semaphore, #tpu.memory_space<semaphore_mem>>) {add = true}
        %dma_wait3A_787 = arith.constant 0 : i32
        %dma_wait3A_788 = arith.constant 0 : i32
        %dma_wait3A_789 = tpu.memref_slice %arg9[%run_scoped3A_766, %dma_wait3A_787, %dma_wait3A_788] : memref<4x80x128xf32, #tpu.memory_space<vmem>> -> memref<1x80x128xf32, #tpu.memory_space<vmem>>
        %dma_wait3A_790 = tpu.memref_squeeze %dma_wait3A_789 : memref<1x80x128xf32, #tpu.memory_space<vmem>> -> memref<80x128xf32, #tpu.memory_space<vmem>>
        %dma_wait3A_791 = arith.constant 0 : i32
        %dma_wait3A_792 = tpu.memref_slice %arg8[%run_scoped3A_767, %run_scoped3A_768, %dma_wait3A_791] : memref<8x1x80xi32, #tpu.memory_space<vmem>> -> memref<1x1x80xi32, #tpu.memory_space<vmem>>
        %dma_wait3A_793 = tpu.memref_squeeze %dma_wait3A_792 : memref<1x1x80xi32, #tpu.memory_space<vmem>> -> memref<80xi32, #tpu.memory_space<vmem>>
        %dma_wait3A_794 = arith.constant 0 : i32
        %dma_wait3A_795 = arith.constant 0 : i32
        %dma_wait3A_796 = tpu.memref_slice %arg13[%dma_wait3A_794, %dma_wait3A_795] : memref<10000x128xf32, #tpu.memory_space<vmem_shared>> -> memref<10000x128xf32, #tpu.memory_space<vmem_shared>>
        tpu.wait_indirect_dma semaphore(%run_scoped3A_776 : memref<!tpu.dma_semaphore, #tpu.memory_space<semaphore_mem>>) src(%dma_wait3A_790 : memref<80x128xf32, #tpu.memory_space<vmem>>) dst(%dma_wait3A_796 : memref<10000x128xf32, #tpu.memory_space<vmem_shared>>)
        tpu.yield
      }) : () -> ()
      %add3A_769 = arith.constant 6 : i32
      %add3A_770 = arith.addi %add3A_724, %add3A_769 : i32
      %lt3A_771 = arith.constant 250 : i32
      %lt3A_772 = arith.cmpi slt, %add3A_770, %lt3A_771 : i32
      %convert_element_type3A_773 = arith.extui %lt3A_772 : i1 to i32
      %cond3A_774 = arith.constant 0 : i32
      %cond3A_775 = arith.cmpi ne, %convert_element_type3A_773, %cond3A_774 : i32
      scf.if %cond3A_775 {
        %add3A_776 = arith.addi %add3A, %add3A_724 : i32
        %add3A_777 = arith.constant 6 : i32
        %add3A_778 = arith.addi %add3A_776, %add3A_777 : i32
        %dma_start3A_779 = arith.constant 5 : i32
        %dma_start3A_780 = arith.constant 5 : i32
        %dma_start3A_781 = arith.constant 0 : i32
        %dma_start3A_782 = arith.constant 0 : i32
        %dma_start3A_783 = tpu.memref_slice %arg7[%dma_start3A_780, %dma_start3A_781, %dma_start3A_782] : memref<8x1x80xi32, #tpu.memory_space<vmem>> -> memref<1x1x80xi32, #tpu.memory_space<vmem>>
        %dma_start3A_784 = arith.constant 0 : i32
        %dma_start3A_785 = arith.constant 0 : i32
        %dma_start3A_786 = tpu.memref_slice %arg3[%add3A_778, %dma_start3A_784, %dma_start3A_785] : memref<8000x1x80xi32, #tpu.memory_space<hbm>> -> memref<1x1x80xi32, #tpu.memory_space<hbm>>
        %dma_start3A_787 = tpu.memref_slice %arg10[%dma_start3A_779] : memref<8x!tpu.dma_semaphore, #tpu.memory_space<semaphore_mem>> -> memref<1x!tpu.dma_semaphore, #tpu.memory_space<semaphore_mem>>
        %dma_start3A_788 = tpu.memref_squeeze %dma_start3A_787 : memref<1x!tpu.dma_semaphore, #tpu.memory_space<semaphore_mem>> -> memref<!tpu.dma_semaphore, #tpu.memory_space<semaphore_mem>>
        %dma_start3A_789 = arith.constant 5 : i32
        %dma_start3A_790 = arith.constant 0 : i32
        %dma_start3A_791 = arith.constant 0 : i32
        %dma_start3A_792 = tpu.memref_slice %arg7[%dma_start3A_789, %dma_start3A_790, %dma_start3A_791] : memref<8x1x80xi32, #tpu.memory_space<vmem>> -> memref<1x1x80xi32, #tpu.memory_space<vmem>>
        %dma_start3A_793 = arith.constant 0 : i32
        %dma_start3A_794 = arith.constant 0 : i32
        %dma_start3A_795 = tpu.memref_slice %arg3[%add3A_778, %dma_start3A_793, %dma_start3A_794] : memref<8000x1x80xi32, #tpu.memory_space<hbm>> -> memref<1x1x80xi32, #tpu.memory_space<hbm>>
        tpu.enqueue_dma source(%dma_start3A_795 : memref<1x1x80xi32, #tpu.memory_space<hbm>>) target(%dma_start3A_792 : memref<1x1x80xi32, #tpu.memory_space<vmem>>) target_semaphore(%dma_start3A_788 : memref<!tpu.dma_semaphore, #tpu.memory_space<semaphore_mem>>)
        %add3A_796 = arith.addi %mul3A_4, %add3A_724 : i32
        %add3A_797 = arith.constant 6 : i32
        %add3A_798 = arith.addi %add3A_796, %add3A_797 : i32
        %dma_start3A_799 = arith.constant 5 : i32
        %dma_start3A_800 = arith.constant 5 : i32
        %dma_start3A_801 = arith.constant 0 : i32
        %dma_start3A_802 = arith.constant 0 : i32
        %dma_start3A_803 = tpu.memref_slice %arg8[%dma_start3A_800, %dma_start3A_801, %dma_start3A_802] : memref<8x1x80xi32, #tpu.memory_space<vmem>> -> memref<1x1x80xi32, #tpu.memory_space<vmem>>
        %dma_start3A_804 = arith.constant 0 : i32
        %dma_start3A_805 = arith.constant 0 : i32
        %dma_start3A_806 = tpu.memref_slice %arg4[%add3A_798, %dma_start3A_804, %dma_start3A_805] : memref<4000x1x80xi32, #tpu.memory_space<hbm>> -> memref<1x1x80xi32, #tpu.memory_space<hbm>>
        %dma_start3A_807 = tpu.memref_slice %arg11[%dma_start3A_799] : memref<8x!tpu.dma_semaphore, #tpu.memory_space<semaphore_mem>> -> memref<1x!tpu.dma_semaphore, #tpu.memory_space<semaphore_mem>>
        %dma_start3A_808 = tpu.memref_squeeze %dma_start3A_807 : memref<1x!tpu.dma_semaphore, #tpu.memory_space<semaphore_mem>> -> memref<!tpu.dma_semaphore, #tpu.memory_space<semaphore_mem>>
        %dma_start3A_809 = arith.constant 5 : i32
        %dma_start3A_810 = arith.constant 0 : i32
        %dma_start3A_811 = arith.constant 0 : i32
        %dma_start3A_812 = tpu.memref_slice %arg8[%dma_start3A_809, %dma_start3A_810, %dma_start3A_811] : memref<8x1x80xi32, #tpu.memory_space<vmem>> -> memref<1x1x80xi32, #tpu.memory_space<vmem>>
        %dma_start3A_813 = arith.constant 0 : i32
        %dma_start3A_814 = arith.constant 0 : i32
        %dma_start3A_815 = tpu.memref_slice %arg4[%add3A_798, %dma_start3A_813, %dma_start3A_814] : memref<4000x1x80xi32, #tpu.memory_space<hbm>> -> memref<1x1x80xi32, #tpu.memory_space<hbm>>
        tpu.enqueue_dma source(%dma_start3A_815 : memref<1x1x80xi32, #tpu.memory_space<hbm>>) target(%dma_start3A_812 : memref<1x1x80xi32, #tpu.memory_space<vmem>>) target_semaphore(%dma_start3A_808 : memref<!tpu.dma_semaphore, #tpu.memory_space<semaphore_mem>>)
      } else {
      }
    }
    %scan3A_239 = arith.constant 31 : i32
    %dma_wait3A = arith.constant 0 : i32
    %dma_wait3A_240 = arith.constant 0 : i32
    %dma_wait3A_241 = arith.constant 0 : i32
    %dma_wait3A_242 = arith.constant 0 : i32
    %dma_wait3A_243 = tpu.memref_slice %arg7[%dma_wait3A_240, %dma_wait3A_241, %dma_wait3A_242] : memref<8x1x80xi32, #tpu.memory_space<vmem>> -> memref<1x1x80xi32, #tpu.memory_space<vmem>>
    %dma_wait3A_244 = arith.constant 0 : i32
    %dma_wait3A_245 = arith.constant 0 : i32
    %dma_wait3A_246 = arith.constant 0 : i32
    %dma_wait3A_247 = tpu.memref_slice %arg3[%dma_wait3A_244, %dma_wait3A_245, %dma_wait3A_246] : memref<8000x1x80xi32, #tpu.memory_space<hbm>> -> memref<1x1x80xi32, #tpu.memory_space<hbm>>
    %dma_wait3A_248 = tpu.memref_slice %arg10[%dma_wait3A] : memref<8x!tpu.dma_semaphore, #tpu.memory_space<semaphore_mem>> -> memref<1x!tpu.dma_semaphore, #tpu.memory_space<semaphore_mem>>
    %dma_wait3A_249 = tpu.memref_squeeze %dma_wait3A_248 : memref<1x!tpu.dma_semaphore, #tpu.memory_space<semaphore_mem>> -> memref<!tpu.dma_semaphore, #tpu.memory_space<semaphore_mem>>
    %dma_wait3A_250 = arith.constant 0 : i32
    %dma_wait3A_251 = arith.constant 0 : i32
    %dma_wait3A_252 = arith.constant 0 : i32
    %dma_wait3A_253 = tpu.memref_slice %arg7[%dma_wait3A_250, %dma_wait3A_251, %dma_wait3A_252] : memref<8x1x80xi32, #tpu.memory_space<vmem>> -> memref<1x1x80xi32, #tpu.memory_space<vmem>>
    %dma_wait3A_254 = arith.constant 0 : i32
    %dma_wait3A_255 = arith.constant 0 : i32
    %dma_wait3A_256 = arith.constant 0 : i32
    %dma_wait3A_257 = tpu.memref_slice %arg3[%dma_wait3A_254, %dma_wait3A_255, %dma_wait3A_256] : memref<8000x1x80xi32, #tpu.memory_space<hbm>> -> memref<1x1x80xi32, #tpu.memory_space<hbm>>
    tpu.wait_dma2 semaphore(%dma_wait3A_249 : memref<!tpu.dma_semaphore, #tpu.memory_space<semaphore_mem>>) src(%dma_wait3A_257 : memref<1x1x80xi32, #tpu.memory_space<hbm>>) dst(%dma_wait3A_253 : memref<1x1x80xi32, #tpu.memory_space<vmem>>)
    %dma_wait3A_258 = arith.constant 0 : i32
    %dma_wait3A_259 = arith.constant 0 : i32
    %dma_wait3A_260 = arith.constant 0 : i32
    %dma_wait3A_261 = arith.constant 0 : i32
    %dma_wait3A_262 = tpu.memref_slice %arg8[%dma_wait3A_259, %dma_wait3A_260, %dma_wait3A_261] : memref<8x1x80xi32, #tpu.memory_space<vmem>> -> memref<1x1x80xi32, #tpu.memory_space<vmem>>
    %dma_wait3A_263 = arith.constant 0 : i32
    %dma_wait3A_264 = arith.constant 0 : i32
    %dma_wait3A_265 = arith.constant 0 : i32
    %dma_wait3A_266 = tpu.memref_slice %arg4[%dma_wait3A_263, %dma_wait3A_264, %dma_wait3A_265] : memref<4000x1x80xi32, #tpu.memory_space<hbm>> -> memref<1x1x80xi32, #tpu.memory_space<hbm>>
    %dma_wait3A_267 = tpu.memref_slice %arg11[%dma_wait3A_258] : memref<8x!tpu.dma_semaphore, #tpu.memory_space<semaphore_mem>> -> memref<1x!tpu.dma_semaphore, #tpu.memory_space<semaphore_mem>>
    %dma_wait3A_268 = tpu.memref_squeeze %dma_wait3A_267 : memref<1x!tpu.dma_semaphore, #tpu.memory_space<semaphore_mem>> -> memref<!tpu.dma_semaphore, #tpu.memory_space<semaphore_mem>>
    %dma_wait3A_269 = arith.constant 0 : i32
    %dma_wait3A_270 = arith.constant 0 : i32
    %dma_wait3A_271 = arith.constant 0 : i32
    %dma_wait3A_272 = tpu.memref_slice %arg8[%dma_wait3A_269, %dma_wait3A_270, %dma_wait3A_271] : memref<8x1x80xi32, #tpu.memory_space<vmem>> -> memref<1x1x80xi32, #tpu.memory_space<vmem>>
    %dma_wait3A_273 = arith.constant 0 : i32
    %dma_wait3A_274 = arith.constant 0 : i32
    %dma_wait3A_275 = arith.constant 0 : i32
    %dma_wait3A_276 = tpu.memref_slice %arg4[%dma_wait3A_273, %dma_wait3A_274, %dma_wait3A_275] : memref<4000x1x80xi32, #tpu.memory_space<hbm>> -> memref<1x1x80xi32, #tpu.memory_space<hbm>>
    tpu.wait_dma2 semaphore(%dma_wait3A_268 : memref<!tpu.dma_semaphore, #tpu.memory_space<semaphore_mem>>) src(%dma_wait3A_276 : memref<1x1x80xi32, #tpu.memory_space<hbm>>) dst(%dma_wait3A_272 : memref<1x1x80xi32, #tpu.memory_space<vmem>>)
    %run_scoped3A = arith.constant 0 : i32
    %run_scoped3A_277 = arith.constant 0 : i32
    %run_scoped3A_278 = arith.constant 0 : i32
    "tpu.region"() ({
      %run_scoped3A_332 = tpu.sem_alloc : memref<!tpu.dma_semaphore, #tpu.memory_space<semaphore_mem>>
      %dma_start3A_333 = arith.constant 0 : i32
      %dma_start3A_334 = arith.constant 0 : i32
      %dma_start3A_335 = tpu.memref_slice %arg9[%run_scoped3A_278, %dma_start3A_333, %dma_start3A_334] : memref<4x80x128xf32, #tpu.memory_space<vmem>> -> memref<1x80x128xf32, #tpu.memory_space<vmem>>
      %dma_start3A_336 = tpu.memref_squeeze %dma_start3A_335 : memref<1x80x128xf32, #tpu.memory_space<vmem>> -> memref<80x128xf32, #tpu.memory_space<vmem>>
      %dma_start3A_337 = arith.constant 0 : i32
      %dma_start3A_338 = tpu.memref_slice %arg7[%run_scoped3A, %run_scoped3A_277, %dma_start3A_337] : memref<8x1x80xi32, #tpu.memory_space<vmem>> -> memref<1x1x80xi32, #tpu.memory_space<vmem>>
      %dma_start3A_339 = tpu.memref_squeeze %dma_start3A_338 : memref<1x1x80xi32, #tpu.memory_space<vmem>> -> memref<80xi32, #tpu.memory_space<vmem>>
      %dma_start3A_340 = arith.constant 0 : i32
      %dma_start3A_341 = arith.constant 0 : i32
      %dma_start3A_342 = tpu.memref_slice %arg2[%dma_start3A_340, %dma_start3A_341] : memref<20000x128xf32, #tpu.memory_space<hbm>> -> memref<20000x128xf32, #tpu.memory_space<hbm>>
      tpu.enqueue_indirect_dma source(%dma_start3A_342 : memref<20000x128xf32, #tpu.memory_space<hbm>>) target(%dma_start3A_336 : memref<80x128xf32, #tpu.memory_space<vmem>>) offsets(%dma_start3A_339 : memref<80xi32, #tpu.memory_space<vmem>>) semaphore(%run_scoped3A_332 : memref<!tpu.dma_semaphore, #tpu.memory_space<semaphore_mem>>)
      %dma_wait3A_343 = arith.constant 0 : i32
      %dma_wait3A_344 = arith.constant 0 : i32
      %dma_wait3A_345 = tpu.memref_slice %arg9[%run_scoped3A_278, %dma_wait3A_343, %dma_wait3A_344] : memref<4x80x128xf32, #tpu.memory_space<vmem>> -> memref<1x80x128xf32, #tpu.memory_space<vmem>>
      %dma_wait3A_346 = tpu.memref_squeeze %dma_wait3A_345 : memref<1x80x128xf32, #tpu.memory_space<vmem>> -> memref<80x128xf32, #tpu.memory_space<vmem>>
      %dma_wait3A_347 = arith.constant 0 : i32
      %dma_wait3A_348 = tpu.memref_slice %arg7[%run_scoped3A, %run_scoped3A_277, %dma_wait3A_347] : memref<8x1x80xi32, #tpu.memory_space<vmem>> -> memref<1x1x80xi32, #tpu.memory_space<vmem>>
      %dma_wait3A_349 = tpu.memref_squeeze %dma_wait3A_348 : memref<1x1x80xi32, #tpu.memory_space<vmem>> -> memref<80xi32, #tpu.memory_space<vmem>>
      %dma_wait3A_350 = arith.constant 0 : i32
      %dma_wait3A_351 = arith.constant 0 : i32
      %dma_wait3A_352 = tpu.memref_slice %arg2[%dma_wait3A_350, %dma_wait3A_351] : memref<20000x128xf32, #tpu.memory_space<hbm>> -> memref<20000x128xf32, #tpu.memory_space<hbm>>
      tpu.wait_indirect_dma semaphore(%run_scoped3A_332 : memref<!tpu.dma_semaphore, #tpu.memory_space<semaphore_mem>>) src(%dma_wait3A_352 : memref<20000x128xf32, #tpu.memory_space<hbm>>) dst(%dma_wait3A_346 : memref<80x128xf32, #tpu.memory_space<vmem>>)
      tpu.yield
    }) : () -> ()
    %run_scoped3A_279 = arith.constant 0 : i32
    %run_scoped3A_280 = arith.constant 0 : i32
    %run_scoped3A_281 = arith.constant 0 : i32
    "tpu.region"() ({
      %run_scoped3A_332 = tpu.sem_alloc : memref<!tpu.dma_semaphore, #tpu.memory_space<semaphore_mem>>
      %dma_start3A_333 = arith.constant 0 : i32
      %dma_start3A_334 = arith.constant 0 : i32
      %dma_start3A_335 = tpu.memref_slice %arg9[%run_scoped3A_279, %dma_start3A_333, %dma_start3A_334] : memref<4x80x128xf32, #tpu.memory_space<vmem>> -> memref<1x80x128xf32, #tpu.memory_space<vmem>>
      %dma_start3A_336 = tpu.memref_squeeze %dma_start3A_335 : memref<1x80x128xf32, #tpu.memory_space<vmem>> -> memref<80x128xf32, #tpu.memory_space<vmem>>
      %dma_start3A_337 = arith.constant 0 : i32
      %dma_start3A_338 = tpu.memref_slice %arg8[%run_scoped3A_280, %run_scoped3A_281, %dma_start3A_337] : memref<8x1x80xi32, #tpu.memory_space<vmem>> -> memref<1x1x80xi32, #tpu.memory_space<vmem>>
      %dma_start3A_339 = tpu.memref_squeeze %dma_start3A_338 : memref<1x1x80xi32, #tpu.memory_space<vmem>> -> memref<80xi32, #tpu.memory_space<vmem>>
      %dma_start3A_340 = arith.constant 0 : i32
      %dma_start3A_341 = arith.constant 0 : i32
      %dma_start3A_342 = tpu.memref_slice %arg13[%dma_start3A_340, %dma_start3A_341] : memref<10000x128xf32, #tpu.memory_space<vmem_shared>> -> memref<10000x128xf32, #tpu.memory_space<vmem_shared>>
      tpu.enqueue_indirect_dma source(%dma_start3A_336 : memref<80x128xf32, #tpu.memory_space<vmem>>) target(%dma_start3A_342 : memref<10000x128xf32, #tpu.memory_space<vmem_shared>>) offsets(%dma_start3A_339 : memref<80xi32, #tpu.memory_space<vmem>>) semaphore(%run_scoped3A_332 : memref<!tpu.dma_semaphore, #tpu.memory_space<semaphore_mem>>) {add = true}
      %dma_wait3A_343 = arith.constant 0 : i32
      %dma_wait3A_344 = arith.constant 0 : i32
      %dma_wait3A_345 = tpu.memref_slice %arg9[%run_scoped3A_279, %dma_wait3A_343, %dma_wait3A_344] : memref<4x80x128xf32, #tpu.memory_space<vmem>> -> memref<1x80x128xf32, #tpu.memory_space<vmem>>
      %dma_wait3A_346 = tpu.memref_squeeze %dma_wait3A_345 : memref<1x80x128xf32, #tpu.memory_space<vmem>> -> memref<80x128xf32, #tpu.memory_space<vmem>>
      %dma_wait3A_347 = arith.constant 0 : i32
      %dma_wait3A_348 = tpu.memref_slice %arg8[%run_scoped3A_280, %run_scoped3A_281, %dma_wait3A_347] : memref<8x1x80xi32, #tpu.memory_space<vmem>> -> memref<1x1x80xi32, #tpu.memory_space<vmem>>
      %dma_wait3A_349 = tpu.memref_squeeze %dma_wait3A_348 : memref<1x1x80xi32, #tpu.memory_space<vmem>> -> memref<80xi32, #tpu.memory_space<vmem>>
      %dma_wait3A_350 = arith.constant 0 : i32
      %dma_wait3A_351 = arith.constant 0 : i32
      %dma_wait3A_352 = tpu.memref_slice %arg13[%dma_wait3A_350, %dma_wait3A_351] : memref<10000x128xf32, #tpu.memory_space<vmem_shared>> -> memref<10000x128xf32, #tpu.memory_space<vmem_shared>>
      tpu.wait_indirect_dma semaphore(%run_scoped3A_332 : memref<!tpu.dma_semaphore, #tpu.memory_space<semaphore_mem>>) src(%dma_wait3A_346 : memref<80x128xf32, #tpu.memory_space<vmem>>) dst(%dma_wait3A_352 : memref<10000x128xf32, #tpu.memory_space<vmem_shared>>)
      tpu.yield
    }) : () -> ()
    %dma_wait3A_282 = arith.constant 1 : i32
    %dma_wait3A_283 = arith.constant 1 : i32
    %dma_wait3A_284 = arith.constant 0 : i32
    %dma_wait3A_285 = arith.constant 0 : i32
    %dma_wait3A_286 = tpu.memref_slice %arg7[%dma_wait3A_283, %dma_wait3A_284, %dma_wait3A_285] : memref<8x1x80xi32, #tpu.memory_space<vmem>> -> memref<1x1x80xi32, #tpu.memory_space<vmem>>
    %dma_wait3A_287 = arith.constant 0 : i32
    %dma_wait3A_288 = arith.constant 0 : i32
    %dma_wait3A_289 = arith.constant 0 : i32
    %dma_wait3A_290 = tpu.memref_slice %arg3[%dma_wait3A_287, %dma_wait3A_288, %dma_wait3A_289] : memref<8000x1x80xi32, #tpu.memory_space<hbm>> -> memref<1x1x80xi32, #tpu.memory_space<hbm>>
    %dma_wait3A_291 = tpu.memref_slice %arg10[%dma_wait3A_282] : memref<8x!tpu.dma_semaphore, #tpu.memory_space<semaphore_mem>> -> memref<1x!tpu.dma_semaphore, #tpu.memory_space<semaphore_mem>>
    %dma_wait3A_292 = tpu.memref_squeeze %dma_wait3A_291 : memref<1x!tpu.dma_semaphore, #tpu.memory_space<semaphore_mem>> -> memref<!tpu.dma_semaphore, #tpu.memory_space<semaphore_mem>>
    %dma_wait3A_293 = arith.constant 1 : i32
    %dma_wait3A_294 = arith.constant 0 : i32
    %dma_wait3A_295 = arith.constant 0 : i32
    %dma_wait3A_296 = tpu.memref_slice %arg7[%dma_wait3A_293, %dma_wait3A_294, %dma_wait3A_295] : memref<8x1x80xi32, #tpu.memory_space<vmem>> -> memref<1x1x80xi32, #tpu.memory_space<vmem>>
    %dma_wait3A_297 = arith.constant 0 : i32
    %dma_wait3A_298 = arith.constant 0 : i32
    %dma_wait3A_299 = arith.constant 0 : i32
    %dma_wait3A_300 = tpu.memref_slice %arg3[%dma_wait3A_297, %dma_wait3A_298, %dma_wait3A_299] : memref<8000x1x80xi32, #tpu.memory_space<hbm>> -> memref<1x1x80xi32, #tpu.memory_space<hbm>>
    tpu.wait_dma2 semaphore(%dma_wait3A_292 : memref<!tpu.dma_semaphore, #tpu.memory_space<semaphore_mem>>) src(%dma_wait3A_300 : memref<1x1x80xi32, #tpu.memory_space<hbm>>) dst(%dma_wait3A_296 : memref<1x1x80xi32, #tpu.memory_space<vmem>>)
    %dma_wait3A_301 = arith.constant 1 : i32
    %dma_wait3A_302 = arith.constant 1 : i32
    %dma_wait3A_303 = arith.constant 0 : i32
    %dma_wait3A_304 = arith.constant 0 : i32
    %dma_wait3A_305 = tpu.memref_slice %arg8[%dma_wait3A_302, %dma_wait3A_303, %dma_wait3A_304] : memref<8x1x80xi32, #tpu.memory_space<vmem>> -> memref<1x1x80xi32, #tpu.memory_space<vmem>>
    %dma_wait3A_306 = arith.constant 0 : i32
    %dma_wait3A_307 = arith.constant 0 : i32
    %dma_wait3A_308 = arith.constant 0 : i32
    %dma_wait3A_309 = tpu.memref_slice %arg4[%dma_wait3A_306, %dma_wait3A_307, %dma_wait3A_308] : memref<4000x1x80xi32, #tpu.memory_space<hbm>> -> memref<1x1x80xi32, #tpu.memory_space<hbm>>
    %dma_wait3A_310 = tpu.memref_slice %arg11[%dma_wait3A_301] : memref<8x!tpu.dma_semaphore, #tpu.memory_space<semaphore_mem>> -> memref<1x!tpu.dma_semaphore, #tpu.memory_space<semaphore_mem>>
    %dma_wait3A_311 = tpu.memref_squeeze %dma_wait3A_310 : memref<1x!tpu.dma_semaphore, #tpu.memory_space<semaphore_mem>> -> memref<!tpu.dma_semaphore, #tpu.memory_space<semaphore_mem>>
    %dma_wait3A_312 = arith.constant 1 : i32
    %dma_wait3A_313 = arith.constant 0 : i32
    %dma_wait3A_314 = arith.constant 0 : i32
    %dma_wait3A_315 = tpu.memref_slice %arg8[%dma_wait3A_312, %dma_wait3A_313, %dma_wait3A_314] : memref<8x1x80xi32, #tpu.memory_space<vmem>> -> memref<1x1x80xi32, #tpu.memory_space<vmem>>
    %dma_wait3A_316 = arith.constant 0 : i32
    %dma_wait3A_317 = arith.constant 0 : i32
    %dma_wait3A_318 = arith.constant 0 : i32
    %dma_wait3A_319 = tpu.memref_slice %arg4[%dma_wait3A_316, %dma_wait3A_317, %dma_wait3A_318] : memref<4000x1x80xi32, #tpu.memory_space<hbm>> -> memref<1x1x80xi32, #tpu.memory_space<hbm>>
    tpu.wait_dma2 semaphore(%dma_wait3A_311 : memref<!tpu.dma_semaphore, #tpu.memory_space<semaphore_mem>>) src(%dma_wait3A_319 : memref<1x1x80xi32, #tpu.memory_space<hbm>>) dst(%dma_wait3A_315 : memref<1x1x80xi32, #tpu.memory_space<vmem>>)
    %run_scoped3A_320 = arith.constant 1 : i32
    %run_scoped3A_321 = arith.constant 0 : i32
    %run_scoped3A_322 = arith.constant 1 : i32
    "tpu.region"() ({
      %run_scoped3A_332 = tpu.sem_alloc : memref<!tpu.dma_semaphore, #tpu.memory_space<semaphore_mem>>
      %dma_start3A_333 = arith.constant 0 : i32
      %dma_start3A_334 = arith.constant 0 : i32
      %dma_start3A_335 = tpu.memref_slice %arg9[%run_scoped3A_322, %dma_start3A_333, %dma_start3A_334] : memref<4x80x128xf32, #tpu.memory_space<vmem>> -> memref<1x80x128xf32, #tpu.memory_space<vmem>>
      %dma_start3A_336 = tpu.memref_squeeze %dma_start3A_335 : memref<1x80x128xf32, #tpu.memory_space<vmem>> -> memref<80x128xf32, #tpu.memory_space<vmem>>
      %dma_start3A_337 = arith.constant 0 : i32
      %dma_start3A_338 = tpu.memref_slice %arg7[%run_scoped3A_320, %run_scoped3A_321, %dma_start3A_337] : memref<8x1x80xi32, #tpu.memory_space<vmem>> -> memref<1x1x80xi32, #tpu.memory_space<vmem>>
      %dma_start3A_339 = tpu.memref_squeeze %dma_start3A_338 : memref<1x1x80xi32, #tpu.memory_space<vmem>> -> memref<80xi32, #tpu.memory_space<vmem>>
      %dma_start3A_340 = arith.constant 0 : i32
      %dma_start3A_341 = arith.constant 0 : i32
      %dma_start3A_342 = tpu.memref_slice %arg2[%dma_start3A_340, %dma_start3A_341] : memref<20000x128xf32, #tpu.memory_space<hbm>> -> memref<20000x128xf32, #tpu.memory_space<hbm>>
      tpu.enqueue_indirect_dma source(%dma_start3A_342 : memref<20000x128xf32, #tpu.memory_space<hbm>>) target(%dma_start3A_336 : memref<80x128xf32, #tpu.memory_space<vmem>>) offsets(%dma_start3A_339 : memref<80xi32, #tpu.memory_space<vmem>>) semaphore(%run_scoped3A_332 : memref<!tpu.dma_semaphore, #tpu.memory_space<semaphore_mem>>)
      %dma_wait3A_343 = arith.constant 0 : i32
      %dma_wait3A_344 = arith.constant 0 : i32
      %dma_wait3A_345 = tpu.memref_slice %arg9[%run_scoped3A_322, %dma_wait3A_343, %dma_wait3A_344] : memref<4x80x128xf32, #tpu.memory_space<vmem>> -> memref<1x80x128xf32, #tpu.memory_space<vmem>>
      %dma_wait3A_346 = tpu.memref_squeeze %dma_wait3A_345 : memref<1x80x128xf32, #tpu.memory_space<vmem>> -> memref<80x128xf32, #tpu.memory_space<vmem>>
      %dma_wait3A_347 = arith.constant 0 : i32
      %dma_wait3A_348 = tpu.memref_slice %arg7[%run_scoped3A_320, %run_scoped3A_321, %dma_wait3A_347] : memref<8x1x80xi32, #tpu.memory_space<vmem>> -> memref<1x1x80xi32, #tpu.memory_space<vmem>>
      %dma_wait3A_349 = tpu.memref_squeeze %dma_wait3A_348 : memref<1x1x80xi32, #tpu.memory_space<vmem>> -> memref<80xi32, #tpu.memory_space<vmem>>
      %dma_wait3A_350 = arith.constant 0 : i32
      %dma_wait3A_351 = arith.constant 0 : i32
      %dma_wait3A_352 = tpu.memref_slice %arg2[%dma_wait3A_350, %dma_wait3A_351] : memref<20000x128xf32, #tpu.memory_space<hbm>> -> memref<20000x128xf32, #tpu.memory_space<hbm>>
      tpu.wait_indirect_dma semaphore(%run_scoped3A_332 : memref<!tpu.dma_semaphore, #tpu.memory_space<semaphore_mem>>) src(%dma_wait3A_352 : memref<20000x128xf32, #tpu.memory_space<hbm>>) dst(%dma_wait3A_346 : memref<80x128xf32, #tpu.memory_space<vmem>>)
      tpu.yield
    }) : () -> ()
    %run_scoped3A_323 = arith.constant 1 : i32
    %run_scoped3A_324 = arith.constant 1 : i32
    %run_scoped3A_325 = arith.constant 0 : i32
    "tpu.region"() ({
      %run_scoped3A_332 = tpu.sem_alloc : memref<!tpu.dma_semaphore, #tpu.memory_space<semaphore_mem>>
      %dma_start3A_333 = arith.constant 0 : i32
      %dma_start3A_334 = arith.constant 0 : i32
      %dma_start3A_335 = tpu.memref_slice %arg9[%run_scoped3A_323, %dma_start3A_333, %dma_start3A_334] : memref<4x80x128xf32, #tpu.memory_space<vmem>> -> memref<1x80x128xf32, #tpu.memory_space<vmem>>
      %dma_start3A_336 = tpu.memref_squeeze %dma_start3A_335 : memref<1x80x128xf32, #tpu.memory_space<vmem>> -> memref<80x128xf32, #tpu.memory_space<vmem>>
      %dma_start3A_337 = arith.constant 0 : i32
      %dma_start3A_338 = tpu.memref_slice %arg8[%run_scoped3A_324, %run_scoped3A_325, %dma_start3A_337] : memref<8x1x80xi32, #tpu.memory_space<vmem>> -> memref<1x1x80xi32, #tpu.memory_space<vmem>>
      %dma_start3A_339 = tpu.memref_squeeze %dma_start3A_338 : memref<1x1x80xi32, #tpu.memory_space<vmem>> -> memref<80xi32, #tpu.memory_space<vmem>>
      %dma_start3A_340 = arith.constant 0 : i32
      %dma_start3A_341 = arith.constant 0 : i32
      %dma_start3A_342 = tpu.memref_slice %arg13[%dma_start3A_340, %dma_start3A_341] : memref<10000x128xf32, #tpu.memory_space<vmem_shared>> -> memref<10000x128xf32, #tpu.memory_space<vmem_shared>>
      tpu.enqueue_indirect_dma source(%dma_start3A_336 : memref<80x128xf32, #tpu.memory_space<vmem>>) target(%dma_start3A_342 : memref<10000x128xf32, #tpu.memory_space<vmem_shared>>) offsets(%dma_start3A_339 : memref<80xi32, #tpu.memory_space<vmem>>) semaphore(%run_scoped3A_332 : memref<!tpu.dma_semaphore, #tpu.memory_space<semaphore_mem>>) {add = true}
      %dma_wait3A_343 = arith.constant 0 : i32
      %dma_wait3A_344 = arith.constant 0 : i32
      %dma_wait3A_345 = tpu.memref_slice %arg9[%run_scoped3A_323, %dma_wait3A_343, %dma_wait3A_344] : memref<4x80x128xf32, #tpu.memory_space<vmem>> -> memref<1x80x128xf32, #tpu.memory_space<vmem>>
      %dma_wait3A_346 = tpu.memref_squeeze %dma_wait3A_345 : memref<1x80x128xf32, #tpu.memory_space<vmem>> -> memref<80x128xf32, #tpu.memory_space<vmem>>
      %dma_wait3A_347 = arith.constant 0 : i32
      %dma_wait3A_348 = tpu.memref_slice %arg8[%run_scoped3A_324, %run_scoped3A_325, %dma_wait3A_347] : memref<8x1x80xi32, #tpu.memory_space<vmem>> -> memref<1x1x80xi32, #tpu.memory_space<vmem>>
      %dma_wait3A_349 = tpu.memref_squeeze %dma_wait3A_348 : memref<1x1x80xi32, #tpu.memory_space<vmem>> -> memref<80xi32, #tpu.memory_space<vmem>>
      %dma_wait3A_350 = arith.constant 0 : i32
      %dma_wait3A_351 = arith.constant 0 : i32
      %dma_wait3A_352 = tpu.memref_slice %arg13[%dma_wait3A_350, %dma_wait3A_351] : memref<10000x128xf32, #tpu.memory_space<vmem_shared>> -> memref<10000x128xf32, #tpu.memory_space<vmem_shared>>
      tpu.wait_indirect_dma semaphore(%run_scoped3A_332 : memref<!tpu.dma_semaphore, #tpu.memory_space<semaphore_mem>>) src(%dma_wait3A_346 : memref<80x128xf32, #tpu.memory_space<vmem>>) dst(%dma_wait3A_352 : memref<10000x128xf32, #tpu.memory_space<vmem_shared>>)
      tpu.yield
    }) : () -> ()
    %barrier3A_326 = arith.constant 0 : index
    tpu.barrier barrier_id(%barrier3A_326)
    "tpu.region"() ({
      %run_scoped3A_332 = tpu.sem_alloc : memref<!tpu.dma_semaphore, #tpu.memory_space<semaphore_mem>>
      %dma_start3A_333 = arith.constant 0 : i32
      %dma_start3A_334 = tpu.memref_slice %arg6[%arg0, %mul3A_6, %dma_start3A_333] : memref<2x10000x128xf32, #tpu.memory_space<hbm>> -> memref<1x624x128xf32, #tpu.memory_space<hbm>>
      %dma_start3A_335 = tpu.memref_squeeze %dma_start3A_334 : memref<1x624x128xf32, #tpu.memory_space<hbm>> -> memref<624x128xf32, #tpu.memory_space<hbm>>
      %dma_start3A_336 = arith.constant 0 : i32
      %dma_start3A_337 = tpu.memref_slice %arg13[%mul3A_6, %dma_start3A_336] : memref<10000x128xf32, #tpu.memory_space<vmem_shared>> -> memref<624x128xf32, #tpu.memory_space<vmem_shared>>
      tpu.enqueue_dma source(%dma_start3A_337 : memref<624x128xf32, #tpu.memory_space<vmem_shared>>) target(%dma_start3A_335 : memref<624x128xf32, #tpu.memory_space<hbm>>) target_semaphore(%run_scoped3A_332 : memref<!tpu.dma_semaphore, #tpu.memory_space<semaphore_mem>>)
      %dma_wait3A_338 = arith.constant 0 : i32
      %dma_wait3A_339 = tpu.memref_slice %arg6[%arg0, %mul3A_6, %dma_wait3A_338] : memref<2x10000x128xf32, #tpu.memory_space<hbm>> -> memref<1x624x128xf32, #tpu.memory_space<hbm>>
      %dma_wait3A_340 = tpu.memref_squeeze %dma_wait3A_339 : memref<1x624x128xf32, #tpu.memory_space<hbm>> -> memref<624x128xf32, #tpu.memory_space<hbm>>
      %dma_wait3A_341 = arith.constant 0 : i32
      %dma_wait3A_342 = tpu.memref_slice %arg13[%mul3A_6, %dma_wait3A_341] : memref<10000x128xf32, #tpu.memory_space<vmem_shared>> -> memref<624x128xf32, #tpu.memory_space<vmem_shared>>
      tpu.wait_dma2 semaphore(%run_scoped3A_332 : memref<!tpu.dma_semaphore, #tpu.memory_space<semaphore_mem>>) src(%dma_wait3A_342 : memref<624x128xf32, #tpu.memory_space<vmem_shared>>) dst(%dma_wait3A_340 : memref<624x128xf32, #tpu.memory_space<hbm>>)
      tpu.yield
    }) : () -> ()
    %eq3A_327 = arith.constant 15 : i32
    %eq3A_328 = arith.cmpi eq, %arg1, %eq3A_327 : i32
    %convert_element_type3A_329 = arith.extui %eq3A_328 : i1 to i32
    %cond3A_330 = arith.constant 0 : i32
    %cond3A_331 = arith.cmpi ne, %convert_element_type3A_329, %cond3A_330 : i32
    scf.if %cond3A_331 {
      "tpu.region"() ({
        %run_scoped3A_332 = tpu.sem_alloc : memref<!tpu.dma_semaphore, #tpu.memory_space<semaphore_mem>>
        %dma_start3A_333 = arith.constant 9984 : i32
        %dma_start3A_334 = arith.constant 0 : i32
        %dma_start3A_335 = tpu.memref_slice %arg6[%arg0, %dma_start3A_333, %dma_start3A_334] : memref<2x10000x128xf32, #tpu.memory_space<hbm>> -> memref<1x16x128xf32, #tpu.memory_space<hbm>>
        %dma_start3A_336 = tpu.memref_squeeze %dma_start3A_335 : memref<1x16x128xf32, #tpu.memory_space<hbm>> -> memref<16x128xf32, #tpu.memory_space<hbm>>
        %dma_start3A_337 = arith.constant 9984 : i32
        %dma_start3A_338 = arith.constant 0 : i32
        %dma_start3A_339 = tpu.memref_slice %arg13[%dma_start3A_337, %dma_start3A_338] : memref<10000x128xf32, #tpu.memory_space<vmem_shared>> -> memref<16x128xf32, #tpu.memory_space<vmem_shared>>
        tpu.enqueue_dma source(%dma_start3A_339 : memref<16x128xf32, #tpu.memory_space<vmem_shared>>) target(%dma_start3A_336 : memref<16x128xf32, #tpu.memory_space<hbm>>) target_semaphore(%run_scoped3A_332 : memref<!tpu.dma_semaphore, #tpu.memory_space<semaphore_mem>>)
        %dma_wait3A_340 = arith.constant 9984 : i32
        %dma_wait3A_341 = arith.constant 0 : i32
        %dma_wait3A_342 = tpu.memref_slice %arg6[%arg0, %dma_wait3A_340, %dma_wait3A_341] : memref<2x10000x128xf32, #tpu.memory_space<hbm>> -> memref<1x16x128xf32, #tpu.memory_space<hbm>>
        %dma_wait3A_343 = tpu.memref_squeeze %dma_wait3A_342 : memref<1x16x128xf32, #tpu.memory_space<hbm>> -> memref<16x128xf32, #tpu.memory_space<hbm>>
        %dma_wait3A_344 = arith.constant 9984 : i32
        %dma_wait3A_345 = arith.constant 0 : i32
        %dma_wait3A_346 = tpu.memref_slice %arg13[%dma_wait3A_344, %dma_wait3A_345] : memref<10000x128xf32, #tpu.memory_space<vmem_shared>> -> memref<16x128xf32, #tpu.memory_space<vmem_shared>>
        tpu.wait_dma2 semaphore(%run_scoped3A_332 : memref<!tpu.dma_semaphore, #tpu.memory_space<semaphore_mem>>) src(%dma_wait3A_346 : memref<16x128xf32, #tpu.memory_space<vmem_shared>>) dst(%dma_wait3A_343 : memref<16x128xf32, #tpu.memory_space<hbm>>)
        tpu.yield
      }) : () -> ()
    } else {
    }
    return
  }
}

module attributes {stable_mosaic.version = 14 : i64} {
  func.func @_tc1_body(%arg0: i32, %arg1: memref<400x128xf32, #tpu.memory_space<vmem>>, %arg2: memref<2x400x16xf32, #tpu.memory_space<vmem>>, %arg3: memref<128x256xf32, #tpu.memory_space<vmem>>, %arg4: memref<1x256xf32, #tpu.memory_space<vmem>>, %arg5: memref<256x256xf32, #tpu.memory_space<vmem>>, %arg6: memref<2x400x128xf32, #tpu.memory_space<vmem>>) attributes {dimension_semantics = [#tpu.dimension_semantics<arbitrary>], iteration_bounds = array<i64: 25>, scalar_prefetch = 0 : i64, scratch_operands = 0 : i64, tpu.core_type = #tpu.core_type<tc>, window_params = [{transform_indices = @transform_0, window_bounds = array<i64: 400, 128>}, {transform_indices = @transform_1, window_bounds = array<i64: 2, 400, 16>}, {pipeline_mode = #tpu.pipeline_mode<synchronous>, transform_indices = @transform_2, window_bounds = array<i64: 128, 256>}, {pipeline_mode = #tpu.pipeline_mode<synchronous>, transform_indices = @transform_3, window_bounds = array<i64: 1, 256>}, {pipeline_mode = #tpu.pipeline_mode<synchronous>, transform_indices = @transform_4, window_bounds = array<i64: 256, 256>}, {transform_indices = @transform_5, window_bounds = array<i64: 2, 400, 128>}]} {
    %get3A = arith.constant 0 : index
    %get3A_0 = arith.constant 0 : index
    %get3A_1 = vector.load %arg1[%get3A, %get3A_0] : memref<400x128xf32, #tpu.memory_space<vmem>>, vector<400x128xf32>
    %get3A_2 = arith.constant 0 : index
    %get3A_3 = arith.constant 0 : index
    %get3A_4 = vector.load %arg3[%get3A_2, %get3A_3] : memref<128x256xf32, #tpu.memory_space<vmem>>, vector<128x256xf32>
    %dot_general3A = arith.constant dense<0.000000e+00> : vector<400x256xf32>
    %dot_general3A_5 = tpu.matmul %get3A_1, %get3A_4, %dot_general3A {dimension_numbers = #tpu.dot_dimension_numbers<[1], [0], [0], [1], [0, 0, 1, 1], [], []>, transpose_lhs_hint = false} : vector<400x128xf32>, vector<128x256xf32>, vector<400x256xf32> -> vector<400x256xf32>
    %get3A_6 = arith.constant 0 : index
    %get3A_7 = arith.constant 0 : index
    %get3A_8 = vector.load %arg4[%get3A_6, %get3A_7] : memref<1x256xf32, #tpu.memory_space<vmem>>, vector<1x256xf32>
    %add3A = vector.broadcast %get3A_8 : vector<1x256xf32> to vector<400x256xf32>
    %add3A_9 = arith.addf %dot_general3A_5, %add3A : vector<400x256xf32>
    %gt3A = arith.constant 0.000000e+00 : f32
    %gt3A_10 = vector.broadcast %gt3A : f32 to vector<400x256xf32>
    %gt3A_11 = arith.cmpf ogt, %add3A_9, %gt3A_10 : vector<400x256xf32>
    %exp3A = math.exp %add3A_9 : vector<400x256xf32>
    %sub3A = arith.constant 1.000000e+00 : f32
    %sub3A_12 = vector.broadcast %sub3A : f32 to vector<400x256xf32>
    %sub3A_13 = arith.subf %exp3A, %sub3A_12 : vector<400x256xf32>
    %select_n3A = arith.select %gt3A_11, %add3A_9, %sub3A_13 : vector<400x256xi1>, vector<400x256xf32>
    %get3A_14 = arith.constant 0 : index
    %get3A_15 = arith.constant 0 : index
    %get3A_16 = vector.load %arg5[%get3A_14, %get3A_15] : memref<256x256xf32, #tpu.memory_space<vmem>>, vector<256x256xf32>
    %dot_general3A_17 = arith.constant dense<0.000000e+00> : vector<400x256xf32>
    %dot_general3A_18 = tpu.matmul %select_n3A, %get3A_16, %dot_general3A_17 {dimension_numbers = #tpu.dot_dimension_numbers<[1], [0], [0], [1], [0, 0, 1, 1], [], []>, transpose_lhs_hint = false} : vector<400x256xf32>, vector<256x256xf32>, vector<400x256xf32> -> vector<400x256xf32>
    %get3A_19 = arith.constant 0 : index
    %get3A_20 = arith.constant 0 : index
    %get3A_21 = arith.constant 0 : index
    %get3A_22 = vector.load %arg2[%get3A_19, %get3A_20, %get3A_21] : memref<2x400x16xf32, #tpu.memory_space<vmem>>, vector<2x400x16xf32>
    %slice3A = vector.extract_strided_slice %get3A_22 {offsets = [0, 0, 0], sizes = [1, 400, 1], strides = [1, 1, 1]} : vector<2x400x16xf32> to vector<1x400x1xf32>
    %squeeze3A = vector.shape_cast %slice3A : vector<1x400x1xf32> to vector<400x1xf32>
    %slice3A_23 = vector.extract_strided_slice %get3A_22 {offsets = [1, 0, 0], sizes = [1, 400, 1], strides = [1, 1, 1]} : vector<2x400x16xf32> to vector<1x400x1xf32>
    %squeeze3A_24 = vector.shape_cast %slice3A_23 : vector<1x400x1xf32> to vector<400x1xf32>
    %add3A_25 = arith.addf %squeeze3A, %squeeze3A_24 : vector<400x1xf32>
    %add3A_26 = arith.constant 1.000000e+00 : f32
    %add3A_27 = vector.broadcast %add3A_26 : f32 to vector<400x1xf32>
    %add3A_28 = arith.addf %add3A_25, %add3A_27 : vector<400x1xf32>
    %rsqrt3A = math.rsqrt %add3A_28 : vector<400x1xf32>
    %mul3A = vector.broadcast %rsqrt3A : vector<400x1xf32> to vector<400x256xf32>
    %mul3A_29 = arith.mulf %mul3A, %dot_general3A_18 : vector<400x256xf32>
    %slice3A_30 = vector.extract_strided_slice %mul3A_29 {offsets = [0, 0], sizes = [400, 128], strides = [1, 1]} : vector<400x256xf32> to vector<400x128xf32>
    %slice3A_31 = vector.extract_strided_slice %mul3A_29 {offsets = [0, 128], sizes = [400, 128], strides = [1, 1]} : vector<400x256xf32> to vector<400x128xf32>
    %stack3A = vector.shape_cast %slice3A_30 : vector<400x128xf32> to vector<1x400x128xf32>
    %stack3A_32 = vector.shape_cast %slice3A_31 : vector<400x128xf32> to vector<1x400x128xf32>
    %stack3A_33 = tpu.concatenate %stack3A, %stack3A_32 in 0 : vector<1x400x128xf32>, vector<1x400x128xf32> -> vector<2x400x128xf32>
    %swap3A = arith.constant 0 : index
    %swap3A_34 = arith.constant 0 : index
    %swap3A_35 = arith.constant 0 : index
    %swap3A_36 = vector.load %arg6[%swap3A, %swap3A_34, %swap3A_35] : memref<2x400x128xf32, #tpu.memory_space<vmem>>, vector<2x400x128xf32>
    tpu.vector_store %arg6[%swap3A, %swap3A_34, %swap3A_35], %stack3A_33 {strides = array<i32>} : memref<2x400x128xf32, #tpu.memory_space<vmem>>, vector<2x400x128xf32>,
    return
  }
  func.func @transform_0(%arg0: i32) -> (i32, i32) {
    %c0_i32 = arith.constant 0 : i32
    %c0_i32_0 = arith.constant 0 : i32
    return %arg0, %c0_i32 : i32, i32
  }
  func.func @transform_1(%arg0: i32) -> (i32, i32, i32) {
    %c0_i32 = arith.constant 0 : i32
    %c0_i32_0 = arith.constant 0 : i32
    %c0_i32_1 = arith.constant 0 : i32
    return %c0_i32, %arg0, %c0_i32_0 : i32, i32, i32
  }
  func.func @transform_2(%arg0: i32) -> (i32, i32) {
    %c0_i32 = arith.constant 0 : i32
    %c0_i32_0 = arith.constant 0 : i32
    %c0_i32_1 = arith.constant 0 : i32
    return %c0_i32, %c0_i32_0 : i32, i32
  }
  func.func @transform_3(%arg0: i32) -> (i32, i32) {
    %c0_i32 = arith.constant 0 : i32
    %c0_i32_0 = arith.constant 0 : i32
    %c0_i32_1 = arith.constant 0 : i32
    return %c0_i32, %c0_i32_0 : i32, i32
  }
  func.func @transform_4(%arg0: i32) -> (i32, i32) {
    %c0_i32 = arith.constant 0 : i32
    %c0_i32_0 = arith.constant 0 : i32
    %c0_i32_1 = arith.constant 0 : i32
    return %c0_i32, %c0_i32_0 : i32, i32
  }
  func.func @transform_5(%arg0: i32) -> (i32, i32, i32) {
    %c0_i32 = arith.constant 0 : i32
    %c0_i32_0 = arith.constant 0 : i32
    %c0_i32_1 = arith.constant 0 : i32
    return %c0_i32, %arg0, %c0_i32_0 : i32, i32, i32
  }
}

module attributes {stable_mosaic.version = 14 : i64} {
  func.func @_tc_out_body(%arg0: i32, %arg1: memref<2x400x128xf32, #tpu.memory_space<vmem>>, %arg2: memref<2x400x128xf32, #tpu.memory_space<vmem>>, %arg3: memref<2x400x16xf32, #tpu.memory_space<vmem>>, %arg4: memref<1x256xf32, #tpu.memory_space<vmem>>, %arg5: memref<256x128xf32, #tpu.memory_space<vmem>>, %arg6: memref<1x128xf32, #tpu.memory_space<vmem>>, %arg7: memref<400x128xf32, #tpu.memory_space<vmem>>) attributes {dimension_semantics = [#tpu.dimension_semantics<arbitrary>], iteration_bounds = array<i64: 25>, scalar_prefetch = 0 : i64, scratch_operands = 0 : i64, tpu.core_type = #tpu.core_type<tc>, window_params = [{transform_indices = @transform_0, window_bounds = array<i64: 2, 400, 128>}, {transform_indices = @transform_1, window_bounds = array<i64: 2, 400, 128>}, {transform_indices = @transform_2, window_bounds = array<i64: 2, 400, 16>}, {pipeline_mode = #tpu.pipeline_mode<synchronous>, transform_indices = @transform_3, window_bounds = array<i64: 1, 256>}, {pipeline_mode = #tpu.pipeline_mode<synchronous>, transform_indices = @transform_4, window_bounds = array<i64: 256, 128>}, {pipeline_mode = #tpu.pipeline_mode<synchronous>, transform_indices = @transform_5, window_bounds = array<i64: 1, 128>}, {transform_indices = @transform_6, window_bounds = array<i64: 400, 128>}]} {
    %get3A = arith.constant 0 : index
    %get3A_0 = arith.constant 0 : index
    %get3A_1 = arith.constant 0 : index
    %get3A_2 = vector.load %arg3[%get3A, %get3A_0, %get3A_1] : memref<2x400x16xf32, #tpu.memory_space<vmem>>, vector<2x400x16xf32>
    %slice3A = vector.extract_strided_slice %get3A_2 {offsets = [0, 0, 0], sizes = [1, 400, 1], strides = [1, 1, 1]} : vector<2x400x16xf32> to vector<1x400x1xf32>
    %squeeze3A = vector.shape_cast %slice3A : vector<1x400x1xf32> to vector<400x1xf32>
    %slice3A_3 = vector.extract_strided_slice %get3A_2 {offsets = [1, 0, 0], sizes = [1, 400, 1], strides = [1, 1, 1]} : vector<2x400x16xf32> to vector<1x400x1xf32>
    %squeeze3A_4 = vector.shape_cast %slice3A_3 : vector<1x400x1xf32> to vector<400x1xf32>
    %add3A = arith.addf %squeeze3A, %squeeze3A_4 : vector<400x1xf32>
    %add3A_5 = arith.constant 1.000000e+00 : f32
    %add3A_6 = vector.broadcast %add3A_5 : f32 to vector<400x1xf32>
    %add3A_7 = arith.addf %add3A, %add3A_6 : vector<400x1xf32>
    %rsqrt3A = math.rsqrt %add3A_7 : vector<400x1xf32>
    %get3A_8 = arith.constant 0 : index
    %get3A_9 = arith.constant 0 : index
    %get3A_10 = arith.constant 0 : index
    %get3A_11 = vector.load %arg1[%get3A_8, %get3A_9, %get3A_10] : memref<2x400x128xf32, #tpu.memory_space<vmem>>, vector<2x400x128xf32>
    %slice3A_12 = vector.extract_strided_slice %get3A_11 {offsets = [0, 0, 0], sizes = [1, 400, 128], strides = [1, 1, 1]} : vector<2x400x128xf32> to vector<1x400x128xf32>
    %squeeze3A_13 = vector.shape_cast %slice3A_12 : vector<1x400x128xf32> to vector<400x128xf32>
    %slice3A_14 = vector.extract_strided_slice %get3A_11 {offsets = [1, 0, 0], sizes = [1, 400, 128], strides = [1, 1, 1]} : vector<2x400x128xf32> to vector<1x400x128xf32>
    %squeeze3A_15 = vector.shape_cast %slice3A_14 : vector<1x400x128xf32> to vector<400x128xf32>
    %concatenate3A = tpu.concatenate %squeeze3A_13, %squeeze3A_15 in 1 : vector<400x128xf32>, vector<400x128xf32> -> vector<400x256xf32>
    %get3A_16 = arith.constant 0 : index
    %get3A_17 = arith.constant 0 : index
    %get3A_18 = arith.constant 0 : index
    %get3A_19 = vector.load %arg2[%get3A_16, %get3A_17, %get3A_18] : memref<2x400x128xf32, #tpu.memory_space<vmem>>, vector<2x400x128xf32>
    %slice3A_20 = vector.extract_strided_slice %get3A_19 {offsets = [0, 0, 0], sizes = [1, 400, 128], strides = [1, 1, 1]} : vector<2x400x128xf32> to vector<1x400x128xf32>
    %squeeze3A_21 = vector.shape_cast %slice3A_20 : vector<1x400x128xf32> to vector<400x128xf32>
    %slice3A_22 = vector.extract_strided_slice %get3A_19 {offsets = [1, 0, 0], sizes = [1, 400, 128], strides = [1, 1, 1]} : vector<2x400x128xf32> to vector<1x400x128xf32>
    %squeeze3A_23 = vector.shape_cast %slice3A_22 : vector<1x400x128xf32> to vector<400x128xf32>
    %concatenate3A_24 = tpu.concatenate %squeeze3A_21, %squeeze3A_23 in 1 : vector<400x128xf32>, vector<400x128xf32> -> vector<400x256xf32>
    %add3A_25 = arith.addf %concatenate3A, %concatenate3A_24 : vector<400x256xf32>
    %mul3A = vector.broadcast %rsqrt3A : vector<400x1xf32> to vector<400x256xf32>
    %mul3A_26 = arith.mulf %mul3A, %add3A_25 : vector<400x256xf32>
    %get3A_27 = arith.constant 0 : index
    %get3A_28 = arith.constant 0 : index
    %get3A_29 = vector.load %arg4[%get3A_27, %get3A_28] : memref<1x256xf32, #tpu.memory_space<vmem>>, vector<1x256xf32>
    %add3A_30 = vector.broadcast %get3A_29 : vector<1x256xf32> to vector<400x256xf32>
    %add3A_31 = arith.addf %mul3A_26, %add3A_30 : vector<400x256xf32>
    %gt3A = arith.constant 0.000000e+00 : f32
    %gt3A_32 = vector.broadcast %gt3A : f32 to vector<400x256xf32>
    %gt3A_33 = arith.cmpf ogt, %add3A_31, %gt3A_32 : vector<400x256xf32>
    %exp3A = math.exp %add3A_31 : vector<400x256xf32>
    %sub3A = arith.constant 1.000000e+00 : f32
    %sub3A_34 = vector.broadcast %sub3A : f32 to vector<400x256xf32>
    %sub3A_35 = arith.subf %exp3A, %sub3A_34 : vector<400x256xf32>
    %select_n3A = arith.select %gt3A_33, %add3A_31, %sub3A_35 : vector<400x256xi1>, vector<400x256xf32>
    %get3A_36 = arith.constant 0 : index
    %get3A_37 = arith.constant 0 : index
    %get3A_38 = vector.load %arg5[%get3A_36, %get3A_37] : memref<256x128xf32, #tpu.memory_space<vmem>>, vector<256x128xf32>
    %dot_general3A = arith.constant dense<0.000000e+00> : vector<400x128xf32>
    %dot_general3A_39 = tpu.matmul %select_n3A, %get3A_38, %dot_general3A {dimension_numbers = #tpu.dot_dimension_numbers<[1], [0], [0], [1], [0, 0, 1, 1], [], []>, transpose_lhs_hint = false} : vector<400x256xf32>, vector<256x128xf32>, vector<400x128xf32> -> vector<400x128xf32>
    %get3A_40 = arith.constant 0 : index
    %get3A_41 = arith.constant 0 : index
    %get3A_42 = vector.load %arg6[%get3A_40, %get3A_41] : memref<1x128xf32, #tpu.memory_space<vmem>>, vector<1x128xf32>
    %add3A_43 = vector.broadcast %get3A_42 : vector<1x128xf32> to vector<400x128xf32>
    %add3A_44 = arith.addf %dot_general3A_39, %add3A_43 : vector<400x128xf32>
    %swap3A = arith.constant 0 : index
    %swap3A_45 = arith.constant 0 : index
    %swap3A_46 = vector.load %arg7[%swap3A, %swap3A_45] : memref<400x128xf32, #tpu.memory_space<vmem>>, vector<400x128xf32>
    tpu.vector_store %arg7[%swap3A, %swap3A_45], %add3A_44 {strides = array<i32>} : memref<400x128xf32, #tpu.memory_space<vmem>>, vector<400x128xf32>,
    return
  }
  func.func @transform_0(%arg0: i32) -> (i32, i32, i32) {
    %c0_i32 = arith.constant 0 : i32
    %c0_i32_0 = arith.constant 0 : i32
    %c0_i32_1 = arith.constant 0 : i32
    return %c0_i32, %arg0, %c0_i32_0 : i32, i32, i32
  }
  func.func @transform_1(%arg0: i32) -> (i32, i32, i32) {
    %c0_i32 = arith.constant 0 : i32
    %c0_i32_0 = arith.constant 0 : i32
    %c0_i32_1 = arith.constant 0 : i32
    return %c0_i32, %arg0, %c0_i32_0 : i32, i32, i32
  }
  func.func @transform_2(%arg0: i32) -> (i32, i32, i32) {
    %c0_i32 = arith.constant 0 : i32
    %c0_i32_0 = arith.constant 0 : i32
    %c0_i32_1 = arith.constant 0 : i32
    return %c0_i32, %arg0, %c0_i32_0 : i32, i32, i32
  }
  func.func @transform_3(%arg0: i32) -> (i32, i32) {
    %c0_i32 = arith.constant 0 : i32
    %c0_i32_0 = arith.constant 0 : i32
    %c0_i32_1 = arith.constant 0 : i32
    return %c0_i32, %c0_i32_0 : i32, i32
  }
  func.func @transform_4(%arg0: i32) -> (i32, i32) {
    %c0_i32 = arith.constant 0 : i32
    %c0_i32_0 = arith.constant 0 : i32
    %c0_i32_1 = arith.constant 0 : i32
    return %c0_i32, %c0_i32_0 : i32, i32
  }
  func.func @transform_5(%arg0: i32) -> (i32, i32) {
    %c0_i32 = arith.constant 0 : i32
    %c0_i32_0 = arith.constant 0 : i32
    %c0_i32_1 = arith.constant 0 : i32
    return %c0_i32, %c0_i32_0 : i32, i32
  }
  func.func @transform_6(%arg0: i32) -> (i32, i32) {
    %c0_i32 = arith.constant 0 : i32
    %c0_i32_0 = arith.constant 0 : i32
    return %arg0, %c0_i32 : i32, i32
  }
}

module attributes {stable_mosaic.version = 14 : i64} {
  func.func @_tc_mid_body(%arg0: i32, %arg1: memref<2x400x128xf32, #tpu.memory_space<vmem>>, %arg2: memref<2x400x128xf32, #tpu.memory_space<vmem>>, %arg3: memref<2x400x16xf32, #tpu.memory_space<vmem>>, %arg4: memref<1x256xf32, #tpu.memory_space<vmem>>, %arg5: memref<256x256xf32, #tpu.memory_space<vmem>>, %arg6: memref<2x400x128xf32, #tpu.memory_space<vmem>>) attributes {dimension_semantics = [#tpu.dimension_semantics<arbitrary>], iteration_bounds = array<i64: 25>, scalar_prefetch = 0 : i64, scratch_operands = 0 : i64, tpu.core_type = #tpu.core_type<tc>, window_params = [{transform_indices = @transform_0, window_bounds = array<i64: 2, 400, 128>}, {transform_indices = @transform_1, window_bounds = array<i64: 2, 400, 128>}, {transform_indices = @transform_2, window_bounds = array<i64: 2, 400, 16>}, {pipeline_mode = #tpu.pipeline_mode<synchronous>, transform_indices = @transform_3, window_bounds = array<i64: 1, 256>}, {pipeline_mode = #tpu.pipeline_mode<synchronous>, transform_indices = @transform_4, window_bounds = array<i64: 256, 256>}, {transform_indices = @transform_5, window_bounds = array<i64: 2, 400, 128>}]} {
    %get3A = arith.constant 0 : index
    %get3A_0 = arith.constant 0 : index
    %get3A_1 = arith.constant 0 : index
    %get3A_2 = vector.load %arg3[%get3A, %get3A_0, %get3A_1] : memref<2x400x16xf32, #tpu.memory_space<vmem>>, vector<2x400x16xf32>
    %slice3A = vector.extract_strided_slice %get3A_2 {offsets = [0, 0, 0], sizes = [1, 400, 1], strides = [1, 1, 1]} : vector<2x400x16xf32> to vector<1x400x1xf32>
    %squeeze3A = vector.shape_cast %slice3A : vector<1x400x1xf32> to vector<400x1xf32>
    %slice3A_3 = vector.extract_strided_slice %get3A_2 {offsets = [1, 0, 0], sizes = [1, 400, 1], strides = [1, 1, 1]} : vector<2x400x16xf32> to vector<1x400x1xf32>
    %squeeze3A_4 = vector.shape_cast %slice3A_3 : vector<1x400x1xf32> to vector<400x1xf32>
    %add3A = arith.addf %squeeze3A, %squeeze3A_4 : vector<400x1xf32>
    %add3A_5 = arith.constant 1.000000e+00 : f32
    %add3A_6 = vector.broadcast %add3A_5 : f32 to vector<400x1xf32>
    %add3A_7 = arith.addf %add3A, %add3A_6 : vector<400x1xf32>
    %rsqrt3A = math.rsqrt %add3A_7 : vector<400x1xf32>
    %get3A_8 = arith.constant 0 : index
    %get3A_9 = arith.constant 0 : index
    %get3A_10 = arith.constant 0 : index
    %get3A_11 = vector.load %arg1[%get3A_8, %get3A_9, %get3A_10] : memref<2x400x128xf32, #tpu.memory_space<vmem>>, vector<2x400x128xf32>
    %slice3A_12 = vector.extract_strided_slice %get3A_11 {offsets = [0, 0, 0], sizes = [1, 400, 128], strides = [1, 1, 1]} : vector<2x400x128xf32> to vector<1x400x128xf32>
    %squeeze3A_13 = vector.shape_cast %slice3A_12 : vector<1x400x128xf32> to vector<400x128xf32>
    %slice3A_14 = vector.extract_strided_slice %get3A_11 {offsets = [1, 0, 0], sizes = [1, 400, 128], strides = [1, 1, 1]} : vector<2x400x128xf32> to vector<1x400x128xf32>
    %squeeze3A_15 = vector.shape_cast %slice3A_14 : vector<1x400x128xf32> to vector<400x128xf32>
    %concatenate3A = tpu.concatenate %squeeze3A_13, %squeeze3A_15 in 1 : vector<400x128xf32>, vector<400x128xf32> -> vector<400x256xf32>
    %get3A_16 = arith.constant 0 : index
    %get3A_17 = arith.constant 0 : index
    %get3A_18 = arith.constant 0 : index
    %get3A_19 = vector.load %arg2[%get3A_16, %get3A_17, %get3A_18] : memref<2x400x128xf32, #tpu.memory_space<vmem>>, vector<2x400x128xf32>
    %slice3A_20 = vector.extract_strided_slice %get3A_19 {offsets = [0, 0, 0], sizes = [1, 400, 128], strides = [1, 1, 1]} : vector<2x400x128xf32> to vector<1x400x128xf32>
    %squeeze3A_21 = vector.shape_cast %slice3A_20 : vector<1x400x128xf32> to vector<400x128xf32>
    %slice3A_22 = vector.extract_strided_slice %get3A_19 {offsets = [1, 0, 0], sizes = [1, 400, 128], strides = [1, 1, 1]} : vector<2x400x128xf32> to vector<1x400x128xf32>
    %squeeze3A_23 = vector.shape_cast %slice3A_22 : vector<1x400x128xf32> to vector<400x128xf32>
    %concatenate3A_24 = tpu.concatenate %squeeze3A_21, %squeeze3A_23 in 1 : vector<400x128xf32>, vector<400x128xf32> -> vector<400x256xf32>
    %add3A_25 = arith.addf %concatenate3A, %concatenate3A_24 : vector<400x256xf32>
    %mul3A = vector.broadcast %rsqrt3A : vector<400x1xf32> to vector<400x256xf32>
    %mul3A_26 = arith.mulf %mul3A, %add3A_25 : vector<400x256xf32>
    %get3A_27 = arith.constant 0 : index
    %get3A_28 = arith.constant 0 : index
    %get3A_29 = vector.load %arg4[%get3A_27, %get3A_28] : memref<1x256xf32, #tpu.memory_space<vmem>>, vector<1x256xf32>
    %add3A_30 = vector.broadcast %get3A_29 : vector<1x256xf32> to vector<400x256xf32>
    %add3A_31 = arith.addf %mul3A_26, %add3A_30 : vector<400x256xf32>
    %gt3A = arith.constant 0.000000e+00 : f32
    %gt3A_32 = vector.broadcast %gt3A : f32 to vector<400x256xf32>
    %gt3A_33 = arith.cmpf ogt, %add3A_31, %gt3A_32 : vector<400x256xf32>
    %exp3A = math.exp %add3A_31 : vector<400x256xf32>
    %sub3A = arith.constant 1.000000e+00 : f32
    %sub3A_34 = vector.broadcast %sub3A : f32 to vector<400x256xf32>
    %sub3A_35 = arith.subf %exp3A, %sub3A_34 : vector<400x256xf32>
    %select_n3A = arith.select %gt3A_33, %add3A_31, %sub3A_35 : vector<400x256xi1>, vector<400x256xf32>
    %get3A_36 = arith.constant 0 : index
    %get3A_37 = arith.constant 0 : index
    %get3A_38 = vector.load %arg5[%get3A_36, %get3A_37] : memref<256x256xf32, #tpu.memory_space<vmem>>, vector<256x256xf32>
    %dot_general3A = arith.constant dense<0.000000e+00> : vector<400x256xf32>
    %dot_general3A_39 = tpu.matmul %select_n3A, %get3A_38, %dot_general3A {dimension_numbers = #tpu.dot_dimension_numbers<[1], [0], [0], [1], [0, 0, 1, 1], [], []>, transpose_lhs_hint = false} : vector<400x256xf32>, vector<256x256xf32>, vector<400x256xf32> -> vector<400x256xf32>
    %mul3A_40 = vector.broadcast %rsqrt3A : vector<400x1xf32> to vector<400x256xf32>
    %mul3A_41 = arith.mulf %mul3A_40, %dot_general3A_39 : vector<400x256xf32>
    %slice3A_42 = vector.extract_strided_slice %mul3A_41 {offsets = [0, 0], sizes = [400, 128], strides = [1, 1]} : vector<400x256xf32> to vector<400x128xf32>
    %slice3A_43 = vector.extract_strided_slice %mul3A_41 {offsets = [0, 128], sizes = [400, 128], strides = [1, 1]} : vector<400x256xf32> to vector<400x128xf32>
    %stack3A = vector.shape_cast %slice3A_42 : vector<400x128xf32> to vector<1x400x128xf32>
    %stack3A_44 = vector.shape_cast %slice3A_43 : vector<400x128xf32> to vector<1x400x128xf32>
    %stack3A_45 = tpu.concatenate %stack3A, %stack3A_44 in 0 : vector<1x400x128xf32>, vector<1x400x128xf32> -> vector<2x400x128xf32>
    %swap3A = arith.constant 0 : index
    %swap3A_46 = arith.constant 0 : index
    %swap3A_47 = arith.constant 0 : index
    %swap3A_48 = vector.load %arg6[%swap3A, %swap3A_46, %swap3A_47] : memref<2x400x128xf32, #tpu.memory_space<vmem>>, vector<2x400x128xf32>
    tpu.vector_store %arg6[%swap3A, %swap3A_46, %swap3A_47], %stack3A_45 {strides = array<i32>} : memref<2x400x128xf32, #tpu.memory_space<vmem>>, vector<2x400x128xf32>,
    return
  }
  func.func @transform_0(%arg0: i32) -> (i32, i32, i32) {
    %c0_i32 = arith.constant 0 : i32
    %c0_i32_0 = arith.constant 0 : i32
    %c0_i32_1 = arith.constant 0 : i32
    return %c0_i32, %arg0, %c0_i32_0 : i32, i32, i32
  }
  func.func @transform_1(%arg0: i32) -> (i32, i32, i32) {
    %c0_i32 = arith.constant 0 : i32
    %c0_i32_0 = arith.constant 0 : i32
    %c0_i32_1 = arith.constant 0 : i32
    return %c0_i32, %arg0, %c0_i32_0 : i32, i32, i32
  }
  func.func @transform_2(%arg0: i32) -> (i32, i32, i32) {
    %c0_i32 = arith.constant 0 : i32
    %c0_i32_0 = arith.constant 0 : i32
    %c0_i32_1 = arith.constant 0 : i32
    return %c0_i32, %arg0, %c0_i32_0 : i32, i32, i32
  }
  func.func @transform_3(%arg0: i32) -> (i32, i32) {
    %c0_i32 = arith.constant 0 : i32
    %c0_i32_0 = arith.constant 0 : i32
    %c0_i32_1 = arith.constant 0 : i32
    return %c0_i32, %c0_i32_0 : i32, i32
  }
  func.func @transform_4(%arg0: i32) -> (i32, i32) {
    %c0_i32 = arith.constant 0 : i32
    %c0_i32_0 = arith.constant 0 : i32
    %c0_i32_1 = arith.constant 0 : i32
    return %c0_i32, %c0_i32_0 : i32, i32
  }
  func.func @transform_5(%arg0: i32) -> (i32, i32, i32) {
    %c0_i32 = arith.constant 0 : i32
    %c0_i32_0 = arith.constant 0 : i32
    %c0_i32_1 = arith.constant 0 : i32
    return %c0_i32, %arg0, %c0_i32_0 : i32, i32, i32
  }
}

</mosaic_0001>

<sc_bundles>
// kernel: gcn_deg_sc.3.cloned.1.call-start
scs
__scs_entry_jumppad:
0x0: {  	(pc) =	sbr.rel $0x88, $3  }
0x1: {  	(tag) =	ssettag $0x0;
	lr =	simm.s32 $0x1  }
0x2: {  	[smem:$0x3F97] =	sst lr;
	_ =	strace $0xD0000000  }
0x3: {  	_ = 	snop  }
0x4: {  	_ = 	snop  }
0x5: {  	_ = 	snop  }
0x6: {  	_ = 	snop  }
0x7: {  	_ = 	snop  }
__scs_overlays_trampoline_lowered:
0x8: {  	[smem:$0x3FA6] =	sst s0  }
0x9: {  	[smem:$0x3FA7] =	sst s1  }
0xa: {  	[smem:$0x3FA8] =	sst s2  }
0xb: {  	[smem:$0x3FA9] =	sst s3  }
0xc: {  	[smem:$0x3FAA] =	sst s4  }
0xd: {  	[smem:$0x3FAB] =	sst s5  }
0xe: {  	[smem:$0x3FAC] =	sst s6  }
0xf: {  	[smem:$0x3FAD] =	sst s7  }
0x10: {  	[smem:$0x3FAE] =	sst s8  }
0x11: {  	[smem:$0x3FAF] =	sst s9;
	s0 =	simm.s32 @!p0 $0x0  }
0x12: {  	s1 =	sld [smem:$0x3F95];
	s0 =	simm.s32 @p0 $0x1  }
0x13: {  	[smem:$0x3FB0] =	sst s0;
	s0 =	simm.s32 @!p1 $0x0  }
0x14: {  	s2 =	sld [smem:$0x3F94];
	s0 =	simm.s32 @p1 $0x1  }
0x15: {  	[smem:$0x3FB1] =	sst s0;
	s0 =	simm.s32 @!p2 $0x0  }
0x16: {  	s3 =	sld [smem:$0x3FDB];
	s0 =	simm.s32 @p2 $0x1  }
0x17: {  	s4 =	simm.s32 $0x1BF5;
	[smem:$0x3FB3] =	sst s0  }
0x18: {  	s0 =	sld [smem:$0x3F96];
	_ =	swait.ge [sflag:s4], $0x0  }
0x19: {  	s7 =	sld [smem:$0x3F97]  }
0x1a: {  	s8 =	sadd.s32 $0xFFFFE003, lr  }
0x1b: {  	s9 =	sadd.s32 $0xFFFFFEF7, lr;
	s5 =	simm.s32 $0xFFFFFFFF;
	p2 =	slt.u32 s8, $0xFFFFF086  }
0x1c: {  	p1 =	slt.u32 s9, $0xF7A;
	s5 =	simm.s32 @!p2 $0x0  }
0x1d: {  	s5 =	simm.s32 @p1 $0x1;
	p0 =	seq.s32 s7, s2  }
0x1e: {  	s7 =	smul.u32 @!p0 $0xF7A, s2;
	p2 =	seq.s32 @!p0 s5, $0x0  }
0x1f: {  	s9 =	smul.u32 $0xF7A, s1;
	s8 =	simm.s32 @!p0 $0x1BF5;
	p2 =	por !p2, p0  }
0x20: {  	[sflag:s8] =	ssyncset.s32 @!p0 $0xFFFFF086;
	s6 =	sadd.s32 @!p0 s3, s7;
	s7 =	simm.s32 @!p0 $0x108  }
0x21: {  	s3 =	sadd.s32 s3, s9;
	s6 =	sadd.s32 @!p0 $0x88, s6;
	s7 =	simm.s32 @p2 $0x1082  }
0x22: {  	[simem:s7], [sflag:s8] =	dma.local @!p0 [hbm:s6], $0xF7A  }
0x23: {  	s9 =	sor.u32 $0xD0000000, s2;
	s6 =	simm.s32 $0x108;
	_ =	swait.ge @!p0 [sflag:s8], $0x0  }
0x24: {  	s3 =	sadd.s32 $0x88, s3;
	s6 =	simm.s32 @!p1 $0x1082;
	[sflag:s4] =	ssyncset.s32 $0xFFFFF086  }
0x25: {  	[simem:s6], [sflag:s4] =	dma.local [hbm:s3], $0xF7A  }
0x26: {  	[smem:$0x3F97] =	sst s1;
	(tag) =	ssettag s2;
	_ =	strace s9  }
0x27: {  	s1 =	sld [smem:$0x3FA7]  }
0x28: {  	s2 =	sld [smem:$0x3FA8]  }
0x29: {  	s4 =	sld [smem:$0x3FAA]  }
0x2a: {  	p0 =	seq.s32 s5, $0x0;
	s5 =	sld [smem:$0x3FAB]  }
0x2b: {  	s6 =	sld [smem:$0x3FAC]  }
0x2c: {  	s7 =	sld [smem:$0x3FAD]  }
0x2d: {  	s3 =	simm.s32 $0x108;
	s8 =	sld [smem:$0x3FAE]  }
0x2e: {  	s3 =	simm.s32 @!p0 $0x1082;
	s9 =	sld [smem:$0x3FAF]  }
0x2f: {  	lr =	sadd.s32 s0, s3;
	s0 =	sld [smem:$0x3FA6]  }
0x30: {  	s3 =	sld [smem:$0x3FA9]  }
0x31: {  	[smem:$0x3FB2] =	sst s10  }
0x32: {  	s10 =	sld [smem:$0x3FB0];
	_ =	sdelay $0x3  }
0x33: {  	p0 =	seq.s32 s10, $0x1;
	s10 =	sld [smem:$0x3FB2];
	_ =	sdelay $0x3  }
0x34: {  	[smem:$0x3FB2] =	sst s10  }
0x35: {  	s10 =	sld [smem:$0x3FB1];
	_ =	sdelay $0x3  }
0x36: {  	p1 =	seq.s32 s10, $0x1;
	s10 =	sld [smem:$0x3FB2];
	_ =	sdelay $0x3  }
0x37: {  	[smem:$0x3FB2] =	sst s10  }
0x38: {  	s10 =	sld [smem:$0x3FB3]  }
0x39: {  	_ = 	snop;
	(pc) =	sbr.ind lr, $3  }
0x3a: {  	_ = 	snop  }
0x3b: {  	_ = 	snop  }
0x3c: {  	p2 =	seq.s32 s10, $0x1;
	s10 =	sld [smem:$0x3FB2]  }
0x3d: {  	_ =	shalt  }
0x3e: {  	_ =	shalt  }
0x3f: {  	_ =	shalt  }
0x40: {  	_ =	shalt  }
0x41: {  	_ =	shalt  }
0x42: {  	_ =	shalt  }
0x43: {  	_ =	shalt  }
0x44: {  	_ =	shalt  }
0x45: {  	_ =	shalt  }
0x46: {  	_ =	shalt  }
0x47: {  	_ =	shalt  }
0x48: {  	_ =	shalt  }
0x49: {  	_ =	shalt  }
0x4a: {  	_ =	shalt  }
0x4b: {  	_ =	shalt  }
0x4c: {  	_ =	shalt  }
0x4d: {  	_ =	shalt  }
0x4e: {  	_ =	shalt  }
0x4f: {  	_ =	shalt  }
0x50: {  	_ =	shalt  }
0x51: {  	_ =	shalt  }
0x52: {  	_ =	shalt  }
0x53: {  	_ =	shalt  }
0x54: {  	_ =	shalt  }
0x55: {  	_ =	shalt  }
0x56: {  	_ =	shalt  }
0x57: {  	_ =	shalt  }
0x58: {  	_ =	shalt  }
0x59: {  	_ =	shalt  }
0x5a: {  	_ =	shalt  }
0x5b: {  	_ =	shalt  }
0x5c: {  	_ =	shalt  }
0x5d: {  	_ =	shalt  }
0x5e: {  	_ =	shalt  }
0x5f: {  	_ =	shalt  }
0x60: {  	_ =	shalt  }
0x61: {  	_ =	shalt  }
0x62: {  	_ =	shalt  }
0x63: {  	_ =	shalt  }
0x64: {  	_ =	shalt  }
0x65: {  	_ =	shalt  }
0x66: {  	_ =	shalt  }
0x67: {  	_ =	shalt  }
0x68: {  	_ =	shalt  }
0x69: {  	_ =	shalt  }
0x6a: {  	_ =	shalt  }
0x6b: {  	_ =	shalt  }
0x6c: {  	_ =	shalt  }
0x6d: {  	_ =	shalt  }
0x6e: {  	_ =	shalt  }
0x6f: {  	_ =	shalt  }
0x70: {  	_ =	shalt  }
0x71: {  	_ =	shalt  }
0x72: {  	_ =	shalt  }
0x73: {  	_ =	shalt  }
0x74: {  	_ =	shalt  }
0x75: {  	_ =	shalt  }
0x76: {  	_ =	shalt  }
0x77: {  	_ =	shalt  }
0x78: {  	_ =	shalt  }
0x79: {  	_ =	shalt  }
0x7a: {  	_ =	shalt  }
0x7b: {  	_ =	shalt  }
0x7c: {  	_ =	shalt  }
0x7d: {  	_ =	shalt  }
0x7e: {  	_ =	shalt  }
0x7f: {  	_ =	shalt  }
0x80: {  	_ =	shalt  }
0x81: {  	_ =	shalt  }
0x82: {  	_ =	shalt  }
0x83: {  	_ =	shalt  }
0x84: {  	_ =	shalt  }
0x85: {  	_ =	shalt  }
0x86: {  	_ =	shalt  }
0x87: {  	_ =	shalt  }
.Lfunc_end0:
.L_simem_size_0:
called_computation_lowered:
.L_overlay_start_0:
0x88: {  	s2 =	sld [smem:$0x3FD9]  }
0x89: {  	s3 =	sld [smem:$0x3FFE];
	_ =	sdelay $0x1  }
0x8a: {  	s1 =	srdreg.scid  }
0x8b: {  	s0 =	sand.u32 $0x1, s1  }
0x8c: {  	s16 =	sshll.u32 s0, $0xA;
	s2 =	sadd.s32 s3, s2  }
0x8d: {  	s2 =	sadd.s32 s2, s16  }
0x8e: {  	[smem:$0x3FBE] =	sst s2  }
0x8f: {  	_ = 	snop  }
0x90: {  	(tm) =	ssettm $0x1  }
0x91: {  	s17 =	sld [smem:$0x3FFB];
	_ =	sdelay $0x3  }
0x92: {  	_ =	strace s17  }
0x93: {  	s2 =	sld [smem:$0x3FFC];
	_ =	sdelay $0x3  }
0x94: {  	_ =	strace s2  }
0x95: {  	s2 =	sld [smem:$0x3FFD];
	_ =	sdelay $0x3  }
0x96: {  	_ =	strace s2  }
0x97: {  	_ =	strace $0x8FFFFFFF  }
0x98: {  	s18 =	sld [smem:$0x3FDB];
	_ =	sdelay $0x1  }
0x99: {  	s19 =	simm.s32 $_scs_section_size  }
0x9a: {  	s4 =	simm.s32 $_size__tile_overlayer_lowered;
	s5 =	simm.s32 $_tile_overlayer_lowered  }
0x9b: {  	s22 =	simm.s32 $0x1BFF;
	s21 =	sshll.u32 s5, $0x1;
	s2 =	sadd.s32 s19, s18  }
0x9c: {  	s6 =	simm.s32 $0x0;
	s20 =	sshll.u32 s4, $0x1;
	s4 =	sadd.s32 s21, s2  }
0x9d: {  	[timem:s6], [sflag:s22] =	dma.local [hbm:s4], s20  }
0x9e: {  	_ =	swait.ge [sflag:s22], s20  }
0x9f: {  	s3 =	ssub.s32 $0x0, s20;
	[sflag:s22] =	ssyncset.done $0x0  }
0xa0: {  	[sflag:s22] =	ssyncadd.s32 s3;
	_ =	sdelay $0x1  }
0xa1: {  	s23 =	simm.s32 $0x1B8B  }
0xa2: {  	_ =	swait.ge [sflag:s23], $0x1  }
0xa3: {  	[sflag:s23] =	ssyncset.done $0x0  }
0xa4: {  	s25 =	simm.s32 $0x1B8E;
	s24 =	sld [smem:$0x3FFE];
	[sflag:s23] =	ssyncadd.s32 $0xFFFFFFFF  }
0xa5: {  	s26 =	simm.s32 $execute0_lowered;
	[smem:$0x3FD2] =	sst s25  }
0xa6: {  	s4 =	sshll.u32 s26, $0x1;
	_ =	strace $0x80000046;
	[dreg:$0x1] =	wrdreg $0xFFFFFFFF  }
0xa7: {  	s28 =	simm.s32 $_size_execute0_lowered;
	s2 =	sadd.s32 s2, s4;
	[dreg:$0x0] =	wrdreg $0x0  }
0xa8: {  	s4 =	sshll.u32 s28, $0x1;
	[dreg:$0x2] =	wrdreg s2  }
0xa9: {  	[dreg:$0x3] =	wrdreg s4  }
0xaa: {  	[dreg:$0x4] =	wrdreg $0xC0  }
0xab: {  	_ =	task [dreg:s6], $0x5FFFF  }
0xac: {  	[dreg:$0x1] =	wrdreg $0xFFFFFFFF  }
0xad: {  	[dreg:$0x0] =	wrdreg $0x60  }
0xae: {  	[dreg:$0x2] =	wrdreg s24  }
0xaf: {  	[dreg:$0x3] =	wrdreg $0x66800  }
0xb0: {  	[dreg:$0x4] =	wrdreg $0x9  }
0xb1: {  	_ =	task.clear_ibuf [dreg:s6], $0x5FFFF;
	_ =	strace $0x90000046  }
0xb2: {  	s29 =	simm.s32 $0x9;
	_ =	strace $0x80000048  }
0xb3: {  	_ =	swait.ge [sflag:s29], $0x1  }
0xb4: {  	[sflag:s29] =	ssyncadd.s32 $0xFFFFFFFF  }
0xb5: {  	_ =	strace $0x90000048  }
0xb6: {  	_ =	sfence  }
0xb7: {  	s30 =	sld [smem:$0x0];
	_ =	sdelay $0x2  }
0xb8: {  	s31 =	sshll.u32 s1, $0xD;
	s1 =	sshrl.u32 s1, $0x2  }
0xb9: {  	s3 =	sand.u32 $0x4000, s31;
	s1 =	sadd.s32 s1, s30  }
0xba: {  	s0 =	sor.u32 s3, s0;
	s1 =	sshll.u32 s1, $0x11  }
0xbb: {  	s0 =	sor.u32 s1, s0  }
0xbc: {  	s0 =	sadd.s32 $0x8F2B, s0  }
0xbd: {  	[sflag:s0] =	ssyncadd.remote.s32 $0x1  }
0xbe: {  	_ =	sfence.sel $0xFFFF  }
0xbf: {  	[dreg:$0x0] =	wrdreg $0xFFFFFFFF;
	(pc) =	sbr.abs _section_cstart, $3  }
0xc0: {  	[dreg:$0x1] =	wrdreg $0xFFFFFFFF  }
0xc1: {  	_ =	task.clear_ibuf [dreg:s6], $0x2FFFF;
	_ =	strace $0x9FFFFFFF  }
0xc2: {  	(tm) =	ssettm $0x7FFFFFFF  }
0xc3: {  	_ =	shalt  }
tec
execute0_lowered:
.L_overlay_start_1:
0x0: {  	(tag) =	ssettag $0x1  }
0x1: {  	s6 =	rddreg [dreg:$0x0]  }
0x2: {  	s0 =	srdreg.scid;
	s2 =	rddreg [dreg:$0x1]  }
0x3: {  	s1 =	stileid.u32;
	s3 =	simm.s32 $0x0;
	s16 =	simm.s32 $0x0  }
0x4: {  	s7 =	sand.u32 $0x1, s0;
	s0 =	rddreg [dreg:$0x2];
	s9 =	smul.u32 $0x4E000, s1  }
0x5: {  	[smem:$0x7FF] =	sst s3;
	s5 =	sadd.s32 $0x12400, s6;
	s12 =	smul.u32 $0x13800, s1  }
0x6: {  	s13 =	sadd.s32 $0x15200, s6;
	s15 =	sadd.s32 $0x138000, s2;
	p0 =	sne.s32 s1, $0xF  }
0x7: {  	s31 =	sshll.u32 s1, $0x6;
	s4 =	sshll.u32 s7, $0x4;
	_ =	strace $0x80000047  }
0x8: {  	s10 =	ssub.s32 $0x2, s7;
	s7 =	smul.u32 $0x138800, s7;
	s4 =	sor.u32 s1, s4  }
0x9: {  	s11 =	sshrl.u32 s10, $0x1;
	s9 =	sshrl.u32 s9, $0x2;
	s4 =	smul.u32 $0x7D0, s4  }
0xa: {  	s10 =	ssub.s32 s10, s11;
	s14 =	sadd.s32 s9, s2;
	s28 =	sadd.s32 s12, s7  }
0xb: {  	s7 =	sshrl.u32 s7, $0x3;
	s11 =	simm.s32 $0x1;
	s12 =	sor.u32 $0x1C01, s31  }
0xc: {  	s29 =	sshrl.u32 s28, $0x3;
	s30 =	sadd.s32 s13, s7;
	s9 =	smax.u32 s10, $0x1  }
0xd: {  	s10 =	simm.s32 $0x3E80;
	s8 =	sadd.s32 s4, s6;
	s4 =	sadd.s32 $0x12A00, s6  }
0xe: {  	s7 =	sadd.s32 s13, s29;
	s13 =	sshrl.u32 s14, $0x3;
	s14 =	sshrl.u32 @!p0 s15, $0x3  }
0xf: {  	s15 =	simm.s32 $0x50;
	s6 =	sadd.s32 $0x2A00, s8;
	s8 =	sadd.s32 $0x27000, s30  }
.LBB2_1:
0x10: {  	[tilespmem:s10], [sflag:$0x1] =	stream.linear.gather [hbm4b:s5+s3], $0x2800, $0x38;
	[tilespmem:$0x8D90] =	vst v63  }
0x11: {  	_ =	swait.ge [sflag:s11], $0x2800  }
0x12: {  	[sflag:s11] =	ssyncset.done $0x0  }
0x13: {  	[sflag:s11] =	ssyncadd.s32 $0xFFFFD800  }
0x14: {  	[spmem:s13], [sflag:s12] =	dma.local [hbm:s4], $0x2700  }
0x15: {  	_ =	swait.ge [sflag:s11], $0x2700  }
0x16: {  	[sflag:s11] =	ssyncset.done $0x0  }
0x17: {  	s17 =	simm.s32 @!p0 $0x1;
	[sflag:s11] =	ssyncadd.s32 $0xFFFFD900  }
0x18: {  	[spmem:s14], [sflag:s12] =	dma.local @!p0 [hbm:s4], $0x100  }
0x19: {  	_ =	swait.ge @!p0 [sflag:s17], $0x100  }
0x1a: {  	[sflag:s17] =	ssyncset.done @!p0 $0x0  }
0x1b: {  	[sflag:s17] =	ssyncadd.s32 @!p0 $0xFFFFFF00  }
0x1c: {  	[tilespmem:s3], [sflag:$0x1] =	stream.linear.gather [hbm4b:s6+s3], $0x3E80, $0x38;
	[tilespmem:$0x8D90] =	vst v63  }
0x1d: {  	_ =	swait.ge [sflag:s11], $0x3E80  }
0x1e: {  	[sflag:s11] =	ssyncset.done $0x0  }
0x1f: {  	[sflag:s11] =	ssyncadd.s32 $0xFFFFC180  }
0x20: {  	s31 =	simm.s32 $0x0;
	[bflag:$0x0] =	sbarrier.arrive $0xFFFF  }
0x21: {  	[spmem:s2] =	stream.indirect.scatter.add.f32 [tilespmem:s10], [sflag:$0x1], $0x10, s31, s15, $0xb8;
	[tilespmem:$0x8D90] =	vst v63  }
0x22: {  	_ =	swait.ge [sflag:s11], $0x500  }
0x23: {  	s17 =	simm.s32 $0x200;
	[sflag:s11] =	ssyncset.done $0x0  }
.LBB2_2:
0x24: {  	s18 =	sshra.s32 s17, $0x2;
	[sflag:s11] =	ssyncadd.s32 $0xFFFFFB00;
	p1 =	sne.s32 s17, $0xF800  }
0x25: {  	[spmem:s2] =	stream.indirect.scatter.add.f32 [tilespmem:s10], [sflag:$0x1], $0x10, s18, s15, $0xb8;
	[tilespmem:$0x8D90] =	vst v63  }
.Ltmp0:
0x26: {  	_ = 	snop;
	(pc) =	sbr.rel @p1 .LBB2_2-.Ltmp0, $4  }
0x27: {  	_ = 	snop  }
0x28: {  	s17 =	sadd.s32 $0x200, s17  }
0x29: {  	_ =	swait.ge [sflag:s11], $0x500  }
0x2a: {  	[sflag:s11] =	ssyncset.done $0x0  }
0x2b: {  	[sflag:s11] =	ssyncadd.s32 $0xFFFFFB00  }
0x2c: {  	[bflag:$0x0] =	sbarrier.arrive $0xFFFF  }
0x2d: {  	[hbm:s7], [sflag:s12] =	dma.local [spmem:s13], $0x2700  }
0x2e: {  	s16 =	sadd.s32 $0x1, s16;
	_ =	swait.ge [sflag:s11], $0x2700  }
0x2f: {  	p1 =	sne.s32 s16, s9;
	[sflag:s11] =	ssyncset.done $0x0  }
.Ltmp1:
0x30: {  	s17 =	simm.s32 @!p0 $0x1;
	[sflag:s11] =	ssyncadd.s32 $0xFFFFD900;
	(pc) =	sbr.rel @p1 .LBB2_1-.Ltmp1, $4  }
0x31: {  	[hbm:s8], [sflag:s12] =	dma.local @!p0 [spmem:s14], $0x100  }
0x32: {  	_ =	swait.ge @!p0 [sflag:s17], $0x100  }
0x33: {  	[sflag:s17] =	ssyncset.done @!p0 $0x0  }
0x34: {  	[sflag:s17] =	ssyncadd.s32 @!p0 $0xFFFFFF00  }
0x35: {  	_ =	sfence.sel $0x180000  }
0x36: {  	[bflag:$0x0] =	sbarrier.arrive $0xFFFF  }
0x37: {  	p0 =	sne.s32 s1, $0x0;
	_ =	strace $0x90000047  }
0x38: {  	s0 =	sadd.s32 @!p0 $0x100000, s0;
	[bflag:$0x2] =	sbarrier.arrive $0xFFFF  }
0x39: {  	[sflag:s0] =	ssyncadd.tile.s32 @!p0 $0x1;
	_ =	shalt  }
.Lfunc_end2:
_tile_overlayer_lowered:
.L_overlay_start_2:
0x3a: {  	(tag) =	ssettag $0x2  }
0x3b: {  	s0 =	rddreg [dreg:$0x0];
	s2 =	stileid.u32  }
0x3c: {  	s1 =	rddreg [dreg:$0x1];
	p0 =	sne.s32 s2, $0x0  }
0x3d: {  	s3 =	rddreg [dreg:$0x2];
	[bflag:$0x3] =	sbarrier.arrive $0xFFFF;
	s2 =	simm.s32 @!p0 $0x1C01  }
0x3e: {  	[timem:s3], [sflag:s2] =	dma.local @!p0 [hbm:s0], s1  }
0x3f: {  	s0 =	simm.s32 @!p0 $0x1  }
0x40: {  	_ =	swait.ge @!p0 [sflag:s0], s1  }
0x41: {  	s1 =	ssub.s32 @!p0 $0x0, s1;
	[sflag:s0] =	ssyncset.done @!p0 $0x0  }
0x42: {  	[sflag:s0] =	ssyncadd.s32 @!p0 s1  }
0x43: {  	[bflag:$0x3] =	sbarrier.arrive $0xFFFF  }
0x44: {  	_ =	shalt  }

// kernel: gcn_msg_sc.4.cloned.1.call-start
scs
__scs_entry_jumppad:
0x0: {  	(pc) =	sbr.rel $0x88, $3  }
0x1: {  	(tag) =	ssettag $0x0;
	lr =	simm.s32 $0x1  }
0x2: {  	[smem:$0x3F97] =	sst lr;
	_ =	strace $0xD0000000  }
0x3: {  	_ = 	snop  }
0x4: {  	_ = 	snop  }
0x5: {  	_ = 	snop  }
0x6: {  	_ = 	snop  }
0x7: {  	_ = 	snop  }
__scs_overlays_trampoline_lowered:
0x8: {  	[smem:$0x3FA6] =	sst s0  }
0x9: {  	[smem:$0x3FA7] =	sst s1  }
0xa: {  	[smem:$0x3FA8] =	sst s2  }
0xb: {  	[smem:$0x3FA9] =	sst s3  }
0xc: {  	[smem:$0x3FAA] =	sst s4  }
0xd: {  	[smem:$0x3FAB] =	sst s5  }
0xe: {  	[smem:$0x3FAC] =	sst s6  }
0xf: {  	[smem:$0x3FAD] =	sst s7  }
0x10: {  	[smem:$0x3FAE] =	sst s8  }
0x11: {  	[smem:$0x3FAF] =	sst s9;
	s0 =	simm.s32 @!p0 $0x0  }
0x12: {  	s1 =	sld [smem:$0x3F95];
	s0 =	simm.s32 @p0 $0x1  }
0x13: {  	[smem:$0x3FB0] =	sst s0;
	s0 =	simm.s32 @!p1 $0x0  }
0x14: {  	s2 =	sld [smem:$0x3F94];
	s0 =	simm.s32 @p1 $0x1  }
0x15: {  	[smem:$0x3FB1] =	sst s0;
	s0 =	simm.s32 @!p2 $0x0  }
0x16: {  	s3 =	sld [smem:$0x3FDB];
	s0 =	simm.s32 @p2 $0x1  }
0x17: {  	s4 =	simm.s32 $0x1BF5;
	[smem:$0x3FB3] =	sst s0  }
0x18: {  	s0 =	sld [smem:$0x3F96];
	_ =	swait.ge [sflag:s4], $0x0  }
0x19: {  	s7 =	sld [smem:$0x3F97]  }
0x1a: {  	s8 =	sadd.s32 $0xFFFFE003, lr  }
0x1b: {  	s9 =	sadd.s32 $0xFFFFFEF7, lr;
	s5 =	simm.s32 $0xFFFFFFFF;
	p2 =	slt.u32 s8, $0xFFFFF086  }
0x1c: {  	p1 =	slt.u32 s9, $0xF7A;
	s5 =	simm.s32 @!p2 $0x0  }
0x1d: {  	s5 =	simm.s32 @p1 $0x1;
	p0 =	seq.s32 s7, s2  }
0x1e: {  	s7 =	smul.u32 @!p0 $0xF7A, s2;
	p2 =	seq.s32 @!p0 s5, $0x0  }
0x1f: {  	s9 =	smul.u32 $0xF7A, s1;
	s8 =	simm.s32 @!p0 $0x1BF5;
	p2 =	por !p2, p0  }
0x20: {  	[sflag:s8] =	ssyncset.s32 @!p0 $0xFFFFF086;
	s6 =	sadd.s32 @!p0 s3, s7;
	s7 =	simm.s32 @!p0 $0x108  }
0x21: {  	s3 =	sadd.s32 s3, s9;
	s6 =	sadd.s32 @!p0 $0x88, s6;
	s7 =	simm.s32 @p2 $0x1082  }
0x22: {  	[simem:s7], [sflag:s8] =	dma.local @!p0 [hbm:s6], $0xF7A  }
0x23: {  	s9 =	sor.u32 $0xD0000000, s2;
	s6 =	simm.s32 $0x108;
	_ =	swait.ge @!p0 [sflag:s8], $0x0  }
0x24: {  	s3 =	sadd.s32 $0x88, s3;
	s6 =	simm.s32 @!p1 $0x1082;
	[sflag:s4] =	ssyncset.s32 $0xFFFFF086  }
0x25: {  	[simem:s6], [sflag:s4] =	dma.local [hbm:s3], $0xF7A  }
0x26: {  	[smem:$0x3F97] =	sst s1;
	(tag) =	ssettag s2;
	_ =	strace s9  }
0x27: {  	s1 =	sld [smem:$0x3FA7]  }
0x28: {  	s2 =	sld [smem:$0x3FA8]  }
0x29: {  	s4 =	sld [smem:$0x3FAA]  }
0x2a: {  	p0 =	seq.s32 s5, $0x0;
	s5 =	sld [smem:$0x3FAB]  }
0x2b: {  	s6 =	sld [smem:$0x3FAC]  }
0x2c: {  	s7 =	sld [smem:$0x3FAD]  }
0x2d: {  	s3 =	simm.s32 $0x108;
	s8 =	sld [smem:$0x3FAE]  }
0x2e: {  	s3 =	simm.s32 @!p0 $0x1082;
	s9 =	sld [smem:$0x3FAF]  }
0x2f: {  	lr =	sadd.s32 s0, s3;
	s0 =	sld [smem:$0x3FA6]  }
0x30: {  	s3 =	sld [smem:$0x3FA9]  }
0x31: {  	[smem:$0x3FB2] =	sst s10  }
0x32: {  	s10 =	sld [smem:$0x3FB0];
	_ =	sdelay $0x3  }
0x33: {  	p0 =	seq.s32 s10, $0x1;
	s10 =	sld [smem:$0x3FB2];
	_ =	sdelay $0x3  }
0x34: {  	[smem:$0x3FB2] =	sst s10  }
0x35: {  	s10 =	sld [smem:$0x3FB1];
	_ =	sdelay $0x3  }
0x36: {  	p1 =	seq.s32 s10, $0x1;
	s10 =	sld [smem:$0x3FB2];
	_ =	sdelay $0x3  }
0x37: {  	[smem:$0x3FB2] =	sst s10  }
0x38: {  	s10 =	sld [smem:$0x3FB3]  }
0x39: {  	_ = 	snop;
	(pc) =	sbr.ind lr, $3  }
0x3a: {  	_ = 	snop  }
0x3b: {  	_ = 	snop  }
0x3c: {  	p2 =	seq.s32 s10, $0x1;
	s10 =	sld [smem:$0x3FB2]  }
0x3d: {  	_ =	shalt  }
0x3e: {  	_ =	shalt  }
0x3f: {  	_ =	shalt  }
0x40: {  	_ =	shalt  }
0x41: {  	_ =	shalt  }
0x42: {  	_ =	shalt  }
0x43: {  	_ =	shalt  }
0x44: {  	_ =	shalt  }
0x45: {  	_ =	shalt  }
0x46: {  	_ =	shalt  }
0x47: {  	_ =	shalt  }
0x48: {  	_ =	shalt  }
0x49: {  	_ =	shalt  }
0x4a: {  	_ =	shalt  }
0x4b: {  	_ =	shalt  }
0x4c: {  	_ =	shalt  }
0x4d: {  	_ =	shalt  }
0x4e: {  	_ =	shalt  }
0x4f: {  	_ =	shalt  }
0x50: {  	_ =	shalt  }
0x51: {  	_ =	shalt  }
0x52: {  	_ =	shalt  }
0x53: {  	_ =	shalt  }
0x54: {  	_ =	shalt  }
0x55: {  	_ =	shalt  }
0x56: {  	_ =	shalt  }
0x57: {  	_ =	shalt  }
0x58: {  	_ =	shalt  }
0x59: {  	_ =	shalt  }
0x5a: {  	_ =	shalt  }
0x5b: {  	_ =	shalt  }
0x5c: {  	_ =	shalt  }
0x5d: {  	_ =	shalt  }
0x5e: {  	_ =	shalt  }
0x5f: {  	_ =	shalt  }
0x60: {  	_ =	shalt  }
0x61: {  	_ =	shalt  }
0x62: {  	_ =	shalt  }
0x63: {  	_ =	shalt  }
0x64: {  	_ =	shalt  }
0x65: {  	_ =	shalt  }
0x66: {  	_ =	shalt  }
0x67: {  	_ =	shalt  }
0x68: {  	_ =	shalt  }
0x69: {  	_ =	shalt  }
0x6a: {  	_ =	shalt  }
0x6b: {  	_ =	shalt  }
0x6c: {  	_ =	shalt  }
0x6d: {  	_ =	shalt  }
0x6e: {  	_ =	shalt  }
0x6f: {  	_ =	shalt  }
0x70: {  	_ =	shalt  }
0x71: {  	_ =	shalt  }
0x72: {  	_ =	shalt  }
0x73: {  	_ =	shalt  }
0x74: {  	_ =	shalt  }
0x75: {  	_ =	shalt  }
0x76: {  	_ =	shalt  }
0x77: {  	_ =	shalt  }
0x78: {  	_ =	shalt  }
0x79: {  	_ =	shalt  }
0x7a: {  	_ =	shalt  }
0x7b: {  	_ =	shalt  }
0x7c: {  	_ =	shalt  }
0x7d: {  	_ =	shalt  }
0x7e: {  	_ =	shalt  }
0x7f: {  	_ =	shalt  }
0x80: {  	_ =	shalt  }
0x81: {  	_ =	shalt  }
0x82: {  	_ =	shalt  }
0x83: {  	_ =	shalt  }
0x84: {  	_ =	shalt  }
0x85: {  	_ =	shalt  }
0x86: {  	_ =	shalt  }
0x87: {  	_ =	shalt  }
.Lfunc_end0:
.L_simem_size_0:
called_computation.1_lowered:
.L_overlay_start_0:
0x88: {  	s2 =	sld [smem:$0x3FD9]  }
0x89: {  	s3 =	sld [smem:$0x3FFE];
	_ =	sdelay $0x1  }
0x8a: {  	s1 =	srdreg.scid  }
0x8b: {  	s0 =	sand.u32 $0x1, s1  }
0x8c: {  	s17 =	sshll.u32 s0, $0xA;
	s2 =	sadd.s32 s3, s2  }
0x8d: {  	s2 =	sadd.s32 s2, s17  }
0x8e: {  	[smem:$0x3FBE] =	sst s2  }
0x8f: {  	_ = 	snop  }
0x90: {  	s2 =	sld [smem:$0x3FD0];
	(tm) =	ssettm $0x1  }
0x91: {  	s18 =	sld [smem:$0x3FFB];
	_ =	sdelay $0x3  }
0x92: {  	_ =	strace s18  }
0x93: {  	s3 =	sld [smem:$0x3FFC];
	_ =	sdelay $0x3  }
0x94: {  	_ =	strace s3  }
0x95: {  	s3 =	sld [smem:$0x3FFD];
	_ =	sdelay $0x3  }
0x96: {  	_ =	strace s3  }
0x97: {  	_ =	strace $0x8FFFFFFF  }
0x98: {  	s19 =	sld [smem:$0x3FDB];
	_ =	sdelay $0x1  }
0x99: {  	s4 =	simm.s32 $_scs_section_size  }
0x9a: {  	s5 =	simm.s32 $_size__tile_overlayer_lowered;
	s6 =	simm.s32 $_tile_overlayer_lowered  }
0x9b: {  	s22 =	simm.s32 $0x1BFF;
	s21 =	sshll.u32 s6, $0x1;
	s3 =	sadd.s32 s4, s19  }
0x9c: {  	s7 =	simm.s32 $0x0;
	s20 =	sshll.u32 s5, $0x1;
	s5 =	sadd.s32 s21, s3  }
0x9d: {  	[timem:s7], [sflag:s22] =	dma.local [hbm:s5], s20  }
0x9e: {  	_ =	swait.ge [sflag:s22], s20  }
0x9f: {  	s4 =	ssub.s32 $0x0, s20;
	[sflag:s22] =	ssyncset.done $0x0  }
0xa0: {  	[sflag:s22] =	ssyncadd.s32 s4;
	_ =	sdelay $0x1  }
0xa1: {  	s23 =	simm.s32 $0x1B8B  }
0xa2: {  	_ =	swait.ge [sflag:s23], $0x1  }
0xa3: {  	[sflag:s23] =	ssyncset.done $0x0  }
0xa4: {  	s25 =	simm.s32 $0x1B8E;
	s24 =	sld [smem:$0x3FFE];
	[sflag:s23] =	ssyncadd.s32 $0xFFFFFFFF  }
0xa5: {  	s26 =	simm.s32 $execute0_lowered;
	[smem:$0x3FD2] =	sst s25  }
0xa6: {  	s5 =	sshll.u32 s26, $0x1;
	_ =	strace $0x80000049;
	[dreg:$0x1] =	wrdreg $0xFFFFFFFF  }
0xa7: {  	s28 =	simm.s32 $_size_execute0_lowered;
	s3 =	sadd.s32 s3, s5;
	[dreg:$0x0] =	wrdreg $0x0  }
0xa8: {  	s5 =	sshll.u32 s28, $0x1;
	[dreg:$0x2] =	wrdreg s3  }
0xa9: {  	[dreg:$0x3] =	wrdreg s5  }
0xaa: {  	[dreg:$0x4] =	wrdreg $0xC0  }
0xab: {  	_ =	task [dreg:s7], $0x5FFFF  }
0xac: {  	[dreg:$0x1] =	wrdreg $0xFFFFFFFF  }
0xad: {  	[dreg:$0x0] =	wrdreg $0x60  }
0xae: {  	[dreg:$0x2] =	wrdreg s24  }
0xaf: {  	[dreg:$0x3] =	wrdreg s2  }
0xb0: {  	[dreg:$0x4] =	wrdreg $0xA8000  }
0xb1: {  	[dreg:$0x5] =	wrdreg $0x9  }
0xb2: {  	_ =	task.clear_ibuf [dreg:s7], $0x6FFFF;
	_ =	strace $0x90000049  }
0xb3: {  	s29 =	simm.s32 $0x9;
	_ =	strace $0x8000004B  }
0xb4: {  	_ =	swait.ge [sflag:s29], $0x1  }
0xb5: {  	[sflag:s29] =	ssyncadd.s32 $0xFFFFFFFF  }
0xb6: {  	_ =	strace $0x9000004B  }
0xb7: {  	_ =	sfence  }
0xb8: {  	s30 =	sld [smem:$0x0];
	_ =	sdelay $0x2  }
0xb9: {  	s31 =	sshll.u32 s1, $0xD;
	s1 =	sshrl.u32 s1, $0x2  }
0xba: {  	s3 =	sand.u32 $0x4000, s31;
	s1 =	sadd.s32 s1, s30  }
0xbb: {  	s0 =	sor.u32 s3, s0;
	s1 =	sshll.u32 s1, $0x11  }
0xbc: {  	s0 =	sor.u32 s1, s0  }
0xbd: {  	s0 =	sadd.s32 $0x8F2B, s0  }
0xbe: {  	[sflag:s0] =	ssyncadd.remote.s32 $0x1  }
0xbf: {  	_ =	sfence.sel $0xFFFF  }
0xc0: {  	[dreg:$0x0] =	wrdreg $0xFFFFFFFF;
	(pc) =	sbr.abs _section_cstart, $3  }
0xc1: {  	[dreg:$0x1] =	wrdreg $0xFFFFFFFF  }
0xc2: {  	_ =	task.clear_ibuf [dreg:s7], $0x2FFFF;
	_ =	strace $0x9FFFFFFF  }
0xc3: {  	(tm) =	ssettm $0x7FFFFFFF  }
tec
execute0_lowered:
.L_overlay_start_1:
0x0: {  	(tag) =	ssettag $0x1  }
0x1: {  	s0 =	rddreg [dreg:$0x0]  }
0x2: {  	s2 =	rddreg [dreg:$0x1]  }
0x3: {  	s1 =	rddreg [dreg:$0x2];
	s3 =	simm.s32 $0x0  }
0x4: {  	s4 =	srdreg.scid;
	s12 =	stileid.u32;
	s28 =	simm.s32 $0xF  }
0x5: {  	s29 =	simm.s32 $0x10;
	s30 =	simm.s32 $0x300;
	s31 =	simm.s32 $0x380  }
0x6: {  	[smem:$0x7FF] =	sst s3;
	s5 =	sand.u32 $0x1, s4;
	s7 =	smul.u32 $0xFA, s12  }
0x7: {  	s4 =	sadd.s32 $0x63400, s0;
	s8 =	sadd.s32 $0x2A00, s0;
	s10 =	smul.u32 $0x4E000, s12  }
0x8: {  	s11 =	sadd.s32 $0x12400, s0;
	s0 =	sadd.s32 $0xB1600, s0;
	s25 =	smul.u32 $0x7D00, s12  }
0x9: {  	s24 =	sshll.u32 s12, $0x6;
	s26 =	sadd.s32 $0x138000, s1;
	s17 =	smul.u32 $0x13800, s12  }
0xa: {  	p0 =	sne.s32 s12, $0xF;
	s6 =	smul.u32 $0xFA0, s5;
	_ =	strace $0x8000004A  }
0xb: {  	s9 =	ssub.s32 $0x2, s5;
	[dreg:$0x4] =	wrdreg s11;
	s11 =	smul.u32 $0xFA0, s12  }
0xc: {  	s13 =	sor.u32 $0x1C11, s24;
	[dreg:$0x7] =	wrdreg s26;
	s16 =	smul.u32 $0x138800, s5  }
0xd: {  	s5 =	smul.u32 $0xFA00, s5;
	s12 =	simm.s32 $0x8;
	s22 =	sshrl.u32 s9, $0x1  }
0xe: {  	s23 =	sshrl.u32 s10, $0x2;
	[dreg:$0x6] =	wrdreg s13;
	s9 =	ssub.s32 s9, s22  }
0xf: {  	s6 =	sadd.s32 s7, s6;
	s7 =	sadd.s32 s23, s1;
	s10 =	sadd.s32 s8, s11  }
0x10: {  	[dreg:$0x5] =	wrdreg s7;
	s6 =	sshll.u32 s6, $0x4;
	s15 =	sadd.s32 $0x10, s10  }
0x11: {  	s7 =	sshrl.u32 s25, $0x3;
	s26 =	smax.u32 s9, $0x1;
	[dreg:$0xa] =	wrdreg s15  }
0x12: {  	s14 =	sadd.s32 s2, s6;
	s2 =	sadd.s32 s5, s2;
	[dreg:$0x15] =	wrdreg s26  }
0x13: {  	s15 =	simm.s32 $0x50;
	s6 =	sadd.s32 $0x10, s14;
	[dreg:$0x8] =	wrdreg s14  }
0x14: {  	s26 =	simm.s32 $0xE;
	s18 =	sadd.s32 $0x20, s14;
	[dreg:$0x9] =	wrdreg s6  }
0x15: {  	s20 =	sadd.s32 $0x30, s14;
	s22 =	sadd.s32 $0x40, s14;
	[dreg:$0xb] =	wrdreg s18  }
0x16: {  	s24 =	sadd.s32 $0x50, s14;
	s14 =	simm.s32 $0x400;
	[dreg:$0xd] =	wrdreg s20  }
0x17: {  	s6 =	sadd.s32 s8, s7;
	[dreg:$0xf] =	wrdreg s22;
	s8 =	sadd.s32 s17, s16  }
0x18: {  	s7 =	sshrl.u32 s16, $0x3;
	[dreg:$0x12] =	wrdreg s24;
	s24 =	sadd.s32 s11, s2  }
0x19: {  	s18 =	simm.s32 $0x80;
	s22 =	simm.s32 $0x480;
	s16 =	simm.s32 $0x800  }
0x1a: {  	s2 =	simm.s32 $0x5;
	s11 =	simm.s32 $0x7;
	s17 =	simm.s32 $0x0  }
0x1b: {  	s20 =	simm.s32 $0x780;
	s19 =	sadd.s32 $0x20, s6;
	s21 =	sadd.s32 $0x30, s6  }
0x1c: {  	s8 =	sshrl.u32 s8, $0x3;
	s23 =	sadd.s32 $0x40, s6;
	[dreg:$0xc] =	wrdreg s19  }
0x1d: {  	s25 =	sadd.s32 $0x50, s6;
	s6 =	simm.s32 $0xD;
	[dreg:$0xe] =	wrdreg s21  }
.Ltmp0:
0x1e: {  	s8 =	sadd.s32 s0, s8;
	[dreg:$0x11] =	wrdreg s23;
	(pc) =	sbr.rel .LBB2_1-.Ltmp0, $4  }
0x1f: {  	s0 =	sadd.s32 s0, s7;
	[dreg:$0x13] =	wrdreg s25;
	s25 =	simm.s32 $0x11  }
0x20: {  	s23 =	simm.s32 $0x280;
	s21 =	simm.s32 $0x3000;
	s7 =	simm.s32 $0x5800  }
0x21: {  	s19 =	simm.s32 $0x700;
	[dreg:$0x10] =	wrdreg s8;
	s0 =	sadd.s32 $0x27000, s0  }
0x22: {  	s8 =	simm.s32 $0x6;
	[dreg:$0x14] =	wrdreg s0;
	s0 =	simm.s32 $0x8000  }
.LBB2_4:
0x23: {  	s5 =	simm.s32 $0x1  }
0x24: {  	_ =	swait.ge [sflag:s5], $0x80  }
0x25: {  	[sflag:s5] =	ssyncset.done $0x0  }
0x26: {  	s23 =	simm.s32 $0x9;
	[sflag:s5] =	ssyncadd.s32 $0xFFFFFF80  }
0x27: {  	_ =	swait.ge [sflag:s23], $0x80  }
0x28: {  	[sflag:s23] =	ssyncset.done $0x0  }
0x29: {  	[sflag:s23] =	ssyncadd.s32 $0xFFFFFF80  }
0x2a: {  	[tilespmem:s16], [sflag:$0x11] =	stream.indirect.gather [hbm4b:s4+s15], $0x80, s3, s15, $0xb8;
	[tilespmem:$0x1E080] =	vst v63  }
0x2b: {  	_ =	swait.ge [sflag:s25], $0x2800  }
0x2c: {  	[sflag:s25] =	ssyncset.done $0x0  }
0x2d: {  	s14 =	simm.s32 $0x400;
	[sflag:s25] =	ssyncadd.s32 $0xFFFFD800  }
0x2e: {  	[spmem:s1] =	stream.indirect.scatter.add.f32 [tilespmem:s16], [sflag:$0x11], $0x80, s14, s15, $0xb8;
	[tilespmem:$0x1E080] =	vst v63  }
0x2f: {  	_ =	swait.ge [sflag:s25], $0x2800  }
0x30: {  	[sflag:s25] =	ssyncset.done $0x0  }
0x31: {  	s9 =	simm.s32 $0x2;
	[sflag:s25] =	ssyncadd.s32 $0xFFFFD800  }
0x32: {  	_ =	swait.ge [sflag:s9], $0x80  }
0x33: {  	[sflag:s9] =	ssyncset.done $0x0  }
0x34: {  	s13 =	simm.s32 $0xA;
	[sflag:s9] =	ssyncadd.s32 $0xFFFFFF80  }
0x35: {  	_ =	swait.ge [sflag:s13], $0x80  }
0x36: {  	[sflag:s13] =	ssyncset.done $0x0  }
0x37: {  	s18 =	simm.s32 $0x80;
	[sflag:s13] =	ssyncadd.s32 $0xFFFFFF80  }
0x38: {  	[tilespmem:s21], [sflag:$0x11] =	stream.indirect.gather [hbm4b:s4+s15], $0x80, s18, s15, $0xb8;
	[tilespmem:$0x1E080] =	vst v63  }
0x39: {  	_ =	swait.ge [sflag:s25], $0x2800  }
0x3a: {  	[sflag:s25] =	ssyncset.done $0x0  }
0x3b: {  	s22 =	simm.s32 $0x480;
	[sflag:s25] =	ssyncadd.s32 $0xFFFFD800  }
0x3c: {  	[spmem:s1] =	stream.indirect.scatter.add.f32 [tilespmem:s21], [sflag:$0x11], $0x80, s22, s15, $0xb8;
	[tilespmem:$0x1E080] =	vst v63  }
0x3d: {  	_ =	swait.ge [sflag:s25], $0x2800  }
0x3e: {  	[sflag:s25] =	ssyncset.done $0x0  }
0x3f: {  	[sflag:s25] =	ssyncadd.s32 $0xFFFFD800  }
0x40: {  	[bflag:$0x0] =	sbarrier.arrive $0xFFFF  }
0x41: {  	s13 =	rddreg [dreg:$0x6]  }
0x42: {  	s17 =	rddreg [dreg:$0x10]  }
0x43: {  	s9 =	rddreg [dreg:$0x17]  }
0x44: {  	[hbm:s17], [sflag:s13] =	dma.local [spmem:s9], $0x2700  }
0x45: {  	_ =	swait.ge [sflag:s25], $0x2700  }
0x46: {  	[sflag:s25] =	ssyncset.done $0x0;
	s5 =	rddreg [dreg:$0x14]  }
0x47: {  	s9 =	rddreg [dreg:$0x18];
	[sflag:s25] =	ssyncadd.s32 $0xFFFFD900  }
0x48: {  	[hbm:s5], [sflag:s13] =	dma.local @!p0 [spmem:s9], $0x100  }
0x49: {  	s5 =	simm.s32 @!p0 $0x11  }
0x4a: {  	_ =	swait.ge @!p0 [sflag:s5], $0x100  }
0x4b: {  	s17 =	rddreg [dreg:$0x16]  }
0x4c: {  	s23 =	rddreg [dreg:$0x15];
	s17 =	sadd.s32 $0x1, s17  }
0x4d: {  	p1 =	sne.s32 s17, s23  }
.Ltmp1:
0x4e: {  	_ = 	snop;
	(pc) =	sbr.rel @!p1 .LBB2_5-.Ltmp1, $3  }
0x4f: {  	_ =	sdelay $0x1  }
0x50: {  	[sflag:s5] =	ssyncset.done @!p0 $0x0  }
0x51: {  	[sflag:s5] =	ssyncadd.s32 @!p0 $0xFFFFFF00;
	s23 =	simm.s32 $0x280  }
.LBB2_1:
0x52: {  	[dreg:$0x16] =	wrdreg s17  }
0x53: {  	s5 =	rddreg [dreg:$0x5]  }
0x54: {  	s9 =	sshrl.u32 s5, $0x3;
	s5 =	rddreg [dreg:$0x4]  }
0x55: {  	[dreg:$0x17] =	wrdreg s9  }
0x56: {  	[spmem:s9], [sflag:s13] =	dma.local [hbm:s5], $0x2700  }
0x57: {  	_ =	swait.ge [sflag:s25], $0x2700  }
0x58: {  	s9 =	rddreg [dreg:$0x7]  }
0x59: {  	[sflag:s25] =	ssyncset.done $0x0;
	s9 =	sshrl.u32 @!p0 s9, $0x3  }
0x5a: {  	s17 =	simm.s32 @!p0 $0x11;
	[sflag:s25] =	ssyncadd.s32 $0xFFFFD900;
	[dreg:$0x18] =	wrdreg s9  }
0x5b: {  	[spmem:s9], [sflag:s13] =	dma.local @!p0 [hbm:s5], $0x100  }
0x5c: {  	_ =	swait.ge @!p0 [sflag:s17], $0x100  }
0x5d: {  	[sflag:s17] =	ssyncset.done @!p0 $0x0  }
0x5e: {  	s9 =	rddreg [dreg:$0x8];
	[sflag:s17] =	ssyncadd.s32 @!p0 $0xFFFFFF00  }
0x5f: {  	[tilespmem:s3], [sflag:$0x1] =	stream.linear.gather [hbm4b:s9+s3], $0x80, $0x38;
	[tilespmem:$0x1E080] =	vst v63  }
0x60: {  	_ = 	snop  }
0x61: {  	[tilespmem:s14], [sflag:$0x9] =	stream.linear.gather [hbm4b:s10+s3], $0x80, $0x38;
	[tilespmem:$0x1E080] =	vst v63  }
0x62: {  	s13 =	rddreg [dreg:$0x9]  }
0x63: {  	[tilespmem:s18], [sflag:$0x2] =	stream.linear.gather [hbm4b:s13+s3], $0x80, $0x38;
	[tilespmem:$0x1E080] =	vst v63  }
0x64: {  	s17 =	rddreg [dreg:$0xa]  }
0x65: {  	[tilespmem:s22], [sflag:$0xA] =	stream.linear.gather [hbm4b:s17+s3], $0x80, $0x38;
	[tilespmem:$0x1E080] =	vst v63  }
0x66: {  	s18 =	rddreg [dreg:$0xb];
	s22 =	simm.s32 $0x100  }
0x67: {  	[tilespmem:s22], [sflag:$0x3] =	stream.linear.gather [hbm4b:s18+s3], $0x80, $0x38;
	[tilespmem:$0x1E080] =	vst v63  }
0x68: {  	s13 =	rddreg [dreg:$0xc];
	s17 =	simm.s32 $0x500  }
0x69: {  	[tilespmem:s17], [sflag:$0xB] =	stream.linear.gather [hbm4b:s13+s3], $0x80, $0x38;
	[tilespmem:$0x1E080] =	vst v63  }
0x6a: {  	s18 =	rddreg [dreg:$0xd];
	s22 =	simm.s32 $0x180  }
0x6b: {  	[tilespmem:s22], [sflag:$0x4] =	stream.linear.gather [hbm4b:s18+s3], $0x80, $0x38;
	[tilespmem:$0x1E080] =	vst v63  }
0x6c: {  	s13 =	rddreg [dreg:$0xe];
	s17 =	simm.s32 $0x580  }
0x6d: {  	[tilespmem:s17], [sflag:$0xC] =	stream.linear.gather [hbm4b:s13+s3], $0x80, $0x38;
	[tilespmem:$0x1E080] =	vst v63  }
0x6e: {  	s18 =	rddreg [dreg:$0xf];
	s22 =	simm.s32 $0x200  }
0x6f: {  	[tilespmem:s22], [sflag:$0x5] =	stream.linear.gather [hbm4b:s18+s3], $0x80, $0x38;
	[tilespmem:$0x1E080] =	vst v63  }
0x70: {  	s13 =	rddreg [dreg:$0x11];
	s17 =	simm.s32 $0x600  }
0x71: {  	[tilespmem:s17], [sflag:$0xD] =	stream.linear.gather [hbm4b:s13+s3], $0x80, $0x38;
	[tilespmem:$0x1E080] =	vst v63  }
0x72: {  	s18 =	rddreg [dreg:$0x12]  }
0x73: {  	[tilespmem:s23], [sflag:$0x6] =	stream.linear.gather [hbm4b:s18+s3], $0x80, $0x38;
	[tilespmem:$0x1E080] =	vst v63  }
0x74: {  	s22 =	rddreg [dreg:$0x13];
	s23 =	simm.s32 $0x680  }
0x75: {  	[tilespmem:s23], [sflag:$0xE] =	stream.linear.gather [hbm4b:s22+s3], $0x80, $0x38;
	[tilespmem:$0x1E080] =	vst v63  }
0x76: {  	s17 =	simm.s32 $0x0;
	[bflag:$0x0] =	sbarrier.arrive $0xFFFF  }
.LBB2_2:
0x77: {  	s5 =	simm.s32 $0x1  }
0x78: {  	_ =	swait.ge [sflag:s5], $0x80  }
0x79: {  	[sflag:s5] =	ssyncset.done $0x0  }
0x7a: {  	s22 =	simm.s32 $0x9;
	[sflag:s5] =	ssyncadd.s32 $0xFFFFFF80  }
0x7b: {  	_ =	swait.ge [sflag:s22], $0x80  }
0x7c: {  	[sflag:s22] =	ssyncset.done $0x0  }
0x7d: {  	[sflag:s22] =	ssyncadd.s32 $0xFFFFFF80  }
0x7e: {  	[tilespmem:s16], [sflag:$0x11] =	stream.indirect.gather [hbm4b:s4+s15], $0x80, s3, s15, $0xb8;
	[tilespmem:$0x1E080] =	vst v63  }
0x7f: {  	_ =	swait.ge [sflag:s25], $0x2800  }
0x80: {  	[sflag:s25] =	ssyncset.done $0x0  }
0x81: {  	[sflag:s25] =	ssyncadd.s32 $0xFFFFD800  }
0x82: {  	[spmem:s1] =	stream.indirect.scatter.add.f32 [tilespmem:s16], [sflag:$0x11], $0x80, s14, s15, $0xb8;
	[tilespmem:$0x1E080] =	vst v63  }
0x83: {  	_ =	swait.ge [sflag:s25], $0x2800  }
0x84: {  	s18 =	sadd.s32 s17, s24;
	[sflag:s25] =	ssyncset.done $0x0  }
0x85: {  	s22 =	sadd.s32 $0x60, s18;
	[sflag:s25] =	ssyncadd.s32 $0xFFFFD800  }
0x86: {  	[tilespmem:s30], [sflag:$0x7] =	stream.linear.gather [hbm4b:s22+s3], $0x80, $0x38;
	[tilespmem:$0x1E080] =	vst v63  }
0x87: {  	s22 =	sadd.s32 s17, s10  }
0x88: {  	s23 =	sadd.s32 $0x60, s22  }
0x89: {  	[tilespmem:s19], [sflag:$0xF] =	stream.linear.gather [hbm4b:s23+s3], $0x80, $0x38;
	[tilespmem:$0x1E080] =	vst v63  }
0x8a: {  	s23 =	simm.s32 $0x2  }
0x8b: {  	_ =	swait.ge [sflag:s23], $0x80  }
0x8c: {  	[sflag:s23] =	ssyncset.done $0x0  }
0x8d: {  	s9 =	simm.s32 $0xA;
	[sflag:s23] =	ssyncadd.s32 $0xFFFFFF80  }
0x8e: {  	_ =	swait.ge [sflag:s9], $0x80  }
0x8f: {  	[sflag:s9] =	ssyncset.done $0x0  }
0x90: {  	s5 =	simm.s32 $0x80;
	[sflag:s9] =	ssyncadd.s32 $0xFFFFFF80  }
0x91: {  	[tilespmem:s21], [sflag:$0x11] =	stream.indirect.gather [hbm4b:s4+s15], $0x80, s5, s15, $0xb8;
	[tilespmem:$0x1E080] =	vst v63  }
0x92: {  	_ =	swait.ge [sflag:s25], $0x2800  }
0x93: {  	[sflag:s25] =	ssyncset.done $0x0  }
0x94: {  	s9 =	simm.s32 $0x480;
	[sflag:s25] =	ssyncadd.s32 $0xFFFFD800  }
0x95: {  	[spmem:s1] =	stream.indirect.scatter.add.f32 [tilespmem:s21], [sflag:$0x11], $0x80, s9, s15, $0xb8;
	[tilespmem:$0x1E080] =	vst v63  }
0x96: {  	_ =	swait.ge [sflag:s25], $0x2800  }
0x97: {  	[sflag:s25] =	ssyncset.done $0x0  }
0x98: {  	s13 =	sadd.s32 $0x70, s18;
	[sflag:s25] =	ssyncadd.s32 $0xFFFFD800  }
0x99: {  	[tilespmem:s31], [sflag:$0x8] =	stream.linear.gather [hbm4b:s13+s3], $0x80, $0x38;
	[tilespmem:$0x1E080] =	vst v63  }
0x9a: {  	s13 =	sadd.s32 $0x70, s22  }
0x9b: {  	[tilespmem:s20], [sflag:$0x10] =	stream.linear.gather [hbm4b:s13+s3], $0x80, $0x38;
	[tilespmem:$0x1E080] =	vst v63  }
0x9c: {  	s13 =	simm.s32 $0x3  }
0x9d: {  	_ =	swait.ge [sflag:s13], $0x80  }
0x9e: {  	[sflag:s13] =	ssyncset.done $0x0  }
0x9f: {  	s23 =	simm.s32 $0xB;
	[sflag:s13] =	ssyncadd.s32 $0xFFFFFF80  }
0xa0: {  	_ =	swait.ge [sflag:s23], $0x80  }
0xa1: {  	[sflag:s23] =	ssyncset.done $0x0  }
0xa2: {  	[sflag:s23] =	ssyncadd.s32 $0xFFFFFF80;
	s23 =	simm.s32 $0x100  }
0xa3: {  	[tilespmem:s7], [sflag:$0x11] =	stream.indirect.gather [hbm4b:s4+s15], $0x80, s23, s15, $0xb8;
	[tilespmem:$0x1E080] =	vst v63  }
0xa4: {  	_ =	swait.ge [sflag:s25], $0x2800  }
0xa5: {  	[sflag:s25] =	ssyncset.done $0x0  }
0xa6: {  	s23 =	simm.s32 $0x500;
	[sflag:s25] =	ssyncadd.s32 $0xFFFFD800  }
0xa7: {  	[spmem:s1] =	stream.indirect.scatter.add.f32 [tilespmem:s7], [sflag:$0x11], $0x80, s23, s15, $0xb8;
	[tilespmem:$0x1E080] =	vst v63  }
0xa8: {  	_ =	swait.ge [sflag:s25], $0x2800  }
0xa9: {  	[sflag:s25] =	ssyncset.done $0x0  }
0xaa: {  	s13 =	sadd.s32 $0x80, s18;
	[sflag:s25] =	ssyncadd.s32 $0xFFFFD800  }
0xab: {  	[tilespmem:s3], [sflag:$0x1] =	stream.linear.gather [hbm4b:s13+s3], $0x80, $0x38;
	[tilespmem:$0x1E080] =	vst v63  }
0xac: {  	s13 =	sadd.s32 $0x80, s22  }
0xad: {  	[tilespmem:s14], [sflag:$0x9] =	stream.linear.gather [hbm4b:s13+s3], $0x80, $0x38;
	[tilespmem:$0x1E080] =	vst v63  }
0xae: {  	s14 =	simm.s32 $0x4  }
0xaf: {  	_ =	swait.ge [sflag:s14], $0x80  }
0xb0: {  	[sflag:s14] =	ssyncset.done $0x0  }
0xb1: {  	s23 =	simm.s32 $0xC;
	[sflag:s14] =	ssyncadd.s32 $0xFFFFFF80  }
0xb2: {  	_ =	swait.ge [sflag:s23], $0x80  }
0xb3: {  	[sflag:s23] =	ssyncset.done $0x0  }
0xb4: {  	s14 =	simm.s32 $0x180;
	[sflag:s23] =	ssyncadd.s32 $0xFFFFFF80  }
0xb5: {  	[tilespmem:s0], [sflag:$0x11] =	stream.indirect.gather [hbm4b:s4+s15], $0x80, s14, s15, $0xb8;
	[tilespmem:$0x1E080] =	vst v63  }
0xb6: {  	_ =	swait.ge [sflag:s25], $0x2800  }
0xb7: {  	[sflag:s25] =	ssyncset.done $0x0  }
0xb8: {  	s23 =	simm.s32 $0x580;
	[sflag:s25] =	ssyncadd.s32 $0xFFFFD800  }
0xb9: {  	[spmem:s1] =	stream.indirect.scatter.add.f32 [tilespmem:s0], [sflag:$0x11], $0x80, s23, s15, $0xb8;
	[tilespmem:$0x1E080] =	vst v63  }
0xba: {  	_ =	swait.ge [sflag:s25], $0x2800  }
0xbb: {  	[sflag:s25] =	ssyncset.done $0x0  }
0xbc: {  	s13 =	sadd.s32 $0x90, s18;
	[sflag:s25] =	ssyncadd.s32 $0xFFFFD800  }
0xbd: {  	[tilespmem:s5], [sflag:$0x2] =	stream.linear.gather [hbm4b:s13+s3], $0x80, $0x38;
	[tilespmem:$0x1E080] =	vst v63  }
0xbe: {  	s14 =	sadd.s32 $0x90, s22  }
0xbf: {  	[tilespmem:s9], [sflag:$0xA] =	stream.linear.gather [hbm4b:s14+s3], $0x80, $0x38;
	[tilespmem:$0x1E080] =	vst v63  }
0xc0: {  	_ =	swait.ge [sflag:s2], $0x80  }
0xc1: {  	[sflag:s2] =	ssyncset.done $0x0  }
0xc2: {  	[sflag:s2] =	ssyncadd.s32 $0xFFFFFF80  }
0xc3: {  	_ =	swait.ge [sflag:s6], $0x80  }
0xc4: {  	[sflag:s6] =	ssyncset.done $0x0  }
0xc5: {  	s23 =	simm.s32 $0x200;
	[sflag:s6] =	ssyncadd.s32 $0xFFFFFF80  }
0xc6: {  	[tilespmem:s16], [sflag:$0x11] =	stream.indirect.gather [hbm4b:s4+s15], $0x80, s23, s15, $0xb8;
	[tilespmem:$0x1E080] =	vst v63  }
0xc7: {  	_ =	swait.ge [sflag:s25], $0x2800  }
0xc8: {  	[sflag:s25] =	ssyncset.done $0x0  }
0xc9: {  	s9 =	simm.s32 $0x600;
	[sflag:s25] =	ssyncadd.s32 $0xFFFFD800  }
0xca: {  	[spmem:s1] =	stream.indirect.scatter.add.f32 [tilespmem:s16], [sflag:$0x11], $0x80, s9, s15, $0xb8;
	[tilespmem:$0x1E080] =	vst v63  }
0xcb: {  	p1 =	seq.s32 s17, $0xF00;
	_ =	swait.ge [sflag:s25], $0x2800  }
0xcc: {  	s14 =	simm.s32 @!p1 $0x0;
	s23 =	sadd.s32 @!p1 s17, s24;
	[sflag:s25] =	ssyncset.done $0x0  }
0xcd: {  	s13 =	sadd.s32 @!p1 $0xA0, s23;
	s9 =	simm.s32 @!p1 $0x100;
	[sflag:s25] =	ssyncadd.s32 $0xFFFFD800  }
0xce: {  	[tilespmem:s9], [sflag:$0x3] =	stream.linear.gather @!p1 [hbm4b:s13+s14], $0x80, $0x38;
	[tilespmem:$0x1E080] =	vst v63  }
0xcf: {  	s9 =	sadd.s32 @!p1 s17, s10  }
0xd0: {  	s5 =	simm.s32 @!p1 $0x500;
	s13 =	sadd.s32 @!p1 $0xA0, s9  }
0xd1: {  	[tilespmem:s5], [sflag:$0xB] =	stream.linear.gather @!p1 [hbm4b:s13+s14], $0x80, $0x38;
	[tilespmem:$0x1E080] =	vst v63  }
0xd2: {  	_ =	swait.ge [sflag:s8], $0x80  }
0xd3: {  	[sflag:s8] =	ssyncset.done $0x0  }
0xd4: {  	[sflag:s8] =	ssyncadd.s32 $0xFFFFFF80  }
0xd5: {  	_ =	swait.ge [sflag:s26], $0x80  }
0xd6: {  	[sflag:s26] =	ssyncset.done $0x0  }
0xd7: {  	s13 =	simm.s32 $0x280;
	[sflag:s26] =	ssyncadd.s32 $0xFFFFFF80  }
0xd8: {  	[tilespmem:s21], [sflag:$0x11] =	stream.indirect.gather [hbm4b:s4+s15], $0x80, s13, s15, $0xb8;
	[tilespmem:$0x1E080] =	vst v63  }
0xd9: {  	_ =	swait.ge [sflag:s25], $0x2800  }
0xda: {  	[sflag:s25] =	ssyncset.done $0x0  }
0xdb: {  	s13 =	simm.s32 $0x680;
	[sflag:s25] =	ssyncadd.s32 $0xFFFFD800  }
0xdc: {  	[spmem:s1] =	stream.indirect.scatter.add.f32 [tilespmem:s21], [sflag:$0x11], $0x80, s13, s15, $0xb8;
	[tilespmem:$0x1E080] =	vst v63  }
0xdd: {  	_ =	swait.ge [sflag:s25], $0x2800  }
0xde: {  	[sflag:s25] =	ssyncset.done $0x0  }
0xdf: {  	s5 =	sadd.s32 @!p1 $0xB0, s23;
	s13 =	simm.s32 @!p1 $0x180;
	[sflag:s25] =	ssyncadd.s32 $0xFFFFD800  }
0xe0: {  	[tilespmem:s13], [sflag:$0x4] =	stream.linear.gather @!p1 [hbm4b:s5+s14], $0x80, $0x38;
	[tilespmem:$0x1E080] =	vst v63  }
0xe1: {  	s5 =	sadd.s32 @!p1 $0xB0, s9;
	s13 =	simm.s32 @!p1 $0x580  }
0xe2: {  	[tilespmem:s13], [sflag:$0xC] =	stream.linear.gather @!p1 [hbm4b:s5+s14], $0x80, $0x38;
	[tilespmem:$0x1E080] =	vst v63  }
0xe3: {  	_ =	swait.ge [sflag:s11], $0x80  }
0xe4: {  	[sflag:s11] =	ssyncset.done $0x0  }
0xe5: {  	[sflag:s11] =	ssyncadd.s32 $0xFFFFFF80  }
0xe6: {  	_ =	swait.ge [sflag:s28], $0x80  }
0xe7: {  	[sflag:s28] =	ssyncset.done $0x0  }
0xe8: {  	[sflag:s28] =	ssyncadd.s32 $0xFFFFFF80  }
0xe9: {  	[tilespmem:s7], [sflag:$0x11] =	stream.indirect.gather [hbm4b:s4+s15], $0x80, s30, s15, $0xb8;
	[tilespmem:$0x1E080] =	vst v63  }
0xea: {  	_ =	swait.ge [sflag:s25], $0x2800  }
0xeb: {  	[sflag:s25] =	ssyncset.done $0x0  }
0xec: {  	[sflag:s25] =	ssyncadd.s32 $0xFFFFD800  }
0xed: {  	[spmem:s1] =	stream.indirect.scatter.add.f32 [tilespmem:s7], [sflag:$0x11], $0x80, s19, s15, $0xb8;
	[tilespmem:$0x1E080] =	vst v63  }
0xee: {  	_ =	swait.ge [sflag:s25], $0x2800  }
0xef: {  	[sflag:s25] =	ssyncset.done $0x0  }
0xf0: {  	s5 =	sadd.s32 @!p1 $0xC0, s23;
	s13 =	simm.s32 @!p1 $0x200;
	[sflag:s25] =	ssyncadd.s32 $0xFFFFD800  }
0xf1: {  	[tilespmem:s13], [sflag:$0x5] =	stream.linear.gather @!p1 [hbm4b:s5+s14], $0x80, $0x38;
	[tilespmem:$0x1E080] =	vst v63  }
0xf2: {  	s5 =	sadd.s32 @!p1 $0xC0, s9;
	s9 =	simm.s32 @!p1 $0x600  }
0xf3: {  	[tilespmem:s9], [sflag:$0xD] =	stream.linear.gather @!p1 [hbm4b:s5+s14], $0x80, $0x38;
	[tilespmem:$0x1E080] =	vst v63  }
0xf4: {  	_ =	swait.ge [sflag:s12], $0x80  }
0xf5: {  	[sflag:s12] =	ssyncset.done $0x0  }
0xf6: {  	[sflag:s12] =	ssyncadd.s32 $0xFFFFFF80  }
0xf7: {  	_ =	swait.ge [sflag:s29], $0x80  }
0xf8: {  	[sflag:s29] =	ssyncset.done $0x0  }
0xf9: {  	[sflag:s29] =	ssyncadd.s32 $0xFFFFFF80  }
0xfa: {  	[tilespmem:s0], [sflag:$0x11] =	stream.indirect.gather [hbm4b:s4+s15], $0x80, s31, s15, $0xb8;
	[tilespmem:$0x1E080] =	vst v63  }
0xfb: {  	_ =	swait.ge [sflag:s25], $0x2800  }
0xfc: {  	[sflag:s25] =	ssyncset.done $0x0  }
.Ltmp2:
0xfd: {  	[sflag:s25] =	ssyncadd.s32 $0xFFFFD800;
	(pc) =	sbr.rel @p1 .LBB2_4-.Ltmp2, $4  }
0xfe: {  	[spmem:s1] =	stream.indirect.scatter.add.f32 [tilespmem:s0], [sflag:$0x11], $0x80, s20, s15, $0xb8;
	[tilespmem:$0x1E080] =	vst v63  }
0xff: {  	_ =	swait.ge [sflag:s25], $0x2800  }
0x100: {  	[sflag:s25] =	ssyncset.done $0x0  }
0x101: {  	[sflag:s25] =	ssyncadd.s32 $0xFFFFD800  }
.Ltmp3:
0x102: {  	(pc) =	sbr.rel .LBB2_2-.Ltmp3, $4  }
0x103: {  	s5 =	sadd.s32 $0xD0, s18;
	s9 =	simm.s32 $0x280;
	s22 =	sadd.s32 $0xD0, s22  }
0x104: {  	[tilespmem:s9], [sflag:$0x6] =	stream.linear.gather [hbm4b:s5+s3], $0x80, $0x38;
	[tilespmem:$0x1E080] =	vst v63  }
0x105: {  	s23 =	simm.s32 $0x680;
	s17 =	sadd.s32 $0x80, s17;
	s14 =	simm.s32 $0x400  }
0x106: {  	[tilespmem:s23], [sflag:$0xE] =	stream.linear.gather [hbm4b:s22+s3], $0x80, $0x38;
	[tilespmem:$0x1E080] =	vst v63  }
.LBB2_5:
0x107: {  	_ =	sfence.sel $0x180000  }
0x108: {  	[bflag:$0x0] =	sbarrier.arrive $0xFFFF  }
0x109: {  	_ =	strace $0x9000004A  }
0x10a: {  	s0 =	stileid.u32;
	[bflag:$0x2] =	sbarrier.arrive $0xFFFF  }
0x10b: {  	p0 =	sne.s32 s0, $0x0;
	s0 =	rddreg [dreg:$0x3]  }
0x10c: {  	s0 =	sadd.s32 @!p0 $0x100000, s0  }
0x10d: {  	[sflag:s0] =	ssyncadd.tile.s32 @!p0 $0x1;
	_ =	shalt  }
.Lfunc_end2:
_tile_overlayer_lowered:
.L_overlay_start_2:
0x10e: {  	(tag) =	ssettag $0x2  }
0x10f: {  	s0 =	rddreg [dreg:$0x0];
	s2 =	stileid.u32  }
0x110: {  	s1 =	rddreg [dreg:$0x1];
	p0 =	sne.s32 s2, $0x0  }
0x111: {  	s3 =	rddreg [dreg:$0x2];
	[bflag:$0x3] =	sbarrier.arrive $0xFFFF;
	s2 =	simm.s32 @!p0 $0x1C11  }
0x112: {  	[timem:s3], [sflag:s2] =	dma.local @!p0 [hbm:s0], s1  }
0x113: {  	s0 =	simm.s32 @!p0 $0x11  }
0x114: {  	_ =	swait.ge @!p0 [sflag:s0], s1  }
0x115: {  	s1 =	ssub.s32 @!p0 $0x0, s1;
	[sflag:s0] =	ssyncset.done @!p0 $0x0  }
0x116: {  	[sflag:s0] =	ssyncadd.s32 @!p0 s1  }
0x117: {  	[bflag:$0x3] =	sbarrier.arrive $0xFFFF  }
0x118: {  	_ =	shalt  }

// kernel: gcn_msg_sc.7.cloned.1.call-start
scs
__scs_entry_jumppad:
0x0: {  	(pc) =	sbr.rel $0x88, $3  }
0x1: {  	(tag) =	ssettag $0x0;
	lr =	simm.s32 $0x1  }
0x2: {  	[smem:$0x3F97] =	sst lr;
	_ =	strace $0xD0000000  }
0x3: {  	_ = 	snop  }
0x4: {  	_ = 	snop  }
0x5: {  	_ = 	snop  }
0x6: {  	_ = 	snop  }
0x7: {  	_ = 	snop  }
__scs_overlays_trampoline_lowered:
0x8: {  	[smem:$0x3FA6] =	sst s0  }
0x9: {  	[smem:$0x3FA7] =	sst s1  }
0xa: {  	[smem:$0x3FA8] =	sst s2  }
0xb: {  	[smem:$0x3FA9] =	sst s3  }
0xc: {  	[smem:$0x3FAA] =	sst s4  }
0xd: {  	[smem:$0x3FAB] =	sst s5  }
0xe: {  	[smem:$0x3FAC] =	sst s6  }
0xf: {  	[smem:$0x3FAD] =	sst s7  }
0x10: {  	[smem:$0x3FAE] =	sst s8  }
0x11: {  	[smem:$0x3FAF] =	sst s9;
	s0 =	simm.s32 @!p0 $0x0  }
0x12: {  	s1 =	sld [smem:$0x3F95];
	s0 =	simm.s32 @p0 $0x1  }
0x13: {  	[smem:$0x3FB0] =	sst s0;
	s0 =	simm.s32 @!p1 $0x0  }
0x14: {  	s2 =	sld [smem:$0x3F94];
	s0 =	simm.s32 @p1 $0x1  }
0x15: {  	[smem:$0x3FB1] =	sst s0;
	s0 =	simm.s32 @!p2 $0x0  }
0x16: {  	s3 =	sld [smem:$0x3FDB];
	s0 =	simm.s32 @p2 $0x1  }
0x17: {  	s4 =	simm.s32 $0x1BF5;
	[smem:$0x3FB3] =	sst s0  }
0x18: {  	s0 =	sld [smem:$0x3F96];
	_ =	swait.ge [sflag:s4], $0x0  }
0x19: {  	s7 =	sld [smem:$0x3F97]  }
0x1a: {  	s8 =	sadd.s32 $0xFFFFE003, lr  }
0x1b: {  	s9 =	sadd.s32 $0xFFFFFEF7, lr;
	s5 =	simm.s32 $0xFFFFFFFF;
	p2 =	slt.u32 s8, $0xFFFFF086  }
0x1c: {  	p1 =	slt.u32 s9, $0xF7A;
	s5 =	simm.s32 @!p2 $0x0  }
0x1d: {  	s5 =	simm.s32 @p1 $0x1;
	p0 =	seq.s32 s7, s2  }
0x1e: {  	s7 =	smul.u32 @!p0 $0xF7A, s2;
	p2 =	seq.s32 @!p0 s5, $0x0  }
0x1f: {  	s9 =	smul.u32 $0xF7A, s1;
	s8 =	simm.s32 @!p0 $0x1BF5;
	p2 =	por !p2, p0  }
0x20: {  	[sflag:s8] =	ssyncset.s32 @!p0 $0xFFFFF086;
	s6 =	sadd.s32 @!p0 s3, s7;
	s7 =	simm.s32 @!p0 $0x108  }
0x21: {  	s3 =	sadd.s32 s3, s9;
	s6 =	sadd.s32 @!p0 $0x88, s6;
	s7 =	simm.s32 @p2 $0x1082  }
0x22: {  	[simem:s7], [sflag:s8] =	dma.local @!p0 [hbm:s6], $0xF7A  }
0x23: {  	s9 =	sor.u32 $0xD0000000, s2;
	s6 =	simm.s32 $0x108;
	_ =	swait.ge @!p0 [sflag:s8], $0x0  }
0x24: {  	s3 =	sadd.s32 $0x88, s3;
	s6 =	simm.s32 @!p1 $0x1082;
	[sflag:s4] =	ssyncset.s32 $0xFFFFF086  }
0x25: {  	[simem:s6], [sflag:s4] =	dma.local [hbm:s3], $0xF7A  }
0x26: {  	[smem:$0x3F97] =	sst s1;
	(tag) =	ssettag s2;
	_ =	strace s9  }
0x27: {  	s1 =	sld [smem:$0x3FA7]  }
0x28: {  	s2 =	sld [smem:$0x3FA8]  }
0x29: {  	s4 =	sld [smem:$0x3FAA]  }
0x2a: {  	p0 =	seq.s32 s5, $0x0;
	s5 =	sld [smem:$0x3FAB]  }
0x2b: {  	s6 =	sld [smem:$0x3FAC]  }
0x2c: {  	s7 =	sld [smem:$0x3FAD]  }
0x2d: {  	s3 =	simm.s32 $0x108;
	s8 =	sld [smem:$0x3FAE]  }
0x2e: {  	s3 =	simm.s32 @!p0 $0x1082;
	s9 =	sld [smem:$0x3FAF]  }
0x2f: {  	lr =	sadd.s32 s0, s3;
	s0 =	sld [smem:$0x3FA6]  }
0x30: {  	s3 =	sld [smem:$0x3FA9]  }
0x31: {  	[smem:$0x3FB2] =	sst s10  }
0x32: {  	s10 =	sld [smem:$0x3FB0];
	_ =	sdelay $0x3  }
0x33: {  	p0 =	seq.s32 s10, $0x1;
	s10 =	sld [smem:$0x3FB2];
	_ =	sdelay $0x3  }
0x34: {  	[smem:$0x3FB2] =	sst s10  }
0x35: {  	s10 =	sld [smem:$0x3FB1];
	_ =	sdelay $0x3  }
0x36: {  	p1 =	seq.s32 s10, $0x1;
	s10 =	sld [smem:$0x3FB2];
	_ =	sdelay $0x3  }
0x37: {  	[smem:$0x3FB2] =	sst s10  }
0x38: {  	s10 =	sld [smem:$0x3FB3]  }
0x39: {  	_ = 	snop;
	(pc) =	sbr.ind lr, $3  }
0x3a: {  	_ = 	snop  }
0x3b: {  	_ = 	snop  }
0x3c: {  	p2 =	seq.s32 s10, $0x1;
	s10 =	sld [smem:$0x3FB2]  }
0x3d: {  	_ =	shalt  }
0x3e: {  	_ =	shalt  }
0x3f: {  	_ =	shalt  }
0x40: {  	_ =	shalt  }
0x41: {  	_ =	shalt  }
0x42: {  	_ =	shalt  }
0x43: {  	_ =	shalt  }
0x44: {  	_ =	shalt  }
0x45: {  	_ =	shalt  }
0x46: {  	_ =	shalt  }
0x47: {  	_ =	shalt  }
0x48: {  	_ =	shalt  }
0x49: {  	_ =	shalt  }
0x4a: {  	_ =	shalt  }
0x4b: {  	_ =	shalt  }
0x4c: {  	_ =	shalt  }
0x4d: {  	_ =	shalt  }
0x4e: {  	_ =	shalt  }
0x4f: {  	_ =	shalt  }
0x50: {  	_ =	shalt  }
0x51: {  	_ =	shalt  }
0x52: {  	_ =	shalt  }
0x53: {  	_ =	shalt  }
0x54: {  	_ =	shalt  }
0x55: {  	_ =	shalt  }
0x56: {  	_ =	shalt  }
0x57: {  	_ =	shalt  }
0x58: {  	_ =	shalt  }
0x59: {  	_ =	shalt  }
0x5a: {  	_ =	shalt  }
0x5b: {  	_ =	shalt  }
0x5c: {  	_ =	shalt  }
0x5d: {  	_ =	shalt  }
0x5e: {  	_ =	shalt  }
0x5f: {  	_ =	shalt  }
0x60: {  	_ =	shalt  }
0x61: {  	_ =	shalt  }
0x62: {  	_ =	shalt  }
0x63: {  	_ =	shalt  }
0x64: {  	_ =	shalt  }
0x65: {  	_ =	shalt  }
0x66: {  	_ =	shalt  }
0x67: {  	_ =	shalt  }
0x68: {  	_ =	shalt  }
0x69: {  	_ =	shalt  }
0x6a: {  	_ =	shalt  }
0x6b: {  	_ =	shalt  }
0x6c: {  	_ =	shalt  }
0x6d: {  	_ =	shalt  }
0x6e: {  	_ =	shalt  }
0x6f: {  	_ =	shalt  }
0x70: {  	_ =	shalt  }
0x71: {  	_ =	shalt  }
0x72: {  	_ =	shalt  }
0x73: {  	_ =	shalt  }
0x74: {  	_ =	shalt  }
0x75: {  	_ =	shalt  }
0x76: {  	_ =	shalt  }
0x77: {  	_ =	shalt  }
0x78: {  	_ =	shalt  }
0x79: {  	_ =	shalt  }
0x7a: {  	_ =	shalt  }
0x7b: {  	_ =	shalt  }
0x7c: {  	_ =	shalt  }
0x7d: {  	_ =	shalt  }
0x7e: {  	_ =	shalt  }
0x7f: {  	_ =	shalt  }
0x80: {  	_ =	shalt  }
0x81: {  	_ =	shalt  }
0x82: {  	_ =	shalt  }
0x83: {  	_ =	shalt  }
0x84: {  	_ =	shalt  }
0x85: {  	_ =	shalt  }
0x86: {  	_ =	shalt  }
0x87: {  	_ =	shalt  }
.Lfunc_end0:
.L_simem_size_0:
called_computation.2_lowered:
.L_overlay_start_0:
0x88: {  	s2 =	sld [smem:$0x3FD9]  }
0x89: {  	s3 =	sld [smem:$0x3FFE];
	_ =	sdelay $0x1  }
0x8a: {  	s1 =	srdreg.scid  }
0x8b: {  	s0 =	sand.u32 $0x1, s1  }
0x8c: {  	s17 =	sshll.u32 s0, $0xA;
	s2 =	sadd.s32 s3, s2  }
0x8d: {  	s2 =	sadd.s32 s2, s17  }
0x8e: {  	[smem:$0x3FBE] =	sst s2  }
0x8f: {  	_ = 	snop  }
0x90: {  	s2 =	sld [smem:$0x3FD0];
	(tm) =	ssettm $0x1  }
0x91: {  	s18 =	sld [smem:$0x3FFB];
	_ =	sdelay $0x3  }
0x92: {  	_ =	strace s18  }
0x93: {  	s3 =	sld [smem:$0x3FFC];
	_ =	sdelay $0x3  }
0x94: {  	_ =	strace s3  }
0x95: {  	s3 =	sld [smem:$0x3FFD];
	_ =	sdelay $0x3  }
0x96: {  	_ =	strace s3  }
0x97: {  	_ =	strace $0x8FFFFFFF  }
0x98: {  	s19 =	sld [smem:$0x3FDB];
	_ =	sdelay $0x1  }
0x99: {  	s4 =	simm.s32 $_scs_section_size  }
0x9a: {  	s5 =	simm.s32 $_size__tile_overlayer_lowered;
	s6 =	simm.s32 $_tile_overlayer_lowered  }
0x9b: {  	s22 =	simm.s32 $0x1BFF;
	s21 =	sshll.u32 s6, $0x1;
	s3 =	sadd.s32 s4, s19  }
0x9c: {  	s7 =	simm.s32 $0x0;
	s20 =	sshll.u32 s5, $0x1;
	s5 =	sadd.s32 s21, s3  }
0x9d: {  	[timem:s7], [sflag:s22] =	dma.local [hbm:s5], s20  }
0x9e: {  	_ =	swait.ge [sflag:s22], s20  }
0x9f: {  	s4 =	ssub.s32 $0x0, s20;
	[sflag:s22] =	ssyncset.done $0x0  }
0xa0: {  	[sflag:s22] =	ssyncadd.s32 s4;
	_ =	sdelay $0x1  }
0xa1: {  	s23 =	simm.s32 $0x1B8B  }
0xa2: {  	_ =	swait.ge [sflag:s23], $0x1  }
0xa3: {  	[sflag:s23] =	ssyncset.done $0x0  }
0xa4: {  	s25 =	simm.s32 $0x1B8E;
	s24 =	sld [smem:$0x3FFE];
	[sflag:s23] =	ssyncadd.s32 $0xFFFFFFFF  }
0xa5: {  	s26 =	simm.s32 $execute0_lowered;
	[smem:$0x3FD2] =	sst s25  }
0xa6: {  	s5 =	sshll.u32 s26, $0x1;
	_ =	strace $0x8000004C;
	[dreg:$0x1] =	wrdreg $0xFFFFFFFF  }
0xa7: {  	s28 =	simm.s32 $_size_execute0_lowered;
	s3 =	sadd.s32 s3, s5;
	[dreg:$0x0] =	wrdreg $0x0  }
0xa8: {  	s5 =	sshll.u32 s28, $0x1;
	[dreg:$0x2] =	wrdreg s3  }
0xa9: {  	[dreg:$0x3] =	wrdreg s5  }
0xaa: {  	[dreg:$0x4] =	wrdreg $0xC0  }
0xab: {  	_ =	task [dreg:s7], $0x5FFFF  }
0xac: {  	[dreg:$0x1] =	wrdreg $0xFFFFFFFF  }
0xad: {  	[dreg:$0x0] =	wrdreg $0x60  }
0xae: {  	[dreg:$0x2] =	wrdreg s24  }
0xaf: {  	[dreg:$0x3] =	wrdreg s2  }
0xb0: {  	[dreg:$0x4] =	wrdreg $0xA8000  }
0xb1: {  	[dreg:$0x5] =	wrdreg $0x9  }
0xb2: {  	_ =	task.clear_ibuf [dreg:s7], $0x6FFFF;
	_ =	strace $0x9000004C  }
0xb3: {  	s29 =	simm.s32 $0x9;
	_ =	strace $0x8000004E  }
0xb4: {  	_ =	swait.ge [sflag:s29], $0x1  }
0xb5: {  	[sflag:s29] =	ssyncadd.s32 $0xFFFFFFFF  }
0xb6: {  	_ =	strace $0x9000004E  }
0xb7: {  	_ =	sfence  }
0xb8: {  	s30 =	sld [smem:$0x0];
	_ =	sdelay $0x2  }
0xb9: {  	s31 =	sshll.u32 s1, $0xD;
	s1 =	sshrl.u32 s1, $0x2  }
0xba: {  	s3 =	sand.u32 $0x4000, s31;
	s1 =	sadd.s32 s1, s30  }
0xbb: {  	s0 =	sor.u32 s3, s0;
	s1 =	sshll.u32 s1, $0x11  }
0xbc: {  	s0 =	sor.u32 s1, s0  }
0xbd: {  	s0 =	sadd.s32 $0x8F2B, s0  }
0xbe: {  	[sflag:s0] =	ssyncadd.remote.s32 $0x1  }
0xbf: {  	_ =	sfence.sel $0xFFFF  }
0xc0: {  	[dreg:$0x0] =	wrdreg $0xFFFFFFFF;
	(pc) =	sbr.abs _section_cstart, $3  }
0xc1: {  	[dreg:$0x1] =	wrdreg $0xFFFFFFFF  }
0xc2: {  	_ =	task.clear_ibuf [dreg:s7], $0x2FFFF;
	_ =	strace $0x9FFFFFFF  }
0xc3: {  	(tm) =	ssettm $0x7FFFFFFF  }
tec
execute0_lowered:
.L_overlay_start_1:
0x0: {  	(tag) =	ssettag $0x1  }
0x1: {  	s0 =	rddreg [dreg:$0x0]  }
0x2: {  	s2 =	rddreg [dreg:$0x1]  }
0x3: {  	s1 =	rddreg [dreg:$0x2];
	s3 =	simm.s32 $0x0  }
0x4: {  	s4 =	srdreg.scid;
	s12 =	stileid.u32;
	s28 =	simm.s32 $0xF  }
0x5: {  	s29 =	simm.s32 $0x10;
	s30 =	simm.s32 $0x300;
	s31 =	simm.s32 $0x380  }
0x6: {  	[smem:$0x7FF] =	sst s3;
	s5 =	sand.u32 $0x1, s4;
	s7 =	smul.u32 $0xFA, s12  }
0x7: {  	s4 =	sadd.s32 $0x63400, s0;
	s8 =	sadd.s32 $0x2A00, s0;
	s10 =	smul.u32 $0x4E000, s12  }
0x8: {  	s11 =	sadd.s32 $0x12400, s0;
	s0 =	sadd.s32 $0xB1600, s0;
	s25 =	smul.u32 $0x7D00, s12  }
0x9: {  	s24 =	sshll.u32 s12, $0x6;
	s26 =	sadd.s32 $0x138000, s1;
	s17 =	smul.u32 $0x13800, s12  }
0xa: {  	p0 =	sne.s32 s12, $0xF;
	s6 =	smul.u32 $0xFA0, s5;
	_ =	strace $0x8000004D  }
0xb: {  	s9 =	ssub.s32 $0x2, s5;
	[dreg:$0x4] =	wrdreg s11;
	s11 =	smul.u32 $0xFA0, s12  }
0xc: {  	s13 =	sor.u32 $0x1C11, s24;
	[dreg:$0x7] =	wrdreg s26;
	s16 =	smul.u32 $0x138800, s5  }
0xd: {  	s5 =	smul.u32 $0xFA00, s5;
	s12 =	simm.s32 $0x8;
	s22 =	sshrl.u32 s9, $0x1  }
0xe: {  	s23 =	sshrl.u32 s10, $0x2;
	[dreg:$0x6] =	wrdreg s13;
	s9 =	ssub.s32 s9, s22  }
0xf: {  	s6 =	sadd.s32 s7, s6;
	s7 =	sadd.s32 s23, s1;
	s10 =	sadd.s32 s8, s11  }
0x10: {  	[dreg:$0x5] =	wrdreg s7;
	s6 =	sshll.u32 s6, $0x4;
	s15 =	sadd.s32 $0x10, s10  }
0x11: {  	s7 =	sshrl.u32 s25, $0x3;
	s26 =	smax.u32 s9, $0x1;
	[dreg:$0xa] =	wrdreg s15  }
0x12: {  	s14 =	sadd.s32 s2, s6;
	s2 =	sadd.s32 s5, s2;
	[dreg:$0x15] =	wrdreg s26  }
0x13: {  	s15 =	simm.s32 $0x50;
	s6 =	sadd.s32 $0x10, s14;
	[dreg:$0x8] =	wrdreg s14  }
0x14: {  	s26 =	simm.s32 $0xE;
	s18 =	sadd.s32 $0x20, s14;
	[dreg:$0x9] =	wrdreg s6  }
0x15: {  	s20 =	sadd.s32 $0x30, s14;
	s22 =	sadd.s32 $0x40, s14;
	[dreg:$0xb] =	wrdreg s18  }
0x16: {  	s24 =	sadd.s32 $0x50, s14;
	s14 =	simm.s32 $0x400;
	[dreg:$0xd] =	wrdreg s20  }
0x17: {  	s6 =	sadd.s32 s8, s7;
	[dreg:$0xf] =	wrdreg s22;
	s8 =	sadd.s32 s17, s16  }
0x18: {  	s7 =	sshrl.u32 s16, $0x3;
	[dreg:$0x12] =	wrdreg s24;
	s24 =	sadd.s32 s11, s2  }
0x19: {  	s18 =	simm.s32 $0x80;
	s22 =	simm.s32 $0x480;
	s16 =	simm.s32 $0x800  }
0x1a: {  	s2 =	simm.s32 $0x5;
	s11 =	simm.s32 $0x7;
	s17 =	simm.s32 $0x0  }
0x1b: {  	s20 =	simm.s32 $0x780;
	s19 =	sadd.s32 $0x20, s6;
	s21 =	sadd.s32 $0x30, s6  }
0x1c: {  	s8 =	sshrl.u32 s8, $0x3;
	s23 =	sadd.s32 $0x40, s6;
	[dreg:$0xc] =	wrdreg s19  }
0x1d: {  	s25 =	sadd.s32 $0x50, s6;
	s6 =	simm.s32 $0xD;
	[dreg:$0xe] =	wrdreg s21  }
.Ltmp0:
0x1e: {  	s8 =	sadd.s32 s0, s8;
	[dreg:$0x11] =	wrdreg s23;
	(pc) =	sbr.rel .LBB2_1-.Ltmp0, $4  }
0x1f: {  	s0 =	sadd.s32 s0, s7;
	[dreg:$0x13] =	wrdreg s25;
	s25 =	simm.s32 $0x11  }
0x20: {  	s23 =	simm.s32 $0x280;
	s21 =	simm.s32 $0x3000;
	s7 =	simm.s32 $0x5800  }
0x21: {  	s19 =	simm.s32 $0x700;
	[dreg:$0x10] =	wrdreg s8;
	s0 =	sadd.s32 $0x27000, s0  }
0x22: {  	s8 =	simm.s32 $0x6;
	[dreg:$0x14] =	wrdreg s0;
	s0 =	simm.s32 $0x8000  }
.LBB2_4:
0x23: {  	s5 =	simm.s32 $0x1  }
0x24: {  	_ =	swait.ge [sflag:s5], $0x80  }
0x25: {  	[sflag:s5] =	ssyncset.done $0x0  }
0x26: {  	s23 =	simm.s32 $0x9;
	[sflag:s5] =	ssyncadd.s32 $0xFFFFFF80  }
0x27: {  	_ =	swait.ge [sflag:s23], $0x80  }
0x28: {  	[sflag:s23] =	ssyncset.done $0x0  }
0x29: {  	[sflag:s23] =	ssyncadd.s32 $0xFFFFFF80  }
0x2a: {  	[tilespmem:s16], [sflag:$0x11] =	stream.indirect.gather [hbm4b:s4+s15], $0x80, s3, s15, $0xb8;
	[tilespmem:$0x1E080] =	vst v63  }
0x2b: {  	_ =	swait.ge [sflag:s25], $0x2800  }
0x2c: {  	[sflag:s25] =	ssyncset.done $0x0  }
0x2d: {  	s14 =	simm.s32 $0x400;
	[sflag:s25] =	ssyncadd.s32 $0xFFFFD800  }
0x2e: {  	[spmem:s1] =	stream.indirect.scatter.add.f32 [tilespmem:s16], [sflag:$0x11], $0x80, s14, s15, $0xb8;
	[tilespmem:$0x1E080] =	vst v63  }
0x2f: {  	_ =	swait.ge [sflag:s25], $0x2800  }
0x30: {  	[sflag:s25] =	ssyncset.done $0x0  }
0x31: {  	s9 =	simm.s32 $0x2;
	[sflag:s25] =	ssyncadd.s32 $0xFFFFD800  }
0x32: {  	_ =	swait.ge [sflag:s9], $0x80  }
0x33: {  	[sflag:s9] =	ssyncset.done $0x0  }
0x34: {  	s13 =	simm.s32 $0xA;
	[sflag:s9] =	ssyncadd.s32 $0xFFFFFF80  }
0x35: {  	_ =	swait.ge [sflag:s13], $0x80  }
0x36: {  	[sflag:s13] =	ssyncset.done $0x0  }
0x37: {  	s18 =	simm.s32 $0x80;
	[sflag:s13] =	ssyncadd.s32 $0xFFFFFF80  }
0x38: {  	[tilespmem:s21], [sflag:$0x11] =	stream.indirect.gather [hbm4b:s4+s15], $0x80, s18, s15, $0xb8;
	[tilespmem:$0x1E080] =	vst v63  }
0x39: {  	_ =	swait.ge [sflag:s25], $0x2800  }
0x3a: {  	[sflag:s25] =	ssyncset.done $0x0  }
0x3b: {  	s22 =	simm.s32 $0x480;
	[sflag:s25] =	ssyncadd.s32 $0xFFFFD800  }
0x3c: {  	[spmem:s1] =	stream.indirect.scatter.add.f32 [tilespmem:s21], [sflag:$0x11], $0x80, s22, s15, $0xb8;
	[tilespmem:$0x1E080] =	vst v63  }
0x3d: {  	_ =	swait.ge [sflag:s25], $0x2800  }
0x3e: {  	[sflag:s25] =	ssyncset.done $0x0  }
0x3f: {  	[sflag:s25] =	ssyncadd.s32 $0xFFFFD800  }
0x40: {  	[bflag:$0x0] =	sbarrier.arrive $0xFFFF  }
0x41: {  	s13 =	rddreg [dreg:$0x6]  }
0x42: {  	s17 =	rddreg [dreg:$0x10]  }
0x43: {  	s9 =	rddreg [dreg:$0x17]  }
0x44: {  	[hbm:s17], [sflag:s13] =	dma.local [spmem:s9], $0x2700  }
0x45: {  	_ =	swait.ge [sflag:s25], $0x2700  }
0x46: {  	[sflag:s25] =	ssyncset.done $0x0;
	s5 =	rddreg [dreg:$0x14]  }
0x47: {  	s9 =	rddreg [dreg:$0x18];
	[sflag:s25] =	ssyncadd.s32 $0xFFFFD900  }
0x48: {  	[hbm:s5], [sflag:s13] =	dma.local @!p0 [spmem:s9], $0x100  }
0x49: {  	s5 =	simm.s32 @!p0 $0x11  }
0x4a: {  	_ =	swait.ge @!p0 [sflag:s5], $0x100  }
0x4b: {  	s17 =	rddreg [dreg:$0x16]  }
0x4c: {  	s23 =	rddreg [dreg:$0x15];
	s17 =	sadd.s32 $0x1, s17  }
0x4d: {  	p1 =	sne.s32 s17, s23  }
.Ltmp1:
0x4e: {  	_ = 	snop;
	(pc) =	sbr.rel @!p1 .LBB2_5-.Ltmp1, $3  }
0x4f: {  	_ =	sdelay $0x1  }
0x50: {  	[sflag:s5] =	ssyncset.done @!p0 $0x0  }
0x51: {  	[sflag:s5] =	ssyncadd.s32 @!p0 $0xFFFFFF00;
	s23 =	simm.s32 $0x280  }
.LBB2_1:
0x52: {  	[dreg:$0x16] =	wrdreg s17  }
0x53: {  	s5 =	rddreg [dreg:$0x5]  }
0x54: {  	s9 =	sshrl.u32 s5, $0x3;
	s5 =	rddreg [dreg:$0x4]  }
0x55: {  	[dreg:$0x17] =	wrdreg s9  }
0x56: {  	[spmem:s9], [sflag:s13] =	dma.local [hbm:s5], $0x2700  }
0x57: {  	_ =	swait.ge [sflag:s25], $0x2700  }
0x58: {  	s9 =	rddreg [dreg:$0x7]  }
0x59: {  	[sflag:s25] =	ssyncset.done $0x0;
	s9 =	sshrl.u32 @!p0 s9, $0x3  }
0x5a: {  	s17 =	simm.s32 @!p0 $0x11;
	[sflag:s25] =	ssyncadd.s32 $0xFFFFD900;
	[dreg:$0x18] =	wrdreg s9  }
0x5b: {  	[spmem:s9], [sflag:s13] =	dma.local @!p0 [hbm:s5], $0x100  }
0x5c: {  	_ =	swait.ge @!p0 [sflag:s17], $0x100  }
0x5d: {  	[sflag:s17] =	ssyncset.done @!p0 $0x0  }
0x5e: {  	s9 =	rddreg [dreg:$0x8];
	[sflag:s17] =	ssyncadd.s32 @!p0 $0xFFFFFF00  }
0x5f: {  	[tilespmem:s3], [sflag:$0x1] =	stream.linear.gather [hbm4b:s9+s3], $0x80, $0x38;
	[tilespmem:$0x1E080] =	vst v63  }
0x60: {  	_ = 	snop  }
0x61: {  	[tilespmem:s14], [sflag:$0x9] =	stream.linear.gather [hbm4b:s10+s3], $0x80, $0x38;
	[tilespmem:$0x1E080] =	vst v63  }
0x62: {  	s13 =	rddreg [dreg:$0x9]  }
0x63: {  	[tilespmem:s18], [sflag:$0x2] =	stream.linear.gather [hbm4b:s13+s3], $0x80, $0x38;
	[tilespmem:$0x1E080] =	vst v63  }
0x64: {  	s17 =	rddreg [dreg:$0xa]  }
0x65: {  	[tilespmem:s22], [sflag:$0xA] =	stream.linear.gather [hbm4b:s17+s3], $0x80, $0x38;
	[tilespmem:$0x1E080] =	vst v63  }
0x66: {  	s18 =	rddreg [dreg:$0xb];
	s22 =	simm.s32 $0x100  }
0x67: {  	[tilespmem:s22], [sflag:$0x3] =	stream.linear.gather [hbm4b:s18+s3], $0x80, $0x38;
	[tilespmem:$0x1E080] =	vst v63  }
0x68: {  	s13 =	rddreg [dreg:$0xc];
	s17 =	simm.s32 $0x500  }
0x69: {  	[tilespmem:s17], [sflag:$0xB] =	stream.linear.gather [hbm4b:s13+s3], $0x80, $0x38;
	[tilespmem:$0x1E080] =	vst v63  }
0x6a: {  	s18 =	rddreg [dreg:$0xd];
	s22 =	simm.s32 $0x180  }
0x6b: {  	[tilespmem:s22], [sflag:$0x4] =	stream.linear.gather [hbm4b:s18+s3], $0x80, $0x38;
	[tilespmem:$0x1E080] =	vst v63  }
0x6c: {  	s13 =	rddreg [dreg:$0xe];
	s17 =	simm.s32 $0x580  }
0x6d: {  	[tilespmem:s17], [sflag:$0xC] =	stream.linear.gather [hbm4b:s13+s3], $0x80, $0x38;
	[tilespmem:$0x1E080] =	vst v63  }
0x6e: {  	s18 =	rddreg [dreg:$0xf];
	s22 =	simm.s32 $0x200  }
0x6f: {  	[tilespmem:s22], [sflag:$0x5] =	stream.linear.gather [hbm4b:s18+s3], $0x80, $0x38;
	[tilespmem:$0x1E080] =	vst v63  }
0x70: {  	s13 =	rddreg [dreg:$0x11];
	s17 =	simm.s32 $0x600  }
0x71: {  	[tilespmem:s17], [sflag:$0xD] =	stream.linear.gather [hbm4b:s13+s3], $0x80, $0x38;
	[tilespmem:$0x1E080] =	vst v63  }
0x72: {  	s18 =	rddreg [dreg:$0x12]  }
0x73: {  	[tilespmem:s23], [sflag:$0x6] =	stream.linear.gather [hbm4b:s18+s3], $0x80, $0x38;
	[tilespmem:$0x1E080] =	vst v63  }
0x74: {  	s22 =	rddreg [dreg:$0x13];
	s23 =	simm.s32 $0x680  }
0x75: {  	[tilespmem:s23], [sflag:$0xE] =	stream.linear.gather [hbm4b:s22+s3], $0x80, $0x38;
	[tilespmem:$0x1E080] =	vst v63  }
0x76: {  	s17 =	simm.s32 $0x0;
	[bflag:$0x0] =	sbarrier.arrive $0xFFFF  }
.LBB2_2:
0x77: {  	s5 =	simm.s32 $0x1  }
0x78: {  	_ =	swait.ge [sflag:s5], $0x80  }
0x79: {  	[sflag:s5] =	ssyncset.done $0x0  }
0x7a: {  	s22 =	simm.s32 $0x9;
	[sflag:s5] =	ssyncadd.s32 $0xFFFFFF80  }
0x7b: {  	_ =	swait.ge [sflag:s22], $0x80  }
0x7c: {  	[sflag:s22] =	ssyncset.done $0x0  }
0x7d: {  	[sflag:s22] =	ssyncadd.s32 $0xFFFFFF80  }
0x7e: {  	[tilespmem:s16], [sflag:$0x11] =	stream.indirect.gather [hbm4b:s4+s15], $0x80, s3, s15, $0xb8;
	[tilespmem:$0x1E080] =	vst v63  }
0x7f: {  	_ =	swait.ge [sflag:s25], $0x2800  }
0x80: {  	[sflag:s25] =	ssyncset.done $0x0  }
0x81: {  	[sflag:s25] =	ssyncadd.s32 $0xFFFFD800  }
0x82: {  	[spmem:s1] =	stream.indirect.scatter.add.f32 [tilespmem:s16], [sflag:$0x11], $0x80, s14, s15, $0xb8;
	[tilespmem:$0x1E080] =	vst v63  }
0x83: {  	_ =	swait.ge [sflag:s25], $0x2800  }
0x84: {  	s18 =	sadd.s32 s17, s24;
	[sflag:s25] =	ssyncset.done $0x0  }
0x85: {  	s22 =	sadd.s32 $0x60, s18;
	[sflag:s25] =	ssyncadd.s32 $0xFFFFD800  }
0x86: {  	[tilespmem:s30], [sflag:$0x7] =	stream.linear.gather [hbm4b:s22+s3], $0x80, $0x38;
	[tilespmem:$0x1E080] =	vst v63  }
0x87: {  	s22 =	sadd.s32 s17, s10  }
0x88: {  	s23 =	sadd.s32 $0x60, s22  }
0x89: {  	[tilespmem:s19], [sflag:$0xF] =	stream.linear.gather [hbm4b:s23+s3], $0x80, $0x38;
	[tilespmem:$0x1E080] =	vst v63  }
0x8a: {  	s23 =	simm.s32 $0x2  }
0x8b: {  	_ =	swait.ge [sflag:s23], $0x80  }
0x8c: {  	[sflag:s23] =	ssyncset.done $0x0  }
0x8d: {  	s9 =	simm.s32 $0xA;
	[sflag:s23] =	ssyncadd.s32 $0xFFFFFF80  }
0x8e: {  	_ =	swait.ge [sflag:s9], $0x80  }
0x8f: {  	[sflag:s9] =	ssyncset.done $0x0  }
0x90: {  	s5 =	simm.s32 $0x80;
	[sflag:s9] =	ssyncadd.s32 $0xFFFFFF80  }
0x91: {  	[tilespmem:s21], [sflag:$0x11] =	stream.indirect.gather [hbm4b:s4+s15], $0x80, s5, s15, $0xb8;
	[tilespmem:$0x1E080] =	vst v63  }
0x92: {  	_ =	swait.ge [sflag:s25], $0x2800  }
0x93: {  	[sflag:s25] =	ssyncset.done $0x0  }
0x94: {  	s9 =	simm.s32 $0x480;
	[sflag:s25] =	ssyncadd.s32 $0xFFFFD800  }
0x95: {  	[spmem:s1] =	stream.indirect.scatter.add.f32 [tilespmem:s21], [sflag:$0x11], $0x80, s9, s15, $0xb8;
	[tilespmem:$0x1E080] =	vst v63  }
0x96: {  	_ =	swait.ge [sflag:s25], $0x2800  }
0x97: {  	[sflag:s25] =	ssyncset.done $0x0  }
0x98: {  	s13 =	sadd.s32 $0x70, s18;
	[sflag:s25] =	ssyncadd.s32 $0xFFFFD800  }
0x99: {  	[tilespmem:s31], [sflag:$0x8] =	stream.linear.gather [hbm4b:s13+s3], $0x80, $0x38;
	[tilespmem:$0x1E080] =	vst v63  }
0x9a: {  	s13 =	sadd.s32 $0x70, s22  }
0x9b: {  	[tilespmem:s20], [sflag:$0x10] =	stream.linear.gather [hbm4b:s13+s3], $0x80, $0x38;
	[tilespmem:$0x1E080] =	vst v63  }
0x9c: {  	s13 =	simm.s32 $0x3  }
0x9d: {  	_ =	swait.ge [sflag:s13], $0x80  }
0x9e: {  	[sflag:s13] =	ssyncset.done $0x0  }
0x9f: {  	s23 =	simm.s32 $0xB;
	[sflag:s13] =	ssyncadd.s32 $0xFFFFFF80  }
0xa0: {  	_ =	swait.ge [sflag:s23], $0x80  }
0xa1: {  	[sflag:s23] =	ssyncset.done $0x0  }
0xa2: {  	[sflag:s23] =	ssyncadd.s32 $0xFFFFFF80;
	s23 =	simm.s32 $0x100  }
0xa3: {  	[tilespmem:s7], [sflag:$0x11] =	stream.indirect.gather [hbm4b:s4+s15], $0x80, s23, s15, $0xb8;
	[tilespmem:$0x1E080] =	vst v63  }
0xa4: {  	_ =	swait.ge [sflag:s25], $0x2800  }
0xa5: {  	[sflag:s25] =	ssyncset.done $0x0  }
0xa6: {  	s23 =	simm.s32 $0x500;
	[sflag:s25] =	ssyncadd.s32 $0xFFFFD800  }
0xa7: {  	[spmem:s1] =	stream.indirect.scatter.add.f32 [tilespmem:s7], [sflag:$0x11], $0x80, s23, s15, $0xb8;
	[tilespmem:$0x1E080] =	vst v63  }
0xa8: {  	_ =	swait.ge [sflag:s25], $0x2800  }
0xa9: {  	[sflag:s25] =	ssyncset.done $0x0  }
0xaa: {  	s13 =	sadd.s32 $0x80, s18;
	[sflag:s25] =	ssyncadd.s32 $0xFFFFD800  }
0xab: {  	[tilespmem:s3], [sflag:$0x1] =	stream.linear.gather [hbm4b:s13+s3], $0x80, $0x38;
	[tilespmem:$0x1E080] =	vst v63  }
0xac: {  	s13 =	sadd.s32 $0x80, s22  }
0xad: {  	[tilespmem:s14], [sflag:$0x9] =	stream.linear.gather [hbm4b:s13+s3], $0x80, $0x38;
	[tilespmem:$0x1E080] =	vst v63  }
0xae: {  	s14 =	simm.s32 $0x4  }
0xaf: {  	_ =	swait.ge [sflag:s14], $0x80  }
0xb0: {  	[sflag:s14] =	ssyncset.done $0x0  }
0xb1: {  	s23 =	simm.s32 $0xC;
	[sflag:s14] =	ssyncadd.s32 $0xFFFFFF80  }
0xb2: {  	_ =	swait.ge [sflag:s23], $0x80  }
0xb3: {  	[sflag:s23] =	ssyncset.done $0x0  }
0xb4: {  	s14 =	simm.s32 $0x180;
	[sflag:s23] =	ssyncadd.s32 $0xFFFFFF80  }
0xb5: {  	[tilespmem:s0], [sflag:$0x11] =	stream.indirect.gather [hbm4b:s4+s15], $0x80, s14, s15, $0xb8;
	[tilespmem:$0x1E080] =	vst v63  }
0xb6: {  	_ =	swait.ge [sflag:s25], $0x2800  }
0xb7: {  	[sflag:s25] =	ssyncset.done $0x0  }
0xb8: {  	s23 =	simm.s32 $0x580;
	[sflag:s25] =	ssyncadd.s32 $0xFFFFD800  }
0xb9: {  	[spmem:s1] =	stream.indirect.scatter.add.f32 [tilespmem:s0], [sflag:$0x11], $0x80, s23, s15, $0xb8;
	[tilespmem:$0x1E080] =	vst v63  }
0xba: {  	_ =	swait.ge [sflag:s25], $0x2800  }
0xbb: {  	[sflag:s25] =	ssyncset.done $0x0  }
0xbc: {  	s13 =	sadd.s32 $0x90, s18;
	[sflag:s25] =	ssyncadd.s32 $0xFFFFD800  }
0xbd: {  	[tilespmem:s5], [sflag:$0x2] =	stream.linear.gather [hbm4b:s13+s3], $0x80, $0x38;
	[tilespmem:$0x1E080] =	vst v63  }
0xbe: {  	s14 =	sadd.s32 $0x90, s22  }
0xbf: {  	[tilespmem:s9], [sflag:$0xA] =	stream.linear.gather [hbm4b:s14+s3], $0x80, $0x38;
	[tilespmem:$0x1E080] =	vst v63  }
0xc0: {  	_ =	swait.ge [sflag:s2], $0x80  }
0xc1: {  	[sflag:s2] =	ssyncset.done $0x0  }
0xc2: {  	[sflag:s2] =	ssyncadd.s32 $0xFFFFFF80  }
0xc3: {  	_ =	swait.ge [sflag:s6], $0x80  }
0xc4: {  	[sflag:s6] =	ssyncset.done $0x0  }
0xc5: {  	s23 =	simm.s32 $0x200;
	[sflag:s6] =	ssyncadd.s32 $0xFFFFFF80  }
0xc6: {  	[tilespmem:s16], [sflag:$0x11] =	stream.indirect.gather [hbm4b:s4+s15], $0x80, s23, s15, $0xb8;
	[tilespmem:$0x1E080] =	vst v63  }
0xc7: {  	_ =	swait.ge [sflag:s25], $0x2800  }
0xc8: {  	[sflag:s25] =	ssyncset.done $0x0  }
0xc9: {  	s9 =	simm.s32 $0x600;
	[sflag:s25] =	ssyncadd.s32 $0xFFFFD800  }
0xca: {  	[spmem:s1] =	stream.indirect.scatter.add.f32 [tilespmem:s16], [sflag:$0x11], $0x80, s9, s15, $0xb8;
	[tilespmem:$0x1E080] =	vst v63  }
0xcb: {  	p1 =	seq.s32 s17, $0xF00;
	_ =	swait.ge [sflag:s25], $0x2800  }
0xcc: {  	s14 =	simm.s32 @!p1 $0x0;
	s23 =	sadd.s32 @!p1 s17, s24;
	[sflag:s25] =	ssyncset.done $0x0  }
0xcd: {  	s13 =	sadd.s32 @!p1 $0xA0, s23;
	s9 =	simm.s32 @!p1 $0x100;
	[sflag:s25] =	ssyncadd.s32 $0xFFFFD800  }
0xce: {  	[tilespmem:s9], [sflag:$0x3] =	stream.linear.gather @!p1 [hbm4b:s13+s14], $0x80, $0x38;
	[tilespmem:$0x1E080] =	vst v63  }
0xcf: {  	s9 =	sadd.s32 @!p1 s17, s10  }
0xd0: {  	s5 =	simm.s32 @!p1 $0x500;
	s13 =	sadd.s32 @!p1 $0xA0, s9  }
0xd1: {  	[tilespmem:s5], [sflag:$0xB] =	stream.linear.gather @!p1 [hbm4b:s13+s14], $0x80, $0x38;
	[tilespmem:$0x1E080] =	vst v63  }
0xd2: {  	_ =	swait.ge [sflag:s8], $0x80  }
0xd3: {  	[sflag:s8] =	ssyncset.done $0x0  }
0xd4: {  	[sflag:s8] =	ssyncadd.s32 $0xFFFFFF80  }
0xd5: {  	_ =	swait.ge [sflag:s26], $0x80  }
0xd6: {  	[sflag:s26] =	ssyncset.done $0x0  }
0xd7: {  	s13 =	simm.s32 $0x280;
	[sflag:s26] =	ssyncadd.s32 $0xFFFFFF80  }
0xd8: {  	[tilespmem:s21], [sflag:$0x11] =	stream.indirect.gather [hbm4b:s4+s15], $0x80, s13, s15, $0xb8;
	[tilespmem:$0x1E080] =	vst v63  }
0xd9: {  	_ =	swait.ge [sflag:s25], $0x2800  }
0xda: {  	[sflag:s25] =	ssyncset.done $0x0  }
0xdb: {  	s13 =	simm.s32 $0x680;
	[sflag:s25] =	ssyncadd.s32 $0xFFFFD800  }
0xdc: {  	[spmem:s1] =	stream.indirect.scatter.add.f32 [tilespmem:s21], [sflag:$0x11], $0x80, s13, s15, $0xb8;
	[tilespmem:$0x1E080] =	vst v63  }
0xdd: {  	_ =	swait.ge [sflag:s25], $0x2800  }
0xde: {  	[sflag:s25] =	ssyncset.done $0x0  }
0xdf: {  	s5 =	sadd.s32 @!p1 $0xB0, s23;
	s13 =	simm.s32 @!p1 $0x180;
	[sflag:s25] =	ssyncadd.s32 $0xFFFFD800  }
0xe0: {  	[tilespmem:s13], [sflag:$0x4] =	stream.linear.gather @!p1 [hbm4b:s5+s14], $0x80, $0x38;
	[tilespmem:$0x1E080] =	vst v63  }
0xe1: {  	s5 =	sadd.s32 @!p1 $0xB0, s9;
	s13 =	simm.s32 @!p1 $0x580  }
0xe2: {  	[tilespmem:s13], [sflag:$0xC] =	stream.linear.gather @!p1 [hbm4b:s5+s14], $0x80, $0x38;
	[tilespmem:$0x1E080] =	vst v63  }
0xe3: {  	_ =	swait.ge [sflag:s11], $0x80  }
0xe4: {  	[sflag:s11] =	ssyncset.done $0x0  }
0xe5: {  	[sflag:s11] =	ssyncadd.s32 $0xFFFFFF80  }
0xe6: {  	_ =	swait.ge [sflag:s28], $0x80  }
0xe7: {  	[sflag:s28] =	ssyncset.done $0x0  }
0xe8: {  	[sflag:s28] =	ssyncadd.s32 $0xFFFFFF80  }
0xe9: {  	[tilespmem:s7], [sflag:$0x11] =	stream.indirect.gather [hbm4b:s4+s15], $0x80, s30, s15, $0xb8;
	[tilespmem:$0x1E080] =	vst v63  }
0xea: {  	_ =	swait.ge [sflag:s25], $0x2800  }
0xeb: {  	[sflag:s25] =	ssyncset.done $0x0  }
0xec: {  	[sflag:s25] =	ssyncadd.s32 $0xFFFFD800  }
0xed: {  	[spmem:s1] =	stream.indirect.scatter.add.f32 [tilespmem:s7], [sflag:$0x11], $0x80, s19, s15, $0xb8;
	[tilespmem:$0x1E080] =	vst v63  }
0xee: {  	_ =	swait.ge [sflag:s25], $0x2800  }
0xef: {  	[sflag:s25] =	ssyncset.done $0x0  }
0xf0: {  	s5 =	sadd.s32 @!p1 $0xC0, s23;
	s13 =	simm.s32 @!p1 $0x200;
	[sflag:s25] =	ssyncadd.s32 $0xFFFFD800  }
0xf1: {  	[tilespmem:s13], [sflag:$0x5] =	stream.linear.gather @!p1 [hbm4b:s5+s14], $0x80, $0x38;
	[tilespmem:$0x1E080] =	vst v63  }
0xf2: {  	s5 =	sadd.s32 @!p1 $0xC0, s9;
	s9 =	simm.s32 @!p1 $0x600  }
0xf3: {  	[tilespmem:s9], [sflag:$0xD] =	stream.linear.gather @!p1 [hbm4b:s5+s14], $0x80, $0x38;
	[tilespmem:$0x1E080] =	vst v63  }
0xf4: {  	_ =	swait.ge [sflag:s12], $0x80  }
0xf5: {  	[sflag:s12] =	ssyncset.done $0x0  }
0xf6: {  	[sflag:s12] =	ssyncadd.s32 $0xFFFFFF80  }
0xf7: {  	_ =	swait.ge [sflag:s29], $0x80  }
0xf8: {  	[sflag:s29] =	ssyncset.done $0x0  }
0xf9: {  	[sflag:s29] =	ssyncadd.s32 $0xFFFFFF80  }
0xfa: {  	[tilespmem:s0], [sflag:$0x11] =	stream.indirect.gather [hbm4b:s4+s15], $0x80, s31, s15, $0xb8;
	[tilespmem:$0x1E080] =	vst v63  }
0xfb: {  	_ =	swait.ge [sflag:s25], $0x2800  }
0xfc: {  	[sflag:s25] =	ssyncset.done $0x0  }
.Ltmp2:
0xfd: {  	[sflag:s25] =	ssyncadd.s32 $0xFFFFD800;
	(pc) =	sbr.rel @p1 .LBB2_4-.Ltmp2, $4  }
0xfe: {  	[spmem:s1] =	stream.indirect.scatter.add.f32 [tilespmem:s0], [sflag:$0x11], $0x80, s20, s15, $0xb8;
	[tilespmem:$0x1E080] =	vst v63  }
0xff: {  	_ =	swait.ge [sflag:s25], $0x2800  }
0x100: {  	[sflag:s25] =	ssyncset.done $0x0  }
0x101: {  	[sflag:s25] =	ssyncadd.s32 $0xFFFFD800  }
.Ltmp3:
0x102: {  	(pc) =	sbr.rel .LBB2_2-.Ltmp3, $4  }
0x103: {  	s5 =	sadd.s32 $0xD0, s18;
	s9 =	simm.s32 $0x280;
	s22 =	sadd.s32 $0xD0, s22  }
0x104: {  	[tilespmem:s9], [sflag:$0x6] =	stream.linear.gather [hbm4b:s5+s3], $0x80, $0x38;
	[tilespmem:$0x1E080] =	vst v63  }
0x105: {  	s23 =	simm.s32 $0x680;
	s17 =	sadd.s32 $0x80, s17;
	s14 =	simm.s32 $0x400  }
0x106: {  	[tilespmem:s23], [sflag:$0xE] =	stream.linear.gather [hbm4b:s22+s3], $0x80, $0x38;
	[tilespmem:$0x1E080] =	vst v63  }
.LBB2_5:
0x107: {  	_ =	sfence.sel $0x180000  }
0x108: {  	[bflag:$0x0] =	sbarrier.arrive $0xFFFF  }
0x109: {  	_ =	strace $0x9000004D  }
0x10a: {  	s0 =	stileid.u32;
	[bflag:$0x2] =	sbarrier.arrive $0xFFFF  }
0x10b: {  	p0 =	sne.s32 s0, $0x0;
	s0 =	rddreg [dreg:$0x3]  }
0x10c: {  	s0 =	sadd.s32 @!p0 $0x100000, s0  }
0x10d: {  	[sflag:s0] =	ssyncadd.tile.s32 @!p0 $0x1;
	_ =	shalt  }
.Lfunc_end2:
_tile_overlayer_lowered:
.L_overlay_start_2:
0x10e: {  	(tag) =	ssettag $0x2  }
0x10f: {  	s0 =	rddreg [dreg:$0x0];
	s2 =	stileid.u32  }
0x110: {  	s1 =	rddreg [dreg:$0x1];
	p0 =	sne.s32 s2, $0x0  }
0x111: {  	s3 =	rddreg [dreg:$0x2];
	[bflag:$0x3] =	sbarrier.arrive $0xFFFF;
	s2 =	simm.s32 @!p0 $0x1C11  }
0x112: {  	[timem:s3], [sflag:s2] =	dma.local @!p0 [hbm:s0], s1  }
0x113: {  	s0 =	simm.s32 @!p0 $0x11  }
0x114: {  	_ =	swait.ge @!p0 [sflag:s0], s1  }
0x115: {  	s1 =	ssub.s32 @!p0 $0x0, s1;
	[sflag:s0] =	ssyncset.done @!p0 $0x0  }
0x116: {  	[sflag:s0] =	ssyncadd.s32 @!p0 s1  }
0x117: {  	[bflag:$0x3] =	sbarrier.arrive $0xFFFF  }
0x118: {  	_ =	shalt  }

</sc_bundles>
